<compile_context>
chip_gen: v7x
topology: tpu7x:2x2x1
jax: 0.10.2.dev20260603
libtpu: 0.0.44.dev20260713+nightly
codegen_flags: <defaults>
</compile_context>

<pallas_src>
import functools

import jax
import jax.numpy as jnp
from jax import lax
from jax.experimental import pallas as pl
from jax.experimental.pallas import tpu as pltpu
from jax.experimental.pallas import tpu_sc as plsc

N = 10000
E = 320000
D = 128
NC = 2
NS = 16
NW = NC * NS
CH = 128
NCH = 80
EPAD = NW * NCH * CH
TRASH = N
STRIPE = 632
R = NS * STRIPE

_mesh = plsc.VectorSubcoreMesh(core_axis_name="c", subcore_axis_name="s")


@functools.partial(
    pl.kernel,
    out_type=jax.ShapeDtypeStruct((NC, R, D), jnp.float32),
    mesh=_mesh,
    scratch_types=[
        pltpu.VMEM_SHARED((R, D), jnp.float32),
        pltpu.VMEM((CH, D), jnp.float32),
        pltpu.VMEM((NCH, CH), jnp.int32),
        pltpu.SemaphoreType.DMA,
    ],
)
def _deg_kernel(dst_hbm, out_hbm, deg_sh, ones_v, idx_v, semd):
    c = lax.axis_index("c")
    s = lax.axis_index("s")
    wid = c * NS + s

    def zfill(i, _):
        for k in range(D // 16):
            ones_v[i, pl.ds(k * 16, 16)] = jnp.zeros((16,), jnp.float32)
        return 0
    lax.fori_loop(0, CH, zfill, 0)
    base = s * STRIPE
    for k in range(4):
        pltpu.sync_copy(ones_v, deg_sh.at[pl.ds(base + k * CH, CH)])
    pltpu.sync_copy(ones_v.at[pl.ds(0, STRIPE - 4 * CH)],
                    deg_sh.at[pl.ds(base + 4 * CH, STRIPE - 4 * CH)])

    def ofill(i, _):
        for k in range(D // 16):
            ones_v[i, pl.ds(k * 16, 16)] = jnp.full((16,), 1.0, jnp.float32)
        return 0
    lax.fori_loop(0, CH, ofill, 0)

    pltpu.sync_copy(dst_hbm.at[wid], idx_v)
    plsc.subcore_barrier()

    K = 8
    def burst(r, _):
        def fire(j, _):
            pltpu.async_copy(ones_v, deg_sh.at[idx_v.at[r * K + j]], semd,
                             add=True)
            return 0
        lax.fori_loop(0, K, fire, 0)
        def drain(j, _):
            pltpu.make_async_copy(ones_v, deg_sh.at[idx_v.at[r * K + j]],
                                  semd).wait()
            return 0
        lax.fori_loop(0, K, drain, 0)
        return 0
    lax.fori_loop(0, NCH // K, burst, 0)

    plsc.subcore_barrier()
    pltpu.sync_copy(deg_sh.at[pl.ds(base, STRIPE)],
                    out_hbm.at[c, pl.ds(base, STRIPE)])


NHA = 40
NHB = 40

_AGG_SCRATCH = [
    pltpu.VMEM_SHARED((R, D), jnp.float32),
    pltpu.VMEM((2, CH, D), jnp.float32),
    pltpu.VMEM((max(NHA, NHB), CH), jnp.int32),
    pltpu.VMEM((max(NHA, NHB), CH), jnp.int32),
    pltpu.SemaphoreType.DMA,
    pltpu.SemaphoreType.DMA,
    pltpu.SemaphoreType.DMA,
    pltpu.SemaphoreType.DMA,
]


def _agg_body(y_hbm, srca_hbm, dsta_hbm, srcb_hbm, dstb_hbm, out_hbm, agg_sh,
              rows_v, src_v, dst_v, sem0, sem1, ssc0, ssc1):
    c = lax.axis_index("c")
    s = lax.axis_index("s")

    def zfill(i, _):
        for k in range(D // 16):
            rows_v[0, i, pl.ds(k * 16, 16)] = jnp.zeros((16,), jnp.float32)
        return 0
    lax.fori_loop(0, CH, zfill, 0)
    base = s * STRIPE
    for k in range(4):
        pltpu.sync_copy(rows_v.at[0], agg_sh.at[pl.ds(base + k * CH, CH)])
    pltpu.sync_copy(rows_v.at[0].at[pl.ds(0, STRIPE - 4 * CH)],
                    agg_sh.at[pl.ds(base + 4 * CH, STRIPE - 4 * CH)])

    plsc.subcore_barrier()

    @pl.when(c == 0)
    def _():
        _agg_pipeline(y_hbm, srca_hbm, dsta_hbm, agg_sh, rows_v, src_v,
                      dst_v, sem0, sem1, ssc0, ssc1, s, NHA)

    @pl.when(c == 1)
    def _():
        _agg_pipeline(y_hbm, srcb_hbm, dstb_hbm, agg_sh, rows_v, src_v,
                      dst_v, sem0, sem1, ssc0, ssc1, s, NHB)

    plsc.subcore_barrier()
    pltpu.sync_copy(agg_sh.at[pl.ds(base, STRIPE)],
                    out_hbm.at[c, pl.ds(base, STRIPE)])


def _agg_pipeline(y_hbm, src_hbm, dst_hbm, agg_sh, rows_v, src_v, dst_v,
                  sem0, sem1, ssc0, ssc1, s, NH):
    for half in range(2):
        pltpu.sync_copy(src_hbm.at[s, half], src_v.at[pl.ds(0, NH)])
        pltpu.sync_copy(dst_hbm.at[s, half], dst_v.at[pl.ds(0, NH)])
        pltpu.async_copy(y_hbm.at[src_v.at[0]], rows_v.at[0], sem0)
        pltpu.async_copy(y_hbm.at[src_v.at[1]], rows_v.at[1], sem1)

        def pair(i, _):
            j0 = 2 * i
            pltpu.make_async_copy(y_hbm.at[src_v.at[j0]], rows_v.at[0],
                                  sem0).wait()
            pltpu.async_copy(rows_v.at[0], agg_sh.at[dst_v.at[j0]], ssc0,
                             add=True)
            pltpu.make_async_copy(rows_v.at[0], agg_sh.at[dst_v.at[j0]],
                                  ssc0).wait()
            pltpu.async_copy(y_hbm.at[src_v.at[j0 + 2]], rows_v.at[0], sem0)
            pltpu.make_async_copy(y_hbm.at[src_v.at[j0 + 1]], rows_v.at[1],
                                  sem1).wait()
            pltpu.async_copy(rows_v.at[1], agg_sh.at[dst_v.at[j0 + 1]], ssc1,
                             add=True)
            pltpu.make_async_copy(rows_v.at[1], agg_sh.at[dst_v.at[j0 + 1]],
                                  ssc1).wait()
            pltpu.async_copy(y_hbm.at[src_v.at[j0 + 3]], rows_v.at[1], sem1)
            return 0
        lax.fori_loop(0, (NH - 2) // 2, pair, 0)

        pltpu.make_async_copy(y_hbm.at[src_v.at[NH - 2]], rows_v.at[0],
                              sem0).wait()
        pltpu.async_copy(rows_v.at[0], agg_sh.at[dst_v.at[NH - 2]], ssc0,
                         add=True)
        pltpu.make_async_copy(rows_v.at[0], agg_sh.at[dst_v.at[NH - 2]],
                              ssc0).wait()
        pltpu.make_async_copy(y_hbm.at[src_v.at[NH - 1]], rows_v.at[1],
                              sem1).wait()
        pltpu.async_copy(rows_v.at[1], agg_sh.at[dst_v.at[NH - 1]], ssc1,
                         add=True)
        pltpu.make_async_copy(rows_v.at[1], agg_sh.at[dst_v.at[NH - 1]],
                              ssc1).wait()


_agg_kernel = pl.kernel(
    _agg_body,
    out_type=jax.ShapeDtypeStruct((NC, R, D), jnp.float32),
    mesh=_mesh,
    scratch_types=_AGG_SCRATCH,
)

_BLK = 1000
_GRID = N // _BLK


def _tc1_body(x_ref, d0_ref, d1_ref, w_ref, y_ref, dis_ref):
    deg = d0_ref[:, 0] + d1_ref[:, 0] + 1.0
    dis = lax.rsqrt(deg)[:, None]
    xw = jnp.dot(x_ref[...], w_ref[...], preferred_element_type=jnp.float32)
    y_ref[...] = xw * dis
    dis_ref[...] = jnp.broadcast_to(dis, (_BLK, D))


def _tc2_body(p0_ref, p1_ref, y1_ref, dis_ref, b_ref, w_ref, y2_ref):
    dis = dis_ref[...]
    h = dis * (p0_ref[...] + p1_ref[...] + y1_ref[...]) + b_ref[...]
    h = jnp.maximum(h, 0.0)
    y2_ref[...] = jnp.dot(h, w_ref[...],
                          preferred_element_type=jnp.float32) * dis


def _tc3_body(q0_ref, q1_ref, y2_ref, dis_ref, b_ref, o_ref):
    o_ref[...] = (dis_ref[...] * (q0_ref[...] + q1_ref[...] + y2_ref[...])
                  + b_ref[...])


def _row_spec(shape):
    return pl.BlockSpec((_BLK,) + shape[1:], lambda i: (i,) + (0,) * (len(shape) - 1))


def _full_spec(shape):
    return pl.BlockSpec(shape, lambda i: (0,) * len(shape))


def kernel(x, edge_index, W1, b1, W2, b2):
    src = edge_index[0]
    dst = edge_index[1]
    pad = EPAD - E
    trash = TRASH + jnp.arange(pad, dtype=jnp.int32) % (R - TRASH)
    srcp = jnp.concatenate([src, jnp.zeros((pad,), jnp.int32)])
    dstp = jnp.concatenate([dst, trash])
    dst3 = dstp.reshape(NW, NCH, CH)
    EA = NS * 2 * NHA * CH
    srcA = srcp[:EA].reshape(NS, 2, NHA, CH)
    dstA = dstp[:EA].reshape(NS, 2, NHA, CH)
    srcB = srcp[EA:].reshape(NS, 2, NHB, CH)
    dstB = dstp[EA:].reshape(NS, 2, NHB, CH)

    degp = _deg_kernel(dst3)

    y1, disb = pl.pallas_call(
        _tc1_body,
        grid=(_GRID,),
        in_specs=[
            _row_spec((N, D)),
            _row_spec((R, D)),
            _row_spec((R, D)),
            _full_spec((D, D)),
        ],
        out_specs=[_row_spec((N, D)), _row_spec((N, D))],
        out_shape=[
            jax.ShapeDtypeStruct((N, D), jnp.float32),
            jax.ShapeDtypeStruct((N, D), jnp.float32),
        ],
    )(x, degp[0], degp[1], W1)

    p = _agg_kernel(y1, srcA, dstA, srcB, dstB)

    y2 = pl.pallas_call(
        _tc2_body,
        grid=(_GRID,),
        in_specs=[
            _row_spec((R, D)),
            _row_spec((R, D)),
            _row_spec((N, D)),
            _row_spec((N, D)),
            _full_spec((1, D)),
            _full_spec((D, D)),
        ],
        out_specs=_row_spec((N, D)),
        out_shape=jax.ShapeDtypeStruct((N, D), jnp.float32),
    )(p[0], p[1], y1, disb, b1.reshape(1, D), W2)

    q = _agg_kernel(y2, srcA, dstA, srcB, dstB)

    out = pl.pallas_call(
        _tc3_body,
        grid=(_GRID,),
        in_specs=[
            _row_spec((R, D)),
            _row_spec((R, D)),
            _row_spec((N, D)),
            _row_spec((N, D)),
            _full_spec((1, D)),
        ],
        out_specs=_row_spec((N, D)),
        out_shape=jax.ShapeDtypeStruct((N, D), jnp.float32),
    )(q[0], q[1], y2, disb, b2.reshape(1, D))

    return out

# --- scband reference (transcript-rebuilt; emitter-appended) ---
"""Pipeline reference for scband-summary-gcn-5248450036467 (READ-ONLY COPY).

The authoritative reference and input builder live on the scoring server;
editing this copy changes nothing except your own understanding.
"""

import jax, jax.numpy as jnp
import numpy as np

N_NODES = 10000
N_EDGES = 320000
D_IN = 128
D_HID = 128
D_OUT = 128


def gcn_conv(x, edge_index, W, b):
    # Faithful PyG GCNConv: add self-loops, symmetric deg^-1/2 normalization,
    # linear transform, scatter-add aggregation, bias.
    num_nodes = x.shape[0]
    loop = jnp.arange(num_nodes, dtype=edge_index.dtype)
    src = jnp.concatenate([edge_index[0], loop])
    dst = jnp.concatenate([edge_index[1], loop])
    deg = jnp.zeros((num_nodes,), dtype=x.dtype).at[dst].add(1.0)
    deg_inv_sqrt = jnp.where(deg > 0, 1.0 / jnp.sqrt(deg), 0.0)
    norm = deg_inv_sqrt[src] * deg_inv_sqrt[dst]
    xw = x @ W
    msg = xw[src] * norm[:, None]
    out = jnp.zeros((num_nodes, W.shape[1]), dtype=x.dtype).at[dst].add(msg)
    return out + b


def setup_inputs(seed: int = 0) -> dict:
    key = jax.random.key(seed)
    k1, k2, k3, k4, k5, k6 = jax.random.split(key, 6)
    x = jax.random.normal(k1, (N_NODES, D_IN), dtype=jnp.float32)
    edge_index = jax.random.randint(k2, (2, N_EDGES), 0, N_NODES, dtype=jnp.int32)
    W1 = jax.random.normal(k3, (D_IN, D_HID), dtype=jnp.float32) * 0.05
    b1 = jnp.zeros((D_HID,), dtype=jnp.float32)
    W2 = jax.random.normal(k4, (D_HID, D_OUT), dtype=jnp.float32) * 0.05
    b2 = jnp.zeros((D_OUT,), dtype=jnp.float32)
    return {"x": x, "edge_index": edge_index, "W1": W1, "b1": b1, "W2": W2, "b2": b2}


def reference(x, edge_index, W1, b1, W2, b2):
    h = jax.nn.relu(gcn_conv(x, edge_index, W1, b1))
    out = gcn_conv(h, edge_index, W2, b2)
    return out

if __name__ == "__main__":
    import jax
    _d = setup_inputs()
    print(jax.jit(kernel)(*tuple(_d.values())))

</pallas_src>

<mosaic_0001>
#map = affine_map<(d0, d1) -> (0, 0, 0)>
module attributes {stable_mosaic.version = 14 : i64} {
  func.func @_deg_kernel(%arg0: i32, %arg1: i32, %arg2: memref<32x80x128xi32, #tpu.memory_space<hbm>>, %arg3: memref<2x10112x128xf32, #tpu.memory_space<hbm>>, %arg4: memref<10112x128xf32, #tpu.memory_space<vmem_shared>>, %arg5: memref<128x128xf32, #tpu.memory_space<vmem>>, %arg6: memref<80x128xi32, #tpu.memory_space<vmem>>, %arg7: memref<!tpu.dma_semaphore, #tpu.memory_space<semaphore_mem>>) attributes {dimension_semantics = [#tpu.dimension_semantics<core_parallel>, #tpu.dimension_semantics<subcore_parallel>], iteration_bounds = array<i64: 2, 16>, scalar_prefetch = 0 : i64, scratch_operands = 4 : i64, tpu.core_type = #tpu.core_type<sc_vector_subcore>, window_params = [{transform_indices = #map}, {transform_indices = #map}]} {
    %mul3A = arith.constant 16 : i32
    %mul3A_0 = arith.muli %arg0, %mul3A : i32
    %add3A = arith.addi %mul3A_0, %arg1 : i32
    %scan3A = arith.constant 0 : i32
    %scan3A_1 = arith.constant 0 : i32
    %scan3A_2 = arith.constant 128 : i32
    %scan3A_3 = arith.addi %scan3A_1, %scan3A_2 : i32
    %scan3A_4 = arith.constant 1 : i32
    %scan3A_5 = scf.for %scan3A_34 = %scan3A_1 to %scan3A_3 step %scan3A_4 iter_args(%scan3A_35 = %scan3A) -> (i32)  : i32 {
      %broadcast_in_dim3A = arith.constant 0.000000e+00 : f32
      %broadcast_in_dim3A_36 = vector.broadcast %broadcast_in_dim3A : f32 to vector<16xf32>
      %swap3A = arith.index_cast %scan3A_34 : i32 to index
      %swap3A_37 = arith.constant 0 : index
      %swap3A_38 = tpu.vector_load %arg5[%swap3A, %swap3A_37] {strides = array<i32>} : memref<128x128xf32, #tpu.memory_space<vmem>>, vector<1x16xf32>,
      %swap3A_39 = vector.shape_cast %swap3A_38 : vector<1x16xf32> to vector<16xf32>
      %swap3A_40 = vector.shape_cast %broadcast_in_dim3A_36 : vector<16xf32> to vector<1x16xf32>
      tpu.vector_store %arg5[%swap3A, %swap3A_37], %swap3A_40 {strides = array<i32>} : memref<128x128xf32, #tpu.memory_space<vmem>>, vector<1x16xf32>,
      %broadcast_in_dim3A_41 = arith.constant 0.000000e+00 : f32
      %broadcast_in_dim3A_42 = vector.broadcast %broadcast_in_dim3A_41 : f32 to vector<16xf32>
      %swap3A_43 = arith.index_cast %scan3A_34 : i32 to index
      %swap3A_44 = arith.constant 16 : index
      %swap3A_45 = tpu.vector_load %arg5[%swap3A_43, %swap3A_44] {strides = array<i32>} : memref<128x128xf32, #tpu.memory_space<vmem>>, vector<1x16xf32>,
      %swap3A_46 = vector.shape_cast %swap3A_45 : vector<1x16xf32> to vector<16xf32>
      %swap3A_47 = vector.shape_cast %broadcast_in_dim3A_42 : vector<16xf32> to vector<1x16xf32>
      tpu.vector_store %arg5[%swap3A_43, %swap3A_44], %swap3A_47 {strides = array<i32>} : memref<128x128xf32, #tpu.memory_space<vmem>>, vector<1x16xf32>,
      %broadcast_in_dim3A_48 = arith.constant 0.000000e+00 : f32
      %broadcast_in_dim3A_49 = vector.broadcast %broadcast_in_dim3A_48 : f32 to vector<16xf32>
      %swap3A_50 = arith.index_cast %scan3A_34 : i32 to index
      %swap3A_51 = arith.constant 32 : index
      %swap3A_52 = tpu.vector_load %arg5[%swap3A_50, %swap3A_51] {strides = array<i32>} : memref<128x128xf32, #tpu.memory_space<vmem>>, vector<1x16xf32>,
      %swap3A_53 = vector.shape_cast %swap3A_52 : vector<1x16xf32> to vector<16xf32>
      %swap3A_54 = vector.shape_cast %broadcast_in_dim3A_49 : vector<16xf32> to vector<1x16xf32>
      tpu.vector_store %arg5[%swap3A_50, %swap3A_51], %swap3A_54 {strides = array<i32>} : memref<128x128xf32, #tpu.memory_space<vmem>>, vector<1x16xf32>,
      %broadcast_in_dim3A_55 = arith.constant 0.000000e+00 : f32
      %broadcast_in_dim3A_56 = vector.broadcast %broadcast_in_dim3A_55 : f32 to vector<16xf32>
      %swap3A_57 = arith.index_cast %scan3A_34 : i32 to index
      %swap3A_58 = arith.constant 48 : index
      %swap3A_59 = tpu.vector_load %arg5[%swap3A_57, %swap3A_58] {strides = array<i32>} : memref<128x128xf32, #tpu.memory_space<vmem>>, vector<1x16xf32>,
      %swap3A_60 = vector.shape_cast %swap3A_59 : vector<1x16xf32> to vector<16xf32>
      %swap3A_61 = vector.shape_cast %broadcast_in_dim3A_56 : vector<16xf32> to vector<1x16xf32>
      tpu.vector_store %arg5[%swap3A_57, %swap3A_58], %swap3A_61 {strides = array<i32>} : memref<128x128xf32, #tpu.memory_space<vmem>>, vector<1x16xf32>,
      %broadcast_in_dim3A_62 = arith.constant 0.000000e+00 : f32
      %broadcast_in_dim3A_63 = vector.broadcast %broadcast_in_dim3A_62 : f32 to vector<16xf32>
      %swap3A_64 = arith.index_cast %scan3A_34 : i32 to index
      %swap3A_65 = arith.constant 64 : index
      %swap3A_66 = tpu.vector_load %arg5[%swap3A_64, %swap3A_65] {strides = array<i32>} : memref<128x128xf32, #tpu.memory_space<vmem>>, vector<1x16xf32>,
      %swap3A_67 = vector.shape_cast %swap3A_66 : vector<1x16xf32> to vector<16xf32>
      %swap3A_68 = vector.shape_cast %broadcast_in_dim3A_63 : vector<16xf32> to vector<1x16xf32>
      tpu.vector_store %arg5[%swap3A_64, %swap3A_65], %swap3A_68 {strides = array<i32>} : memref<128x128xf32, #tpu.memory_space<vmem>>, vector<1x16xf32>,
      %broadcast_in_dim3A_69 = arith.constant 0.000000e+00 : f32
      %broadcast_in_dim3A_70 = vector.broadcast %broadcast_in_dim3A_69 : f32 to vector<16xf32>
      %swap3A_71 = arith.index_cast %scan3A_34 : i32 to index
      %swap3A_72 = arith.constant 80 : index
      %swap3A_73 = tpu.vector_load %arg5[%swap3A_71, %swap3A_72] {strides = array<i32>} : memref<128x128xf32, #tpu.memory_space<vmem>>, vector<1x16xf32>,
      %swap3A_74 = vector.shape_cast %swap3A_73 : vector<1x16xf32> to vector<16xf32>
      %swap3A_75 = vector.shape_cast %broadcast_in_dim3A_70 : vector<16xf32> to vector<1x16xf32>
      tpu.vector_store %arg5[%swap3A_71, %swap3A_72], %swap3A_75 {strides = array<i32>} : memref<128x128xf32, #tpu.memory_space<vmem>>, vector<1x16xf32>,
      %broadcast_in_dim3A_76 = arith.constant 0.000000e+00 : f32
      %broadcast_in_dim3A_77 = vector.broadcast %broadcast_in_dim3A_76 : f32 to vector<16xf32>
      %swap3A_78 = arith.index_cast %scan3A_34 : i32 to index
      %swap3A_79 = arith.constant 96 : index
      %swap3A_80 = tpu.vector_load %arg5[%swap3A_78, %swap3A_79] {strides = array<i32>} : memref<128x128xf32, #tpu.memory_space<vmem>>, vector<1x16xf32>,
      %swap3A_81 = vector.shape_cast %swap3A_80 : vector<1x16xf32> to vector<16xf32>
      %swap3A_82 = vector.shape_cast %broadcast_in_dim3A_77 : vector<16xf32> to vector<1x16xf32>
      tpu.vector_store %arg5[%swap3A_78, %swap3A_79], %swap3A_82 {strides = array<i32>} : memref<128x128xf32, #tpu.memory_space<vmem>>, vector<1x16xf32>,
      %broadcast_in_dim3A_83 = arith.constant 0.000000e+00 : f32
      %broadcast_in_dim3A_84 = vector.broadcast %broadcast_in_dim3A_83 : f32 to vector<16xf32>
      %swap3A_85 = arith.index_cast %scan3A_34 : i32 to index
      %swap3A_86 = arith.constant 112 : index
      %swap3A_87 = tpu.vector_load %arg5[%swap3A_85, %swap3A_86] {strides = array<i32>} : memref<128x128xf32, #tpu.memory_space<vmem>>, vector<1x16xf32>,
      %swap3A_88 = vector.shape_cast %swap3A_87 : vector<1x16xf32> to vector<16xf32>
      %swap3A_89 = vector.shape_cast %broadcast_in_dim3A_84 : vector<16xf32> to vector<1x16xf32>
      tpu.vector_store %arg5[%swap3A_85, %swap3A_86], %swap3A_89 {strides = array<i32>} : memref<128x128xf32, #tpu.memory_space<vmem>>, vector<1x16xf32>,
      %scan3A_90 = arith.constant 0 : i32
      scf.yield %scan3A_90 : i32
    }
    %scan3A_6 = arith.constant 128 : i32
    %mul3A_7 = arith.constant 632 : i32
    %mul3A_8 = arith.muli %arg1, %mul3A_7 : i32
    %add3A_9 = arith.constant 0 : i32
    %add3A_10 = arith.addi %mul3A_8, %add3A_9 : i32
    "tpu.region"() ({
      %run_scoped3A = tpu.sem_alloc : memref<!tpu.dma_semaphore, #tpu.memory_space<semaphore_mem>>
      %dma_start3A = arith.constant 0 : i32
      %dma_start3A_34 = tpu.memref_slice %arg4[%add3A_10, %dma_start3A] : memref<10112x128xf32, #tpu.memory_space<vmem_shared>> -> memref<128x128xf32, #tpu.memory_space<vmem_shared>>
      %dma_start3A_35 = arith.constant 0 : i32
      %dma_start3A_36 = tpu.memref_slice %arg4[%add3A_10, %dma_start3A_35] : memref<10112x128xf32, #tpu.memory_space<vmem_shared>> -> memref<128x128xf32, #tpu.memory_space<vmem_shared>>
      tpu.enqueue_dma source(%arg5 : memref<128x128xf32, #tpu.memory_space<vmem>>) target(%dma_start3A_36 : memref<128x128xf32, #tpu.memory_space<vmem_shared>>) target_semaphore(%run_scoped3A : memref<!tpu.dma_semaphore, #tpu.memory_space<semaphore_mem>>)
      %dma_wait3A = arith.constant 0 : i32
      %dma_wait3A_37 = tpu.memref_slice %arg4[%add3A_10, %dma_wait3A] : memref<10112x128xf32, #tpu.memory_space<vmem_shared>> -> memref<128x128xf32, #tpu.memory_space<vmem_shared>>
      %dma_wait3A_38 = arith.constant 0 : i32
      %dma_wait3A_39 = tpu.memref_slice %arg4[%add3A_10, %dma_wait3A_38] : memref<10112x128xf32, #tpu.memory_space<vmem_shared>> -> memref<128x128xf32, #tpu.memory_space<vmem_shared>>
      tpu.wait_dma2 semaphore(%run_scoped3A : memref<!tpu.dma_semaphore, #tpu.memory_space<semaphore_mem>>) src(%arg5 : memref<128x128xf32, #tpu.memory_space<vmem>>) dst(%dma_wait3A_39 : memref<128x128xf32, #tpu.memory_space<vmem_shared>>)
      tpu.yield
    }) : () -> ()
    %add3A_11 = arith.constant 128 : i32
    %add3A_12 = arith.addi %mul3A_8, %add3A_11 : i32
    "tpu.region"() ({
      %run_scoped3A = tpu.sem_alloc : memref<!tpu.dma_semaphore, #tpu.memory_space<semaphore_mem>>
      %dma_start3A = arith.constant 0 : i32
      %dma_start3A_34 = tpu.memref_slice %arg4[%add3A_12, %dma_start3A] : memref<10112x128xf32, #tpu.memory_space<vmem_shared>> -> memref<128x128xf32, #tpu.memory_space<vmem_shared>>
      %dma_start3A_35 = arith.constant 0 : i32
      %dma_start3A_36 = tpu.memref_slice %arg4[%add3A_12, %dma_start3A_35] : memref<10112x128xf32, #tpu.memory_space<vmem_shared>> -> memref<128x128xf32, #tpu.memory_space<vmem_shared>>
      tpu.enqueue_dma source(%arg5 : memref<128x128xf32, #tpu.memory_space<vmem>>) target(%dma_start3A_36 : memref<128x128xf32, #tpu.memory_space<vmem_shared>>) target_semaphore(%run_scoped3A : memref<!tpu.dma_semaphore, #tpu.memory_space<semaphore_mem>>)
      %dma_wait3A = arith.constant 0 : i32
      %dma_wait3A_37 = tpu.memref_slice %arg4[%add3A_12, %dma_wait3A] : memref<10112x128xf32, #tpu.memory_space<vmem_shared>> -> memref<128x128xf32, #tpu.memory_space<vmem_shared>>
      %dma_wait3A_38 = arith.constant 0 : i32
      %dma_wait3A_39 = tpu.memref_slice %arg4[%add3A_12, %dma_wait3A_38] : memref<10112x128xf32, #tpu.memory_space<vmem_shared>> -> memref<128x128xf32, #tpu.memory_space<vmem_shared>>
      tpu.wait_dma2 semaphore(%run_scoped3A : memref<!tpu.dma_semaphore, #tpu.memory_space<semaphore_mem>>) src(%arg5 : memref<128x128xf32, #tpu.memory_space<vmem>>) dst(%dma_wait3A_39 : memref<128x128xf32, #tpu.memory_space<vmem_shared>>)
      tpu.yield
    }) : () -> ()
    %add3A_13 = arith.constant 256 : i32
    %add3A_14 = arith.addi %mul3A_8, %add3A_13 : i32
    "tpu.region"() ({
      %run_scoped3A = tpu.sem_alloc : memref<!tpu.dma_semaphore, #tpu.memory_space<semaphore_mem>>
      %dma_start3A = arith.constant 0 : i32
      %dma_start3A_34 = tpu.memref_slice %arg4[%add3A_14, %dma_start3A] : memref<10112x128xf32, #tpu.memory_space<vmem_shared>> -> memref<128x128xf32, #tpu.memory_space<vmem_shared>>
      %dma_start3A_35 = arith.constant 0 : i32
      %dma_start3A_36 = tpu.memref_slice %arg4[%add3A_14, %dma_start3A_35] : memref<10112x128xf32, #tpu.memory_space<vmem_shared>> -> memref<128x128xf32, #tpu.memory_space<vmem_shared>>
      tpu.enqueue_dma source(%arg5 : memref<128x128xf32, #tpu.memory_space<vmem>>) target(%dma_start3A_36 : memref<128x128xf32, #tpu.memory_space<vmem_shared>>) target_semaphore(%run_scoped3A : memref<!tpu.dma_semaphore, #tpu.memory_space<semaphore_mem>>)
      %dma_wait3A = arith.constant 0 : i32
      %dma_wait3A_37 = tpu.memref_slice %arg4[%add3A_14, %dma_wait3A] : memref<10112x128xf32, #tpu.memory_space<vmem_shared>> -> memref<128x128xf32, #tpu.memory_space<vmem_shared>>
      %dma_wait3A_38 = arith.constant 0 : i32
      %dma_wait3A_39 = tpu.memref_slice %arg4[%add3A_14, %dma_wait3A_38] : memref<10112x128xf32, #tpu.memory_space<vmem_shared>> -> memref<128x128xf32, #tpu.memory_space<vmem_shared>>
      tpu.wait_dma2 semaphore(%run_scoped3A : memref<!tpu.dma_semaphore, #tpu.memory_space<semaphore_mem>>) src(%arg5 : memref<128x128xf32, #tpu.memory_space<vmem>>) dst(%dma_wait3A_39 : memref<128x128xf32, #tpu.memory_space<vmem_shared>>)
      tpu.yield
    }) : () -> ()
    %add3A_15 = arith.constant 384 : i32
    %add3A_16 = arith.addi %mul3A_8, %add3A_15 : i32
    "tpu.region"() ({
      %run_scoped3A = tpu.sem_alloc : memref<!tpu.dma_semaphore, #tpu.memory_space<semaphore_mem>>
      %dma_start3A = arith.constant 0 : i32
      %dma_start3A_34 = tpu.memref_slice %arg4[%add3A_16, %dma_start3A] : memref<10112x128xf32, #tpu.memory_space<vmem_shared>> -> memref<128x128xf32, #tpu.memory_space<vmem_shared>>
      %dma_start3A_35 = arith.constant 0 : i32
      %dma_start3A_36 = tpu.memref_slice %arg4[%add3A_16, %dma_start3A_35] : memref<10112x128xf32, #tpu.memory_space<vmem_shared>> -> memref<128x128xf32, #tpu.memory_space<vmem_shared>>
      tpu.enqueue_dma source(%arg5 : memref<128x128xf32, #tpu.memory_space<vmem>>) target(%dma_start3A_36 : memref<128x128xf32, #tpu.memory_space<vmem_shared>>) target_semaphore(%run_scoped3A : memref<!tpu.dma_semaphore, #tpu.memory_space<semaphore_mem>>)
      %dma_wait3A = arith.constant 0 : i32
      %dma_wait3A_37 = tpu.memref_slice %arg4[%add3A_16, %dma_wait3A] : memref<10112x128xf32, #tpu.memory_space<vmem_shared>> -> memref<128x128xf32, #tpu.memory_space<vmem_shared>>
      %dma_wait3A_38 = arith.constant 0 : i32
      %dma_wait3A_39 = tpu.memref_slice %arg4[%add3A_16, %dma_wait3A_38] : memref<10112x128xf32, #tpu.memory_space<vmem_shared>> -> memref<128x128xf32, #tpu.memory_space<vmem_shared>>
      tpu.wait_dma2 semaphore(%run_scoped3A : memref<!tpu.dma_semaphore, #tpu.memory_space<semaphore_mem>>) src(%arg5 : memref<128x128xf32, #tpu.memory_space<vmem>>) dst(%dma_wait3A_39 : memref<128x128xf32, #tpu.memory_space<vmem_shared>>)
      tpu.yield
    }) : () -> ()
    %add3A_17 = arith.constant 512 : i32
    %add3A_18 = arith.addi %mul3A_8, %add3A_17 : i32
    "tpu.region"() ({
      %run_scoped3A = tpu.sem_alloc : memref<!tpu.dma_semaphore, #tpu.memory_space<semaphore_mem>>
      %dma_start3A = arith.constant 0 : i32
      %dma_start3A_34 = arith.constant 0 : i32
      %dma_start3A_35 = tpu.memref_slice %arg5[%dma_start3A, %dma_start3A_34] : memref<128x128xf32, #tpu.memory_space<vmem>> -> memref<120x128xf32, #tpu.memory_space<vmem>>
      %dma_start3A_36 = arith.constant 0 : i32
      %dma_start3A_37 = tpu.memref_slice %arg4[%add3A_18, %dma_start3A_36] : memref<10112x128xf32, #tpu.memory_space<vmem_shared>> -> memref<120x128xf32, #tpu.memory_space<vmem_shared>>
      %dma_start3A_38 = arith.constant 0 : i32
      %dma_start3A_39 = tpu.memref_slice %arg4[%add3A_18, %dma_start3A_38] : memref<10112x128xf32, #tpu.memory_space<vmem_shared>> -> memref<120x128xf32, #tpu.memory_space<vmem_shared>>
      %dma_start3A_40 = arith.constant 0 : i32
      %dma_start3A_41 = arith.constant 0 : i32
      %dma_start3A_42 = tpu.memref_slice %arg5[%dma_start3A_40, %dma_start3A_41] : memref<128x128xf32, #tpu.memory_space<vmem>> -> memref<120x128xf32, #tpu.memory_space<vmem>>
      tpu.enqueue_dma source(%dma_start3A_42 : memref<120x128xf32, #tpu.memory_space<vmem>>) target(%dma_start3A_39 : memref<120x128xf32, #tpu.memory_space<vmem_shared>>) target_semaphore(%run_scoped3A : memref<!tpu.dma_semaphore, #tpu.memory_space<semaphore_mem>>)
      %dma_wait3A = arith.constant 0 : i32
      %dma_wait3A_43 = arith.constant 0 : i32
      %dma_wait3A_44 = tpu.memref_slice %arg5[%dma_wait3A, %dma_wait3A_43] : memref<128x128xf32, #tpu.memory_space<vmem>> -> memref<120x128xf32, #tpu.memory_space<vmem>>
      %dma_wait3A_45 = arith.constant 0 : i32
      %dma_wait3A_46 = tpu.memref_slice %arg4[%add3A_18, %dma_wait3A_45] : memref<10112x128xf32, #tpu.memory_space<vmem_shared>> -> memref<120x128xf32, #tpu.memory_space<vmem_shared>>
      %dma_wait3A_47 = arith.constant 0 : i32
      %dma_wait3A_48 = tpu.memref_slice %arg4[%add3A_18, %dma_wait3A_47] : memref<10112x128xf32, #tpu.memory_space<vmem_shared>> -> memref<120x128xf32, #tpu.memory_space<vmem_shared>>
      %dma_wait3A_49 = arith.constant 0 : i32
      %dma_wait3A_50 = arith.constant 0 : i32
      %dma_wait3A_51 = tpu.memref_slice %arg5[%dma_wait3A_49, %dma_wait3A_50] : memref<128x128xf32, #tpu.memory_space<vmem>> -> memref<120x128xf32, #tpu.memory_space<vmem>>
      tpu.wait_dma2 semaphore(%run_scoped3A : memref<!tpu.dma_semaphore, #tpu.memory_space<semaphore_mem>>) src(%dma_wait3A_51 : memref<120x128xf32, #tpu.memory_space<vmem>>) dst(%dma_wait3A_48 : memref<120x128xf32, #tpu.memory_space<vmem_shared>>)
      tpu.yield
    }) : () -> ()
    %scan3A_19 = arith.constant 0 : i32
    %scan3A_20 = arith.constant 0 : i32
    %scan3A_21 = arith.constant 128 : i32
    %scan3A_22 = arith.addi %scan3A_20, %scan3A_21 : i32
    %scan3A_23 = arith.constant 1 : i32
    %scan3A_24 = scf.for %scan3A_34 = %scan3A_20 to %scan3A_22 step %scan3A_23 iter_args(%scan3A_35 = %scan3A_19) -> (i32)  : i32 {
      %broadcast_in_dim3A = arith.constant 1.000000e+00 : f32
      %broadcast_in_dim3A_36 = vector.broadcast %broadcast_in_dim3A : f32 to vector<16xf32>
      %swap3A = arith.index_cast %scan3A_34 : i32 to index
      %swap3A_37 = arith.constant 0 : index
      %swap3A_38 = tpu.vector_load %arg5[%swap3A, %swap3A_37] {strides = array<i32>} : memref<128x128xf32, #tpu.memory_space<vmem>>, vector<1x16xf32>,
      %swap3A_39 = vector.shape_cast %swap3A_38 : vector<1x16xf32> to vector<16xf32>
      %swap3A_40 = vector.shape_cast %broadcast_in_dim3A_36 : vector<16xf32> to vector<1x16xf32>
      tpu.vector_store %arg5[%swap3A, %swap3A_37], %swap3A_40 {strides = array<i32>} : memref<128x128xf32, #tpu.memory_space<vmem>>, vector<1x16xf32>,
      %broadcast_in_dim3A_41 = arith.constant 1.000000e+00 : f32
      %broadcast_in_dim3A_42 = vector.broadcast %broadcast_in_dim3A_41 : f32 to vector<16xf32>
      %swap3A_43 = arith.index_cast %scan3A_34 : i32 to index
      %swap3A_44 = arith.constant 16 : index
      %swap3A_45 = tpu.vector_load %arg5[%swap3A_43, %swap3A_44] {strides = array<i32>} : memref<128x128xf32, #tpu.memory_space<vmem>>, vector<1x16xf32>,
      %swap3A_46 = vector.shape_cast %swap3A_45 : vector<1x16xf32> to vector<16xf32>
      %swap3A_47 = vector.shape_cast %broadcast_in_dim3A_42 : vector<16xf32> to vector<1x16xf32>
      tpu.vector_store %arg5[%swap3A_43, %swap3A_44], %swap3A_47 {strides = array<i32>} : memref<128x128xf32, #tpu.memory_space<vmem>>, vector<1x16xf32>,
      %broadcast_in_dim3A_48 = arith.constant 1.000000e+00 : f32
      %broadcast_in_dim3A_49 = vector.broadcast %broadcast_in_dim3A_48 : f32 to vector<16xf32>
      %swap3A_50 = arith.index_cast %scan3A_34 : i32 to index
      %swap3A_51 = arith.constant 32 : index
      %swap3A_52 = tpu.vector_load %arg5[%swap3A_50, %swap3A_51] {strides = array<i32>} : memref<128x128xf32, #tpu.memory_space<vmem>>, vector<1x16xf32>,
      %swap3A_53 = vector.shape_cast %swap3A_52 : vector<1x16xf32> to vector<16xf32>
      %swap3A_54 = vector.shape_cast %broadcast_in_dim3A_49 : vector<16xf32> to vector<1x16xf32>
      tpu.vector_store %arg5[%swap3A_50, %swap3A_51], %swap3A_54 {strides = array<i32>} : memref<128x128xf32, #tpu.memory_space<vmem>>, vector<1x16xf32>,
      %broadcast_in_dim3A_55 = arith.constant 1.000000e+00 : f32
      %broadcast_in_dim3A_56 = vector.broadcast %broadcast_in_dim3A_55 : f32 to vector<16xf32>
      %swap3A_57 = arith.index_cast %scan3A_34 : i32 to index
      %swap3A_58 = arith.constant 48 : index
      %swap3A_59 = tpu.vector_load %arg5[%swap3A_57, %swap3A_58] {strides = array<i32>} : memref<128x128xf32, #tpu.memory_space<vmem>>, vector<1x16xf32>,
      %swap3A_60 = vector.shape_cast %swap3A_59 : vector<1x16xf32> to vector<16xf32>
      %swap3A_61 = vector.shape_cast %broadcast_in_dim3A_56 : vector<16xf32> to vector<1x16xf32>
      tpu.vector_store %arg5[%swap3A_57, %swap3A_58], %swap3A_61 {strides = array<i32>} : memref<128x128xf32, #tpu.memory_space<vmem>>, vector<1x16xf32>,
      %broadcast_in_dim3A_62 = arith.constant 1.000000e+00 : f32
      %broadcast_in_dim3A_63 = vector.broadcast %broadcast_in_dim3A_62 : f32 to vector<16xf32>
      %swap3A_64 = arith.index_cast %scan3A_34 : i32 to index
      %swap3A_65 = arith.constant 64 : index
      %swap3A_66 = tpu.vector_load %arg5[%swap3A_64, %swap3A_65] {strides = array<i32>} : memref<128x128xf32, #tpu.memory_space<vmem>>, vector<1x16xf32>,
      %swap3A_67 = vector.shape_cast %swap3A_66 : vector<1x16xf32> to vector<16xf32>
      %swap3A_68 = vector.shape_cast %broadcast_in_dim3A_63 : vector<16xf32> to vector<1x16xf32>
      tpu.vector_store %arg5[%swap3A_64, %swap3A_65], %swap3A_68 {strides = array<i32>} : memref<128x128xf32, #tpu.memory_space<vmem>>, vector<1x16xf32>,
      %broadcast_in_dim3A_69 = arith.constant 1.000000e+00 : f32
      %broadcast_in_dim3A_70 = vector.broadcast %broadcast_in_dim3A_69 : f32 to vector<16xf32>
      %swap3A_71 = arith.index_cast %scan3A_34 : i32 to index
      %swap3A_72 = arith.constant 80 : index
      %swap3A_73 = tpu.vector_load %arg5[%swap3A_71, %swap3A_72] {strides = array<i32>} : memref<128x128xf32, #tpu.memory_space<vmem>>, vector<1x16xf32>,
      %swap3A_74 = vector.shape_cast %swap3A_73 : vector<1x16xf32> to vector<16xf32>
      %swap3A_75 = vector.shape_cast %broadcast_in_dim3A_70 : vector<16xf32> to vector<1x16xf32>
      tpu.vector_store %arg5[%swap3A_71, %swap3A_72], %swap3A_75 {strides = array<i32>} : memref<128x128xf32, #tpu.memory_space<vmem>>, vector<1x16xf32>,
      %broadcast_in_dim3A_76 = arith.constant 1.000000e+00 : f32
      %broadcast_in_dim3A_77 = vector.broadcast %broadcast_in_dim3A_76 : f32 to vector<16xf32>
      %swap3A_78 = arith.index_cast %scan3A_34 : i32 to index
      %swap3A_79 = arith.constant 96 : index
      %swap3A_80 = tpu.vector_load %arg5[%swap3A_78, %swap3A_79] {strides = array<i32>} : memref<128x128xf32, #tpu.memory_space<vmem>>, vector<1x16xf32>,
      %swap3A_81 = vector.shape_cast %swap3A_80 : vector<1x16xf32> to vector<16xf32>
      %swap3A_82 = vector.shape_cast %broadcast_in_dim3A_77 : vector<16xf32> to vector<1x16xf32>
      tpu.vector_store %arg5[%swap3A_78, %swap3A_79], %swap3A_82 {strides = array<i32>} : memref<128x128xf32, #tpu.memory_space<vmem>>, vector<1x16xf32>,
      %broadcast_in_dim3A_83 = arith.constant 1.000000e+00 : f32
      %broadcast_in_dim3A_84 = vector.broadcast %broadcast_in_dim3A_83 : f32 to vector<16xf32>
      %swap3A_85 = arith.index_cast %scan3A_34 : i32 to index
      %swap3A_86 = arith.constant 112 : index
      %swap3A_87 = tpu.vector_load %arg5[%swap3A_85, %swap3A_86] {strides = array<i32>} : memref<128x128xf32, #tpu.memory_space<vmem>>, vector<1x16xf32>,
      %swap3A_88 = vector.shape_cast %swap3A_87 : vector<1x16xf32> to vector<16xf32>
      %swap3A_89 = vector.shape_cast %broadcast_in_dim3A_84 : vector<16xf32> to vector<1x16xf32>
      tpu.vector_store %arg5[%swap3A_85, %swap3A_86], %swap3A_89 {strides = array<i32>} : memref<128x128xf32, #tpu.memory_space<vmem>>, vector<1x16xf32>,
      %scan3A_90 = arith.constant 0 : i32
      scf.yield %scan3A_90 : i32
    }
    %scan3A_25 = arith.constant 128 : i32
    "tpu.region"() ({
      %run_scoped3A = tpu.sem_alloc : memref<!tpu.dma_semaphore, #tpu.memory_space<semaphore_mem>>
      %dma_start3A = arith.constant 0 : i32
      %dma_start3A_34 = arith.constant 0 : i32
      %dma_start3A_35 = tpu.memref_slice %arg2[%add3A, %dma_start3A, %dma_start3A_34] : memref<32x80x128xi32, #tpu.memory_space<hbm>> -> memref<1x80x128xi32, #tpu.memory_space<hbm>>
      %dma_start3A_36 = tpu.memref_squeeze %dma_start3A_35 : memref<1x80x128xi32, #tpu.memory_space<hbm>> -> memref<80x128xi32, #tpu.memory_space<hbm>>
      %dma_start3A_37 = arith.constant 0 : i32
      %dma_start3A_38 = arith.constant 0 : i32
      %dma_start3A_39 = tpu.memref_slice %arg2[%add3A, %dma_start3A_37, %dma_start3A_38] : memref<32x80x128xi32, #tpu.memory_space<hbm>> -> memref<1x80x128xi32, #tpu.memory_space<hbm>>
      %dma_start3A_40 = tpu.memref_squeeze %dma_start3A_39 : memref<1x80x128xi32, #tpu.memory_space<hbm>> -> memref<80x128xi32, #tpu.memory_space<hbm>>
      tpu.enqueue_dma source(%dma_start3A_40 : memref<80x128xi32, #tpu.memory_space<hbm>>) target(%arg6 : memref<80x128xi32, #tpu.memory_space<vmem>>) target_semaphore(%run_scoped3A : memref<!tpu.dma_semaphore, #tpu.memory_space<semaphore_mem>>)
      %dma_wait3A = arith.constant 0 : i32
      %dma_wait3A_41 = arith.constant 0 : i32
      %dma_wait3A_42 = tpu.memref_slice %arg2[%add3A, %dma_wait3A, %dma_wait3A_41] : memref<32x80x128xi32, #tpu.memory_space<hbm>> -> memref<1x80x128xi32, #tpu.memory_space<hbm>>
      %dma_wait3A_43 = tpu.memref_squeeze %dma_wait3A_42 : memref<1x80x128xi32, #tpu.memory_space<hbm>> -> memref<80x128xi32, #tpu.memory_space<hbm>>
      %dma_wait3A_44 = arith.constant 0 : i32
      %dma_wait3A_45 = arith.constant 0 : i32
      %dma_wait3A_46 = tpu.memref_slice %arg2[%add3A, %dma_wait3A_44, %dma_wait3A_45] : memref<32x80x128xi32, #tpu.memory_space<hbm>> -> memref<1x80x128xi32, #tpu.memory_space<hbm>>
      %dma_wait3A_47 = tpu.memref_squeeze %dma_wait3A_46 : memref<1x80x128xi32, #tpu.memory_space<hbm>> -> memref<80x128xi32, #tpu.memory_space<hbm>>
      tpu.wait_dma2 semaphore(%run_scoped3A : memref<!tpu.dma_semaphore, #tpu.memory_space<semaphore_mem>>) src(%dma_wait3A_47 : memref<80x128xi32, #tpu.memory_space<hbm>>) dst(%arg6 : memref<80x128xi32, #tpu.memory_space<vmem>>)
      tpu.yield
    }) : () -> ()
    %barrier3A = arith.constant 0 : index
    tpu.barrier barrier_id(%barrier3A)
    %scan3A_26 = arith.constant 0 : i32
    %scan3A_27 = arith.constant 0 : i32
    %scan3A_28 = arith.constant 10 : i32
    %scan3A_29 = arith.addi %scan3A_27, %scan3A_28 : i32
    %scan3A_30 = arith.constant 1 : i32
    %scan3A_31 = scf.for %scan3A_34 = %scan3A_27 to %scan3A_29 step %scan3A_30 iter_args(%scan3A_35 = %scan3A_26) -> (i32)  : i32 {
      %scan3A_36 = arith.constant 0 : i32
      %scan3A_37 = arith.constant 0 : i32
      %scan3A_38 = arith.constant 8 : i32
      %scan3A_39 = arith.addi %scan3A_37, %scan3A_38 : i32
      %scan3A_40 = arith.constant 1 : i32
      %scan3A_41 = scf.for %scan3A_51 = %scan3A_37 to %scan3A_39 step %scan3A_40 iter_args(%scan3A_52 = %scan3A_36) -> (i32)  : i32 {
        %mul3A_53 = arith.constant 8 : i32
        %mul3A_54 = arith.muli %scan3A_34, %mul3A_53 : i32
        %add3A_55 = arith.addi %mul3A_54, %scan3A_51 : i32
        %dma_start3A = arith.constant 0 : i32
        %dma_start3A_56 = tpu.memref_slice %arg6[%add3A_55, %dma_start3A] : memref<80x128xi32, #tpu.memory_space<vmem>> -> memref<1x128xi32, #tpu.memory_space<vmem>>
        %dma_start3A_57 = tpu.memref_squeeze %dma_start3A_56 : memref<1x128xi32, #tpu.memory_space<vmem>> -> memref<128xi32, #tpu.memory_space<vmem>>
        %dma_start3A_58 = arith.constant 0 : i32
        %dma_start3A_59 = arith.constant 0 : i32
        %dma_start3A_60 = tpu.memref_slice %arg4[%dma_start3A_58, %dma_start3A_59] : memref<10112x128xf32, #tpu.memory_space<vmem_shared>> -> memref<10112x128xf32, #tpu.memory_space<vmem_shared>>
        tpu.enqueue_indirect_dma source(%arg5 : memref<128x128xf32, #tpu.memory_space<vmem>>) target(%dma_start3A_60 : memref<10112x128xf32, #tpu.memory_space<vmem_shared>>) offsets(%dma_start3A_57 : memref<128xi32, #tpu.memory_space<vmem>>) semaphore(%arg7 : memref<!tpu.dma_semaphore, #tpu.memory_space<semaphore_mem>>) {add = true}
        %scan3A_61 = arith.constant 0 : i32
        scf.yield %scan3A_61 : i32
      }
      %scan3A_42 = arith.constant 8 : i32
      %scan3A_43 = arith.constant 0 : i32
      %scan3A_44 = arith.constant 0 : i32
      %scan3A_45 = arith.constant 8 : i32
      %scan3A_46 = arith.addi %scan3A_44, %scan3A_45 : i32
      %scan3A_47 = arith.constant 1 : i32
      %scan3A_48 = scf.for %scan3A_51 = %scan3A_44 to %scan3A_46 step %scan3A_47 iter_args(%scan3A_52 = %scan3A_43) -> (i32)  : i32 {
        %mul3A_53 = arith.constant 8 : i32
        %mul3A_54 = arith.muli %scan3A_34, %mul3A_53 : i32
        %add3A_55 = arith.addi %mul3A_54, %scan3A_51 : i32
        %dma_wait3A = arith.constant 0 : i32
        %dma_wait3A_56 = tpu.memref_slice %arg6[%add3A_55, %dma_wait3A] : memref<80x128xi32, #tpu.memory_space<vmem>> -> memref<1x128xi32, #tpu.memory_space<vmem>>
        %dma_wait3A_57 = tpu.memref_squeeze %dma_wait3A_56 : memref<1x128xi32, #tpu.memory_space<vmem>> -> memref<128xi32, #tpu.memory_space<vmem>>
        %dma_wait3A_58 = arith.constant 0 : i32
        %dma_wait3A_59 = arith.constant 0 : i32
        %dma_wait3A_60 = tpu.memref_slice %arg4[%dma_wait3A_58, %dma_wait3A_59] : memref<10112x128xf32, #tpu.memory_space<vmem_shared>> -> memref<10112x128xf32, #tpu.memory_space<vmem_shared>>
        tpu.wait_indirect_dma semaphore(%arg7 : memref<!tpu.dma_semaphore, #tpu.memory_space<semaphore_mem>>) src(%arg5 : memref<128x128xf32, #tpu.memory_space<vmem>>) dst(%dma_wait3A_60 : memref<10112x128xf32, #tpu.memory_space<vmem_shared>>)
        %scan3A_61 = arith.constant 0 : i32
        scf.yield %scan3A_61 : i32
      }
      %scan3A_49 = arith.constant 8 : i32
      %scan3A_50 = arith.constant 0 : i32
      scf.yield %scan3A_50 : i32
    }
    %scan3A_32 = arith.constant 10 : i32
    %barrier3A_33 = arith.constant 0 : index
    tpu.barrier barrier_id(%barrier3A_33)
    "tpu.region"() ({
      %run_scoped3A = tpu.sem_alloc : memref<!tpu.dma_semaphore, #tpu.memory_space<semaphore_mem>>
      %dma_start3A = arith.constant 0 : i32
      %dma_start3A_34 = tpu.memref_slice %arg3[%arg0, %mul3A_8, %dma_start3A] : memref<2x10112x128xf32, #tpu.memory_space<hbm>> -> memref<1x632x128xf32, #tpu.memory_space<hbm>>
      %dma_start3A_35 = tpu.memref_squeeze %dma_start3A_34 : memref<1x632x128xf32, #tpu.memory_space<hbm>> -> memref<632x128xf32, #tpu.memory_space<hbm>>
      %dma_start3A_36 = arith.constant 0 : i32
      %dma_start3A_37 = tpu.memref_slice %arg4[%mul3A_8, %dma_start3A_36] : memref<10112x128xf32, #tpu.memory_space<vmem_shared>> -> memref<632x128xf32, #tpu.memory_space<vmem_shared>>
      tpu.enqueue_dma source(%dma_start3A_37 : memref<632x128xf32, #tpu.memory_space<vmem_shared>>) target(%dma_start3A_35 : memref<632x128xf32, #tpu.memory_space<hbm>>) target_semaphore(%run_scoped3A : memref<!tpu.dma_semaphore, #tpu.memory_space<semaphore_mem>>)
      %dma_wait3A = arith.constant 0 : i32
      %dma_wait3A_38 = tpu.memref_slice %arg3[%arg0, %mul3A_8, %dma_wait3A] : memref<2x10112x128xf32, #tpu.memory_space<hbm>> -> memref<1x632x128xf32, #tpu.memory_space<hbm>>
      %dma_wait3A_39 = tpu.memref_squeeze %dma_wait3A_38 : memref<1x632x128xf32, #tpu.memory_space<hbm>> -> memref<632x128xf32, #tpu.memory_space<hbm>>
      %dma_wait3A_40 = arith.constant 0 : i32
      %dma_wait3A_41 = tpu.memref_slice %arg4[%mul3A_8, %dma_wait3A_40] : memref<10112x128xf32, #tpu.memory_space<vmem_shared>> -> memref<632x128xf32, #tpu.memory_space<vmem_shared>>
      tpu.wait_dma2 semaphore(%run_scoped3A : memref<!tpu.dma_semaphore, #tpu.memory_space<semaphore_mem>>) src(%dma_wait3A_41 : memref<632x128xf32, #tpu.memory_space<vmem_shared>>) dst(%dma_wait3A_39 : memref<632x128xf32, #tpu.memory_space<hbm>>)
      tpu.yield
    }) : () -> ()
    return
  }
}

#map = affine_map<(d0, d1) -> (0, 0)>
#map1 = affine_map<(d0, d1) -> (0, 0, 0, 0)>
#map2 = affine_map<(d0, d1) -> (0, 0, 0)>
module attributes {stable_mosaic.version = 14 : i64} {
  func.func @_agg_body(%arg0: i32, %arg1: i32, %arg2: memref<10000x128xf32, #tpu.memory_space<hbm>>, %arg3: memref<16x2x40x128xi32, #tpu.memory_space<hbm>>, %arg4: memref<16x2x40x128xi32, #tpu.memory_space<hbm>>, %arg5: memref<16x2x40x128xi32, #tpu.memory_space<hbm>>, %arg6: memref<16x2x40x128xi32, #tpu.memory_space<hbm>>, %arg7: memref<2x10112x128xf32, #tpu.memory_space<hbm>>, %arg8: memref<10112x128xf32, #tpu.memory_space<vmem_shared>>, %arg9: memref<2x128x128xf32, #tpu.memory_space<vmem>>, %arg10: memref<40x128xi32, #tpu.memory_space<vmem>>, %arg11: memref<40x128xi32, #tpu.memory_space<vmem>>, %arg12: memref<!tpu.dma_semaphore, #tpu.memory_space<semaphore_mem>>, %arg13: memref<!tpu.dma_semaphore, #tpu.memory_space<semaphore_mem>>, %arg14: memref<!tpu.dma_semaphore, #tpu.memory_space<semaphore_mem>>, %arg15: memref<!tpu.dma_semaphore, #tpu.memory_space<semaphore_mem>>) attributes {dimension_semantics = [#tpu.dimension_semantics<core_parallel>, #tpu.dimension_semantics<subcore_parallel>], iteration_bounds = array<i64: 2, 16>, scalar_prefetch = 0 : i64, scratch_operands = 8 : i64, tpu.core_type = #tpu.core_type<sc_vector_subcore>, window_params = [{transform_indices = #map}, {transform_indices = #map1}, {transform_indices = #map1}, {transform_indices = #map1}, {transform_indices = #map1}, {transform_indices = #map2}]} {
    %scan3A = arith.constant 0 : i32
    %scan3A_0 = arith.constant 0 : i32
    %scan3A_1 = arith.constant 128 : i32
    %scan3A_2 = arith.addi %scan3A_0, %scan3A_1 : i32
    %scan3A_3 = arith.constant 1 : i32
    %scan3A_4 = scf.for %scan3A_28 = %scan3A_0 to %scan3A_2 step %scan3A_3 iter_args(%scan3A_29 = %scan3A) -> (i32)  : i32 {
      %broadcast_in_dim3A = arith.constant 0.000000e+00 : f32
      %broadcast_in_dim3A_30 = vector.broadcast %broadcast_in_dim3A : f32 to vector<16xf32>
      %swap3A = arith.constant 0 : i32
      %swap3A_31 = arith.index_cast %swap3A : i32 to index
      %swap3A_32 = arith.index_cast %scan3A_28 : i32 to index
      %swap3A_33 = arith.constant 0 : index
      %swap3A_34 = tpu.vector_load %arg9[%swap3A_31, %swap3A_32, %swap3A_33] {strides = array<i32>} : memref<2x128x128xf32, #tpu.memory_space<vmem>>, vector<1x1x16xf32>,
      %swap3A_35 = vector.shape_cast %swap3A_34 : vector<1x1x16xf32> to vector<16xf32>
      %swap3A_36 = vector.shape_cast %broadcast_in_dim3A_30 : vector<16xf32> to vector<1x1x16xf32>
      tpu.vector_store %arg9[%swap3A_31, %swap3A_32, %swap3A_33], %swap3A_36 {strides = array<i32>} : memref<2x128x128xf32, #tpu.memory_space<vmem>>, vector<1x1x16xf32>,
      %broadcast_in_dim3A_37 = arith.constant 0.000000e+00 : f32
      %broadcast_in_dim3A_38 = vector.broadcast %broadcast_in_dim3A_37 : f32 to vector<16xf32>
      %swap3A_39 = arith.constant 0 : i32
      %swap3A_40 = arith.index_cast %swap3A_39 : i32 to index
      %swap3A_41 = arith.index_cast %scan3A_28 : i32 to index
      %swap3A_42 = arith.constant 16 : index
      %swap3A_43 = tpu.vector_load %arg9[%swap3A_40, %swap3A_41, %swap3A_42] {strides = array<i32>} : memref<2x128x128xf32, #tpu.memory_space<vmem>>, vector<1x1x16xf32>,
      %swap3A_44 = vector.shape_cast %swap3A_43 : vector<1x1x16xf32> to vector<16xf32>
      %swap3A_45 = vector.shape_cast %broadcast_in_dim3A_38 : vector<16xf32> to vector<1x1x16xf32>
      tpu.vector_store %arg9[%swap3A_40, %swap3A_41, %swap3A_42], %swap3A_45 {strides = array<i32>} : memref<2x128x128xf32, #tpu.memory_space<vmem>>, vector<1x1x16xf32>,
      %broadcast_in_dim3A_46 = arith.constant 0.000000e+00 : f32
      %broadcast_in_dim3A_47 = vector.broadcast %broadcast_in_dim3A_46 : f32 to vector<16xf32>
      %swap3A_48 = arith.constant 0 : i32
      %swap3A_49 = arith.index_cast %swap3A_48 : i32 to index
      %swap3A_50 = arith.index_cast %scan3A_28 : i32 to index
      %swap3A_51 = arith.constant 32 : index
      %swap3A_52 = tpu.vector_load %arg9[%swap3A_49, %swap3A_50, %swap3A_51] {strides = array<i32>} : memref<2x128x128xf32, #tpu.memory_space<vmem>>, vector<1x1x16xf32>,
      %swap3A_53 = vector.shape_cast %swap3A_52 : vector<1x1x16xf32> to vector<16xf32>
      %swap3A_54 = vector.shape_cast %broadcast_in_dim3A_47 : vector<16xf32> to vector<1x1x16xf32>
      tpu.vector_store %arg9[%swap3A_49, %swap3A_50, %swap3A_51], %swap3A_54 {strides = array<i32>} : memref<2x128x128xf32, #tpu.memory_space<vmem>>, vector<1x1x16xf32>,
      %broadcast_in_dim3A_55 = arith.constant 0.000000e+00 : f32
      %broadcast_in_dim3A_56 = vector.broadcast %broadcast_in_dim3A_55 : f32 to vector<16xf32>
      %swap3A_57 = arith.constant 0 : i32
      %swap3A_58 = arith.index_cast %swap3A_57 : i32 to index
      %swap3A_59 = arith.index_cast %scan3A_28 : i32 to index
      %swap3A_60 = arith.constant 48 : index
      %swap3A_61 = tpu.vector_load %arg9[%swap3A_58, %swap3A_59, %swap3A_60] {strides = array<i32>} : memref<2x128x128xf32, #tpu.memory_space<vmem>>, vector<1x1x16xf32>,
      %swap3A_62 = vector.shape_cast %swap3A_61 : vector<1x1x16xf32> to vector<16xf32>
      %swap3A_63 = vector.shape_cast %broadcast_in_dim3A_56 : vector<16xf32> to vector<1x1x16xf32>
      tpu.vector_store %arg9[%swap3A_58, %swap3A_59, %swap3A_60], %swap3A_63 {strides = array<i32>} : memref<2x128x128xf32, #tpu.memory_space<vmem>>, vector<1x1x16xf32>,
      %broadcast_in_dim3A_64 = arith.constant 0.000000e+00 : f32
      %broadcast_in_dim3A_65 = vector.broadcast %broadcast_in_dim3A_64 : f32 to vector<16xf32>
      %swap3A_66 = arith.constant 0 : i32
      %swap3A_67 = arith.index_cast %swap3A_66 : i32 to index
      %swap3A_68 = arith.index_cast %scan3A_28 : i32 to index
      %swap3A_69 = arith.constant 64 : index
      %swap3A_70 = tpu.vector_load %arg9[%swap3A_67, %swap3A_68, %swap3A_69] {strides = array<i32>} : memref<2x128x128xf32, #tpu.memory_space<vmem>>, vector<1x1x16xf32>,
      %swap3A_71 = vector.shape_cast %swap3A_70 : vector<1x1x16xf32> to vector<16xf32>
      %swap3A_72 = vector.shape_cast %broadcast_in_dim3A_65 : vector<16xf32> to vector<1x1x16xf32>
      tpu.vector_store %arg9[%swap3A_67, %swap3A_68, %swap3A_69], %swap3A_72 {strides = array<i32>} : memref<2x128x128xf32, #tpu.memory_space<vmem>>, vector<1x1x16xf32>,
      %broadcast_in_dim3A_73 = arith.constant 0.000000e+00 : f32
      %broadcast_in_dim3A_74 = vector.broadcast %broadcast_in_dim3A_73 : f32 to vector<16xf32>
      %swap3A_75 = arith.constant 0 : i32
      %swap3A_76 = arith.index_cast %swap3A_75 : i32 to index
      %swap3A_77 = arith.index_cast %scan3A_28 : i32 to index
      %swap3A_78 = arith.constant 80 : index
      %swap3A_79 = tpu.vector_load %arg9[%swap3A_76, %swap3A_77, %swap3A_78] {strides = array<i32>} : memref<2x128x128xf32, #tpu.memory_space<vmem>>, vector<1x1x16xf32>,
      %swap3A_80 = vector.shape_cast %swap3A_79 : vector<1x1x16xf32> to vector<16xf32>
      %swap3A_81 = vector.shape_cast %broadcast_in_dim3A_74 : vector<16xf32> to vector<1x1x16xf32>
      tpu.vector_store %arg9[%swap3A_76, %swap3A_77, %swap3A_78], %swap3A_81 {strides = array<i32>} : memref<2x128x128xf32, #tpu.memory_space<vmem>>, vector<1x1x16xf32>,
      %broadcast_in_dim3A_82 = arith.constant 0.000000e+00 : f32
      %broadcast_in_dim3A_83 = vector.broadcast %broadcast_in_dim3A_82 : f32 to vector<16xf32>
      %swap3A_84 = arith.constant 0 : i32
      %swap3A_85 = arith.index_cast %swap3A_84 : i32 to index
      %swap3A_86 = arith.index_cast %scan3A_28 : i32 to index
      %swap3A_87 = arith.constant 96 : index
      %swap3A_88 = tpu.vector_load %arg9[%swap3A_85, %swap3A_86, %swap3A_87] {strides = array<i32>} : memref<2x128x128xf32, #tpu.memory_space<vmem>>, vector<1x1x16xf32>,
      %swap3A_89 = vector.shape_cast %swap3A_88 : vector<1x1x16xf32> to vector<16xf32>
      %swap3A_90 = vector.shape_cast %broadcast_in_dim3A_83 : vector<16xf32> to vector<1x1x16xf32>
      tpu.vector_store %arg9[%swap3A_85, %swap3A_86, %swap3A_87], %swap3A_90 {strides = array<i32>} : memref<2x128x128xf32, #tpu.memory_space<vmem>>, vector<1x1x16xf32>,
      %broadcast_in_dim3A_91 = arith.constant 0.000000e+00 : f32
      %broadcast_in_dim3A_92 = vector.broadcast %broadcast_in_dim3A_91 : f32 to vector<16xf32>
      %swap3A_93 = arith.constant 0 : i32
      %swap3A_94 = arith.index_cast %swap3A_93 : i32 to index
      %swap3A_95 = arith.index_cast %scan3A_28 : i32 to index
      %swap3A_96 = arith.constant 112 : index
      %swap3A_97 = tpu.vector_load %arg9[%swap3A_94, %swap3A_95, %swap3A_96] {strides = array<i32>} : memref<2x128x128xf32, #tpu.memory_space<vmem>>, vector<1x1x16xf32>,
      %swap3A_98 = vector.shape_cast %swap3A_97 : vector<1x1x16xf32> to vector<16xf32>
      %swap3A_99 = vector.shape_cast %broadcast_in_dim3A_92 : vector<16xf32> to vector<1x1x16xf32>
      tpu.vector_store %arg9[%swap3A_94, %swap3A_95, %swap3A_96], %swap3A_99 {strides = array<i32>} : memref<2x128x128xf32, #tpu.memory_space<vmem>>, vector<1x1x16xf32>,
      %scan3A_100 = arith.constant 0 : i32
      scf.yield %scan3A_100 : i32
    }
    %scan3A_5 = arith.constant 128 : i32
    %mul3A = arith.constant 632 : i32
    %mul3A_6 = arith.muli %arg1, %mul3A : i32
    %add3A = arith.constant 0 : i32
    %add3A_7 = arith.addi %mul3A_6, %add3A : i32
    %run_scoped3A = arith.constant 0 : i32
    "tpu.region"() ({
      %run_scoped3A_28 = tpu.sem_alloc : memref<!tpu.dma_semaphore, #tpu.memory_space<semaphore_mem>>
      %dma_start3A = arith.constant 0 : i32
      %dma_start3A_29 = arith.constant 0 : i32
      %dma_start3A_30 = tpu.memref_slice %arg9[%run_scoped3A, %dma_start3A, %dma_start3A_29] : memref<2x128x128xf32, #tpu.memory_space<vmem>> -> memref<1x128x128xf32, #tpu.memory_space<vmem>>
      %dma_start3A_31 = tpu.memref_squeeze %dma_start3A_30 : memref<1x128x128xf32, #tpu.memory_space<vmem>> -> memref<128x128xf32, #tpu.memory_space<vmem>>
      %dma_start3A_32 = arith.constant 0 : i32
      %dma_start3A_33 = tpu.memref_slice %arg8[%add3A_7, %dma_start3A_32] : memref<10112x128xf32, #tpu.memory_space<vmem_shared>> -> memref<128x128xf32, #tpu.memory_space<vmem_shared>>
      %dma_start3A_34 = arith.constant 0 : i32
      %dma_start3A_35 = tpu.memref_slice %arg8[%add3A_7, %dma_start3A_34] : memref<10112x128xf32, #tpu.memory_space<vmem_shared>> -> memref<128x128xf32, #tpu.memory_space<vmem_shared>>
      %dma_start3A_36 = arith.constant 0 : i32
      %dma_start3A_37 = arith.constant 0 : i32
      %dma_start3A_38 = tpu.memref_slice %arg9[%run_scoped3A, %dma_start3A_36, %dma_start3A_37] : memref<2x128x128xf32, #tpu.memory_space<vmem>> -> memref<1x128x128xf32, #tpu.memory_space<vmem>>
      %dma_start3A_39 = tpu.memref_squeeze %dma_start3A_38 : memref<1x128x128xf32, #tpu.memory_space<vmem>> -> memref<128x128xf32, #tpu.memory_space<vmem>>
      tpu.enqueue_dma source(%dma_start3A_39 : memref<128x128xf32, #tpu.memory_space<vmem>>) target(%dma_start3A_35 : memref<128x128xf32, #tpu.memory_space<vmem_shared>>) target_semaphore(%run_scoped3A_28 : memref<!tpu.dma_semaphore, #tpu.memory_space<semaphore_mem>>)
      %dma_wait3A = arith.constant 0 : i32
      %dma_wait3A_40 = arith.constant 0 : i32
      %dma_wait3A_41 = tpu.memref_slice %arg9[%run_scoped3A, %dma_wait3A, %dma_wait3A_40] : memref<2x128x128xf32, #tpu.memory_space<vmem>> -> memref<1x128x128xf32, #tpu.memory_space<vmem>>
      %dma_wait3A_42 = tpu.memref_squeeze %dma_wait3A_41 : memref<1x128x128xf32, #tpu.memory_space<vmem>> -> memref<128x128xf32, #tpu.memory_space<vmem>>
      %dma_wait3A_43 = arith.constant 0 : i32
      %dma_wait3A_44 = tpu.memref_slice %arg8[%add3A_7, %dma_wait3A_43] : memref<10112x128xf32, #tpu.memory_space<vmem_shared>> -> memref<128x128xf32, #tpu.memory_space<vmem_shared>>
      %dma_wait3A_45 = arith.constant 0 : i32
      %dma_wait3A_46 = tpu.memref_slice %arg8[%add3A_7, %dma_wait3A_45] : memref<10112x128xf32, #tpu.memory_space<vmem_shared>> -> memref<128x128xf32, #tpu.memory_space<vmem_shared>>
      %dma_wait3A_47 = arith.constant 0 : i32
      %dma_wait3A_48 = arith.constant 0 : i32
      %dma_wait3A_49 = tpu.memref_slice %arg9[%run_scoped3A, %dma_wait3A_47, %dma_wait3A_48] : memref<2x128x128xf32, #tpu.memory_space<vmem>> -> memref<1x128x128xf32, #tpu.memory_space<vmem>>
      %dma_wait3A_50 = tpu.memref_squeeze %dma_wait3A_49 : memref<1x128x128xf32, #tpu.memory_space<vmem>> -> memref<128x128xf32, #tpu.memory_space<vmem>>
      tpu.wait_dma2 semaphore(%run_scoped3A_28 : memref<!tpu.dma_semaphore, #tpu.memory_space<semaphore_mem>>) src(%dma_wait3A_50 : memref<128x128xf32, #tpu.memory_space<vmem>>) dst(%dma_wait3A_46 : memref<128x128xf32, #tpu.memory_space<vmem_shared>>)
      tpu.yield
    }) : () -> ()
    %add3A_8 = arith.constant 128 : i32
    %add3A_9 = arith.addi %mul3A_6, %add3A_8 : i32
    %run_scoped3A_10 = arith.constant 0 : i32
    "tpu.region"() ({
      %run_scoped3A_28 = tpu.sem_alloc : memref<!tpu.dma_semaphore, #tpu.memory_space<semaphore_mem>>
      %dma_start3A = arith.constant 0 : i32
      %dma_start3A_29 = arith.constant 0 : i32
      %dma_start3A_30 = tpu.memref_slice %arg9[%run_scoped3A_10, %dma_start3A, %dma_start3A_29] : memref<2x128x128xf32, #tpu.memory_space<vmem>> -> memref<1x128x128xf32, #tpu.memory_space<vmem>>
      %dma_start3A_31 = tpu.memref_squeeze %dma_start3A_30 : memref<1x128x128xf32, #tpu.memory_space<vmem>> -> memref<128x128xf32, #tpu.memory_space<vmem>>
      %dma_start3A_32 = arith.constant 0 : i32
      %dma_start3A_33 = tpu.memref_slice %arg8[%add3A_9, %dma_start3A_32] : memref<10112x128xf32, #tpu.memory_space<vmem_shared>> -> memref<128x128xf32, #tpu.memory_space<vmem_shared>>
      %dma_start3A_34 = arith.constant 0 : i32
      %dma_start3A_35 = tpu.memref_slice %arg8[%add3A_9, %dma_start3A_34] : memref<10112x128xf32, #tpu.memory_space<vmem_shared>> -> memref<128x128xf32, #tpu.memory_space<vmem_shared>>
      %dma_start3A_36 = arith.constant 0 : i32
      %dma_start3A_37 = arith.constant 0 : i32
      %dma_start3A_38 = tpu.memref_slice %arg9[%run_scoped3A_10, %dma_start3A_36, %dma_start3A_37] : memref<2x128x128xf32, #tpu.memory_space<vmem>> -> memref<1x128x128xf32, #tpu.memory_space<vmem>>
      %dma_start3A_39 = tpu.memref_squeeze %dma_start3A_38 : memref<1x128x128xf32, #tpu.memory_space<vmem>> -> memref<128x128xf32, #tpu.memory_space<vmem>>
      tpu.enqueue_dma source(%dma_start3A_39 : memref<128x128xf32, #tpu.memory_space<vmem>>) target(%dma_start3A_35 : memref<128x128xf32, #tpu.memory_space<vmem_shared>>) target_semaphore(%run_scoped3A_28 : memref<!tpu.dma_semaphore, #tpu.memory_space<semaphore_mem>>)
      %dma_wait3A = arith.constant 0 : i32
      %dma_wait3A_40 = arith.constant 0 : i32
      %dma_wait3A_41 = tpu.memref_slice %arg9[%run_scoped3A_10, %dma_wait3A, %dma_wait3A_40] : memref<2x128x128xf32, #tpu.memory_space<vmem>> -> memref<1x128x128xf32, #tpu.memory_space<vmem>>
      %dma_wait3A_42 = tpu.memref_squeeze %dma_wait3A_41 : memref<1x128x128xf32, #tpu.memory_space<vmem>> -> memref<128x128xf32, #tpu.memory_space<vmem>>
      %dma_wait3A_43 = arith.constant 0 : i32
      %dma_wait3A_44 = tpu.memref_slice %arg8[%add3A_9, %dma_wait3A_43] : memref<10112x128xf32, #tpu.memory_space<vmem_shared>> -> memref<128x128xf32, #tpu.memory_space<vmem_shared>>
      %dma_wait3A_45 = arith.constant 0 : i32
      %dma_wait3A_46 = tpu.memref_slice %arg8[%add3A_9, %dma_wait3A_45] : memref<10112x128xf32, #tpu.memory_space<vmem_shared>> -> memref<128x128xf32, #tpu.memory_space<vmem_shared>>
      %dma_wait3A_47 = arith.constant 0 : i32
      %dma_wait3A_48 = arith.constant 0 : i32
      %dma_wait3A_49 = tpu.memref_slice %arg9[%run_scoped3A_10, %dma_wait3A_47, %dma_wait3A_48] : memref<2x128x128xf32, #tpu.memory_space<vmem>> -> memref<1x128x128xf32, #tpu.memory_space<vmem>>
      %dma_wait3A_50 = tpu.memref_squeeze %dma_wait3A_49 : memref<1x128x128xf32, #tpu.memory_space<vmem>> -> memref<128x128xf32, #tpu.memory_space<vmem>>
      tpu.wait_dma2 semaphore(%run_scoped3A_28 : memref<!tpu.dma_semaphore, #tpu.memory_space<semaphore_mem>>) src(%dma_wait3A_50 : memref<128x128xf32, #tpu.memory_space<vmem>>) dst(%dma_wait3A_46 : memref<128x128xf32, #tpu.memory_space<vmem_shared>>)
      tpu.yield
    }) : () -> ()
    %add3A_11 = arith.constant 256 : i32
    %add3A_12 = arith.addi %mul3A_6, %add3A_11 : i32
    %run_scoped3A_13 = arith.constant 0 : i32
    "tpu.region"() ({
      %run_scoped3A_28 = tpu.sem_alloc : memref<!tpu.dma_semaphore, #tpu.memory_space<semaphore_mem>>
      %dma_start3A = arith.constant 0 : i32
      %dma_start3A_29 = arith.constant 0 : i32
      %dma_start3A_30 = tpu.memref_slice %arg9[%run_scoped3A_13, %dma_start3A, %dma_start3A_29] : memref<2x128x128xf32, #tpu.memory_space<vmem>> -> memref<1x128x128xf32, #tpu.memory_space<vmem>>
      %dma_start3A_31 = tpu.memref_squeeze %dma_start3A_30 : memref<1x128x128xf32, #tpu.memory_space<vmem>> -> memref<128x128xf32, #tpu.memory_space<vmem>>
      %dma_start3A_32 = arith.constant 0 : i32
      %dma_start3A_33 = tpu.memref_slice %arg8[%add3A_12, %dma_start3A_32] : memref<10112x128xf32, #tpu.memory_space<vmem_shared>> -> memref<128x128xf32, #tpu.memory_space<vmem_shared>>
      %dma_start3A_34 = arith.constant 0 : i32
      %dma_start3A_35 = tpu.memref_slice %arg8[%add3A_12, %dma_start3A_34] : memref<10112x128xf32, #tpu.memory_space<vmem_shared>> -> memref<128x128xf32, #tpu.memory_space<vmem_shared>>
      %dma_start3A_36 = arith.constant 0 : i32
      %dma_start3A_37 = arith.constant 0 : i32
      %dma_start3A_38 = tpu.memref_slice %arg9[%run_scoped3A_13, %dma_start3A_36, %dma_start3A_37] : memref<2x128x128xf32, #tpu.memory_space<vmem>> -> memref<1x128x128xf32, #tpu.memory_space<vmem>>
      %dma_start3A_39 = tpu.memref_squeeze %dma_start3A_38 : memref<1x128x128xf32, #tpu.memory_space<vmem>> -> memref<128x128xf32, #tpu.memory_space<vmem>>
      tpu.enqueue_dma source(%dma_start3A_39 : memref<128x128xf32, #tpu.memory_space<vmem>>) target(%dma_start3A_35 : memref<128x128xf32, #tpu.memory_space<vmem_shared>>) target_semaphore(%run_scoped3A_28 : memref<!tpu.dma_semaphore, #tpu.memory_space<semaphore_mem>>)
      %dma_wait3A = arith.constant 0 : i32
      %dma_wait3A_40 = arith.constant 0 : i32
      %dma_wait3A_41 = tpu.memref_slice %arg9[%run_scoped3A_13, %dma_wait3A, %dma_wait3A_40] : memref<2x128x128xf32, #tpu.memory_space<vmem>> -> memref<1x128x128xf32, #tpu.memory_space<vmem>>
      %dma_wait3A_42 = tpu.memref_squeeze %dma_wait3A_41 : memref<1x128x128xf32, #tpu.memory_space<vmem>> -> memref<128x128xf32, #tpu.memory_space<vmem>>
      %dma_wait3A_43 = arith.constant 0 : i32
      %dma_wait3A_44 = tpu.memref_slice %arg8[%add3A_12, %dma_wait3A_43] : memref<10112x128xf32, #tpu.memory_space<vmem_shared>> -> memref<128x128xf32, #tpu.memory_space<vmem_shared>>
      %dma_wait3A_45 = arith.constant 0 : i32
      %dma_wait3A_46 = tpu.memref_slice %arg8[%add3A_12, %dma_wait3A_45] : memref<10112x128xf32, #tpu.memory_space<vmem_shared>> -> memref<128x128xf32, #tpu.memory_space<vmem_shared>>
      %dma_wait3A_47 = arith.constant 0 : i32
      %dma_wait3A_48 = arith.constant 0 : i32
      %dma_wait3A_49 = tpu.memref_slice %arg9[%run_scoped3A_13, %dma_wait3A_47, %dma_wait3A_48] : memref<2x128x128xf32, #tpu.memory_space<vmem>> -> memref<1x128x128xf32, #tpu.memory_space<vmem>>
      %dma_wait3A_50 = tpu.memref_squeeze %dma_wait3A_49 : memref<1x128x128xf32, #tpu.memory_space<vmem>> -> memref<128x128xf32, #tpu.memory_space<vmem>>
      tpu.wait_dma2 semaphore(%run_scoped3A_28 : memref<!tpu.dma_semaphore, #tpu.memory_space<semaphore_mem>>) src(%dma_wait3A_50 : memref<128x128xf32, #tpu.memory_space<vmem>>) dst(%dma_wait3A_46 : memref<128x128xf32, #tpu.memory_space<vmem_shared>>)
      tpu.yield
    }) : () -> ()
    %add3A_14 = arith.constant 384 : i32
    %add3A_15 = arith.addi %mul3A_6, %add3A_14 : i32
    %run_scoped3A_16 = arith.constant 0 : i32
    "tpu.region"() ({
      %run_scoped3A_28 = tpu.sem_alloc : memref<!tpu.dma_semaphore, #tpu.memory_space<semaphore_mem>>
      %dma_start3A = arith.constant 0 : i32
      %dma_start3A_29 = arith.constant 0 : i32
      %dma_start3A_30 = tpu.memref_slice %arg9[%run_scoped3A_16, %dma_start3A, %dma_start3A_29] : memref<2x128x128xf32, #tpu.memory_space<vmem>> -> memref<1x128x128xf32, #tpu.memory_space<vmem>>
      %dma_start3A_31 = tpu.memref_squeeze %dma_start3A_30 : memref<1x128x128xf32, #tpu.memory_space<vmem>> -> memref<128x128xf32, #tpu.memory_space<vmem>>
      %dma_start3A_32 = arith.constant 0 : i32
      %dma_start3A_33 = tpu.memref_slice %arg8[%add3A_15, %dma_start3A_32] : memref<10112x128xf32, #tpu.memory_space<vmem_shared>> -> memref<128x128xf32, #tpu.memory_space<vmem_shared>>
      %dma_start3A_34 = arith.constant 0 : i32
      %dma_start3A_35 = tpu.memref_slice %arg8[%add3A_15, %dma_start3A_34] : memref<10112x128xf32, #tpu.memory_space<vmem_shared>> -> memref<128x128xf32, #tpu.memory_space<vmem_shared>>
      %dma_start3A_36 = arith.constant 0 : i32
      %dma_start3A_37 = arith.constant 0 : i32
      %dma_start3A_38 = tpu.memref_slice %arg9[%run_scoped3A_16, %dma_start3A_36, %dma_start3A_37] : memref<2x128x128xf32, #tpu.memory_space<vmem>> -> memref<1x128x128xf32, #tpu.memory_space<vmem>>
      %dma_start3A_39 = tpu.memref_squeeze %dma_start3A_38 : memref<1x128x128xf32, #tpu.memory_space<vmem>> -> memref<128x128xf32, #tpu.memory_space<vmem>>
      tpu.enqueue_dma source(%dma_start3A_39 : memref<128x128xf32, #tpu.memory_space<vmem>>) target(%dma_start3A_35 : memref<128x128xf32, #tpu.memory_space<vmem_shared>>) target_semaphore(%run_scoped3A_28 : memref<!tpu.dma_semaphore, #tpu.memory_space<semaphore_mem>>)
      %dma_wait3A = arith.constant 0 : i32
      %dma_wait3A_40 = arith.constant 0 : i32
      %dma_wait3A_41 = tpu.memref_slice %arg9[%run_scoped3A_16, %dma_wait3A, %dma_wait3A_40] : memref<2x128x128xf32, #tpu.memory_space<vmem>> -> memref<1x128x128xf32, #tpu.memory_space<vmem>>
      %dma_wait3A_42 = tpu.memref_squeeze %dma_wait3A_41 : memref<1x128x128xf32, #tpu.memory_space<vmem>> -> memref<128x128xf32, #tpu.memory_space<vmem>>
      %dma_wait3A_43 = arith.constant 0 : i32
      %dma_wait3A_44 = tpu.memref_slice %arg8[%add3A_15, %dma_wait3A_43] : memref<10112x128xf32, #tpu.memory_space<vmem_shared>> -> memref<128x128xf32, #tpu.memory_space<vmem_shared>>
      %dma_wait3A_45 = arith.constant 0 : i32
      %dma_wait3A_46 = tpu.memref_slice %arg8[%add3A_15, %dma_wait3A_45] : memref<10112x128xf32, #tpu.memory_space<vmem_shared>> -> memref<128x128xf32, #tpu.memory_space<vmem_shared>>
      %dma_wait3A_47 = arith.constant 0 : i32
      %dma_wait3A_48 = arith.constant 0 : i32
      %dma_wait3A_49 = tpu.memref_slice %arg9[%run_scoped3A_16, %dma_wait3A_47, %dma_wait3A_48] : memref<2x128x128xf32, #tpu.memory_space<vmem>> -> memref<1x128x128xf32, #tpu.memory_space<vmem>>
      %dma_wait3A_50 = tpu.memref_squeeze %dma_wait3A_49 : memref<1x128x128xf32, #tpu.memory_space<vmem>> -> memref<128x128xf32, #tpu.memory_space<vmem>>
      tpu.wait_dma2 semaphore(%run_scoped3A_28 : memref<!tpu.dma_semaphore, #tpu.memory_space<semaphore_mem>>) src(%dma_wait3A_50 : memref<128x128xf32, #tpu.memory_space<vmem>>) dst(%dma_wait3A_46 : memref<128x128xf32, #tpu.memory_space<vmem_shared>>)
      tpu.yield
    }) : () -> ()
    %add3A_17 = arith.constant 512 : i32
    %add3A_18 = arith.addi %mul3A_6, %add3A_17 : i32
    %run_scoped3A_19 = arith.constant 0 : i32
    "tpu.region"() ({
      %run_scoped3A_28 = tpu.sem_alloc : memref<!tpu.dma_semaphore, #tpu.memory_space<semaphore_mem>>
      %dma_start3A = arith.constant 0 : i32
      %dma_start3A_29 = arith.constant 0 : i32
      %dma_start3A_30 = tpu.memref_slice %arg9[%run_scoped3A_19, %dma_start3A, %dma_start3A_29] : memref<2x128x128xf32, #tpu.memory_space<vmem>> -> memref<1x128x128xf32, #tpu.memory_space<vmem>>
      %dma_start3A_31 = tpu.memref_squeeze %dma_start3A_30 : memref<1x128x128xf32, #tpu.memory_space<vmem>> -> memref<128x128xf32, #tpu.memory_space<vmem>>
      %dma_start3A_32 = arith.constant 0 : i32
      %dma_start3A_33 = arith.constant 0 : i32
      %dma_start3A_34 = tpu.memref_slice %dma_start3A_31[%dma_start3A_32, %dma_start3A_33] : memref<128x128xf32, #tpu.memory_space<vmem>> -> memref<120x128xf32, #tpu.memory_space<vmem>>
      %dma_start3A_35 = arith.constant 0 : i32
      %dma_start3A_36 = tpu.memref_slice %arg8[%add3A_18, %dma_start3A_35] : memref<10112x128xf32, #tpu.memory_space<vmem_shared>> -> memref<120x128xf32, #tpu.memory_space<vmem_shared>>
      %dma_start3A_37 = arith.constant 0 : i32
      %dma_start3A_38 = tpu.memref_slice %arg8[%add3A_18, %dma_start3A_37] : memref<10112x128xf32, #tpu.memory_space<vmem_shared>> -> memref<120x128xf32, #tpu.memory_space<vmem_shared>>
      %dma_start3A_39 = arith.constant 0 : i32
      %dma_start3A_40 = arith.constant 0 : i32
      %dma_start3A_41 = tpu.memref_slice %arg9[%run_scoped3A_19, %dma_start3A_39, %dma_start3A_40] : memref<2x128x128xf32, #tpu.memory_space<vmem>> -> memref<1x128x128xf32, #tpu.memory_space<vmem>>
      %dma_start3A_42 = tpu.memref_squeeze %dma_start3A_41 : memref<1x128x128xf32, #tpu.memory_space<vmem>> -> memref<128x128xf32, #tpu.memory_space<vmem>>
      %dma_start3A_43 = arith.constant 0 : i32
      %dma_start3A_44 = arith.constant 0 : i32
      %dma_start3A_45 = tpu.memref_slice %dma_start3A_42[%dma_start3A_43, %dma_start3A_44] : memref<128x128xf32, #tpu.memory_space<vmem>> -> memref<120x128xf32, #tpu.memory_space<vmem>>
      tpu.enqueue_dma source(%dma_start3A_45 : memref<120x128xf32, #tpu.memory_space<vmem>>) target(%dma_start3A_38 : memref<120x128xf32, #tpu.memory_space<vmem_shared>>) target_semaphore(%run_scoped3A_28 : memref<!tpu.dma_semaphore, #tpu.memory_space<semaphore_mem>>)
      %dma_wait3A = arith.constant 0 : i32
      %dma_wait3A_46 = arith.constant 0 : i32
      %dma_wait3A_47 = tpu.memref_slice %arg9[%run_scoped3A_19, %dma_wait3A, %dma_wait3A_46] : memref<2x128x128xf32, #tpu.memory_space<vmem>> -> memref<1x128x128xf32, #tpu.memory_space<vmem>>
      %dma_wait3A_48 = tpu.memref_squeeze %dma_wait3A_47 : memref<1x128x128xf32, #tpu.memory_space<vmem>> -> memref<128x128xf32, #tpu.memory_space<vmem>>
      %dma_wait3A_49 = arith.constant 0 : i32
      %dma_wait3A_50 = arith.constant 0 : i32
      %dma_wait3A_51 = tpu.memref_slice %dma_wait3A_48[%dma_wait3A_49, %dma_wait3A_50] : memref<128x128xf32, #tpu.memory_space<vmem>> -> memref<120x128xf32, #tpu.memory_space<vmem>>
      %dma_wait3A_52 = arith.constant 0 : i32
      %dma_wait3A_53 = tpu.memref_slice %arg8[%add3A_18, %dma_wait3A_52] : memref<10112x128xf32, #tpu.memory_space<vmem_shared>> -> memref<120x128xf32, #tpu.memory_space<vmem_shared>>
      %dma_wait3A_54 = arith.constant 0 : i32
      %dma_wait3A_55 = tpu.memref_slice %arg8[%add3A_18, %dma_wait3A_54] : memref<10112x128xf32, #tpu.memory_space<vmem_shared>> -> memref<120x128xf32, #tpu.memory_space<vmem_shared>>
      %dma_wait3A_56 = arith.constant 0 : i32
      %dma_wait3A_57 = arith.constant 0 : i32
      %dma_wait3A_58 = tpu.memref_slice %arg9[%run_scoped3A_19, %dma_wait3A_56, %dma_wait3A_57] : memref<2x128x128xf32, #tpu.memory_space<vmem>> -> memref<1x128x128xf32, #tpu.memory_space<vmem>>
      %dma_wait3A_59 = tpu.memref_squeeze %dma_wait3A_58 : memref<1x128x128xf32, #tpu.memory_space<vmem>> -> memref<128x128xf32, #tpu.memory_space<vmem>>
      %dma_wait3A_60 = arith.constant 0 : i32
      %dma_wait3A_61 = arith.constant 0 : i32
      %dma_wait3A_62 = tpu.memref_slice %dma_wait3A_59[%dma_wait3A_60, %dma_wait3A_61] : memref<128x128xf32, #tpu.memory_space<vmem>> -> memref<120x128xf32, #tpu.memory_space<vmem>>
      tpu.wait_dma2 semaphore(%run_scoped3A_28 : memref<!tpu.dma_semaphore, #tpu.memory_space<semaphore_mem>>) src(%dma_wait3A_62 : memref<120x128xf32, #tpu.memory_space<vmem>>) dst(%dma_wait3A_55 : memref<120x128xf32, #tpu.memory_space<vmem_shared>>)
      tpu.yield
    }) : () -> ()
    %barrier3A = arith.constant 0 : index
    tpu.barrier barrier_id(%barrier3A)
    %eq3A = arith.constant 0 : i32
    %eq3A_20 = arith.cmpi eq, %arg0, %eq3A : i32
    %convert_element_type3A = arith.extui %eq3A_20 : i1 to i32
    %cond3A = arith.constant 0 : i32
    %cond3A_21 = arith.cmpi ne, %convert_element_type3A, %cond3A : i32
    scf.if %cond3A_21 {
      %run_scoped3A_28 = arith.constant 0 : i32
      "tpu.region"() ({
        %run_scoped3A_236 = tpu.sem_alloc : memref<!tpu.dma_semaphore, #tpu.memory_space<semaphore_mem>>
        %dma_start3A_237 = arith.constant 0 : i32
        %dma_start3A_238 = arith.constant 0 : i32
        %dma_start3A_239 = tpu.memref_slice %arg10[%dma_start3A_237, %dma_start3A_238] : memref<40x128xi32, #tpu.memory_space<vmem>> -> memref<40x128xi32, #tpu.memory_space<vmem>>
        %dma_start3A_240 = arith.constant 0 : i32
        %dma_start3A_241 = arith.constant 0 : i32
        %dma_start3A_242 = tpu.memref_slice %arg3[%arg1, %run_scoped3A_28, %dma_start3A_240, %dma_start3A_241] : memref<16x2x40x128xi32, #tpu.memory_space<hbm>> -> memref<1x1x40x128xi32, #tpu.memory_space<hbm>>
        %dma_start3A_243 = tpu.memref_squeeze %dma_start3A_242 : memref<1x1x40x128xi32, #tpu.memory_space<hbm>> -> memref<40x128xi32, #tpu.memory_space<hbm>>
        %dma_start3A_244 = arith.constant 0 : i32
        %dma_start3A_245 = arith.constant 0 : i32
        %dma_start3A_246 = tpu.memref_slice %arg10[%dma_start3A_244, %dma_start3A_245] : memref<40x128xi32, #tpu.memory_space<vmem>> -> memref<40x128xi32, #tpu.memory_space<vmem>>
        %dma_start3A_247 = arith.constant 0 : i32
        %dma_start3A_248 = arith.constant 0 : i32
        %dma_start3A_249 = tpu.memref_slice %arg3[%arg1, %run_scoped3A_28, %dma_start3A_247, %dma_start3A_248] : memref<16x2x40x128xi32, #tpu.memory_space<hbm>> -> memref<1x1x40x128xi32, #tpu.memory_space<hbm>>
        %dma_start3A_250 = tpu.memref_squeeze %dma_start3A_249 : memref<1x1x40x128xi32, #tpu.memory_space<hbm>> -> memref<40x128xi32, #tpu.memory_space<hbm>>
        tpu.enqueue_dma source(%dma_start3A_250 : memref<40x128xi32, #tpu.memory_space<hbm>>) target(%dma_start3A_246 : memref<40x128xi32, #tpu.memory_space<vmem>>) target_semaphore(%run_scoped3A_236 : memref<!tpu.dma_semaphore, #tpu.memory_space<semaphore_mem>>)
        %dma_wait3A_251 = arith.constant 0 : i32
        %dma_wait3A_252 = arith.constant 0 : i32
        %dma_wait3A_253 = tpu.memref_slice %arg10[%dma_wait3A_251, %dma_wait3A_252] : memref<40x128xi32, #tpu.memory_space<vmem>> -> memref<40x128xi32, #tpu.memory_space<vmem>>
        %dma_wait3A_254 = arith.constant 0 : i32
        %dma_wait3A_255 = arith.constant 0 : i32
        %dma_wait3A_256 = tpu.memref_slice %arg3[%arg1, %run_scoped3A_28, %dma_wait3A_254, %dma_wait3A_255] : memref<16x2x40x128xi32, #tpu.memory_space<hbm>> -> memref<1x1x40x128xi32, #tpu.memory_space<hbm>>
        %dma_wait3A_257 = tpu.memref_squeeze %dma_wait3A_256 : memref<1x1x40x128xi32, #tpu.memory_space<hbm>> -> memref<40x128xi32, #tpu.memory_space<hbm>>
        %dma_wait3A_258 = arith.constant 0 : i32
        %dma_wait3A_259 = arith.constant 0 : i32
        %dma_wait3A_260 = tpu.memref_slice %arg10[%dma_wait3A_258, %dma_wait3A_259] : memref<40x128xi32, #tpu.memory_space<vmem>> -> memref<40x128xi32, #tpu.memory_space<vmem>>
        %dma_wait3A_261 = arith.constant 0 : i32
        %dma_wait3A_262 = arith.constant 0 : i32
        %dma_wait3A_263 = tpu.memref_slice %arg3[%arg1, %run_scoped3A_28, %dma_wait3A_261, %dma_wait3A_262] : memref<16x2x40x128xi32, #tpu.memory_space<hbm>> -> memref<1x1x40x128xi32, #tpu.memory_space<hbm>>
        %dma_wait3A_264 = tpu.memref_squeeze %dma_wait3A_263 : memref<1x1x40x128xi32, #tpu.memory_space<hbm>> -> memref<40x128xi32, #tpu.memory_space<hbm>>
        tpu.wait_dma2 semaphore(%run_scoped3A_236 : memref<!tpu.dma_semaphore, #tpu.memory_space<semaphore_mem>>) src(%dma_wait3A_264 : memref<40x128xi32, #tpu.memory_space<hbm>>) dst(%dma_wait3A_260 : memref<40x128xi32, #tpu.memory_space<vmem>>)
        tpu.yield
      }) : () -> ()
      %run_scoped3A_29 = arith.constant 0 : i32
      "tpu.region"() ({
        %run_scoped3A_236 = tpu.sem_alloc : memref<!tpu.dma_semaphore, #tpu.memory_space<semaphore_mem>>
        %dma_start3A_237 = arith.constant 0 : i32
        %dma_start3A_238 = arith.constant 0 : i32
        %dma_start3A_239 = tpu.memref_slice %arg11[%dma_start3A_237, %dma_start3A_238] : memref<40x128xi32, #tpu.memory_space<vmem>> -> memref<40x128xi32, #tpu.memory_space<vmem>>
        %dma_start3A_240 = arith.constant 0 : i32
        %dma_start3A_241 = arith.constant 0 : i32
        %dma_start3A_242 = tpu.memref_slice %arg4[%arg1, %run_scoped3A_29, %dma_start3A_240, %dma_start3A_241] : memref<16x2x40x128xi32, #tpu.memory_space<hbm>> -> memref<1x1x40x128xi32, #tpu.memory_space<hbm>>
        %dma_start3A_243 = tpu.memref_squeeze %dma_start3A_242 : memref<1x1x40x128xi32, #tpu.memory_space<hbm>> -> memref<40x128xi32, #tpu.memory_space<hbm>>
        %dma_start3A_244 = arith.constant 0 : i32
        %dma_start3A_245 = arith.constant 0 : i32
        %dma_start3A_246 = tpu.memref_slice %arg11[%dma_start3A_244, %dma_start3A_245] : memref<40x128xi32, #tpu.memory_space<vmem>> -> memref<40x128xi32, #tpu.memory_space<vmem>>
        %dma_start3A_247 = arith.constant 0 : i32
        %dma_start3A_248 = arith.constant 0 : i32
        %dma_start3A_249 = tpu.memref_slice %arg4[%arg1, %run_scoped3A_29, %dma_start3A_247, %dma_start3A_248] : memref<16x2x40x128xi32, #tpu.memory_space<hbm>> -> memref<1x1x40x128xi32, #tpu.memory_space<hbm>>
        %dma_start3A_250 = tpu.memref_squeeze %dma_start3A_249 : memref<1x1x40x128xi32, #tpu.memory_space<hbm>> -> memref<40x128xi32, #tpu.memory_space<hbm>>
        tpu.enqueue_dma source(%dma_start3A_250 : memref<40x128xi32, #tpu.memory_space<hbm>>) target(%dma_start3A_246 : memref<40x128xi32, #tpu.memory_space<vmem>>) target_semaphore(%run_scoped3A_236 : memref<!tpu.dma_semaphore, #tpu.memory_space<semaphore_mem>>)
        %dma_wait3A_251 = arith.constant 0 : i32
        %dma_wait3A_252 = arith.constant 0 : i32
        %dma_wait3A_253 = tpu.memref_slice %arg11[%dma_wait3A_251, %dma_wait3A_252] : memref<40x128xi32, #tpu.memory_space<vmem>> -> memref<40x128xi32, #tpu.memory_space<vmem>>
        %dma_wait3A_254 = arith.constant 0 : i32
        %dma_wait3A_255 = arith.constant 0 : i32
        %dma_wait3A_256 = tpu.memref_slice %arg4[%arg1, %run_scoped3A_29, %dma_wait3A_254, %dma_wait3A_255] : memref<16x2x40x128xi32, #tpu.memory_space<hbm>> -> memref<1x1x40x128xi32, #tpu.memory_space<hbm>>
        %dma_wait3A_257 = tpu.memref_squeeze %dma_wait3A_256 : memref<1x1x40x128xi32, #tpu.memory_space<hbm>> -> memref<40x128xi32, #tpu.memory_space<hbm>>
        %dma_wait3A_258 = arith.constant 0 : i32
        %dma_wait3A_259 = arith.constant 0 : i32
        %dma_wait3A_260 = tpu.memref_slice %arg11[%dma_wait3A_258, %dma_wait3A_259] : memref<40x128xi32, #tpu.memory_space<vmem>> -> memref<40x128xi32, #tpu.memory_space<vmem>>
        %dma_wait3A_261 = arith.constant 0 : i32
        %dma_wait3A_262 = arith.constant 0 : i32
        %dma_wait3A_263 = tpu.memref_slice %arg4[%arg1, %run_scoped3A_29, %dma_wait3A_261, %dma_wait3A_262] : memref<16x2x40x128xi32, #tpu.memory_space<hbm>> -> memref<1x1x40x128xi32, #tpu.memory_space<hbm>>
        %dma_wait3A_264 = tpu.memref_squeeze %dma_wait3A_263 : memref<1x1x40x128xi32, #tpu.memory_space<hbm>> -> memref<40x128xi32, #tpu.memory_space<hbm>>
        tpu.wait_dma2 semaphore(%run_scoped3A_236 : memref<!tpu.dma_semaphore, #tpu.memory_space<semaphore_mem>>) src(%dma_wait3A_264 : memref<40x128xi32, #tpu.memory_space<hbm>>) dst(%dma_wait3A_260 : memref<40x128xi32, #tpu.memory_space<vmem>>)
        tpu.yield
      }) : () -> ()
      %dma_start3A = arith.constant 0 : i32
      %dma_start3A_30 = arith.constant 0 : i32
      %dma_start3A_31 = arith.constant 0 : i32
      %dma_start3A_32 = arith.constant 0 : i32
      %dma_start3A_33 = tpu.memref_slice %arg9[%dma_start3A_30, %dma_start3A_31, %dma_start3A_32] : memref<2x128x128xf32, #tpu.memory_space<vmem>> -> memref<1x128x128xf32, #tpu.memory_space<vmem>>
      %dma_start3A_34 = tpu.memref_squeeze %dma_start3A_33 : memref<1x128x128xf32, #tpu.memory_space<vmem>> -> memref<128x128xf32, #tpu.memory_space<vmem>>
      %dma_start3A_35 = arith.constant 0 : i32
      %dma_start3A_36 = tpu.memref_slice %arg10[%dma_start3A, %dma_start3A_35] : memref<40x128xi32, #tpu.memory_space<vmem>> -> memref<1x128xi32, #tpu.memory_space<vmem>>
      %dma_start3A_37 = tpu.memref_squeeze %dma_start3A_36 : memref<1x128xi32, #tpu.memory_space<vmem>> -> memref<128xi32, #tpu.memory_space<vmem>>
      %dma_start3A_38 = arith.constant 0 : i32
      %dma_start3A_39 = arith.constant 0 : i32
      %dma_start3A_40 = tpu.memref_slice %arg2[%dma_start3A_38, %dma_start3A_39] : memref<10000x128xf32, #tpu.memory_space<hbm>> -> memref<10000x128xf32, #tpu.memory_space<hbm>>
      tpu.enqueue_indirect_dma source(%dma_start3A_40 : memref<10000x128xf32, #tpu.memory_space<hbm>>) target(%dma_start3A_34 : memref<128x128xf32, #tpu.memory_space<vmem>>) offsets(%dma_start3A_37 : memref<128xi32, #tpu.memory_space<vmem>>) semaphore(%arg12 : memref<!tpu.dma_semaphore, #tpu.memory_space<semaphore_mem>>)
      %dma_start3A_41 = arith.constant 1 : i32
      %dma_start3A_42 = arith.constant 1 : i32
      %dma_start3A_43 = arith.constant 0 : i32
      %dma_start3A_44 = arith.constant 0 : i32
      %dma_start3A_45 = tpu.memref_slice %arg9[%dma_start3A_42, %dma_start3A_43, %dma_start3A_44] : memref<2x128x128xf32, #tpu.memory_space<vmem>> -> memref<1x128x128xf32, #tpu.memory_space<vmem>>
      %dma_start3A_46 = tpu.memref_squeeze %dma_start3A_45 : memref<1x128x128xf32, #tpu.memory_space<vmem>> -> memref<128x128xf32, #tpu.memory_space<vmem>>
      %dma_start3A_47 = arith.constant 0 : i32
      %dma_start3A_48 = tpu.memref_slice %arg10[%dma_start3A_41, %dma_start3A_47] : memref<40x128xi32, #tpu.memory_space<vmem>> -> memref<1x128xi32, #tpu.memory_space<vmem>>
      %dma_start3A_49 = tpu.memref_squeeze %dma_start3A_48 : memref<1x128xi32, #tpu.memory_space<vmem>> -> memref<128xi32, #tpu.memory_space<vmem>>
      %dma_start3A_50 = arith.constant 0 : i32
      %dma_start3A_51 = arith.constant 0 : i32
      %dma_start3A_52 = tpu.memref_slice %arg2[%dma_start3A_50, %dma_start3A_51] : memref<10000x128xf32, #tpu.memory_space<hbm>> -> memref<10000x128xf32, #tpu.memory_space<hbm>>
      tpu.enqueue_indirect_dma source(%dma_start3A_52 : memref<10000x128xf32, #tpu.memory_space<hbm>>) target(%dma_start3A_46 : memref<128x128xf32, #tpu.memory_space<vmem>>) offsets(%dma_start3A_49 : memref<128xi32, #tpu.memory_space<vmem>>) semaphore(%arg13 : memref<!tpu.dma_semaphore, #tpu.memory_space<semaphore_mem>>)
      %scan3A_53 = arith.constant 0 : i32
      %scan3A_54 = arith.constant 0 : i32
      %scan3A_55 = arith.constant 19 : i32
      %scan3A_56 = arith.addi %scan3A_54, %scan3A_55 : i32
      %scan3A_57 = arith.constant 1 : i32
      %scan3A_58 = scf.for %scan3A_236 = %scan3A_54 to %scan3A_56 step %scan3A_57 iter_args(%scan3A_237 = %scan3A_53) -> (i32)  : i32 {
        %mul3A_238 = arith.constant 2 : i32
        %mul3A_239 = arith.muli %mul3A_238, %scan3A_236 : i32
        %dma_wait3A_240 = arith.constant 0 : i32
        %dma_wait3A_241 = arith.constant 0 : i32
        %dma_wait3A_242 = arith.constant 0 : i32
        %dma_wait3A_243 = tpu.memref_slice %arg9[%dma_wait3A_240, %dma_wait3A_241, %dma_wait3A_242] : memref<2x128x128xf32, #tpu.memory_space<vmem>> -> memref<1x128x128xf32, #tpu.memory_space<vmem>>
        %dma_wait3A_244 = tpu.memref_squeeze %dma_wait3A_243 : memref<1x128x128xf32, #tpu.memory_space<vmem>> -> memref<128x128xf32, #tpu.memory_space<vmem>>
        %dma_wait3A_245 = arith.constant 0 : i32
        %dma_wait3A_246 = tpu.memref_slice %arg10[%mul3A_239, %dma_wait3A_245] : memref<40x128xi32, #tpu.memory_space<vmem>> -> memref<1x128xi32, #tpu.memory_space<vmem>>
        %dma_wait3A_247 = tpu.memref_squeeze %dma_wait3A_246 : memref<1x128xi32, #tpu.memory_space<vmem>> -> memref<128xi32, #tpu.memory_space<vmem>>
        %dma_wait3A_248 = arith.constant 0 : i32
        %dma_wait3A_249 = arith.constant 0 : i32
        %dma_wait3A_250 = tpu.memref_slice %arg2[%dma_wait3A_248, %dma_wait3A_249] : memref<10000x128xf32, #tpu.memory_space<hbm>> -> memref<10000x128xf32, #tpu.memory_space<hbm>>
        tpu.wait_indirect_dma semaphore(%arg12 : memref<!tpu.dma_semaphore, #tpu.memory_space<semaphore_mem>>) src(%dma_wait3A_250 : memref<10000x128xf32, #tpu.memory_space<hbm>>) dst(%dma_wait3A_244 : memref<128x128xf32, #tpu.memory_space<vmem>>)
        %dma_start3A_251 = arith.constant 0 : i32
        %dma_start3A_252 = arith.constant 0 : i32
        %dma_start3A_253 = arith.constant 0 : i32
        %dma_start3A_254 = tpu.memref_slice %arg9[%dma_start3A_251, %dma_start3A_252, %dma_start3A_253] : memref<2x128x128xf32, #tpu.memory_space<vmem>> -> memref<1x128x128xf32, #tpu.memory_space<vmem>>
        %dma_start3A_255 = tpu.memref_squeeze %dma_start3A_254 : memref<1x128x128xf32, #tpu.memory_space<vmem>> -> memref<128x128xf32, #tpu.memory_space<vmem>>
        %dma_start3A_256 = arith.constant 0 : i32
        %dma_start3A_257 = tpu.memref_slice %arg11[%mul3A_239, %dma_start3A_256] : memref<40x128xi32, #tpu.memory_space<vmem>> -> memref<1x128xi32, #tpu.memory_space<vmem>>
        %dma_start3A_258 = tpu.memref_squeeze %dma_start3A_257 : memref<1x128xi32, #tpu.memory_space<vmem>> -> memref<128xi32, #tpu.memory_space<vmem>>
        %dma_start3A_259 = arith.constant 0 : i32
        %dma_start3A_260 = arith.constant 0 : i32
        %dma_start3A_261 = tpu.memref_slice %arg8[%dma_start3A_259, %dma_start3A_260] : memref<10112x128xf32, #tpu.memory_space<vmem_shared>> -> memref<10112x128xf32, #tpu.memory_space<vmem_shared>>
        tpu.enqueue_indirect_dma source(%dma_start3A_255 : memref<128x128xf32, #tpu.memory_space<vmem>>) target(%dma_start3A_261 : memref<10112x128xf32, #tpu.memory_space<vmem_shared>>) offsets(%dma_start3A_258 : memref<128xi32, #tpu.memory_space<vmem>>) semaphore(%arg14 : memref<!tpu.dma_semaphore, #tpu.memory_space<semaphore_mem>>) {add = true}
        %dma_wait3A_262 = arith.constant 0 : i32
        %dma_wait3A_263 = arith.constant 0 : i32
        %dma_wait3A_264 = arith.constant 0 : i32
        %dma_wait3A_265 = tpu.memref_slice %arg9[%dma_wait3A_262, %dma_wait3A_263, %dma_wait3A_264] : memref<2x128x128xf32, #tpu.memory_space<vmem>> -> memref<1x128x128xf32, #tpu.memory_space<vmem>>
        %dma_wait3A_266 = tpu.memref_squeeze %dma_wait3A_265 : memref<1x128x128xf32, #tpu.memory_space<vmem>> -> memref<128x128xf32, #tpu.memory_space<vmem>>
        %dma_wait3A_267 = arith.constant 0 : i32
        %dma_wait3A_268 = tpu.memref_slice %arg11[%mul3A_239, %dma_wait3A_267] : memref<40x128xi32, #tpu.memory_space<vmem>> -> memref<1x128xi32, #tpu.memory_space<vmem>>
        %dma_wait3A_269 = tpu.memref_squeeze %dma_wait3A_268 : memref<1x128xi32, #tpu.memory_space<vmem>> -> memref<128xi32, #tpu.memory_space<vmem>>
        %dma_wait3A_270 = arith.constant 0 : i32
        %dma_wait3A_271 = arith.constant 0 : i32
        %dma_wait3A_272 = tpu.memref_slice %arg8[%dma_wait3A_270, %dma_wait3A_271] : memref<10112x128xf32, #tpu.memory_space<vmem_shared>> -> memref<10112x128xf32, #tpu.memory_space<vmem_shared>>
        tpu.wait_indirect_dma semaphore(%arg14 : memref<!tpu.dma_semaphore, #tpu.memory_space<semaphore_mem>>) src(%dma_wait3A_266 : memref<128x128xf32, #tpu.memory_space<vmem>>) dst(%dma_wait3A_272 : memref<10112x128xf32, #tpu.memory_space<vmem_shared>>)
        %add3A_273 = arith.constant 2 : i32
        %add3A_274 = arith.addi %mul3A_239, %add3A_273 : i32
        %dma_start3A_275 = arith.constant 0 : i32
        %dma_start3A_276 = arith.constant 0 : i32
        %dma_start3A_277 = arith.constant 0 : i32
        %dma_start3A_278 = tpu.memref_slice %arg9[%dma_start3A_275, %dma_start3A_276, %dma_start3A_277] : memref<2x128x128xf32, #tpu.memory_space<vmem>> -> memref<1x128x128xf32, #tpu.memory_space<vmem>>
        %dma_start3A_279 = tpu.memref_squeeze %dma_start3A_278 : memref<1x128x128xf32, #tpu.memory_space<vmem>> -> memref<128x128xf32, #tpu.memory_space<vmem>>
        %dma_start3A_280 = arith.constant 0 : i32
        %dma_start3A_281 = tpu.memref_slice %arg10[%add3A_274, %dma_start3A_280] : memref<40x128xi32, #tpu.memory_space<vmem>> -> memref<1x128xi32, #tpu.memory_space<vmem>>
        %dma_start3A_282 = tpu.memref_squeeze %dma_start3A_281 : memref<1x128xi32, #tpu.memory_space<vmem>> -> memref<128xi32, #tpu.memory_space<vmem>>
        %dma_start3A_283 = arith.constant 0 : i32
        %dma_start3A_284 = arith.constant 0 : i32
        %dma_start3A_285 = tpu.memref_slice %arg2[%dma_start3A_283, %dma_start3A_284] : memref<10000x128xf32, #tpu.memory_space<hbm>> -> memref<10000x128xf32, #tpu.memory_space<hbm>>
        tpu.enqueue_indirect_dma source(%dma_start3A_285 : memref<10000x128xf32, #tpu.memory_space<hbm>>) target(%dma_start3A_279 : memref<128x128xf32, #tpu.memory_space<vmem>>) offsets(%dma_start3A_282 : memref<128xi32, #tpu.memory_space<vmem>>) semaphore(%arg12 : memref<!tpu.dma_semaphore, #tpu.memory_space<semaphore_mem>>)
        %add3A_286 = arith.constant 1 : i32
        %add3A_287 = arith.addi %mul3A_239, %add3A_286 : i32
        %dma_wait3A_288 = arith.constant 1 : i32
        %dma_wait3A_289 = arith.constant 0 : i32
        %dma_wait3A_290 = arith.constant 0 : i32
        %dma_wait3A_291 = tpu.memref_slice %arg9[%dma_wait3A_288, %dma_wait3A_289, %dma_wait3A_290] : memref<2x128x128xf32, #tpu.memory_space<vmem>> -> memref<1x128x128xf32, #tpu.memory_space<vmem>>
        %dma_wait3A_292 = tpu.memref_squeeze %dma_wait3A_291 : memref<1x128x128xf32, #tpu.memory_space<vmem>> -> memref<128x128xf32, #tpu.memory_space<vmem>>
        %dma_wait3A_293 = arith.constant 0 : i32
        %dma_wait3A_294 = tpu.memref_slice %arg10[%add3A_287, %dma_wait3A_293] : memref<40x128xi32, #tpu.memory_space<vmem>> -> memref<1x128xi32, #tpu.memory_space<vmem>>
        %dma_wait3A_295 = tpu.memref_squeeze %dma_wait3A_294 : memref<1x128xi32, #tpu.memory_space<vmem>> -> memref<128xi32, #tpu.memory_space<vmem>>
        %dma_wait3A_296 = arith.constant 0 : i32
        %dma_wait3A_297 = arith.constant 0 : i32
        %dma_wait3A_298 = tpu.memref_slice %arg2[%dma_wait3A_296, %dma_wait3A_297] : memref<10000x128xf32, #tpu.memory_space<hbm>> -> memref<10000x128xf32, #tpu.memory_space<hbm>>
        tpu.wait_indirect_dma semaphore(%arg13 : memref<!tpu.dma_semaphore, #tpu.memory_space<semaphore_mem>>) src(%dma_wait3A_298 : memref<10000x128xf32, #tpu.memory_space<hbm>>) dst(%dma_wait3A_292 : memref<128x128xf32, #tpu.memory_space<vmem>>)
        %add3A_299 = arith.constant 1 : i32
        %add3A_300 = arith.addi %mul3A_239, %add3A_299 : i32
        %dma_start3A_301 = arith.constant 1 : i32
        %dma_start3A_302 = arith.constant 0 : i32
        %dma_start3A_303 = arith.constant 0 : i32
        %dma_start3A_304 = tpu.memref_slice %arg9[%dma_start3A_301, %dma_start3A_302, %dma_start3A_303] : memref<2x128x128xf32, #tpu.memory_space<vmem>> -> memref<1x128x128xf32, #tpu.memory_space<vmem>>
        %dma_start3A_305 = tpu.memref_squeeze %dma_start3A_304 : memref<1x128x128xf32, #tpu.memory_space<vmem>> -> memref<128x128xf32, #tpu.memory_space<vmem>>
        %dma_start3A_306 = arith.constant 0 : i32
        %dma_start3A_307 = tpu.memref_slice %arg11[%add3A_300, %dma_start3A_306] : memref<40x128xi32, #tpu.memory_space<vmem>> -> memref<1x128xi32, #tpu.memory_space<vmem>>
        %dma_start3A_308 = tpu.memref_squeeze %dma_start3A_307 : memref<1x128xi32, #tpu.memory_space<vmem>> -> memref<128xi32, #tpu.memory_space<vmem>>
        %dma_start3A_309 = arith.constant 0 : i32
        %dma_start3A_310 = arith.constant 0 : i32
        %dma_start3A_311 = tpu.memref_slice %arg8[%dma_start3A_309, %dma_start3A_310] : memref<10112x128xf32, #tpu.memory_space<vmem_shared>> -> memref<10112x128xf32, #tpu.memory_space<vmem_shared>>
        tpu.enqueue_indirect_dma source(%dma_start3A_305 : memref<128x128xf32, #tpu.memory_space<vmem>>) target(%dma_start3A_311 : memref<10112x128xf32, #tpu.memory_space<vmem_shared>>) offsets(%dma_start3A_308 : memref<128xi32, #tpu.memory_space<vmem>>) semaphore(%arg15 : memref<!tpu.dma_semaphore, #tpu.memory_space<semaphore_mem>>) {add = true}
        %add3A_312 = arith.constant 1 : i32
        %add3A_313 = arith.addi %mul3A_239, %add3A_312 : i32
        %dma_wait3A_314 = arith.constant 1 : i32
        %dma_wait3A_315 = arith.constant 0 : i32
        %dma_wait3A_316 = arith.constant 0 : i32
        %dma_wait3A_317 = tpu.memref_slice %arg9[%dma_wait3A_314, %dma_wait3A_315, %dma_wait3A_316] : memref<2x128x128xf32, #tpu.memory_space<vmem>> -> memref<1x128x128xf32, #tpu.memory_space<vmem>>
        %dma_wait3A_318 = tpu.memref_squeeze %dma_wait3A_317 : memref<1x128x128xf32, #tpu.memory_space<vmem>> -> memref<128x128xf32, #tpu.memory_space<vmem>>
        %dma_wait3A_319 = arith.constant 0 : i32
        %dma_wait3A_320 = tpu.memref_slice %arg11[%add3A_313, %dma_wait3A_319] : memref<40x128xi32, #tpu.memory_space<vmem>> -> memref<1x128xi32, #tpu.memory_space<vmem>>
        %dma_wait3A_321 = tpu.memref_squeeze %dma_wait3A_320 : memref<1x128xi32, #tpu.memory_space<vmem>> -> memref<128xi32, #tpu.memory_space<vmem>>
        %dma_wait3A_322 = arith.constant 0 : i32
        %dma_wait3A_323 = arith.constant 0 : i32
        %dma_wait3A_324 = tpu.memref_slice %arg8[%dma_wait3A_322, %dma_wait3A_323] : memref<10112x128xf32, #tpu.memory_space<vmem_shared>> -> memref<10112x128xf32, #tpu.memory_space<vmem_shared>>
        tpu.wait_indirect_dma semaphore(%arg15 : memref<!tpu.dma_semaphore, #tpu.memory_space<semaphore_mem>>) src(%dma_wait3A_318 : memref<128x128xf32, #tpu.memory_space<vmem>>) dst(%dma_wait3A_324 : memref<10112x128xf32, #tpu.memory_space<vmem_shared>>)
        %add3A_325 = arith.constant 3 : i32
        %add3A_326 = arith.addi %mul3A_239, %add3A_325 : i32
        %dma_start3A_327 = arith.constant 1 : i32
        %dma_start3A_328 = arith.constant 0 : i32
        %dma_start3A_329 = arith.constant 0 : i32
        %dma_start3A_330 = tpu.memref_slice %arg9[%dma_start3A_327, %dma_start3A_328, %dma_start3A_329] : memref<2x128x128xf32, #tpu.memory_space<vmem>> -> memref<1x128x128xf32, #tpu.memory_space<vmem>>
        %dma_start3A_331 = tpu.memref_squeeze %dma_start3A_330 : memref<1x128x128xf32, #tpu.memory_space<vmem>> -> memref<128x128xf32, #tpu.memory_space<vmem>>
        %dma_start3A_332 = arith.constant 0 : i32
        %dma_start3A_333 = tpu.memref_slice %arg10[%add3A_326, %dma_start3A_332] : memref<40x128xi32, #tpu.memory_space<vmem>> -> memref<1x128xi32, #tpu.memory_space<vmem>>
        %dma_start3A_334 = tpu.memref_squeeze %dma_start3A_333 : memref<1x128xi32, #tpu.memory_space<vmem>> -> memref<128xi32, #tpu.memory_space<vmem>>
        %dma_start3A_335 = arith.constant 0 : i32
        %dma_start3A_336 = arith.constant 0 : i32
        %dma_start3A_337 = tpu.memref_slice %arg2[%dma_start3A_335, %dma_start3A_336] : memref<10000x128xf32, #tpu.memory_space<hbm>> -> memref<10000x128xf32, #tpu.memory_space<hbm>>
        tpu.enqueue_indirect_dma source(%dma_start3A_337 : memref<10000x128xf32, #tpu.memory_space<hbm>>) target(%dma_start3A_331 : memref<128x128xf32, #tpu.memory_space<vmem>>) offsets(%dma_start3A_334 : memref<128xi32, #tpu.memory_space<vmem>>) semaphore(%arg13 : memref<!tpu.dma_semaphore, #tpu.memory_space<semaphore_mem>>)
        %scan3A_338 = arith.constant 0 : i32
        scf.yield %scan3A_338 : i32
      }
      %scan3A_59 = arith.constant 19 : i32
      %dma_wait3A = arith.constant 38 : i32
      %dma_wait3A_60 = arith.constant 0 : i32
      %dma_wait3A_61 = arith.constant 0 : i32
      %dma_wait3A_62 = arith.constant 0 : i32
      %dma_wait3A_63 = tpu.memref_slice %arg9[%dma_wait3A_60, %dma_wait3A_61, %dma_wait3A_62] : memref<2x128x128xf32, #tpu.memory_space<vmem>> -> memref<1x128x128xf32, #tpu.memory_space<vmem>>
      %dma_wait3A_64 = tpu.memref_squeeze %dma_wait3A_63 : memref<1x128x128xf32, #tpu.memory_space<vmem>> -> memref<128x128xf32, #tpu.memory_space<vmem>>
      %dma_wait3A_65 = arith.constant 0 : i32
      %dma_wait3A_66 = tpu.memref_slice %arg10[%dma_wait3A, %dma_wait3A_65] : memref<40x128xi32, #tpu.memory_space<vmem>> -> memref<1x128xi32, #tpu.memory_space<vmem>>
      %dma_wait3A_67 = tpu.memref_squeeze %dma_wait3A_66 : memref<1x128xi32, #tpu.memory_space<vmem>> -> memref<128xi32, #tpu.memory_space<vmem>>
      %dma_wait3A_68 = arith.constant 0 : i32
      %dma_wait3A_69 = arith.constant 0 : i32
      %dma_wait3A_70 = tpu.memref_slice %arg2[%dma_wait3A_68, %dma_wait3A_69] : memref<10000x128xf32, #tpu.memory_space<hbm>> -> memref<10000x128xf32, #tpu.memory_space<hbm>>
      tpu.wait_indirect_dma semaphore(%arg12 : memref<!tpu.dma_semaphore, #tpu.memory_space<semaphore_mem>>) src(%dma_wait3A_70 : memref<10000x128xf32, #tpu.memory_space<hbm>>) dst(%dma_wait3A_64 : memref<128x128xf32, #tpu.memory_space<vmem>>)
      %dma_start3A_71 = arith.constant 0 : i32
      %dma_start3A_72 = arith.constant 38 : i32
      %dma_start3A_73 = arith.constant 0 : i32
      %dma_start3A_74 = arith.constant 0 : i32
      %dma_start3A_75 = tpu.memref_slice %arg9[%dma_start3A_71, %dma_start3A_73, %dma_start3A_74] : memref<2x128x128xf32, #tpu.memory_space<vmem>> -> memref<1x128x128xf32, #tpu.memory_space<vmem>>
      %dma_start3A_76 = tpu.memref_squeeze %dma_start3A_75 : memref<1x128x128xf32, #tpu.memory_space<vmem>> -> memref<128x128xf32, #tpu.memory_space<vmem>>
      %dma_start3A_77 = arith.constant 0 : i32
      %dma_start3A_78 = tpu.memref_slice %arg11[%dma_start3A_72, %dma_start3A_77] : memref<40x128xi32, #tpu.memory_space<vmem>> -> memref<1x128xi32, #tpu.memory_space<vmem>>
      %dma_start3A_79 = tpu.memref_squeeze %dma_start3A_78 : memref<1x128xi32, #tpu.memory_space<vmem>> -> memref<128xi32, #tpu.memory_space<vmem>>
      %dma_start3A_80 = arith.constant 0 : i32
      %dma_start3A_81 = arith.constant 0 : i32
      %dma_start3A_82 = tpu.memref_slice %arg8[%dma_start3A_80, %dma_start3A_81] : memref<10112x128xf32, #tpu.memory_space<vmem_shared>> -> memref<10112x128xf32, #tpu.memory_space<vmem_shared>>
      tpu.enqueue_indirect_dma source(%dma_start3A_76 : memref<128x128xf32, #tpu.memory_space<vmem>>) target(%dma_start3A_82 : memref<10112x128xf32, #tpu.memory_space<vmem_shared>>) offsets(%dma_start3A_79 : memref<128xi32, #tpu.memory_space<vmem>>) semaphore(%arg14 : memref<!tpu.dma_semaphore, #tpu.memory_space<semaphore_mem>>) {add = true}
      %dma_wait3A_83 = arith.constant 0 : i32
      %dma_wait3A_84 = arith.constant 38 : i32
      %dma_wait3A_85 = arith.constant 0 : i32
      %dma_wait3A_86 = arith.constant 0 : i32
      %dma_wait3A_87 = tpu.memref_slice %arg9[%dma_wait3A_83, %dma_wait3A_85, %dma_wait3A_86] : memref<2x128x128xf32, #tpu.memory_space<vmem>> -> memref<1x128x128xf32, #tpu.memory_space<vmem>>
      %dma_wait3A_88 = tpu.memref_squeeze %dma_wait3A_87 : memref<1x128x128xf32, #tpu.memory_space<vmem>> -> memref<128x128xf32, #tpu.memory_space<vmem>>
      %dma_wait3A_89 = arith.constant 0 : i32
      %dma_wait3A_90 = tpu.memref_slice %arg11[%dma_wait3A_84, %dma_wait3A_89] : memref<40x128xi32, #tpu.memory_space<vmem>> -> memref<1x128xi32, #tpu.memory_space<vmem>>
      %dma_wait3A_91 = tpu.memref_squeeze %dma_wait3A_90 : memref<1x128xi32, #tpu.memory_space<vmem>> -> memref<128xi32, #tpu.memory_space<vmem>>
      %dma_wait3A_92 = arith.constant 0 : i32
      %dma_wait3A_93 = arith.constant 0 : i32
      %dma_wait3A_94 = tpu.memref_slice %arg8[%dma_wait3A_92, %dma_wait3A_93] : memref<10112x128xf32, #tpu.memory_space<vmem_shared>> -> memref<10112x128xf32, #tpu.memory_space<vmem_shared>>
      tpu.wait_indirect_dma semaphore(%arg14 : memref<!tpu.dma_semaphore, #tpu.memory_space<semaphore_mem>>) src(%dma_wait3A_88 : memref<128x128xf32, #tpu.memory_space<vmem>>) dst(%dma_wait3A_94 : memref<10112x128xf32, #tpu.memory_space<vmem_shared>>)
      %dma_wait3A_95 = arith.constant 39 : i32
      %dma_wait3A_96 = arith.constant 1 : i32
      %dma_wait3A_97 = arith.constant 0 : i32
      %dma_wait3A_98 = arith.constant 0 : i32
      %dma_wait3A_99 = tpu.memref_slice %arg9[%dma_wait3A_96, %dma_wait3A_97, %dma_wait3A_98] : memref<2x128x128xf32, #tpu.memory_space<vmem>> -> memref<1x128x128xf32, #tpu.memory_space<vmem>>
      %dma_wait3A_100 = tpu.memref_squeeze %dma_wait3A_99 : memref<1x128x128xf32, #tpu.memory_space<vmem>> -> memref<128x128xf32, #tpu.memory_space<vmem>>
      %dma_wait3A_101 = arith.constant 0 : i32
      %dma_wait3A_102 = tpu.memref_slice %arg10[%dma_wait3A_95, %dma_wait3A_101] : memref<40x128xi32, #tpu.memory_space<vmem>> -> memref<1x128xi32, #tpu.memory_space<vmem>>
      %dma_wait3A_103 = tpu.memref_squeeze %dma_wait3A_102 : memref<1x128xi32, #tpu.memory_space<vmem>> -> memref<128xi32, #tpu.memory_space<vmem>>
      %dma_wait3A_104 = arith.constant 0 : i32
      %dma_wait3A_105 = arith.constant 0 : i32
      %dma_wait3A_106 = tpu.memref_slice %arg2[%dma_wait3A_104, %dma_wait3A_105] : memref<10000x128xf32, #tpu.memory_space<hbm>> -> memref<10000x128xf32, #tpu.memory_space<hbm>>
      tpu.wait_indirect_dma semaphore(%arg13 : memref<!tpu.dma_semaphore, #tpu.memory_space<semaphore_mem>>) src(%dma_wait3A_106 : memref<10000x128xf32, #tpu.memory_space<hbm>>) dst(%dma_wait3A_100 : memref<128x128xf32, #tpu.memory_space<vmem>>)
      %dma_start3A_107 = arith.constant 1 : i32
      %dma_start3A_108 = arith.constant 39 : i32
      %dma_start3A_109 = arith.constant 0 : i32
      %dma_start3A_110 = arith.constant 0 : i32
      %dma_start3A_111 = tpu.memref_slice %arg9[%dma_start3A_107, %dma_start3A_109, %dma_start3A_110] : memref<2x128x128xf32, #tpu.memory_space<vmem>> -> memref<1x128x128xf32, #tpu.memory_space<vmem>>
      %dma_start3A_112 = tpu.memref_squeeze %dma_start3A_111 : memref<1x128x128xf32, #tpu.memory_space<vmem>> -> memref<128x128xf32, #tpu.memory_space<vmem>>
      %dma_start3A_113 = arith.constant 0 : i32
      %dma_start3A_114 = tpu.memref_slice %arg11[%dma_start3A_108, %dma_start3A_113] : memref<40x128xi32, #tpu.memory_space<vmem>> -> memref<1x128xi32, #tpu.memory_space<vmem>>
      %dma_start3A_115 = tpu.memref_squeeze %dma_start3A_114 : memref<1x128xi32, #tpu.memory_space<vmem>> -> memref<128xi32, #tpu.memory_space<vmem>>
      %dma_start3A_116 = arith.constant 0 : i32
      %dma_start3A_117 = arith.constant 0 : i32
      %dma_start3A_118 = tpu.memref_slice %arg8[%dma_start3A_116, %dma_start3A_117] : memref<10112x128xf32, #tpu.memory_space<vmem_shared>> -> memref<10112x128xf32, #tpu.memory_space<vmem_shared>>
      tpu.enqueue_indirect_dma source(%dma_start3A_112 : memref<128x128xf32, #tpu.memory_space<vmem>>) target(%dma_start3A_118 : memref<10112x128xf32, #tpu.memory_space<vmem_shared>>) offsets(%dma_start3A_115 : memref<128xi32, #tpu.memory_space<vmem>>) semaphore(%arg15 : memref<!tpu.dma_semaphore, #tpu.memory_space<semaphore_mem>>) {add = true}
      %dma_wait3A_119 = arith.constant 1 : i32
      %dma_wait3A_120 = arith.constant 39 : i32
      %dma_wait3A_121 = arith.constant 0 : i32
      %dma_wait3A_122 = arith.constant 0 : i32
      %dma_wait3A_123 = tpu.memref_slice %arg9[%dma_wait3A_119, %dma_wait3A_121, %dma_wait3A_122] : memref<2x128x128xf32, #tpu.memory_space<vmem>> -> memref<1x128x128xf32, #tpu.memory_space<vmem>>
      %dma_wait3A_124 = tpu.memref_squeeze %dma_wait3A_123 : memref<1x128x128xf32, #tpu.memory_space<vmem>> -> memref<128x128xf32, #tpu.memory_space<vmem>>
      %dma_wait3A_125 = arith.constant 0 : i32
      %dma_wait3A_126 = tpu.memref_slice %arg11[%dma_wait3A_120, %dma_wait3A_125] : memref<40x128xi32, #tpu.memory_space<vmem>> -> memref<1x128xi32, #tpu.memory_space<vmem>>
      %dma_wait3A_127 = tpu.memref_squeeze %dma_wait3A_126 : memref<1x128xi32, #tpu.memory_space<vmem>> -> memref<128xi32, #tpu.memory_space<vmem>>
      %dma_wait3A_128 = arith.constant 0 : i32
      %dma_wait3A_129 = arith.constant 0 : i32
      %dma_wait3A_130 = tpu.memref_slice %arg8[%dma_wait3A_128, %dma_wait3A_129] : memref<10112x128xf32, #tpu.memory_space<vmem_shared>> -> memref<10112x128xf32, #tpu.memory_space<vmem_shared>>
      tpu.wait_indirect_dma semaphore(%arg15 : memref<!tpu.dma_semaphore, #tpu.memory_space<semaphore_mem>>) src(%dma_wait3A_124 : memref<128x128xf32, #tpu.memory_space<vmem>>) dst(%dma_wait3A_130 : memref<10112x128xf32, #tpu.memory_space<vmem_shared>>)
      %run_scoped3A_131 = arith.constant 1 : i32
      "tpu.region"() ({
        %run_scoped3A_236 = tpu.sem_alloc : memref<!tpu.dma_semaphore, #tpu.memory_space<semaphore_mem>>
        %dma_start3A_237 = arith.constant 0 : i32
        %dma_start3A_238 = arith.constant 0 : i32
        %dma_start3A_239 = tpu.memref_slice %arg10[%dma_start3A_237, %dma_start3A_238] : memref<40x128xi32, #tpu.memory_space<vmem>> -> memref<40x128xi32, #tpu.memory_space<vmem>>
        %dma_start3A_240 = arith.constant 0 : i32
        %dma_start3A_241 = arith.constant 0 : i32
        %dma_start3A_242 = tpu.memref_slice %arg3[%arg1, %run_scoped3A_131, %dma_start3A_240, %dma_start3A_241] : memref<16x2x40x128xi32, #tpu.memory_space<hbm>> -> memref<1x1x40x128xi32, #tpu.memory_space<hbm>>
        %dma_start3A_243 = tpu.memref_squeeze %dma_start3A_242 : memref<1x1x40x128xi32, #tpu.memory_space<hbm>> -> memref<40x128xi32, #tpu.memory_space<hbm>>
        %dma_start3A_244 = arith.constant 0 : i32
        %dma_start3A_245 = arith.constant 0 : i32
        %dma_start3A_246 = tpu.memref_slice %arg10[%dma_start3A_244, %dma_start3A_245] : memref<40x128xi32, #tpu.memory_space<vmem>> -> memref<40x128xi32, #tpu.memory_space<vmem>>
        %dma_start3A_247 = arith.constant 0 : i32
        %dma_start3A_248 = arith.constant 0 : i32
        %dma_start3A_249 = tpu.memref_slice %arg3[%arg1, %run_scoped3A_131, %dma_start3A_247, %dma_start3A_248] : memref<16x2x40x128xi32, #tpu.memory_space<hbm>> -> memref<1x1x40x128xi32, #tpu.memory_space<hbm>>
        %dma_start3A_250 = tpu.memref_squeeze %dma_start3A_249 : memref<1x1x40x128xi32, #tpu.memory_space<hbm>> -> memref<40x128xi32, #tpu.memory_space<hbm>>
        tpu.enqueue_dma source(%dma_start3A_250 : memref<40x128xi32, #tpu.memory_space<hbm>>) target(%dma_start3A_246 : memref<40x128xi32, #tpu.memory_space<vmem>>) target_semaphore(%run_scoped3A_236 : memref<!tpu.dma_semaphore, #tpu.memory_space<semaphore_mem>>)
        %dma_wait3A_251 = arith.constant 0 : i32
        %dma_wait3A_252 = arith.constant 0 : i32
        %dma_wait3A_253 = tpu.memref_slice %arg10[%dma_wait3A_251, %dma_wait3A_252] : memref<40x128xi32, #tpu.memory_space<vmem>> -> memref<40x128xi32, #tpu.memory_space<vmem>>
        %dma_wait3A_254 = arith.constant 0 : i32
        %dma_wait3A_255 = arith.constant 0 : i32
        %dma_wait3A_256 = tpu.memref_slice %arg3[%arg1, %run_scoped3A_131, %dma_wait3A_254, %dma_wait3A_255] : memref<16x2x40x128xi32, #tpu.memory_space<hbm>> -> memref<1x1x40x128xi32, #tpu.memory_space<hbm>>
        %dma_wait3A_257 = tpu.memref_squeeze %dma_wait3A_256 : memref<1x1x40x128xi32, #tpu.memory_space<hbm>> -> memref<40x128xi32, #tpu.memory_space<hbm>>
        %dma_wait3A_258 = arith.constant 0 : i32
        %dma_wait3A_259 = arith.constant 0 : i32
        %dma_wait3A_260 = tpu.memref_slice %arg10[%dma_wait3A_258, %dma_wait3A_259] : memref<40x128xi32, #tpu.memory_space<vmem>> -> memref<40x128xi32, #tpu.memory_space<vmem>>
        %dma_wait3A_261 = arith.constant 0 : i32
        %dma_wait3A_262 = arith.constant 0 : i32
        %dma_wait3A_263 = tpu.memref_slice %arg3[%arg1, %run_scoped3A_131, %dma_wait3A_261, %dma_wait3A_262] : memref<16x2x40x128xi32, #tpu.memory_space<hbm>> -> memref<1x1x40x128xi32, #tpu.memory_space<hbm>>
        %dma_wait3A_264 = tpu.memref_squeeze %dma_wait3A_263 : memref<1x1x40x128xi32, #tpu.memory_space<hbm>> -> memref<40x128xi32, #tpu.memory_space<hbm>>
        tpu.wait_dma2 semaphore(%run_scoped3A_236 : memref<!tpu.dma_semaphore, #tpu.memory_space<semaphore_mem>>) src(%dma_wait3A_264 : memref<40x128xi32, #tpu.memory_space<hbm>>) dst(%dma_wait3A_260 : memref<40x128xi32, #tpu.memory_space<vmem>>)
        tpu.yield
      }) : () -> ()
      %run_scoped3A_132 = arith.constant 1 : i32
      "tpu.region"() ({
        %run_scoped3A_236 = tpu.sem_alloc : memref<!tpu.dma_semaphore, #tpu.memory_space<semaphore_mem>>
        %dma_start3A_237 = arith.constant 0 : i32
        %dma_start3A_238 = arith.constant 0 : i32
        %dma_start3A_239 = tpu.memref_slice %arg11[%dma_start3A_237, %dma_start3A_238] : memref<40x128xi32, #tpu.memory_space<vmem>> -> memref<40x128xi32, #tpu.memory_space<vmem>>
        %dma_start3A_240 = arith.constant 0 : i32
        %dma_start3A_241 = arith.constant 0 : i32
        %dma_start3A_242 = tpu.memref_slice %arg4[%arg1, %run_scoped3A_132, %dma_start3A_240, %dma_start3A_241] : memref<16x2x40x128xi32, #tpu.memory_space<hbm>> -> memref<1x1x40x128xi32, #tpu.memory_space<hbm>>
        %dma_start3A_243 = tpu.memref_squeeze %dma_start3A_242 : memref<1x1x40x128xi32, #tpu.memory_space<hbm>> -> memref<40x128xi32, #tpu.memory_space<hbm>>
        %dma_start3A_244 = arith.constant 0 : i32
        %dma_start3A_245 = arith.constant 0 : i32
        %dma_start3A_246 = tpu.memref_slice %arg11[%dma_start3A_244, %dma_start3A_245] : memref<40x128xi32, #tpu.memory_space<vmem>> -> memref<40x128xi32, #tpu.memory_space<vmem>>
        %dma_start3A_247 = arith.constant 0 : i32
        %dma_start3A_248 = arith.constant 0 : i32
        %dma_start3A_249 = tpu.memref_slice %arg4[%arg1, %run_scoped3A_132, %dma_start3A_247, %dma_start3A_248] : memref<16x2x40x128xi32, #tpu.memory_space<hbm>> -> memref<1x1x40x128xi32, #tpu.memory_space<hbm>>
        %dma_start3A_250 = tpu.memref_squeeze %dma_start3A_249 : memref<1x1x40x128xi32, #tpu.memory_space<hbm>> -> memref<40x128xi32, #tpu.memory_space<hbm>>
        tpu.enqueue_dma source(%dma_start3A_250 : memref<40x128xi32, #tpu.memory_space<hbm>>) target(%dma_start3A_246 : memref<40x128xi32, #tpu.memory_space<vmem>>) target_semaphore(%run_scoped3A_236 : memref<!tpu.dma_semaphore, #tpu.memory_space<semaphore_mem>>)
        %dma_wait3A_251 = arith.constant 0 : i32
        %dma_wait3A_252 = arith.constant 0 : i32
        %dma_wait3A_253 = tpu.memref_slice %arg11[%dma_wait3A_251, %dma_wait3A_252] : memref<40x128xi32, #tpu.memory_space<vmem>> -> memref<40x128xi32, #tpu.memory_space<vmem>>
        %dma_wait3A_254 = arith.constant 0 : i32
        %dma_wait3A_255 = arith.constant 0 : i32
        %dma_wait3A_256 = tpu.memref_slice %arg4[%arg1, %run_scoped3A_132, %dma_wait3A_254, %dma_wait3A_255] : memref<16x2x40x128xi32, #tpu.memory_space<hbm>> -> memref<1x1x40x128xi32, #tpu.memory_space<hbm>>
        %dma_wait3A_257 = tpu.memref_squeeze %dma_wait3A_256 : memref<1x1x40x128xi32, #tpu.memory_space<hbm>> -> memref<40x128xi32, #tpu.memory_space<hbm>>
        %dma_wait3A_258 = arith.constant 0 : i32
        %dma_wait3A_259 = arith.constant 0 : i32
        %dma_wait3A_260 = tpu.memref_slice %arg11[%dma_wait3A_258, %dma_wait3A_259] : memref<40x128xi32, #tpu.memory_space<vmem>> -> memref<40x128xi32, #tpu.memory_space<vmem>>
        %dma_wait3A_261 = arith.constant 0 : i32
        %dma_wait3A_262 = arith.constant 0 : i32
        %dma_wait3A_263 = tpu.memref_slice %arg4[%arg1, %run_scoped3A_132, %dma_wait3A_261, %dma_wait3A_262] : memref<16x2x40x128xi32, #tpu.memory_space<hbm>> -> memref<1x1x40x128xi32, #tpu.memory_space<hbm>>
        %dma_wait3A_264 = tpu.memref_squeeze %dma_wait3A_263 : memref<1x1x40x128xi32, #tpu.memory_space<hbm>> -> memref<40x128xi32, #tpu.memory_space<hbm>>
        tpu.wait_dma2 semaphore(%run_scoped3A_236 : memref<!tpu.dma_semaphore, #tpu.memory_space<semaphore_mem>>) src(%dma_wait3A_264 : memref<40x128xi32, #tpu.memory_space<hbm>>) dst(%dma_wait3A_260 : memref<40x128xi32, #tpu.memory_space<vmem>>)
        tpu.yield
      }) : () -> ()
      %dma_start3A_133 = arith.constant 0 : i32
      %dma_start3A_134 = arith.constant 0 : i32
      %dma_start3A_135 = arith.constant 0 : i32
      %dma_start3A_136 = arith.constant 0 : i32
      %dma_start3A_137 = tpu.memref_slice %arg9[%dma_start3A_134, %dma_start3A_135, %dma_start3A_136] : memref<2x128x128xf32, #tpu.memory_space<vmem>> -> memref<1x128x128xf32, #tpu.memory_space<vmem>>
      %dma_start3A_138 = tpu.memref_squeeze %dma_start3A_137 : memref<1x128x128xf32, #tpu.memory_space<vmem>> -> memref<128x128xf32, #tpu.memory_space<vmem>>
      %dma_start3A_139 = arith.constant 0 : i32
      %dma_start3A_140 = tpu.memref_slice %arg10[%dma_start3A_133, %dma_start3A_139] : memref<40x128xi32, #tpu.memory_space<vmem>> -> memref<1x128xi32, #tpu.memory_space<vmem>>
      %dma_start3A_141 = tpu.memref_squeeze %dma_start3A_140 : memref<1x128xi32, #tpu.memory_space<vmem>> -> memref<128xi32, #tpu.memory_space<vmem>>
      %dma_start3A_142 = arith.constant 0 : i32
      %dma_start3A_143 = arith.constant 0 : i32
      %dma_start3A_144 = tpu.memref_slice %arg2[%dma_start3A_142, %dma_start3A_143] : memref<10000x128xf32, #tpu.memory_space<hbm>> -> memref<10000x128xf32, #tpu.memory_space<hbm>>
      tpu.enqueue_indirect_dma source(%dma_start3A_144 : memref<10000x128xf32, #tpu.memory_space<hbm>>) target(%dma_start3A_138 : memref<128x128xf32, #tpu.memory_space<vmem>>) offsets(%dma_start3A_141 : memref<128xi32, #tpu.memory_space<vmem>>) semaphore(%arg12 : memref<!tpu.dma_semaphore, #tpu.memory_space<semaphore_mem>>)
      %dma_start3A_145 = arith.constant 1 : i32
      %dma_start3A_146 = arith.constant 1 : i32
      %dma_start3A_147 = arith.constant 0 : i32
      %dma_start3A_148 = arith.constant 0 : i32
      %dma_start3A_149 = tpu.memref_slice %arg9[%dma_start3A_146, %dma_start3A_147, %dma_start3A_148] : memref<2x128x128xf32, #tpu.memory_space<vmem>> -> memref<1x128x128xf32, #tpu.memory_space<vmem>>
      %dma_start3A_150 = tpu.memref_squeeze %dma_start3A_149 : memref<1x128x128xf32, #tpu.memory_space<vmem>> -> memref<128x128xf32, #tpu.memory_space<vmem>>
      %dma_start3A_151 = arith.constant 0 : i32
      %dma_start3A_152 = tpu.memref_slice %arg10[%dma_start3A_145, %dma_start3A_151] : memref<40x128xi32, #tpu.memory_space<vmem>> -> memref<1x128xi32, #tpu.memory_space<vmem>>
      %dma_start3A_153 = tpu.memref_squeeze %dma_start3A_152 : memref<1x128xi32, #tpu.memory_space<vmem>> -> memref<128xi32, #tpu.memory_space<vmem>>
      %dma_start3A_154 = arith.constant 0 : i32
      %dma_start3A_155 = arith.constant 0 : i32
      %dma_start3A_156 = tpu.memref_slice %arg2[%dma_start3A_154, %dma_start3A_155] : memref<10000x128xf32, #tpu.memory_space<hbm>> -> memref<10000x128xf32, #tpu.memory_space<hbm>>
      tpu.enqueue_indirect_dma source(%dma_start3A_156 : memref<10000x128xf32, #tpu.memory_space<hbm>>) target(%dma_start3A_150 : memref<128x128xf32, #tpu.memory_space<vmem>>) offsets(%dma_start3A_153 : memref<128xi32, #tpu.memory_space<vmem>>) semaphore(%arg13 : memref<!tpu.dma_semaphore, #tpu.memory_space<semaphore_mem>>)
      %scan3A_157 = arith.constant 0 : i32
      %scan3A_158 = arith.constant 0 : i32
      %scan3A_159 = arith.constant 19 : i32
      %scan3A_160 = arith.addi %scan3A_158, %scan3A_159 : i32
      %scan3A_161 = arith.constant 1 : i32
      %scan3A_162 = scf.for %scan3A_236 = %scan3A_158 to %scan3A_160 step %scan3A_161 iter_args(%scan3A_237 = %scan3A_157) -> (i32)  : i32 {
        %mul3A_238 = arith.constant 2 : i32
        %mul3A_239 = arith.muli %mul3A_238, %scan3A_236 : i32
        %dma_wait3A_240 = arith.constant 0 : i32
        %dma_wait3A_241 = arith.constant 0 : i32
        %dma_wait3A_242 = arith.constant 0 : i32
        %dma_wait3A_243 = tpu.memref_slice %arg9[%dma_wait3A_240, %dma_wait3A_241, %dma_wait3A_242] : memref<2x128x128xf32, #tpu.memory_space<vmem>> -> memref<1x128x128xf32, #tpu.memory_space<vmem>>
        %dma_wait3A_244 = tpu.memref_squeeze %dma_wait3A_243 : memref<1x128x128xf32, #tpu.memory_space<vmem>> -> memref<128x128xf32, #tpu.memory_space<vmem>>
        %dma_wait3A_245 = arith.constant 0 : i32
        %dma_wait3A_246 = tpu.memref_slice %arg10[%mul3A_239, %dma_wait3A_245] : memref<40x128xi32, #tpu.memory_space<vmem>> -> memref<1x128xi32, #tpu.memory_space<vmem>>
        %dma_wait3A_247 = tpu.memref_squeeze %dma_wait3A_246 : memref<1x128xi32, #tpu.memory_space<vmem>> -> memref<128xi32, #tpu.memory_space<vmem>>
        %dma_wait3A_248 = arith.constant 0 : i32
        %dma_wait3A_249 = arith.constant 0 : i32
        %dma_wait3A_250 = tpu.memref_slice %arg2[%dma_wait3A_248, %dma_wait3A_249] : memref<10000x128xf32, #tpu.memory_space<hbm>> -> memref<10000x128xf32, #tpu.memory_space<hbm>>
        tpu.wait_indirect_dma semaphore(%arg12 : memref<!tpu.dma_semaphore, #tpu.memory_space<semaphore_mem>>) src(%dma_wait3A_250 : memref<10000x128xf32, #tpu.memory_space<hbm>>) dst(%dma_wait3A_244 : memref<128x128xf32, #tpu.memory_space<vmem>>)
        %dma_start3A_251 = arith.constant 0 : i32
        %dma_start3A_252 = arith.constant 0 : i32
        %dma_start3A_253 = arith.constant 0 : i32
        %dma_start3A_254 = tpu.memref_slice %arg9[%dma_start3A_251, %dma_start3A_252, %dma_start3A_253] : memref<2x128x128xf32, #tpu.memory_space<vmem>> -> memref<1x128x128xf32, #tpu.memory_space<vmem>>
        %dma_start3A_255 = tpu.memref_squeeze %dma_start3A_254 : memref<1x128x128xf32, #tpu.memory_space<vmem>> -> memref<128x128xf32, #tpu.memory_space<vmem>>
        %dma_start3A_256 = arith.constant 0 : i32
        %dma_start3A_257 = tpu.memref_slice %arg11[%mul3A_239, %dma_start3A_256] : memref<40x128xi32, #tpu.memory_space<vmem>> -> memref<1x128xi32, #tpu.memory_space<vmem>>
        %dma_start3A_258 = tpu.memref_squeeze %dma_start3A_257 : memref<1x128xi32, #tpu.memory_space<vmem>> -> memref<128xi32, #tpu.memory_space<vmem>>
        %dma_start3A_259 = arith.constant 0 : i32
        %dma_start3A_260 = arith.constant 0 : i32
        %dma_start3A_261 = tpu.memref_slice %arg8[%dma_start3A_259, %dma_start3A_260] : memref<10112x128xf32, #tpu.memory_space<vmem_shared>> -> memref<10112x128xf32, #tpu.memory_space<vmem_shared>>
        tpu.enqueue_indirect_dma source(%dma_start3A_255 : memref<128x128xf32, #tpu.memory_space<vmem>>) target(%dma_start3A_261 : memref<10112x128xf32, #tpu.memory_space<vmem_shared>>) offsets(%dma_start3A_258 : memref<128xi32, #tpu.memory_space<vmem>>) semaphore(%arg14 : memref<!tpu.dma_semaphore, #tpu.memory_space<semaphore_mem>>) {add = true}
        %dma_wait3A_262 = arith.constant 0 : i32
        %dma_wait3A_263 = arith.constant 0 : i32
        %dma_wait3A_264 = arith.constant 0 : i32
        %dma_wait3A_265 = tpu.memref_slice %arg9[%dma_wait3A_262, %dma_wait3A_263, %dma_wait3A_264] : memref<2x128x128xf32, #tpu.memory_space<vmem>> -> memref<1x128x128xf32, #tpu.memory_space<vmem>>
        %dma_wait3A_266 = tpu.memref_squeeze %dma_wait3A_265 : memref<1x128x128xf32, #tpu.memory_space<vmem>> -> memref<128x128xf32, #tpu.memory_space<vmem>>
        %dma_wait3A_267 = arith.constant 0 : i32
        %dma_wait3A_268 = tpu.memref_slice %arg11[%mul3A_239, %dma_wait3A_267] : memref<40x128xi32, #tpu.memory_space<vmem>> -> memref<1x128xi32, #tpu.memory_space<vmem>>
        %dma_wait3A_269 = tpu.memref_squeeze %dma_wait3A_268 : memref<1x128xi32, #tpu.memory_space<vmem>> -> memref<128xi32, #tpu.memory_space<vmem>>
        %dma_wait3A_270 = arith.constant 0 : i32
        %dma_wait3A_271 = arith.constant 0 : i32
        %dma_wait3A_272 = tpu.memref_slice %arg8[%dma_wait3A_270, %dma_wait3A_271] : memref<10112x128xf32, #tpu.memory_space<vmem_shared>> -> memref<10112x128xf32, #tpu.memory_space<vmem_shared>>
        tpu.wait_indirect_dma semaphore(%arg14 : memref<!tpu.dma_semaphore, #tpu.memory_space<semaphore_mem>>) src(%dma_wait3A_266 : memref<128x128xf32, #tpu.memory_space<vmem>>) dst(%dma_wait3A_272 : memref<10112x128xf32, #tpu.memory_space<vmem_shared>>)
        %add3A_273 = arith.constant 2 : i32
        %add3A_274 = arith.addi %mul3A_239, %add3A_273 : i32
        %dma_start3A_275 = arith.constant 0 : i32
        %dma_start3A_276 = arith.constant 0 : i32
        %dma_start3A_277 = arith.constant 0 : i32
        %dma_start3A_278 = tpu.memref_slice %arg9[%dma_start3A_275, %dma_start3A_276, %dma_start3A_277] : memref<2x128x128xf32, #tpu.memory_space<vmem>> -> memref<1x128x128xf32, #tpu.memory_space<vmem>>
        %dma_start3A_279 = tpu.memref_squeeze %dma_start3A_278 : memref<1x128x128xf32, #tpu.memory_space<vmem>> -> memref<128x128xf32, #tpu.memory_space<vmem>>
        %dma_start3A_280 = arith.constant 0 : i32
        %dma_start3A_281 = tpu.memref_slice %arg10[%add3A_274, %dma_start3A_280] : memref<40x128xi32, #tpu.memory_space<vmem>> -> memref<1x128xi32, #tpu.memory_space<vmem>>
        %dma_start3A_282 = tpu.memref_squeeze %dma_start3A_281 : memref<1x128xi32, #tpu.memory_space<vmem>> -> memref<128xi32, #tpu.memory_space<vmem>>
        %dma_start3A_283 = arith.constant 0 : i32
        %dma_start3A_284 = arith.constant 0 : i32
        %dma_start3A_285 = tpu.memref_slice %arg2[%dma_start3A_283, %dma_start3A_284] : memref<10000x128xf32, #tpu.memory_space<hbm>> -> memref<10000x128xf32, #tpu.memory_space<hbm>>
        tpu.enqueue_indirect_dma source(%dma_start3A_285 : memref<10000x128xf32, #tpu.memory_space<hbm>>) target(%dma_start3A_279 : memref<128x128xf32, #tpu.memory_space<vmem>>) offsets(%dma_start3A_282 : memref<128xi32, #tpu.memory_space<vmem>>) semaphore(%arg12 : memref<!tpu.dma_semaphore, #tpu.memory_space<semaphore_mem>>)
        %add3A_286 = arith.constant 1 : i32
        %add3A_287 = arith.addi %mul3A_239, %add3A_286 : i32
        %dma_wait3A_288 = arith.constant 1 : i32
        %dma_wait3A_289 = arith.constant 0 : i32
        %dma_wait3A_290 = arith.constant 0 : i32
        %dma_wait3A_291 = tpu.memref_slice %arg9[%dma_wait3A_288, %dma_wait3A_289, %dma_wait3A_290] : memref<2x128x128xf32, #tpu.memory_space<vmem>> -> memref<1x128x128xf32, #tpu.memory_space<vmem>>
        %dma_wait3A_292 = tpu.memref_squeeze %dma_wait3A_291 : memref<1x128x128xf32, #tpu.memory_space<vmem>> -> memref<128x128xf32, #tpu.memory_space<vmem>>
        %dma_wait3A_293 = arith.constant 0 : i32
        %dma_wait3A_294 = tpu.memref_slice %arg10[%add3A_287, %dma_wait3A_293] : memref<40x128xi32, #tpu.memory_space<vmem>> -> memref<1x128xi32, #tpu.memory_space<vmem>>
        %dma_wait3A_295 = tpu.memref_squeeze %dma_wait3A_294 : memref<1x128xi32, #tpu.memory_space<vmem>> -> memref<128xi32, #tpu.memory_space<vmem>>
        %dma_wait3A_296 = arith.constant 0 : i32
        %dma_wait3A_297 = arith.constant 0 : i32
        %dma_wait3A_298 = tpu.memref_slice %arg2[%dma_wait3A_296, %dma_wait3A_297] : memref<10000x128xf32, #tpu.memory_space<hbm>> -> memref<10000x128xf32, #tpu.memory_space<hbm>>
        tpu.wait_indirect_dma semaphore(%arg13 : memref<!tpu.dma_semaphore, #tpu.memory_space<semaphore_mem>>) src(%dma_wait3A_298 : memref<10000x128xf32, #tpu.memory_space<hbm>>) dst(%dma_wait3A_292 : memref<128x128xf32, #tpu.memory_space<vmem>>)
        %add3A_299 = arith.constant 1 : i32
        %add3A_300 = arith.addi %mul3A_239, %add3A_299 : i32
        %dma_start3A_301 = arith.constant 1 : i32
        %dma_start3A_302 = arith.constant 0 : i32
        %dma_start3A_303 = arith.constant 0 : i32
        %dma_start3A_304 = tpu.memref_slice %arg9[%dma_start3A_301, %dma_start3A_302, %dma_start3A_303] : memref<2x128x128xf32, #tpu.memory_space<vmem>> -> memref<1x128x128xf32, #tpu.memory_space<vmem>>
        %dma_start3A_305 = tpu.memref_squeeze %dma_start3A_304 : memref<1x128x128xf32, #tpu.memory_space<vmem>> -> memref<128x128xf32, #tpu.memory_space<vmem>>
        %dma_start3A_306 = arith.constant 0 : i32
        %dma_start3A_307 = tpu.memref_slice %arg11[%add3A_300, %dma_start3A_306] : memref<40x128xi32, #tpu.memory_space<vmem>> -> memref<1x128xi32, #tpu.memory_space<vmem>>
        %dma_start3A_308 = tpu.memref_squeeze %dma_start3A_307 : memref<1x128xi32, #tpu.memory_space<vmem>> -> memref<128xi32, #tpu.memory_space<vmem>>
        %dma_start3A_309 = arith.constant 0 : i32
        %dma_start3A_310 = arith.constant 0 : i32
        %dma_start3A_311 = tpu.memref_slice %arg8[%dma_start3A_309, %dma_start3A_310] : memref<10112x128xf32, #tpu.memory_space<vmem_shared>> -> memref<10112x128xf32, #tpu.memory_space<vmem_shared>>
        tpu.enqueue_indirect_dma source(%dma_start3A_305 : memref<128x128xf32, #tpu.memory_space<vmem>>) target(%dma_start3A_311 : memref<10112x128xf32, #tpu.memory_space<vmem_shared>>) offsets(%dma_start3A_308 : memref<128xi32, #tpu.memory_space<vmem>>) semaphore(%arg15 : memref<!tpu.dma_semaphore, #tpu.memory_space<semaphore_mem>>) {add = true}
        %add3A_312 = arith.constant 1 : i32
        %add3A_313 = arith.addi %mul3A_239, %add3A_312 : i32
        %dma_wait3A_314 = arith.constant 1 : i32
        %dma_wait3A_315 = arith.constant 0 : i32
        %dma_wait3A_316 = arith.constant 0 : i32
        %dma_wait3A_317 = tpu.memref_slice %arg9[%dma_wait3A_314, %dma_wait3A_315, %dma_wait3A_316] : memref<2x128x128xf32, #tpu.memory_space<vmem>> -> memref<1x128x128xf32, #tpu.memory_space<vmem>>
        %dma_wait3A_318 = tpu.memref_squeeze %dma_wait3A_317 : memref<1x128x128xf32, #tpu.memory_space<vmem>> -> memref<128x128xf32, #tpu.memory_space<vmem>>
        %dma_wait3A_319 = arith.constant 0 : i32
        %dma_wait3A_320 = tpu.memref_slice %arg11[%add3A_313, %dma_wait3A_319] : memref<40x128xi32, #tpu.memory_space<vmem>> -> memref<1x128xi32, #tpu.memory_space<vmem>>
        %dma_wait3A_321 = tpu.memref_squeeze %dma_wait3A_320 : memref<1x128xi32, #tpu.memory_space<vmem>> -> memref<128xi32, #tpu.memory_space<vmem>>
        %dma_wait3A_322 = arith.constant 0 : i32
        %dma_wait3A_323 = arith.constant 0 : i32
        %dma_wait3A_324 = tpu.memref_slice %arg8[%dma_wait3A_322, %dma_wait3A_323] : memref<10112x128xf32, #tpu.memory_space<vmem_shared>> -> memref<10112x128xf32, #tpu.memory_space<vmem_shared>>
        tpu.wait_indirect_dma semaphore(%arg15 : memref<!tpu.dma_semaphore, #tpu.memory_space<semaphore_mem>>) src(%dma_wait3A_318 : memref<128x128xf32, #tpu.memory_space<vmem>>) dst(%dma_wait3A_324 : memref<10112x128xf32, #tpu.memory_space<vmem_shared>>)
        %add3A_325 = arith.constant 3 : i32
        %add3A_326 = arith.addi %mul3A_239, %add3A_325 : i32
        %dma_start3A_327 = arith.constant 1 : i32
        %dma_start3A_328 = arith.constant 0 : i32
        %dma_start3A_329 = arith.constant 0 : i32
        %dma_start3A_330 = tpu.memref_slice %arg9[%dma_start3A_327, %dma_start3A_328, %dma_start3A_329] : memref<2x128x128xf32, #tpu.memory_space<vmem>> -> memref<1x128x128xf32, #tpu.memory_space<vmem>>
        %dma_start3A_331 = tpu.memref_squeeze %dma_start3A_330 : memref<1x128x128xf32, #tpu.memory_space<vmem>> -> memref<128x128xf32, #tpu.memory_space<vmem>>
        %dma_start3A_332 = arith.constant 0 : i32
        %dma_start3A_333 = tpu.memref_slice %arg10[%add3A_326, %dma_start3A_332] : memref<40x128xi32, #tpu.memory_space<vmem>> -> memref<1x128xi32, #tpu.memory_space<vmem>>
        %dma_start3A_334 = tpu.memref_squeeze %dma_start3A_333 : memref<1x128xi32, #tpu.memory_space<vmem>> -> memref<128xi32, #tpu.memory_space<vmem>>
        %dma_start3A_335 = arith.constant 0 : i32
        %dma_start3A_336 = arith.constant 0 : i32
        %dma_start3A_337 = tpu.memref_slice %arg2[%dma_start3A_335, %dma_start3A_336] : memref<10000x128xf32, #tpu.memory_space<hbm>> -> memref<10000x128xf32, #tpu.memory_space<hbm>>
        tpu.enqueue_indirect_dma source(%dma_start3A_337 : memref<10000x128xf32, #tpu.memory_space<hbm>>) target(%dma_start3A_331 : memref<128x128xf32, #tpu.memory_space<vmem>>) offsets(%dma_start3A_334 : memref<128xi32, #tpu.memory_space<vmem>>) semaphore(%arg13 : memref<!tpu.dma_semaphore, #tpu.memory_space<semaphore_mem>>)
        %scan3A_338 = arith.constant 0 : i32
        scf.yield %scan3A_338 : i32
      }
      %scan3A_163 = arith.constant 19 : i32
      %dma_wait3A_164 = arith.constant 38 : i32
      %dma_wait3A_165 = arith.constant 0 : i32
      %dma_wait3A_166 = arith.constant 0 : i32
      %dma_wait3A_167 = arith.constant 0 : i32
      %dma_wait3A_168 = tpu.memref_slice %arg9[%dma_wait3A_165, %dma_wait3A_166, %dma_wait3A_167] : memref<2x128x128xf32, #tpu.memory_space<vmem>> -> memref<1x128x128xf32, #tpu.memory_space<vmem>>
      %dma_wait3A_169 = tpu.memref_squeeze %dma_wait3A_168 : memref<1x128x128xf32, #tpu.memory_space<vmem>> -> memref<128x128xf32, #tpu.memory_space<vmem>>
      %dma_wait3A_170 = arith.constant 0 : i32
      %dma_wait3A_171 = tpu.memref_slice %arg10[%dma_wait3A_164, %dma_wait3A_170] : memref<40x128xi32, #tpu.memory_space<vmem>> -> memref<1x128xi32, #tpu.memory_space<vmem>>
      %dma_wait3A_172 = tpu.memref_squeeze %dma_wait3A_171 : memref<1x128xi32, #tpu.memory_space<vmem>> -> memref<128xi32, #tpu.memory_space<vmem>>
      %dma_wait3A_173 = arith.constant 0 : i32
      %dma_wait3A_174 = arith.constant 0 : i32
      %dma_wait3A_175 = tpu.memref_slice %arg2[%dma_wait3A_173, %dma_wait3A_174] : memref<10000x128xf32, #tpu.memory_space<hbm>> -> memref<10000x128xf32, #tpu.memory_space<hbm>>
      tpu.wait_indirect_dma semaphore(%arg12 : memref<!tpu.dma_semaphore, #tpu.memory_space<semaphore_mem>>) src(%dma_wait3A_175 : memref<10000x128xf32, #tpu.memory_space<hbm>>) dst(%dma_wait3A_169 : memref<128x128xf32, #tpu.memory_space<vmem>>)
      %dma_start3A_176 = arith.constant 0 : i32
      %dma_start3A_177 = arith.constant 38 : i32
      %dma_start3A_178 = arith.constant 0 : i32
      %dma_start3A_179 = arith.constant 0 : i32
      %dma_start3A_180 = tpu.memref_slice %arg9[%dma_start3A_176, %dma_start3A_178, %dma_start3A_179] : memref<2x128x128xf32, #tpu.memory_space<vmem>> -> memref<1x128x128xf32, #tpu.memory_space<vmem>>
      %dma_start3A_181 = tpu.memref_squeeze %dma_start3A_180 : memref<1x128x128xf32, #tpu.memory_space<vmem>> -> memref<128x128xf32, #tpu.memory_space<vmem>>
      %dma_start3A_182 = arith.constant 0 : i32
      %dma_start3A_183 = tpu.memref_slice %arg11[%dma_start3A_177, %dma_start3A_182] : memref<40x128xi32, #tpu.memory_space<vmem>> -> memref<1x128xi32, #tpu.memory_space<vmem>>
      %dma_start3A_184 = tpu.memref_squeeze %dma_start3A_183 : memref<1x128xi32, #tpu.memory_space<vmem>> -> memref<128xi32, #tpu.memory_space<vmem>>
      %dma_start3A_185 = arith.constant 0 : i32
      %dma_start3A_186 = arith.constant 0 : i32
      %dma_start3A_187 = tpu.memref_slice %arg8[%dma_start3A_185, %dma_start3A_186] : memref<10112x128xf32, #tpu.memory_space<vmem_shared>> -> memref<10112x128xf32, #tpu.memory_space<vmem_shared>>
      tpu.enqueue_indirect_dma source(%dma_start3A_181 : memref<128x128xf32, #tpu.memory_space<vmem>>) target(%dma_start3A_187 : memref<10112x128xf32, #tpu.memory_space<vmem_shared>>) offsets(%dma_start3A_184 : memref<128xi32, #tpu.memory_space<vmem>>) semaphore(%arg14 : memref<!tpu.dma_semaphore, #tpu.memory_space<semaphore_mem>>) {add = true}
      %dma_wait3A_188 = arith.constant 0 : i32
      %dma_wait3A_189 = arith.constant 38 : i32
      %dma_wait3A_190 = arith.constant 0 : i32
      %dma_wait3A_191 = arith.constant 0 : i32
      %dma_wait3A_192 = tpu.memref_slice %arg9[%dma_wait3A_188, %dma_wait3A_190, %dma_wait3A_191] : memref<2x128x128xf32, #tpu.memory_space<vmem>> -> memref<1x128x128xf32, #tpu.memory_space<vmem>>
      %dma_wait3A_193 = tpu.memref_squeeze %dma_wait3A_192 : memref<1x128x128xf32, #tpu.memory_space<vmem>> -> memref<128x128xf32, #tpu.memory_space<vmem>>
      %dma_wait3A_194 = arith.constant 0 : i32
      %dma_wait3A_195 = tpu.memref_slice %arg11[%dma_wait3A_189, %dma_wait3A_194] : memref<40x128xi32, #tpu.memory_space<vmem>> -> memref<1x128xi32, #tpu.memory_space<vmem>>
      %dma_wait3A_196 = tpu.memref_squeeze %dma_wait3A_195 : memref<1x128xi32, #tpu.memory_space<vmem>> -> memref<128xi32, #tpu.memory_space<vmem>>
      %dma_wait3A_197 = arith.constant 0 : i32
      %dma_wait3A_198 = arith.constant 0 : i32
      %dma_wait3A_199 = tpu.memref_slice %arg8[%dma_wait3A_197, %dma_wait3A_198] : memref<10112x128xf32, #tpu.memory_space<vmem_shared>> -> memref<10112x128xf32, #tpu.memory_space<vmem_shared>>
      tpu.wait_indirect_dma semaphore(%arg14 : memref<!tpu.dma_semaphore, #tpu.memory_space<semaphore_mem>>) src(%dma_wait3A_193 : memref<128x128xf32, #tpu.memory_space<vmem>>) dst(%dma_wait3A_199 : memref<10112x128xf32, #tpu.memory_space<vmem_shared>>)
      %dma_wait3A_200 = arith.constant 39 : i32
      %dma_wait3A_201 = arith.constant 1 : i32
      %dma_wait3A_202 = arith.constant 0 : i32
      %dma_wait3A_203 = arith.constant 0 : i32
      %dma_wait3A_204 = tpu.memref_slice %arg9[%dma_wait3A_201, %dma_wait3A_202, %dma_wait3A_203] : memref<2x128x128xf32, #tpu.memory_space<vmem>> -> memref<1x128x128xf32, #tpu.memory_space<vmem>>
      %dma_wait3A_205 = tpu.memref_squeeze %dma_wait3A_204 : memref<1x128x128xf32, #tpu.memory_space<vmem>> -> memref<128x128xf32, #tpu.memory_space<vmem>>
      %dma_wait3A_206 = arith.constant 0 : i32
      %dma_wait3A_207 = tpu.memref_slice %arg10[%dma_wait3A_200, %dma_wait3A_206] : memref<40x128xi32, #tpu.memory_space<vmem>> -> memref<1x128xi32, #tpu.memory_space<vmem>>
      %dma_wait3A_208 = tpu.memref_squeeze %dma_wait3A_207 : memref<1x128xi32, #tpu.memory_space<vmem>> -> memref<128xi32, #tpu.memory_space<vmem>>
      %dma_wait3A_209 = arith.constant 0 : i32
      %dma_wait3A_210 = arith.constant 0 : i32
      %dma_wait3A_211 = tpu.memref_slice %arg2[%dma_wait3A_209, %dma_wait3A_210] : memref<10000x128xf32, #tpu.memory_space<hbm>> -> memref<10000x128xf32, #tpu.memory_space<hbm>>
      tpu.wait_indirect_dma semaphore(%arg13 : memref<!tpu.dma_semaphore, #tpu.memory_space<semaphore_mem>>) src(%dma_wait3A_211 : memref<10000x128xf32, #tpu.memory_space<hbm>>) dst(%dma_wait3A_205 : memref<128x128xf32, #tpu.memory_space<vmem>>)
      %dma_start3A_212 = arith.constant 1 : i32
      %dma_start3A_213 = arith.constant 39 : i32
      %dma_start3A_214 = arith.constant 0 : i32
      %dma_start3A_215 = arith.constant 0 : i32
      %dma_start3A_216 = tpu.memref_slice %arg9[%dma_start3A_212, %dma_start3A_214, %dma_start3A_215] : memref<2x128x128xf32, #tpu.memory_space<vmem>> -> memref<1x128x128xf32, #tpu.memory_space<vmem>>
      %dma_start3A_217 = tpu.memref_squeeze %dma_start3A_216 : memref<1x128x128xf32, #tpu.memory_space<vmem>> -> memref<128x128xf32, #tpu.memory_space<vmem>>
      %dma_start3A_218 = arith.constant 0 : i32
      %dma_start3A_219 = tpu.memref_slice %arg11[%dma_start3A_213, %dma_start3A_218] : memref<40x128xi32, #tpu.memory_space<vmem>> -> memref<1x128xi32, #tpu.memory_space<vmem>>
      %dma_start3A_220 = tpu.memref_squeeze %dma_start3A_219 : memref<1x128xi32, #tpu.memory_space<vmem>> -> memref<128xi32, #tpu.memory_space<vmem>>
      %dma_start3A_221 = arith.constant 0 : i32
      %dma_start3A_222 = arith.constant 0 : i32
      %dma_start3A_223 = tpu.memref_slice %arg8[%dma_start3A_221, %dma_start3A_222] : memref<10112x128xf32, #tpu.memory_space<vmem_shared>> -> memref<10112x128xf32, #tpu.memory_space<vmem_shared>>
      tpu.enqueue_indirect_dma source(%dma_start3A_217 : memref<128x128xf32, #tpu.memory_space<vmem>>) target(%dma_start3A_223 : memref<10112x128xf32, #tpu.memory_space<vmem_shared>>) offsets(%dma_start3A_220 : memref<128xi32, #tpu.memory_space<vmem>>) semaphore(%arg15 : memref<!tpu.dma_semaphore, #tpu.memory_space<semaphore_mem>>) {add = true}
      %dma_wait3A_224 = arith.constant 1 : i32
      %dma_wait3A_225 = arith.constant 39 : i32
      %dma_wait3A_226 = arith.constant 0 : i32
      %dma_wait3A_227 = arith.constant 0 : i32
      %dma_wait3A_228 = tpu.memref_slice %arg9[%dma_wait3A_224, %dma_wait3A_226, %dma_wait3A_227] : memref<2x128x128xf32, #tpu.memory_space<vmem>> -> memref<1x128x128xf32, #tpu.memory_space<vmem>>
      %dma_wait3A_229 = tpu.memref_squeeze %dma_wait3A_228 : memref<1x128x128xf32, #tpu.memory_space<vmem>> -> memref<128x128xf32, #tpu.memory_space<vmem>>
      %dma_wait3A_230 = arith.constant 0 : i32
      %dma_wait3A_231 = tpu.memref_slice %arg11[%dma_wait3A_225, %dma_wait3A_230] : memref<40x128xi32, #tpu.memory_space<vmem>> -> memref<1x128xi32, #tpu.memory_space<vmem>>
      %dma_wait3A_232 = tpu.memref_squeeze %dma_wait3A_231 : memref<1x128xi32, #tpu.memory_space<vmem>> -> memref<128xi32, #tpu.memory_space<vmem>>
      %dma_wait3A_233 = arith.constant 0 : i32
      %dma_wait3A_234 = arith.constant 0 : i32
      %dma_wait3A_235 = tpu.memref_slice %arg8[%dma_wait3A_233, %dma_wait3A_234] : memref<10112x128xf32, #tpu.memory_space<vmem_shared>> -> memref<10112x128xf32, #tpu.memory_space<vmem_shared>>
      tpu.wait_indirect_dma semaphore(%arg15 : memref<!tpu.dma_semaphore, #tpu.memory_space<semaphore_mem>>) src(%dma_wait3A_229 : memref<128x128xf32, #tpu.memory_space<vmem>>) dst(%dma_wait3A_235 : memref<10112x128xf32, #tpu.memory_space<vmem_shared>>)
    } else {
    }
    %eq3A_22 = arith.constant 1 : i32
    %eq3A_23 = arith.cmpi eq, %arg0, %eq3A_22 : i32
    %convert_element_type3A_24 = arith.extui %eq3A_23 : i1 to i32
    %cond3A_25 = arith.constant 0 : i32
    %cond3A_26 = arith.cmpi ne, %convert_element_type3A_24, %cond3A_25 : i32
    scf.if %cond3A_26 {
      %run_scoped3A_28 = arith.constant 0 : i32
      "tpu.region"() ({
        %run_scoped3A_236 = tpu.sem_alloc : memref<!tpu.dma_semaphore, #tpu.memory_space<semaphore_mem>>
        %dma_start3A_237 = arith.constant 0 : i32
        %dma_start3A_238 = arith.constant 0 : i32
        %dma_start3A_239 = tpu.memref_slice %arg10[%dma_start3A_237, %dma_start3A_238] : memref<40x128xi32, #tpu.memory_space<vmem>> -> memref<40x128xi32, #tpu.memory_space<vmem>>
        %dma_start3A_240 = arith.constant 0 : i32
        %dma_start3A_241 = arith.constant 0 : i32
        %dma_start3A_242 = tpu.memref_slice %arg5[%arg1, %run_scoped3A_28, %dma_start3A_240, %dma_start3A_241] : memref<16x2x40x128xi32, #tpu.memory_space<hbm>> -> memref<1x1x40x128xi32, #tpu.memory_space<hbm>>
        %dma_start3A_243 = tpu.memref_squeeze %dma_start3A_242 : memref<1x1x40x128xi32, #tpu.memory_space<hbm>> -> memref<40x128xi32, #tpu.memory_space<hbm>>
        %dma_start3A_244 = arith.constant 0 : i32
        %dma_start3A_245 = arith.constant 0 : i32
        %dma_start3A_246 = tpu.memref_slice %arg10[%dma_start3A_244, %dma_start3A_245] : memref<40x128xi32, #tpu.memory_space<vmem>> -> memref<40x128xi32, #tpu.memory_space<vmem>>
        %dma_start3A_247 = arith.constant 0 : i32
        %dma_start3A_248 = arith.constant 0 : i32
        %dma_start3A_249 = tpu.memref_slice %arg5[%arg1, %run_scoped3A_28, %dma_start3A_247, %dma_start3A_248] : memref<16x2x40x128xi32, #tpu.memory_space<hbm>> -> memref<1x1x40x128xi32, #tpu.memory_space<hbm>>
        %dma_start3A_250 = tpu.memref_squeeze %dma_start3A_249 : memref<1x1x40x128xi32, #tpu.memory_space<hbm>> -> memref<40x128xi32, #tpu.memory_space<hbm>>
        tpu.enqueue_dma source(%dma_start3A_250 : memref<40x128xi32, #tpu.memory_space<hbm>>) target(%dma_start3A_246 : memref<40x128xi32, #tpu.memory_space<vmem>>) target_semaphore(%run_scoped3A_236 : memref<!tpu.dma_semaphore, #tpu.memory_space<semaphore_mem>>)
        %dma_wait3A_251 = arith.constant 0 : i32
        %dma_wait3A_252 = arith.constant 0 : i32
        %dma_wait3A_253 = tpu.memref_slice %arg10[%dma_wait3A_251, %dma_wait3A_252] : memref<40x128xi32, #tpu.memory_space<vmem>> -> memref<40x128xi32, #tpu.memory_space<vmem>>
        %dma_wait3A_254 = arith.constant 0 : i32
        %dma_wait3A_255 = arith.constant 0 : i32
        %dma_wait3A_256 = tpu.memref_slice %arg5[%arg1, %run_scoped3A_28, %dma_wait3A_254, %dma_wait3A_255] : memref<16x2x40x128xi32, #tpu.memory_space<hbm>> -> memref<1x1x40x128xi32, #tpu.memory_space<hbm>>
        %dma_wait3A_257 = tpu.memref_squeeze %dma_wait3A_256 : memref<1x1x40x128xi32, #tpu.memory_space<hbm>> -> memref<40x128xi32, #tpu.memory_space<hbm>>
        %dma_wait3A_258 = arith.constant 0 : i32
        %dma_wait3A_259 = arith.constant 0 : i32
        %dma_wait3A_260 = tpu.memref_slice %arg10[%dma_wait3A_258, %dma_wait3A_259] : memref<40x128xi32, #tpu.memory_space<vmem>> -> memref<40x128xi32, #tpu.memory_space<vmem>>
        %dma_wait3A_261 = arith.constant 0 : i32
        %dma_wait3A_262 = arith.constant 0 : i32
        %dma_wait3A_263 = tpu.memref_slice %arg5[%arg1, %run_scoped3A_28, %dma_wait3A_261, %dma_wait3A_262] : memref<16x2x40x128xi32, #tpu.memory_space<hbm>> -> memref<1x1x40x128xi32, #tpu.memory_space<hbm>>
        %dma_wait3A_264 = tpu.memref_squeeze %dma_wait3A_263 : memref<1x1x40x128xi32, #tpu.memory_space<hbm>> -> memref<40x128xi32, #tpu.memory_space<hbm>>
        tpu.wait_dma2 semaphore(%run_scoped3A_236 : memref<!tpu.dma_semaphore, #tpu.memory_space<semaphore_mem>>) src(%dma_wait3A_264 : memref<40x128xi32, #tpu.memory_space<hbm>>) dst(%dma_wait3A_260 : memref<40x128xi32, #tpu.memory_space<vmem>>)
        tpu.yield
      }) : () -> ()
      %run_scoped3A_29 = arith.constant 0 : i32
      "tpu.region"() ({
        %run_scoped3A_236 = tpu.sem_alloc : memref<!tpu.dma_semaphore, #tpu.memory_space<semaphore_mem>>
        %dma_start3A_237 = arith.constant 0 : i32
        %dma_start3A_238 = arith.constant 0 : i32
        %dma_start3A_239 = tpu.memref_slice %arg11[%dma_start3A_237, %dma_start3A_238] : memref<40x128xi32, #tpu.memory_space<vmem>> -> memref<40x128xi32, #tpu.memory_space<vmem>>
        %dma_start3A_240 = arith.constant 0 : i32
        %dma_start3A_241 = arith.constant 0 : i32
        %dma_start3A_242 = tpu.memref_slice %arg6[%arg1, %run_scoped3A_29, %dma_start3A_240, %dma_start3A_241] : memref<16x2x40x128xi32, #tpu.memory_space<hbm>> -> memref<1x1x40x128xi32, #tpu.memory_space<hbm>>
        %dma_start3A_243 = tpu.memref_squeeze %dma_start3A_242 : memref<1x1x40x128xi32, #tpu.memory_space<hbm>> -> memref<40x128xi32, #tpu.memory_space<hbm>>
        %dma_start3A_244 = arith.constant 0 : i32
        %dma_start3A_245 = arith.constant 0 : i32
        %dma_start3A_246 = tpu.memref_slice %arg11[%dma_start3A_244, %dma_start3A_245] : memref<40x128xi32, #tpu.memory_space<vmem>> -> memref<40x128xi32, #tpu.memory_space<vmem>>
        %dma_start3A_247 = arith.constant 0 : i32
        %dma_start3A_248 = arith.constant 0 : i32
        %dma_start3A_249 = tpu.memref_slice %arg6[%arg1, %run_scoped3A_29, %dma_start3A_247, %dma_start3A_248] : memref<16x2x40x128xi32, #tpu.memory_space<hbm>> -> memref<1x1x40x128xi32, #tpu.memory_space<hbm>>
        %dma_start3A_250 = tpu.memref_squeeze %dma_start3A_249 : memref<1x1x40x128xi32, #tpu.memory_space<hbm>> -> memref<40x128xi32, #tpu.memory_space<hbm>>
        tpu.enqueue_dma source(%dma_start3A_250 : memref<40x128xi32, #tpu.memory_space<hbm>>) target(%dma_start3A_246 : memref<40x128xi32, #tpu.memory_space<vmem>>) target_semaphore(%run_scoped3A_236 : memref<!tpu.dma_semaphore, #tpu.memory_space<semaphore_mem>>)
        %dma_wait3A_251 = arith.constant 0 : i32
        %dma_wait3A_252 = arith.constant 0 : i32
        %dma_wait3A_253 = tpu.memref_slice %arg11[%dma_wait3A_251, %dma_wait3A_252] : memref<40x128xi32, #tpu.memory_space<vmem>> -> memref<40x128xi32, #tpu.memory_space<vmem>>
        %dma_wait3A_254 = arith.constant 0 : i32
        %dma_wait3A_255 = arith.constant 0 : i32
        %dma_wait3A_256 = tpu.memref_slice %arg6[%arg1, %run_scoped3A_29, %dma_wait3A_254, %dma_wait3A_255] : memref<16x2x40x128xi32, #tpu.memory_space<hbm>> -> memref<1x1x40x128xi32, #tpu.memory_space<hbm>>
        %dma_wait3A_257 = tpu.memref_squeeze %dma_wait3A_256 : memref<1x1x40x128xi32, #tpu.memory_space<hbm>> -> memref<40x128xi32, #tpu.memory_space<hbm>>
        %dma_wait3A_258 = arith.constant 0 : i32
        %dma_wait3A_259 = arith.constant 0 : i32
        %dma_wait3A_260 = tpu.memref_slice %arg11[%dma_wait3A_258, %dma_wait3A_259] : memref<40x128xi32, #tpu.memory_space<vmem>> -> memref<40x128xi32, #tpu.memory_space<vmem>>
        %dma_wait3A_261 = arith.constant 0 : i32
        %dma_wait3A_262 = arith.constant 0 : i32
        %dma_wait3A_263 = tpu.memref_slice %arg6[%arg1, %run_scoped3A_29, %dma_wait3A_261, %dma_wait3A_262] : memref<16x2x40x128xi32, #tpu.memory_space<hbm>> -> memref<1x1x40x128xi32, #tpu.memory_space<hbm>>
        %dma_wait3A_264 = tpu.memref_squeeze %dma_wait3A_263 : memref<1x1x40x128xi32, #tpu.memory_space<hbm>> -> memref<40x128xi32, #tpu.memory_space<hbm>>
        tpu.wait_dma2 semaphore(%run_scoped3A_236 : memref<!tpu.dma_semaphore, #tpu.memory_space<semaphore_mem>>) src(%dma_wait3A_264 : memref<40x128xi32, #tpu.memory_space<hbm>>) dst(%dma_wait3A_260 : memref<40x128xi32, #tpu.memory_space<vmem>>)
        tpu.yield
      }) : () -> ()
      %dma_start3A = arith.constant 0 : i32
      %dma_start3A_30 = arith.constant 0 : i32
      %dma_start3A_31 = arith.constant 0 : i32
      %dma_start3A_32 = arith.constant 0 : i32
      %dma_start3A_33 = tpu.memref_slice %arg9[%dma_start3A_30, %dma_start3A_31, %dma_start3A_32] : memref<2x128x128xf32, #tpu.memory_space<vmem>> -> memref<1x128x128xf32, #tpu.memory_space<vmem>>
      %dma_start3A_34 = tpu.memref_squeeze %dma_start3A_33 : memref<1x128x128xf32, #tpu.memory_space<vmem>> -> memref<128x128xf32, #tpu.memory_space<vmem>>
      %dma_start3A_35 = arith.constant 0 : i32
      %dma_start3A_36 = tpu.memref_slice %arg10[%dma_start3A, %dma_start3A_35] : memref<40x128xi32, #tpu.memory_space<vmem>> -> memref<1x128xi32, #tpu.memory_space<vmem>>
      %dma_start3A_37 = tpu.memref_squeeze %dma_start3A_36 : memref<1x128xi32, #tpu.memory_space<vmem>> -> memref<128xi32, #tpu.memory_space<vmem>>
      %dma_start3A_38 = arith.constant 0 : i32
      %dma_start3A_39 = arith.constant 0 : i32
      %dma_start3A_40 = tpu.memref_slice %arg2[%dma_start3A_38, %dma_start3A_39] : memref<10000x128xf32, #tpu.memory_space<hbm>> -> memref<10000x128xf32, #tpu.memory_space<hbm>>
      tpu.enqueue_indirect_dma source(%dma_start3A_40 : memref<10000x128xf32, #tpu.memory_space<hbm>>) target(%dma_start3A_34 : memref<128x128xf32, #tpu.memory_space<vmem>>) offsets(%dma_start3A_37 : memref<128xi32, #tpu.memory_space<vmem>>) semaphore(%arg12 : memref<!tpu.dma_semaphore, #tpu.memory_space<semaphore_mem>>)
      %dma_start3A_41 = arith.constant 1 : i32
      %dma_start3A_42 = arith.constant 1 : i32
      %dma_start3A_43 = arith.constant 0 : i32
      %dma_start3A_44 = arith.constant 0 : i32
      %dma_start3A_45 = tpu.memref_slice %arg9[%dma_start3A_42, %dma_start3A_43, %dma_start3A_44] : memref<2x128x128xf32, #tpu.memory_space<vmem>> -> memref<1x128x128xf32, #tpu.memory_space<vmem>>
      %dma_start3A_46 = tpu.memref_squeeze %dma_start3A_45 : memref<1x128x128xf32, #tpu.memory_space<vmem>> -> memref<128x128xf32, #tpu.memory_space<vmem>>
      %dma_start3A_47 = arith.constant 0 : i32
      %dma_start3A_48 = tpu.memref_slice %arg10[%dma_start3A_41, %dma_start3A_47] : memref<40x128xi32, #tpu.memory_space<vmem>> -> memref<1x128xi32, #tpu.memory_space<vmem>>
      %dma_start3A_49 = tpu.memref_squeeze %dma_start3A_48 : memref<1x128xi32, #tpu.memory_space<vmem>> -> memref<128xi32, #tpu.memory_space<vmem>>
      %dma_start3A_50 = arith.constant 0 : i32
      %dma_start3A_51 = arith.constant 0 : i32
      %dma_start3A_52 = tpu.memref_slice %arg2[%dma_start3A_50, %dma_start3A_51] : memref<10000x128xf32, #tpu.memory_space<hbm>> -> memref<10000x128xf32, #tpu.memory_space<hbm>>
      tpu.enqueue_indirect_dma source(%dma_start3A_52 : memref<10000x128xf32, #tpu.memory_space<hbm>>) target(%dma_start3A_46 : memref<128x128xf32, #tpu.memory_space<vmem>>) offsets(%dma_start3A_49 : memref<128xi32, #tpu.memory_space<vmem>>) semaphore(%arg13 : memref<!tpu.dma_semaphore, #tpu.memory_space<semaphore_mem>>)
      %scan3A_53 = arith.constant 0 : i32
      %scan3A_54 = arith.constant 0 : i32
      %scan3A_55 = arith.constant 19 : i32
      %scan3A_56 = arith.addi %scan3A_54, %scan3A_55 : i32
      %scan3A_57 = arith.constant 1 : i32
      %scan3A_58 = scf.for %scan3A_236 = %scan3A_54 to %scan3A_56 step %scan3A_57 iter_args(%scan3A_237 = %scan3A_53) -> (i32)  : i32 {
        %mul3A_238 = arith.constant 2 : i32
        %mul3A_239 = arith.muli %mul3A_238, %scan3A_236 : i32
        %dma_wait3A_240 = arith.constant 0 : i32
        %dma_wait3A_241 = arith.constant 0 : i32
        %dma_wait3A_242 = arith.constant 0 : i32
        %dma_wait3A_243 = tpu.memref_slice %arg9[%dma_wait3A_240, %dma_wait3A_241, %dma_wait3A_242] : memref<2x128x128xf32, #tpu.memory_space<vmem>> -> memref<1x128x128xf32, #tpu.memory_space<vmem>>
        %dma_wait3A_244 = tpu.memref_squeeze %dma_wait3A_243 : memref<1x128x128xf32, #tpu.memory_space<vmem>> -> memref<128x128xf32, #tpu.memory_space<vmem>>
        %dma_wait3A_245 = arith.constant 0 : i32
        %dma_wait3A_246 = tpu.memref_slice %arg10[%mul3A_239, %dma_wait3A_245] : memref<40x128xi32, #tpu.memory_space<vmem>> -> memref<1x128xi32, #tpu.memory_space<vmem>>
        %dma_wait3A_247 = tpu.memref_squeeze %dma_wait3A_246 : memref<1x128xi32, #tpu.memory_space<vmem>> -> memref<128xi32, #tpu.memory_space<vmem>>
        %dma_wait3A_248 = arith.constant 0 : i32
        %dma_wait3A_249 = arith.constant 0 : i32
        %dma_wait3A_250 = tpu.memref_slice %arg2[%dma_wait3A_248, %dma_wait3A_249] : memref<10000x128xf32, #tpu.memory_space<hbm>> -> memref<10000x128xf32, #tpu.memory_space<hbm>>
        tpu.wait_indirect_dma semaphore(%arg12 : memref<!tpu.dma_semaphore, #tpu.memory_space<semaphore_mem>>) src(%dma_wait3A_250 : memref<10000x128xf32, #tpu.memory_space<hbm>>) dst(%dma_wait3A_244 : memref<128x128xf32, #tpu.memory_space<vmem>>)
        %dma_start3A_251 = arith.constant 0 : i32
        %dma_start3A_252 = arith.constant 0 : i32
        %dma_start3A_253 = arith.constant 0 : i32
        %dma_start3A_254 = tpu.memref_slice %arg9[%dma_start3A_251, %dma_start3A_252, %dma_start3A_253] : memref<2x128x128xf32, #tpu.memory_space<vmem>> -> memref<1x128x128xf32, #tpu.memory_space<vmem>>
        %dma_start3A_255 = tpu.memref_squeeze %dma_start3A_254 : memref<1x128x128xf32, #tpu.memory_space<vmem>> -> memref<128x128xf32, #tpu.memory_space<vmem>>
        %dma_start3A_256 = arith.constant 0 : i32
        %dma_start3A_257 = tpu.memref_slice %arg11[%mul3A_239, %dma_start3A_256] : memref<40x128xi32, #tpu.memory_space<vmem>> -> memref<1x128xi32, #tpu.memory_space<vmem>>
        %dma_start3A_258 = tpu.memref_squeeze %dma_start3A_257 : memref<1x128xi32, #tpu.memory_space<vmem>> -> memref<128xi32, #tpu.memory_space<vmem>>
        %dma_start3A_259 = arith.constant 0 : i32
        %dma_start3A_260 = arith.constant 0 : i32
        %dma_start3A_261 = tpu.memref_slice %arg8[%dma_start3A_259, %dma_start3A_260] : memref<10112x128xf32, #tpu.memory_space<vmem_shared>> -> memref<10112x128xf32, #tpu.memory_space<vmem_shared>>
        tpu.enqueue_indirect_dma source(%dma_start3A_255 : memref<128x128xf32, #tpu.memory_space<vmem>>) target(%dma_start3A_261 : memref<10112x128xf32, #tpu.memory_space<vmem_shared>>) offsets(%dma_start3A_258 : memref<128xi32, #tpu.memory_space<vmem>>) semaphore(%arg14 : memref<!tpu.dma_semaphore, #tpu.memory_space<semaphore_mem>>) {add = true}
        %dma_wait3A_262 = arith.constant 0 : i32
        %dma_wait3A_263 = arith.constant 0 : i32
        %dma_wait3A_264 = arith.constant 0 : i32
        %dma_wait3A_265 = tpu.memref_slice %arg9[%dma_wait3A_262, %dma_wait3A_263, %dma_wait3A_264] : memref<2x128x128xf32, #tpu.memory_space<vmem>> -> memref<1x128x128xf32, #tpu.memory_space<vmem>>
        %dma_wait3A_266 = tpu.memref_squeeze %dma_wait3A_265 : memref<1x128x128xf32, #tpu.memory_space<vmem>> -> memref<128x128xf32, #tpu.memory_space<vmem>>
        %dma_wait3A_267 = arith.constant 0 : i32
        %dma_wait3A_268 = tpu.memref_slice %arg11[%mul3A_239, %dma_wait3A_267] : memref<40x128xi32, #tpu.memory_space<vmem>> -> memref<1x128xi32, #tpu.memory_space<vmem>>
        %dma_wait3A_269 = tpu.memref_squeeze %dma_wait3A_268 : memref<1x128xi32, #tpu.memory_space<vmem>> -> memref<128xi32, #tpu.memory_space<vmem>>
        %dma_wait3A_270 = arith.constant 0 : i32
        %dma_wait3A_271 = arith.constant 0 : i32
        %dma_wait3A_272 = tpu.memref_slice %arg8[%dma_wait3A_270, %dma_wait3A_271] : memref<10112x128xf32, #tpu.memory_space<vmem_shared>> -> memref<10112x128xf32, #tpu.memory_space<vmem_shared>>
        tpu.wait_indirect_dma semaphore(%arg14 : memref<!tpu.dma_semaphore, #tpu.memory_space<semaphore_mem>>) src(%dma_wait3A_266 : memref<128x128xf32, #tpu.memory_space<vmem>>) dst(%dma_wait3A_272 : memref<10112x128xf32, #tpu.memory_space<vmem_shared>>)
        %add3A_273 = arith.constant 2 : i32
        %add3A_274 = arith.addi %mul3A_239, %add3A_273 : i32
        %dma_start3A_275 = arith.constant 0 : i32
        %dma_start3A_276 = arith.constant 0 : i32
        %dma_start3A_277 = arith.constant 0 : i32
        %dma_start3A_278 = tpu.memref_slice %arg9[%dma_start3A_275, %dma_start3A_276, %dma_start3A_277] : memref<2x128x128xf32, #tpu.memory_space<vmem>> -> memref<1x128x128xf32, #tpu.memory_space<vmem>>
        %dma_start3A_279 = tpu.memref_squeeze %dma_start3A_278 : memref<1x128x128xf32, #tpu.memory_space<vmem>> -> memref<128x128xf32, #tpu.memory_space<vmem>>
        %dma_start3A_280 = arith.constant 0 : i32
        %dma_start3A_281 = tpu.memref_slice %arg10[%add3A_274, %dma_start3A_280] : memref<40x128xi32, #tpu.memory_space<vmem>> -> memref<1x128xi32, #tpu.memory_space<vmem>>
        %dma_start3A_282 = tpu.memref_squeeze %dma_start3A_281 : memref<1x128xi32, #tpu.memory_space<vmem>> -> memref<128xi32, #tpu.memory_space<vmem>>
        %dma_start3A_283 = arith.constant 0 : i32
        %dma_start3A_284 = arith.constant 0 : i32
        %dma_start3A_285 = tpu.memref_slice %arg2[%dma_start3A_283, %dma_start3A_284] : memref<10000x128xf32, #tpu.memory_space<hbm>> -> memref<10000x128xf32, #tpu.memory_space<hbm>>
        tpu.enqueue_indirect_dma source(%dma_start3A_285 : memref<10000x128xf32, #tpu.memory_space<hbm>>) target(%dma_start3A_279 : memref<128x128xf32, #tpu.memory_space<vmem>>) offsets(%dma_start3A_282 : memref<128xi32, #tpu.memory_space<vmem>>) semaphore(%arg12 : memref<!tpu.dma_semaphore, #tpu.memory_space<semaphore_mem>>)
        %add3A_286 = arith.constant 1 : i32
        %add3A_287 = arith.addi %mul3A_239, %add3A_286 : i32
        %dma_wait3A_288 = arith.constant 1 : i32
        %dma_wait3A_289 = arith.constant 0 : i32
        %dma_wait3A_290 = arith.constant 0 : i32
        %dma_wait3A_291 = tpu.memref_slice %arg9[%dma_wait3A_288, %dma_wait3A_289, %dma_wait3A_290] : memref<2x128x128xf32, #tpu.memory_space<vmem>> -> memref<1x128x128xf32, #tpu.memory_space<vmem>>
        %dma_wait3A_292 = tpu.memref_squeeze %dma_wait3A_291 : memref<1x128x128xf32, #tpu.memory_space<vmem>> -> memref<128x128xf32, #tpu.memory_space<vmem>>
        %dma_wait3A_293 = arith.constant 0 : i32
        %dma_wait3A_294 = tpu.memref_slice %arg10[%add3A_287, %dma_wait3A_293] : memref<40x128xi32, #tpu.memory_space<vmem>> -> memref<1x128xi32, #tpu.memory_space<vmem>>
        %dma_wait3A_295 = tpu.memref_squeeze %dma_wait3A_294 : memref<1x128xi32, #tpu.memory_space<vmem>> -> memref<128xi32, #tpu.memory_space<vmem>>
        %dma_wait3A_296 = arith.constant 0 : i32
        %dma_wait3A_297 = arith.constant 0 : i32
        %dma_wait3A_298 = tpu.memref_slice %arg2[%dma_wait3A_296, %dma_wait3A_297] : memref<10000x128xf32, #tpu.memory_space<hbm>> -> memref<10000x128xf32, #tpu.memory_space<hbm>>
        tpu.wait_indirect_dma semaphore(%arg13 : memref<!tpu.dma_semaphore, #tpu.memory_space<semaphore_mem>>) src(%dma_wait3A_298 : memref<10000x128xf32, #tpu.memory_space<hbm>>) dst(%dma_wait3A_292 : memref<128x128xf32, #tpu.memory_space<vmem>>)
        %add3A_299 = arith.constant 1 : i32
        %add3A_300 = arith.addi %mul3A_239, %add3A_299 : i32
        %dma_start3A_301 = arith.constant 1 : i32
        %dma_start3A_302 = arith.constant 0 : i32
        %dma_start3A_303 = arith.constant 0 : i32
        %dma_start3A_304 = tpu.memref_slice %arg9[%dma_start3A_301, %dma_start3A_302, %dma_start3A_303] : memref<2x128x128xf32, #tpu.memory_space<vmem>> -> memref<1x128x128xf32, #tpu.memory_space<vmem>>
        %dma_start3A_305 = tpu.memref_squeeze %dma_start3A_304 : memref<1x128x128xf32, #tpu.memory_space<vmem>> -> memref<128x128xf32, #tpu.memory_space<vmem>>
        %dma_start3A_306 = arith.constant 0 : i32
        %dma_start3A_307 = tpu.memref_slice %arg11[%add3A_300, %dma_start3A_306] : memref<40x128xi32, #tpu.memory_space<vmem>> -> memref<1x128xi32, #tpu.memory_space<vmem>>
        %dma_start3A_308 = tpu.memref_squeeze %dma_start3A_307 : memref<1x128xi32, #tpu.memory_space<vmem>> -> memref<128xi32, #tpu.memory_space<vmem>>
        %dma_start3A_309 = arith.constant 0 : i32
        %dma_start3A_310 = arith.constant 0 : i32
        %dma_start3A_311 = tpu.memref_slice %arg8[%dma_start3A_309, %dma_start3A_310] : memref<10112x128xf32, #tpu.memory_space<vmem_shared>> -> memref<10112x128xf32, #tpu.memory_space<vmem_shared>>
        tpu.enqueue_indirect_dma source(%dma_start3A_305 : memref<128x128xf32, #tpu.memory_space<vmem>>) target(%dma_start3A_311 : memref<10112x128xf32, #tpu.memory_space<vmem_shared>>) offsets(%dma_start3A_308 : memref<128xi32, #tpu.memory_space<vmem>>) semaphore(%arg15 : memref<!tpu.dma_semaphore, #tpu.memory_space<semaphore_mem>>) {add = true}
        %add3A_312 = arith.constant 1 : i32
        %add3A_313 = arith.addi %mul3A_239, %add3A_312 : i32
        %dma_wait3A_314 = arith.constant 1 : i32
        %dma_wait3A_315 = arith.constant 0 : i32
        %dma_wait3A_316 = arith.constant 0 : i32
        %dma_wait3A_317 = tpu.memref_slice %arg9[%dma_wait3A_314, %dma_wait3A_315, %dma_wait3A_316] : memref<2x128x128xf32, #tpu.memory_space<vmem>> -> memref<1x128x128xf32, #tpu.memory_space<vmem>>
        %dma_wait3A_318 = tpu.memref_squeeze %dma_wait3A_317 : memref<1x128x128xf32, #tpu.memory_space<vmem>> -> memref<128x128xf32, #tpu.memory_space<vmem>>
        %dma_wait3A_319 = arith.constant 0 : i32
        %dma_wait3A_320 = tpu.memref_slice %arg11[%add3A_313, %dma_wait3A_319] : memref<40x128xi32, #tpu.memory_space<vmem>> -> memref<1x128xi32, #tpu.memory_space<vmem>>
        %dma_wait3A_321 = tpu.memref_squeeze %dma_wait3A_320 : memref<1x128xi32, #tpu.memory_space<vmem>> -> memref<128xi32, #tpu.memory_space<vmem>>
        %dma_wait3A_322 = arith.constant 0 : i32
        %dma_wait3A_323 = arith.constant 0 : i32
        %dma_wait3A_324 = tpu.memref_slice %arg8[%dma_wait3A_322, %dma_wait3A_323] : memref<10112x128xf32, #tpu.memory_space<vmem_shared>> -> memref<10112x128xf32, #tpu.memory_space<vmem_shared>>
        tpu.wait_indirect_dma semaphore(%arg15 : memref<!tpu.dma_semaphore, #tpu.memory_space<semaphore_mem>>) src(%dma_wait3A_318 : memref<128x128xf32, #tpu.memory_space<vmem>>) dst(%dma_wait3A_324 : memref<10112x128xf32, #tpu.memory_space<vmem_shared>>)
        %add3A_325 = arith.constant 3 : i32
        %add3A_326 = arith.addi %mul3A_239, %add3A_325 : i32
        %dma_start3A_327 = arith.constant 1 : i32
        %dma_start3A_328 = arith.constant 0 : i32
        %dma_start3A_329 = arith.constant 0 : i32
        %dma_start3A_330 = tpu.memref_slice %arg9[%dma_start3A_327, %dma_start3A_328, %dma_start3A_329] : memref<2x128x128xf32, #tpu.memory_space<vmem>> -> memref<1x128x128xf32, #tpu.memory_space<vmem>>
        %dma_start3A_331 = tpu.memref_squeeze %dma_start3A_330 : memref<1x128x128xf32, #tpu.memory_space<vmem>> -> memref<128x128xf32, #tpu.memory_space<vmem>>
        %dma_start3A_332 = arith.constant 0 : i32
        %dma_start3A_333 = tpu.memref_slice %arg10[%add3A_326, %dma_start3A_332] : memref<40x128xi32, #tpu.memory_space<vmem>> -> memref<1x128xi32, #tpu.memory_space<vmem>>
        %dma_start3A_334 = tpu.memref_squeeze %dma_start3A_333 : memref<1x128xi32, #tpu.memory_space<vmem>> -> memref<128xi32, #tpu.memory_space<vmem>>
        %dma_start3A_335 = arith.constant 0 : i32
        %dma_start3A_336 = arith.constant 0 : i32
        %dma_start3A_337 = tpu.memref_slice %arg2[%dma_start3A_335, %dma_start3A_336] : memref<10000x128xf32, #tpu.memory_space<hbm>> -> memref<10000x128xf32, #tpu.memory_space<hbm>>
        tpu.enqueue_indirect_dma source(%dma_start3A_337 : memref<10000x128xf32, #tpu.memory_space<hbm>>) target(%dma_start3A_331 : memref<128x128xf32, #tpu.memory_space<vmem>>) offsets(%dma_start3A_334 : memref<128xi32, #tpu.memory_space<vmem>>) semaphore(%arg13 : memref<!tpu.dma_semaphore, #tpu.memory_space<semaphore_mem>>)
        %scan3A_338 = arith.constant 0 : i32
        scf.yield %scan3A_338 : i32
      }
      %scan3A_59 = arith.constant 19 : i32
      %dma_wait3A = arith.constant 38 : i32
      %dma_wait3A_60 = arith.constant 0 : i32
      %dma_wait3A_61 = arith.constant 0 : i32
      %dma_wait3A_62 = arith.constant 0 : i32
      %dma_wait3A_63 = tpu.memref_slice %arg9[%dma_wait3A_60, %dma_wait3A_61, %dma_wait3A_62] : memref<2x128x128xf32, #tpu.memory_space<vmem>> -> memref<1x128x128xf32, #tpu.memory_space<vmem>>
      %dma_wait3A_64 = tpu.memref_squeeze %dma_wait3A_63 : memref<1x128x128xf32, #tpu.memory_space<vmem>> -> memref<128x128xf32, #tpu.memory_space<vmem>>
      %dma_wait3A_65 = arith.constant 0 : i32
      %dma_wait3A_66 = tpu.memref_slice %arg10[%dma_wait3A, %dma_wait3A_65] : memref<40x128xi32, #tpu.memory_space<vmem>> -> memref<1x128xi32, #tpu.memory_space<vmem>>
      %dma_wait3A_67 = tpu.memref_squeeze %dma_wait3A_66 : memref<1x128xi32, #tpu.memory_space<vmem>> -> memref<128xi32, #tpu.memory_space<vmem>>
      %dma_wait3A_68 = arith.constant 0 : i32
      %dma_wait3A_69 = arith.constant 0 : i32
      %dma_wait3A_70 = tpu.memref_slice %arg2[%dma_wait3A_68, %dma_wait3A_69] : memref<10000x128xf32, #tpu.memory_space<hbm>> -> memref<10000x128xf32, #tpu.memory_space<hbm>>
      tpu.wait_indirect_dma semaphore(%arg12 : memref<!tpu.dma_semaphore, #tpu.memory_space<semaphore_mem>>) src(%dma_wait3A_70 : memref<10000x128xf32, #tpu.memory_space<hbm>>) dst(%dma_wait3A_64 : memref<128x128xf32, #tpu.memory_space<vmem>>)
      %dma_start3A_71 = arith.constant 0 : i32
      %dma_start3A_72 = arith.constant 38 : i32
      %dma_start3A_73 = arith.constant 0 : i32
      %dma_start3A_74 = arith.constant 0 : i32
      %dma_start3A_75 = tpu.memref_slice %arg9[%dma_start3A_71, %dma_start3A_73, %dma_start3A_74] : memref<2x128x128xf32, #tpu.memory_space<vmem>> -> memref<1x128x128xf32, #tpu.memory_space<vmem>>
      %dma_start3A_76 = tpu.memref_squeeze %dma_start3A_75 : memref<1x128x128xf32, #tpu.memory_space<vmem>> -> memref<128x128xf32, #tpu.memory_space<vmem>>
      %dma_start3A_77 = arith.constant 0 : i32
      %dma_start3A_78 = tpu.memref_slice %arg11[%dma_start3A_72, %dma_start3A_77] : memref<40x128xi32, #tpu.memory_space<vmem>> -> memref<1x128xi32, #tpu.memory_space<vmem>>
      %dma_start3A_79 = tpu.memref_squeeze %dma_start3A_78 : memref<1x128xi32, #tpu.memory_space<vmem>> -> memref<128xi32, #tpu.memory_space<vmem>>
      %dma_start3A_80 = arith.constant 0 : i32
      %dma_start3A_81 = arith.constant 0 : i32
      %dma_start3A_82 = tpu.memref_slice %arg8[%dma_start3A_80, %dma_start3A_81] : memref<10112x128xf32, #tpu.memory_space<vmem_shared>> -> memref<10112x128xf32, #tpu.memory_space<vmem_shared>>
      tpu.enqueue_indirect_dma source(%dma_start3A_76 : memref<128x128xf32, #tpu.memory_space<vmem>>) target(%dma_start3A_82 : memref<10112x128xf32, #tpu.memory_space<vmem_shared>>) offsets(%dma_start3A_79 : memref<128xi32, #tpu.memory_space<vmem>>) semaphore(%arg14 : memref<!tpu.dma_semaphore, #tpu.memory_space<semaphore_mem>>) {add = true}
      %dma_wait3A_83 = arith.constant 0 : i32
      %dma_wait3A_84 = arith.constant 38 : i32
      %dma_wait3A_85 = arith.constant 0 : i32
      %dma_wait3A_86 = arith.constant 0 : i32
      %dma_wait3A_87 = tpu.memref_slice %arg9[%dma_wait3A_83, %dma_wait3A_85, %dma_wait3A_86] : memref<2x128x128xf32, #tpu.memory_space<vmem>> -> memref<1x128x128xf32, #tpu.memory_space<vmem>>
      %dma_wait3A_88 = tpu.memref_squeeze %dma_wait3A_87 : memref<1x128x128xf32, #tpu.memory_space<vmem>> -> memref<128x128xf32, #tpu.memory_space<vmem>>
      %dma_wait3A_89 = arith.constant 0 : i32
      %dma_wait3A_90 = tpu.memref_slice %arg11[%dma_wait3A_84, %dma_wait3A_89] : memref<40x128xi32, #tpu.memory_space<vmem>> -> memref<1x128xi32, #tpu.memory_space<vmem>>
      %dma_wait3A_91 = tpu.memref_squeeze %dma_wait3A_90 : memref<1x128xi32, #tpu.memory_space<vmem>> -> memref<128xi32, #tpu.memory_space<vmem>>
      %dma_wait3A_92 = arith.constant 0 : i32
      %dma_wait3A_93 = arith.constant 0 : i32
      %dma_wait3A_94 = tpu.memref_slice %arg8[%dma_wait3A_92, %dma_wait3A_93] : memref<10112x128xf32, #tpu.memory_space<vmem_shared>> -> memref<10112x128xf32, #tpu.memory_space<vmem_shared>>
      tpu.wait_indirect_dma semaphore(%arg14 : memref<!tpu.dma_semaphore, #tpu.memory_space<semaphore_mem>>) src(%dma_wait3A_88 : memref<128x128xf32, #tpu.memory_space<vmem>>) dst(%dma_wait3A_94 : memref<10112x128xf32, #tpu.memory_space<vmem_shared>>)
      %dma_wait3A_95 = arith.constant 39 : i32
      %dma_wait3A_96 = arith.constant 1 : i32
      %dma_wait3A_97 = arith.constant 0 : i32
      %dma_wait3A_98 = arith.constant 0 : i32
      %dma_wait3A_99 = tpu.memref_slice %arg9[%dma_wait3A_96, %dma_wait3A_97, %dma_wait3A_98] : memref<2x128x128xf32, #tpu.memory_space<vmem>> -> memref<1x128x128xf32, #tpu.memory_space<vmem>>
      %dma_wait3A_100 = tpu.memref_squeeze %dma_wait3A_99 : memref<1x128x128xf32, #tpu.memory_space<vmem>> -> memref<128x128xf32, #tpu.memory_space<vmem>>
      %dma_wait3A_101 = arith.constant 0 : i32
      %dma_wait3A_102 = tpu.memref_slice %arg10[%dma_wait3A_95, %dma_wait3A_101] : memref<40x128xi32, #tpu.memory_space<vmem>> -> memref<1x128xi32, #tpu.memory_space<vmem>>
      %dma_wait3A_103 = tpu.memref_squeeze %dma_wait3A_102 : memref<1x128xi32, #tpu.memory_space<vmem>> -> memref<128xi32, #tpu.memory_space<vmem>>
      %dma_wait3A_104 = arith.constant 0 : i32
      %dma_wait3A_105 = arith.constant 0 : i32
      %dma_wait3A_106 = tpu.memref_slice %arg2[%dma_wait3A_104, %dma_wait3A_105] : memref<10000x128xf32, #tpu.memory_space<hbm>> -> memref<10000x128xf32, #tpu.memory_space<hbm>>
      tpu.wait_indirect_dma semaphore(%arg13 : memref<!tpu.dma_semaphore, #tpu.memory_space<semaphore_mem>>) src(%dma_wait3A_106 : memref<10000x128xf32, #tpu.memory_space<hbm>>) dst(%dma_wait3A_100 : memref<128x128xf32, #tpu.memory_space<vmem>>)
      %dma_start3A_107 = arith.constant 1 : i32
      %dma_start3A_108 = arith.constant 39 : i32
      %dma_start3A_109 = arith.constant 0 : i32
      %dma_start3A_110 = arith.constant 0 : i32
      %dma_start3A_111 = tpu.memref_slice %arg9[%dma_start3A_107, %dma_start3A_109, %dma_start3A_110] : memref<2x128x128xf32, #tpu.memory_space<vmem>> -> memref<1x128x128xf32, #tpu.memory_space<vmem>>
      %dma_start3A_112 = tpu.memref_squeeze %dma_start3A_111 : memref<1x128x128xf32, #tpu.memory_space<vmem>> -> memref<128x128xf32, #tpu.memory_space<vmem>>
      %dma_start3A_113 = arith.constant 0 : i32
      %dma_start3A_114 = tpu.memref_slice %arg11[%dma_start3A_108, %dma_start3A_113] : memref<40x128xi32, #tpu.memory_space<vmem>> -> memref<1x128xi32, #tpu.memory_space<vmem>>
      %dma_start3A_115 = tpu.memref_squeeze %dma_start3A_114 : memref<1x128xi32, #tpu.memory_space<vmem>> -> memref<128xi32, #tpu.memory_space<vmem>>
      %dma_start3A_116 = arith.constant 0 : i32
      %dma_start3A_117 = arith.constant 0 : i32
      %dma_start3A_118 = tpu.memref_slice %arg8[%dma_start3A_116, %dma_start3A_117] : memref<10112x128xf32, #tpu.memory_space<vmem_shared>> -> memref<10112x128xf32, #tpu.memory_space<vmem_shared>>
      tpu.enqueue_indirect_dma source(%dma_start3A_112 : memref<128x128xf32, #tpu.memory_space<vmem>>) target(%dma_start3A_118 : memref<10112x128xf32, #tpu.memory_space<vmem_shared>>) offsets(%dma_start3A_115 : memref<128xi32, #tpu.memory_space<vmem>>) semaphore(%arg15 : memref<!tpu.dma_semaphore, #tpu.memory_space<semaphore_mem>>) {add = true}
      %dma_wait3A_119 = arith.constant 1 : i32
      %dma_wait3A_120 = arith.constant 39 : i32
      %dma_wait3A_121 = arith.constant 0 : i32
      %dma_wait3A_122 = arith.constant 0 : i32
      %dma_wait3A_123 = tpu.memref_slice %arg9[%dma_wait3A_119, %dma_wait3A_121, %dma_wait3A_122] : memref<2x128x128xf32, #tpu.memory_space<vmem>> -> memref<1x128x128xf32, #tpu.memory_space<vmem>>
      %dma_wait3A_124 = tpu.memref_squeeze %dma_wait3A_123 : memref<1x128x128xf32, #tpu.memory_space<vmem>> -> memref<128x128xf32, #tpu.memory_space<vmem>>
      %dma_wait3A_125 = arith.constant 0 : i32
      %dma_wait3A_126 = tpu.memref_slice %arg11[%dma_wait3A_120, %dma_wait3A_125] : memref<40x128xi32, #tpu.memory_space<vmem>> -> memref<1x128xi32, #tpu.memory_space<vmem>>
      %dma_wait3A_127 = tpu.memref_squeeze %dma_wait3A_126 : memref<1x128xi32, #tpu.memory_space<vmem>> -> memref<128xi32, #tpu.memory_space<vmem>>
      %dma_wait3A_128 = arith.constant 0 : i32
      %dma_wait3A_129 = arith.constant 0 : i32
      %dma_wait3A_130 = tpu.memref_slice %arg8[%dma_wait3A_128, %dma_wait3A_129] : memref<10112x128xf32, #tpu.memory_space<vmem_shared>> -> memref<10112x128xf32, #tpu.memory_space<vmem_shared>>
      tpu.wait_indirect_dma semaphore(%arg15 : memref<!tpu.dma_semaphore, #tpu.memory_space<semaphore_mem>>) src(%dma_wait3A_124 : memref<128x128xf32, #tpu.memory_space<vmem>>) dst(%dma_wait3A_130 : memref<10112x128xf32, #tpu.memory_space<vmem_shared>>)
      %run_scoped3A_131 = arith.constant 1 : i32
      "tpu.region"() ({
        %run_scoped3A_236 = tpu.sem_alloc : memref<!tpu.dma_semaphore, #tpu.memory_space<semaphore_mem>>
        %dma_start3A_237 = arith.constant 0 : i32
        %dma_start3A_238 = arith.constant 0 : i32
        %dma_start3A_239 = tpu.memref_slice %arg10[%dma_start3A_237, %dma_start3A_238] : memref<40x128xi32, #tpu.memory_space<vmem>> -> memref<40x128xi32, #tpu.memory_space<vmem>>
        %dma_start3A_240 = arith.constant 0 : i32
        %dma_start3A_241 = arith.constant 0 : i32
        %dma_start3A_242 = tpu.memref_slice %arg5[%arg1, %run_scoped3A_131, %dma_start3A_240, %dma_start3A_241] : memref<16x2x40x128xi32, #tpu.memory_space<hbm>> -> memref<1x1x40x128xi32, #tpu.memory_space<hbm>>
        %dma_start3A_243 = tpu.memref_squeeze %dma_start3A_242 : memref<1x1x40x128xi32, #tpu.memory_space<hbm>> -> memref<40x128xi32, #tpu.memory_space<hbm>>
        %dma_start3A_244 = arith.constant 0 : i32
        %dma_start3A_245 = arith.constant 0 : i32
        %dma_start3A_246 = tpu.memref_slice %arg10[%dma_start3A_244, %dma_start3A_245] : memref<40x128xi32, #tpu.memory_space<vmem>> -> memref<40x128xi32, #tpu.memory_space<vmem>>
        %dma_start3A_247 = arith.constant 0 : i32
        %dma_start3A_248 = arith.constant 0 : i32
        %dma_start3A_249 = tpu.memref_slice %arg5[%arg1, %run_scoped3A_131, %dma_start3A_247, %dma_start3A_248] : memref<16x2x40x128xi32, #tpu.memory_space<hbm>> -> memref<1x1x40x128xi32, #tpu.memory_space<hbm>>
        %dma_start3A_250 = tpu.memref_squeeze %dma_start3A_249 : memref<1x1x40x128xi32, #tpu.memory_space<hbm>> -> memref<40x128xi32, #tpu.memory_space<hbm>>
        tpu.enqueue_dma source(%dma_start3A_250 : memref<40x128xi32, #tpu.memory_space<hbm>>) target(%dma_start3A_246 : memref<40x128xi32, #tpu.memory_space<vmem>>) target_semaphore(%run_scoped3A_236 : memref<!tpu.dma_semaphore, #tpu.memory_space<semaphore_mem>>)
        %dma_wait3A_251 = arith.constant 0 : i32
        %dma_wait3A_252 = arith.constant 0 : i32
        %dma_wait3A_253 = tpu.memref_slice %arg10[%dma_wait3A_251, %dma_wait3A_252] : memref<40x128xi32, #tpu.memory_space<vmem>> -> memref<40x128xi32, #tpu.memory_space<vmem>>
        %dma_wait3A_254 = arith.constant 0 : i32
        %dma_wait3A_255 = arith.constant 0 : i32
        %dma_wait3A_256 = tpu.memref_slice %arg5[%arg1, %run_scoped3A_131, %dma_wait3A_254, %dma_wait3A_255] : memref<16x2x40x128xi32, #tpu.memory_space<hbm>> -> memref<1x1x40x128xi32, #tpu.memory_space<hbm>>
        %dma_wait3A_257 = tpu.memref_squeeze %dma_wait3A_256 : memref<1x1x40x128xi32, #tpu.memory_space<hbm>> -> memref<40x128xi32, #tpu.memory_space<hbm>>
        %dma_wait3A_258 = arith.constant 0 : i32
        %dma_wait3A_259 = arith.constant 0 : i32
        %dma_wait3A_260 = tpu.memref_slice %arg10[%dma_wait3A_258, %dma_wait3A_259] : memref<40x128xi32, #tpu.memory_space<vmem>> -> memref<40x128xi32, #tpu.memory_space<vmem>>
        %dma_wait3A_261 = arith.constant 0 : i32
        %dma_wait3A_262 = arith.constant 0 : i32
        %dma_wait3A_263 = tpu.memref_slice %arg5[%arg1, %run_scoped3A_131, %dma_wait3A_261, %dma_wait3A_262] : memref<16x2x40x128xi32, #tpu.memory_space<hbm>> -> memref<1x1x40x128xi32, #tpu.memory_space<hbm>>
        %dma_wait3A_264 = tpu.memref_squeeze %dma_wait3A_263 : memref<1x1x40x128xi32, #tpu.memory_space<hbm>> -> memref<40x128xi32, #tpu.memory_space<hbm>>
        tpu.wait_dma2 semaphore(%run_scoped3A_236 : memref<!tpu.dma_semaphore, #tpu.memory_space<semaphore_mem>>) src(%dma_wait3A_264 : memref<40x128xi32, #tpu.memory_space<hbm>>) dst(%dma_wait3A_260 : memref<40x128xi32, #tpu.memory_space<vmem>>)
        tpu.yield
      }) : () -> ()
      %run_scoped3A_132 = arith.constant 1 : i32
      "tpu.region"() ({
        %run_scoped3A_236 = tpu.sem_alloc : memref<!tpu.dma_semaphore, #tpu.memory_space<semaphore_mem>>
        %dma_start3A_237 = arith.constant 0 : i32
        %dma_start3A_238 = arith.constant 0 : i32
        %dma_start3A_239 = tpu.memref_slice %arg11[%dma_start3A_237, %dma_start3A_238] : memref<40x128xi32, #tpu.memory_space<vmem>> -> memref<40x128xi32, #tpu.memory_space<vmem>>
        %dma_start3A_240 = arith.constant 0 : i32
        %dma_start3A_241 = arith.constant 0 : i32
        %dma_start3A_242 = tpu.memref_slice %arg6[%arg1, %run_scoped3A_132, %dma_start3A_240, %dma_start3A_241] : memref<16x2x40x128xi32, #tpu.memory_space<hbm>> -> memref<1x1x40x128xi32, #tpu.memory_space<hbm>>
        %dma_start3A_243 = tpu.memref_squeeze %dma_start3A_242 : memref<1x1x40x128xi32, #tpu.memory_space<hbm>> -> memref<40x128xi32, #tpu.memory_space<hbm>>
        %dma_start3A_244 = arith.constant 0 : i32
        %dma_start3A_245 = arith.constant 0 : i32
        %dma_start3A_246 = tpu.memref_slice %arg11[%dma_start3A_244, %dma_start3A_245] : memref<40x128xi32, #tpu.memory_space<vmem>> -> memref<40x128xi32, #tpu.memory_space<vmem>>
        %dma_start3A_247 = arith.constant 0 : i32
        %dma_start3A_248 = arith.constant 0 : i32
        %dma_start3A_249 = tpu.memref_slice %arg6[%arg1, %run_scoped3A_132, %dma_start3A_247, %dma_start3A_248] : memref<16x2x40x128xi32, #tpu.memory_space<hbm>> -> memref<1x1x40x128xi32, #tpu.memory_space<hbm>>
        %dma_start3A_250 = tpu.memref_squeeze %dma_start3A_249 : memref<1x1x40x128xi32, #tpu.memory_space<hbm>> -> memref<40x128xi32, #tpu.memory_space<hbm>>
        tpu.enqueue_dma source(%dma_start3A_250 : memref<40x128xi32, #tpu.memory_space<hbm>>) target(%dma_start3A_246 : memref<40x128xi32, #tpu.memory_space<vmem>>) target_semaphore(%run_scoped3A_236 : memref<!tpu.dma_semaphore, #tpu.memory_space<semaphore_mem>>)
        %dma_wait3A_251 = arith.constant 0 : i32
        %dma_wait3A_252 = arith.constant 0 : i32
        %dma_wait3A_253 = tpu.memref_slice %arg11[%dma_wait3A_251, %dma_wait3A_252] : memref<40x128xi32, #tpu.memory_space<vmem>> -> memref<40x128xi32, #tpu.memory_space<vmem>>
        %dma_wait3A_254 = arith.constant 0 : i32
        %dma_wait3A_255 = arith.constant 0 : i32
        %dma_wait3A_256 = tpu.memref_slice %arg6[%arg1, %run_scoped3A_132, %dma_wait3A_254, %dma_wait3A_255] : memref<16x2x40x128xi32, #tpu.memory_space<hbm>> -> memref<1x1x40x128xi32, #tpu.memory_space<hbm>>
        %dma_wait3A_257 = tpu.memref_squeeze %dma_wait3A_256 : memref<1x1x40x128xi32, #tpu.memory_space<hbm>> -> memref<40x128xi32, #tpu.memory_space<hbm>>
        %dma_wait3A_258 = arith.constant 0 : i32
        %dma_wait3A_259 = arith.constant 0 : i32
        %dma_wait3A_260 = tpu.memref_slice %arg11[%dma_wait3A_258, %dma_wait3A_259] : memref<40x128xi32, #tpu.memory_space<vmem>> -> memref<40x128xi32, #tpu.memory_space<vmem>>
        %dma_wait3A_261 = arith.constant 0 : i32
        %dma_wait3A_262 = arith.constant 0 : i32
        %dma_wait3A_263 = tpu.memref_slice %arg6[%arg1, %run_scoped3A_132, %dma_wait3A_261, %dma_wait3A_262] : memref<16x2x40x128xi32, #tpu.memory_space<hbm>> -> memref<1x1x40x128xi32, #tpu.memory_space<hbm>>
        %dma_wait3A_264 = tpu.memref_squeeze %dma_wait3A_263 : memref<1x1x40x128xi32, #tpu.memory_space<hbm>> -> memref<40x128xi32, #tpu.memory_space<hbm>>
        tpu.wait_dma2 semaphore(%run_scoped3A_236 : memref<!tpu.dma_semaphore, #tpu.memory_space<semaphore_mem>>) src(%dma_wait3A_264 : memref<40x128xi32, #tpu.memory_space<hbm>>) dst(%dma_wait3A_260 : memref<40x128xi32, #tpu.memory_space<vmem>>)
        tpu.yield
      }) : () -> ()
      %dma_start3A_133 = arith.constant 0 : i32
      %dma_start3A_134 = arith.constant 0 : i32
      %dma_start3A_135 = arith.constant 0 : i32
      %dma_start3A_136 = arith.constant 0 : i32
      %dma_start3A_137 = tpu.memref_slice %arg9[%dma_start3A_134, %dma_start3A_135, %dma_start3A_136] : memref<2x128x128xf32, #tpu.memory_space<vmem>> -> memref<1x128x128xf32, #tpu.memory_space<vmem>>
      %dma_start3A_138 = tpu.memref_squeeze %dma_start3A_137 : memref<1x128x128xf32, #tpu.memory_space<vmem>> -> memref<128x128xf32, #tpu.memory_space<vmem>>
      %dma_start3A_139 = arith.constant 0 : i32
      %dma_start3A_140 = tpu.memref_slice %arg10[%dma_start3A_133, %dma_start3A_139] : memref<40x128xi32, #tpu.memory_space<vmem>> -> memref<1x128xi32, #tpu.memory_space<vmem>>
      %dma_start3A_141 = tpu.memref_squeeze %dma_start3A_140 : memref<1x128xi32, #tpu.memory_space<vmem>> -> memref<128xi32, #tpu.memory_space<vmem>>
      %dma_start3A_142 = arith.constant 0 : i32
      %dma_start3A_143 = arith.constant 0 : i32
      %dma_start3A_144 = tpu.memref_slice %arg2[%dma_start3A_142, %dma_start3A_143] : memref<10000x128xf32, #tpu.memory_space<hbm>> -> memref<10000x128xf32, #tpu.memory_space<hbm>>
      tpu.enqueue_indirect_dma source(%dma_start3A_144 : memref<10000x128xf32, #tpu.memory_space<hbm>>) target(%dma_start3A_138 : memref<128x128xf32, #tpu.memory_space<vmem>>) offsets(%dma_start3A_141 : memref<128xi32, #tpu.memory_space<vmem>>) semaphore(%arg12 : memref<!tpu.dma_semaphore, #tpu.memory_space<semaphore_mem>>)
      %dma_start3A_145 = arith.constant 1 : i32
      %dma_start3A_146 = arith.constant 1 : i32
      %dma_start3A_147 = arith.constant 0 : i32
      %dma_start3A_148 = arith.constant 0 : i32
      %dma_start3A_149 = tpu.memref_slice %arg9[%dma_start3A_146, %dma_start3A_147, %dma_start3A_148] : memref<2x128x128xf32, #tpu.memory_space<vmem>> -> memref<1x128x128xf32, #tpu.memory_space<vmem>>
      %dma_start3A_150 = tpu.memref_squeeze %dma_start3A_149 : memref<1x128x128xf32, #tpu.memory_space<vmem>> -> memref<128x128xf32, #tpu.memory_space<vmem>>
      %dma_start3A_151 = arith.constant 0 : i32
      %dma_start3A_152 = tpu.memref_slice %arg10[%dma_start3A_145, %dma_start3A_151] : memref<40x128xi32, #tpu.memory_space<vmem>> -> memref<1x128xi32, #tpu.memory_space<vmem>>
      %dma_start3A_153 = tpu.memref_squeeze %dma_start3A_152 : memref<1x128xi32, #tpu.memory_space<vmem>> -> memref<128xi32, #tpu.memory_space<vmem>>
      %dma_start3A_154 = arith.constant 0 : i32
      %dma_start3A_155 = arith.constant 0 : i32
      %dma_start3A_156 = tpu.memref_slice %arg2[%dma_start3A_154, %dma_start3A_155] : memref<10000x128xf32, #tpu.memory_space<hbm>> -> memref<10000x128xf32, #tpu.memory_space<hbm>>
      tpu.enqueue_indirect_dma source(%dma_start3A_156 : memref<10000x128xf32, #tpu.memory_space<hbm>>) target(%dma_start3A_150 : memref<128x128xf32, #tpu.memory_space<vmem>>) offsets(%dma_start3A_153 : memref<128xi32, #tpu.memory_space<vmem>>) semaphore(%arg13 : memref<!tpu.dma_semaphore, #tpu.memory_space<semaphore_mem>>)
      %scan3A_157 = arith.constant 0 : i32
      %scan3A_158 = arith.constant 0 : i32
      %scan3A_159 = arith.constant 19 : i32
      %scan3A_160 = arith.addi %scan3A_158, %scan3A_159 : i32
      %scan3A_161 = arith.constant 1 : i32
      %scan3A_162 = scf.for %scan3A_236 = %scan3A_158 to %scan3A_160 step %scan3A_161 iter_args(%scan3A_237 = %scan3A_157) -> (i32)  : i32 {
        %mul3A_238 = arith.constant 2 : i32
        %mul3A_239 = arith.muli %mul3A_238, %scan3A_236 : i32
        %dma_wait3A_240 = arith.constant 0 : i32
        %dma_wait3A_241 = arith.constant 0 : i32
        %dma_wait3A_242 = arith.constant 0 : i32
        %dma_wait3A_243 = tpu.memref_slice %arg9[%dma_wait3A_240, %dma_wait3A_241, %dma_wait3A_242] : memref<2x128x128xf32, #tpu.memory_space<vmem>> -> memref<1x128x128xf32, #tpu.memory_space<vmem>>
        %dma_wait3A_244 = tpu.memref_squeeze %dma_wait3A_243 : memref<1x128x128xf32, #tpu.memory_space<vmem>> -> memref<128x128xf32, #tpu.memory_space<vmem>>
        %dma_wait3A_245 = arith.constant 0 : i32
        %dma_wait3A_246 = tpu.memref_slice %arg10[%mul3A_239, %dma_wait3A_245] : memref<40x128xi32, #tpu.memory_space<vmem>> -> memref<1x128xi32, #tpu.memory_space<vmem>>
        %dma_wait3A_247 = tpu.memref_squeeze %dma_wait3A_246 : memref<1x128xi32, #tpu.memory_space<vmem>> -> memref<128xi32, #tpu.memory_space<vmem>>
        %dma_wait3A_248 = arith.constant 0 : i32
        %dma_wait3A_249 = arith.constant 0 : i32
        %dma_wait3A_250 = tpu.memref_slice %arg2[%dma_wait3A_248, %dma_wait3A_249] : memref<10000x128xf32, #tpu.memory_space<hbm>> -> memref<10000x128xf32, #tpu.memory_space<hbm>>
        tpu.wait_indirect_dma semaphore(%arg12 : memref<!tpu.dma_semaphore, #tpu.memory_space<semaphore_mem>>) src(%dma_wait3A_250 : memref<10000x128xf32, #tpu.memory_space<hbm>>) dst(%dma_wait3A_244 : memref<128x128xf32, #tpu.memory_space<vmem>>)
        %dma_start3A_251 = arith.constant 0 : i32
        %dma_start3A_252 = arith.constant 0 : i32
        %dma_start3A_253 = arith.constant 0 : i32
        %dma_start3A_254 = tpu.memref_slice %arg9[%dma_start3A_251, %dma_start3A_252, %dma_start3A_253] : memref<2x128x128xf32, #tpu.memory_space<vmem>> -> memref<1x128x128xf32, #tpu.memory_space<vmem>>
        %dma_start3A_255 = tpu.memref_squeeze %dma_start3A_254 : memref<1x128x128xf32, #tpu.memory_space<vmem>> -> memref<128x128xf32, #tpu.memory_space<vmem>>
        %dma_start3A_256 = arith.constant 0 : i32
        %dma_start3A_257 = tpu.memref_slice %arg11[%mul3A_239, %dma_start3A_256] : memref<40x128xi32, #tpu.memory_space<vmem>> -> memref<1x128xi32, #tpu.memory_space<vmem>>
        %dma_start3A_258 = tpu.memref_squeeze %dma_start3A_257 : memref<1x128xi32, #tpu.memory_space<vmem>> -> memref<128xi32, #tpu.memory_space<vmem>>
        %dma_start3A_259 = arith.constant 0 : i32
        %dma_start3A_260 = arith.constant 0 : i32
        %dma_start3A_261 = tpu.memref_slice %arg8[%dma_start3A_259, %dma_start3A_260] : memref<10112x128xf32, #tpu.memory_space<vmem_shared>> -> memref<10112x128xf32, #tpu.memory_space<vmem_shared>>
        tpu.enqueue_indirect_dma source(%dma_start3A_255 : memref<128x128xf32, #tpu.memory_space<vmem>>) target(%dma_start3A_261 : memref<10112x128xf32, #tpu.memory_space<vmem_shared>>) offsets(%dma_start3A_258 : memref<128xi32, #tpu.memory_space<vmem>>) semaphore(%arg14 : memref<!tpu.dma_semaphore, #tpu.memory_space<semaphore_mem>>) {add = true}
        %dma_wait3A_262 = arith.constant 0 : i32
        %dma_wait3A_263 = arith.constant 0 : i32
        %dma_wait3A_264 = arith.constant 0 : i32
        %dma_wait3A_265 = tpu.memref_slice %arg9[%dma_wait3A_262, %dma_wait3A_263, %dma_wait3A_264] : memref<2x128x128xf32, #tpu.memory_space<vmem>> -> memref<1x128x128xf32, #tpu.memory_space<vmem>>
        %dma_wait3A_266 = tpu.memref_squeeze %dma_wait3A_265 : memref<1x128x128xf32, #tpu.memory_space<vmem>> -> memref<128x128xf32, #tpu.memory_space<vmem>>
        %dma_wait3A_267 = arith.constant 0 : i32
        %dma_wait3A_268 = tpu.memref_slice %arg11[%mul3A_239, %dma_wait3A_267] : memref<40x128xi32, #tpu.memory_space<vmem>> -> memref<1x128xi32, #tpu.memory_space<vmem>>
        %dma_wait3A_269 = tpu.memref_squeeze %dma_wait3A_268 : memref<1x128xi32, #tpu.memory_space<vmem>> -> memref<128xi32, #tpu.memory_space<vmem>>
        %dma_wait3A_270 = arith.constant 0 : i32
        %dma_wait3A_271 = arith.constant 0 : i32
        %dma_wait3A_272 = tpu.memref_slice %arg8[%dma_wait3A_270, %dma_wait3A_271] : memref<10112x128xf32, #tpu.memory_space<vmem_shared>> -> memref<10112x128xf32, #tpu.memory_space<vmem_shared>>
        tpu.wait_indirect_dma semaphore(%arg14 : memref<!tpu.dma_semaphore, #tpu.memory_space<semaphore_mem>>) src(%dma_wait3A_266 : memref<128x128xf32, #tpu.memory_space<vmem>>) dst(%dma_wait3A_272 : memref<10112x128xf32, #tpu.memory_space<vmem_shared>>)
        %add3A_273 = arith.constant 2 : i32
        %add3A_274 = arith.addi %mul3A_239, %add3A_273 : i32
        %dma_start3A_275 = arith.constant 0 : i32
        %dma_start3A_276 = arith.constant 0 : i32
        %dma_start3A_277 = arith.constant 0 : i32
        %dma_start3A_278 = tpu.memref_slice %arg9[%dma_start3A_275, %dma_start3A_276, %dma_start3A_277] : memref<2x128x128xf32, #tpu.memory_space<vmem>> -> memref<1x128x128xf32, #tpu.memory_space<vmem>>
        %dma_start3A_279 = tpu.memref_squeeze %dma_start3A_278 : memref<1x128x128xf32, #tpu.memory_space<vmem>> -> memref<128x128xf32, #tpu.memory_space<vmem>>
        %dma_start3A_280 = arith.constant 0 : i32
        %dma_start3A_281 = tpu.memref_slice %arg10[%add3A_274, %dma_start3A_280] : memref<40x128xi32, #tpu.memory_space<vmem>> -> memref<1x128xi32, #tpu.memory_space<vmem>>
        %dma_start3A_282 = tpu.memref_squeeze %dma_start3A_281 : memref<1x128xi32, #tpu.memory_space<vmem>> -> memref<128xi32, #tpu.memory_space<vmem>>
        %dma_start3A_283 = arith.constant 0 : i32
        %dma_start3A_284 = arith.constant 0 : i32
        %dma_start3A_285 = tpu.memref_slice %arg2[%dma_start3A_283, %dma_start3A_284] : memref<10000x128xf32, #tpu.memory_space<hbm>> -> memref<10000x128xf32, #tpu.memory_space<hbm>>
        tpu.enqueue_indirect_dma source(%dma_start3A_285 : memref<10000x128xf32, #tpu.memory_space<hbm>>) target(%dma_start3A_279 : memref<128x128xf32, #tpu.memory_space<vmem>>) offsets(%dma_start3A_282 : memref<128xi32, #tpu.memory_space<vmem>>) semaphore(%arg12 : memref<!tpu.dma_semaphore, #tpu.memory_space<semaphore_mem>>)
        %add3A_286 = arith.constant 1 : i32
        %add3A_287 = arith.addi %mul3A_239, %add3A_286 : i32
        %dma_wait3A_288 = arith.constant 1 : i32
        %dma_wait3A_289 = arith.constant 0 : i32
        %dma_wait3A_290 = arith.constant 0 : i32
        %dma_wait3A_291 = tpu.memref_slice %arg9[%dma_wait3A_288, %dma_wait3A_289, %dma_wait3A_290] : memref<2x128x128xf32, #tpu.memory_space<vmem>> -> memref<1x128x128xf32, #tpu.memory_space<vmem>>
        %dma_wait3A_292 = tpu.memref_squeeze %dma_wait3A_291 : memref<1x128x128xf32, #tpu.memory_space<vmem>> -> memref<128x128xf32, #tpu.memory_space<vmem>>
        %dma_wait3A_293 = arith.constant 0 : i32
        %dma_wait3A_294 = tpu.memref_slice %arg10[%add3A_287, %dma_wait3A_293] : memref<40x128xi32, #tpu.memory_space<vmem>> -> memref<1x128xi32, #tpu.memory_space<vmem>>
        %dma_wait3A_295 = tpu.memref_squeeze %dma_wait3A_294 : memref<1x128xi32, #tpu.memory_space<vmem>> -> memref<128xi32, #tpu.memory_space<vmem>>
        %dma_wait3A_296 = arith.constant 0 : i32
        %dma_wait3A_297 = arith.constant 0 : i32
        %dma_wait3A_298 = tpu.memref_slice %arg2[%dma_wait3A_296, %dma_wait3A_297] : memref<10000x128xf32, #tpu.memory_space<hbm>> -> memref<10000x128xf32, #tpu.memory_space<hbm>>
        tpu.wait_indirect_dma semaphore(%arg13 : memref<!tpu.dma_semaphore, #tpu.memory_space<semaphore_mem>>) src(%dma_wait3A_298 : memref<10000x128xf32, #tpu.memory_space<hbm>>) dst(%dma_wait3A_292 : memref<128x128xf32, #tpu.memory_space<vmem>>)
        %add3A_299 = arith.constant 1 : i32
        %add3A_300 = arith.addi %mul3A_239, %add3A_299 : i32
        %dma_start3A_301 = arith.constant 1 : i32
        %dma_start3A_302 = arith.constant 0 : i32
        %dma_start3A_303 = arith.constant 0 : i32
        %dma_start3A_304 = tpu.memref_slice %arg9[%dma_start3A_301, %dma_start3A_302, %dma_start3A_303] : memref<2x128x128xf32, #tpu.memory_space<vmem>> -> memref<1x128x128xf32, #tpu.memory_space<vmem>>
        %dma_start3A_305 = tpu.memref_squeeze %dma_start3A_304 : memref<1x128x128xf32, #tpu.memory_space<vmem>> -> memref<128x128xf32, #tpu.memory_space<vmem>>
        %dma_start3A_306 = arith.constant 0 : i32
        %dma_start3A_307 = tpu.memref_slice %arg11[%add3A_300, %dma_start3A_306] : memref<40x128xi32, #tpu.memory_space<vmem>> -> memref<1x128xi32, #tpu.memory_space<vmem>>
        %dma_start3A_308 = tpu.memref_squeeze %dma_start3A_307 : memref<1x128xi32, #tpu.memory_space<vmem>> -> memref<128xi32, #tpu.memory_space<vmem>>
        %dma_start3A_309 = arith.constant 0 : i32
        %dma_start3A_310 = arith.constant 0 : i32
        %dma_start3A_311 = tpu.memref_slice %arg8[%dma_start3A_309, %dma_start3A_310] : memref<10112x128xf32, #tpu.memory_space<vmem_shared>> -> memref<10112x128xf32, #tpu.memory_space<vmem_shared>>
        tpu.enqueue_indirect_dma source(%dma_start3A_305 : memref<128x128xf32, #tpu.memory_space<vmem>>) target(%dma_start3A_311 : memref<10112x128xf32, #tpu.memory_space<vmem_shared>>) offsets(%dma_start3A_308 : memref<128xi32, #tpu.memory_space<vmem>>) semaphore(%arg15 : memref<!tpu.dma_semaphore, #tpu.memory_space<semaphore_mem>>) {add = true}
        %add3A_312 = arith.constant 1 : i32
        %add3A_313 = arith.addi %mul3A_239, %add3A_312 : i32
        %dma_wait3A_314 = arith.constant 1 : i32
        %dma_wait3A_315 = arith.constant 0 : i32
        %dma_wait3A_316 = arith.constant 0 : i32
        %dma_wait3A_317 = tpu.memref_slice %arg9[%dma_wait3A_314, %dma_wait3A_315, %dma_wait3A_316] : memref<2x128x128xf32, #tpu.memory_space<vmem>> -> memref<1x128x128xf32, #tpu.memory_space<vmem>>
        %dma_wait3A_318 = tpu.memref_squeeze %dma_wait3A_317 : memref<1x128x128xf32, #tpu.memory_space<vmem>> -> memref<128x128xf32, #tpu.memory_space<vmem>>
        %dma_wait3A_319 = arith.constant 0 : i32
        %dma_wait3A_320 = tpu.memref_slice %arg11[%add3A_313, %dma_wait3A_319] : memref<40x128xi32, #tpu.memory_space<vmem>> -> memref<1x128xi32, #tpu.memory_space<vmem>>
        %dma_wait3A_321 = tpu.memref_squeeze %dma_wait3A_320 : memref<1x128xi32, #tpu.memory_space<vmem>> -> memref<128xi32, #tpu.memory_space<vmem>>
        %dma_wait3A_322 = arith.constant 0 : i32
        %dma_wait3A_323 = arith.constant 0 : i32
        %dma_wait3A_324 = tpu.memref_slice %arg8[%dma_wait3A_322, %dma_wait3A_323] : memref<10112x128xf32, #tpu.memory_space<vmem_shared>> -> memref<10112x128xf32, #tpu.memory_space<vmem_shared>>
        tpu.wait_indirect_dma semaphore(%arg15 : memref<!tpu.dma_semaphore, #tpu.memory_space<semaphore_mem>>) src(%dma_wait3A_318 : memref<128x128xf32, #tpu.memory_space<vmem>>) dst(%dma_wait3A_324 : memref<10112x128xf32, #tpu.memory_space<vmem_shared>>)
        %add3A_325 = arith.constant 3 : i32
        %add3A_326 = arith.addi %mul3A_239, %add3A_325 : i32
        %dma_start3A_327 = arith.constant 1 : i32
        %dma_start3A_328 = arith.constant 0 : i32
        %dma_start3A_329 = arith.constant 0 : i32
        %dma_start3A_330 = tpu.memref_slice %arg9[%dma_start3A_327, %dma_start3A_328, %dma_start3A_329] : memref<2x128x128xf32, #tpu.memory_space<vmem>> -> memref<1x128x128xf32, #tpu.memory_space<vmem>>
        %dma_start3A_331 = tpu.memref_squeeze %dma_start3A_330 : memref<1x128x128xf32, #tpu.memory_space<vmem>> -> memref<128x128xf32, #tpu.memory_space<vmem>>
        %dma_start3A_332 = arith.constant 0 : i32
        %dma_start3A_333 = tpu.memref_slice %arg10[%add3A_326, %dma_start3A_332] : memref<40x128xi32, #tpu.memory_space<vmem>> -> memref<1x128xi32, #tpu.memory_space<vmem>>
        %dma_start3A_334 = tpu.memref_squeeze %dma_start3A_333 : memref<1x128xi32, #tpu.memory_space<vmem>> -> memref<128xi32, #tpu.memory_space<vmem>>
        %dma_start3A_335 = arith.constant 0 : i32
        %dma_start3A_336 = arith.constant 0 : i32
        %dma_start3A_337 = tpu.memref_slice %arg2[%dma_start3A_335, %dma_start3A_336] : memref<10000x128xf32, #tpu.memory_space<hbm>> -> memref<10000x128xf32, #tpu.memory_space<hbm>>
        tpu.enqueue_indirect_dma source(%dma_start3A_337 : memref<10000x128xf32, #tpu.memory_space<hbm>>) target(%dma_start3A_331 : memref<128x128xf32, #tpu.memory_space<vmem>>) offsets(%dma_start3A_334 : memref<128xi32, #tpu.memory_space<vmem>>) semaphore(%arg13 : memref<!tpu.dma_semaphore, #tpu.memory_space<semaphore_mem>>)
        %scan3A_338 = arith.constant 0 : i32
        scf.yield %scan3A_338 : i32
      }
      %scan3A_163 = arith.constant 19 : i32
      %dma_wait3A_164 = arith.constant 38 : i32
      %dma_wait3A_165 = arith.constant 0 : i32
      %dma_wait3A_166 = arith.constant 0 : i32
      %dma_wait3A_167 = arith.constant 0 : i32
      %dma_wait3A_168 = tpu.memref_slice %arg9[%dma_wait3A_165, %dma_wait3A_166, %dma_wait3A_167] : memref<2x128x128xf32, #tpu.memory_space<vmem>> -> memref<1x128x128xf32, #tpu.memory_space<vmem>>
      %dma_wait3A_169 = tpu.memref_squeeze %dma_wait3A_168 : memref<1x128x128xf32, #tpu.memory_space<vmem>> -> memref<128x128xf32, #tpu.memory_space<vmem>>
      %dma_wait3A_170 = arith.constant 0 : i32
      %dma_wait3A_171 = tpu.memref_slice %arg10[%dma_wait3A_164, %dma_wait3A_170] : memref<40x128xi32, #tpu.memory_space<vmem>> -> memref<1x128xi32, #tpu.memory_space<vmem>>
      %dma_wait3A_172 = tpu.memref_squeeze %dma_wait3A_171 : memref<1x128xi32, #tpu.memory_space<vmem>> -> memref<128xi32, #tpu.memory_space<vmem>>
      %dma_wait3A_173 = arith.constant 0 : i32
      %dma_wait3A_174 = arith.constant 0 : i32
      %dma_wait3A_175 = tpu.memref_slice %arg2[%dma_wait3A_173, %dma_wait3A_174] : memref<10000x128xf32, #tpu.memory_space<hbm>> -> memref<10000x128xf32, #tpu.memory_space<hbm>>
      tpu.wait_indirect_dma semaphore(%arg12 : memref<!tpu.dma_semaphore, #tpu.memory_space<semaphore_mem>>) src(%dma_wait3A_175 : memref<10000x128xf32, #tpu.memory_space<hbm>>) dst(%dma_wait3A_169 : memref<128x128xf32, #tpu.memory_space<vmem>>)
      %dma_start3A_176 = arith.constant 0 : i32
      %dma_start3A_177 = arith.constant 38 : i32
      %dma_start3A_178 = arith.constant 0 : i32
      %dma_start3A_179 = arith.constant 0 : i32
      %dma_start3A_180 = tpu.memref_slice %arg9[%dma_start3A_176, %dma_start3A_178, %dma_start3A_179] : memref<2x128x128xf32, #tpu.memory_space<vmem>> -> memref<1x128x128xf32, #tpu.memory_space<vmem>>
      %dma_start3A_181 = tpu.memref_squeeze %dma_start3A_180 : memref<1x128x128xf32, #tpu.memory_space<vmem>> -> memref<128x128xf32, #tpu.memory_space<vmem>>
      %dma_start3A_182 = arith.constant 0 : i32
      %dma_start3A_183 = tpu.memref_slice %arg11[%dma_start3A_177, %dma_start3A_182] : memref<40x128xi32, #tpu.memory_space<vmem>> -> memref<1x128xi32, #tpu.memory_space<vmem>>
      %dma_start3A_184 = tpu.memref_squeeze %dma_start3A_183 : memref<1x128xi32, #tpu.memory_space<vmem>> -> memref<128xi32, #tpu.memory_space<vmem>>
      %dma_start3A_185 = arith.constant 0 : i32
      %dma_start3A_186 = arith.constant 0 : i32
      %dma_start3A_187 = tpu.memref_slice %arg8[%dma_start3A_185, %dma_start3A_186] : memref<10112x128xf32, #tpu.memory_space<vmem_shared>> -> memref<10112x128xf32, #tpu.memory_space<vmem_shared>>
      tpu.enqueue_indirect_dma source(%dma_start3A_181 : memref<128x128xf32, #tpu.memory_space<vmem>>) target(%dma_start3A_187 : memref<10112x128xf32, #tpu.memory_space<vmem_shared>>) offsets(%dma_start3A_184 : memref<128xi32, #tpu.memory_space<vmem>>) semaphore(%arg14 : memref<!tpu.dma_semaphore, #tpu.memory_space<semaphore_mem>>) {add = true}
      %dma_wait3A_188 = arith.constant 0 : i32
      %dma_wait3A_189 = arith.constant 38 : i32
      %dma_wait3A_190 = arith.constant 0 : i32
      %dma_wait3A_191 = arith.constant 0 : i32
      %dma_wait3A_192 = tpu.memref_slice %arg9[%dma_wait3A_188, %dma_wait3A_190, %dma_wait3A_191] : memref<2x128x128xf32, #tpu.memory_space<vmem>> -> memref<1x128x128xf32, #tpu.memory_space<vmem>>
      %dma_wait3A_193 = tpu.memref_squeeze %dma_wait3A_192 : memref<1x128x128xf32, #tpu.memory_space<vmem>> -> memref<128x128xf32, #tpu.memory_space<vmem>>
      %dma_wait3A_194 = arith.constant 0 : i32
      %dma_wait3A_195 = tpu.memref_slice %arg11[%dma_wait3A_189, %dma_wait3A_194] : memref<40x128xi32, #tpu.memory_space<vmem>> -> memref<1x128xi32, #tpu.memory_space<vmem>>
      %dma_wait3A_196 = tpu.memref_squeeze %dma_wait3A_195 : memref<1x128xi32, #tpu.memory_space<vmem>> -> memref<128xi32, #tpu.memory_space<vmem>>
      %dma_wait3A_197 = arith.constant 0 : i32
      %dma_wait3A_198 = arith.constant 0 : i32
      %dma_wait3A_199 = tpu.memref_slice %arg8[%dma_wait3A_197, %dma_wait3A_198] : memref<10112x128xf32, #tpu.memory_space<vmem_shared>> -> memref<10112x128xf32, #tpu.memory_space<vmem_shared>>
      tpu.wait_indirect_dma semaphore(%arg14 : memref<!tpu.dma_semaphore, #tpu.memory_space<semaphore_mem>>) src(%dma_wait3A_193 : memref<128x128xf32, #tpu.memory_space<vmem>>) dst(%dma_wait3A_199 : memref<10112x128xf32, #tpu.memory_space<vmem_shared>>)
      %dma_wait3A_200 = arith.constant 39 : i32
      %dma_wait3A_201 = arith.constant 1 : i32
      %dma_wait3A_202 = arith.constant 0 : i32
      %dma_wait3A_203 = arith.constant 0 : i32
      %dma_wait3A_204 = tpu.memref_slice %arg9[%dma_wait3A_201, %dma_wait3A_202, %dma_wait3A_203] : memref<2x128x128xf32, #tpu.memory_space<vmem>> -> memref<1x128x128xf32, #tpu.memory_space<vmem>>
      %dma_wait3A_205 = tpu.memref_squeeze %dma_wait3A_204 : memref<1x128x128xf32, #tpu.memory_space<vmem>> -> memref<128x128xf32, #tpu.memory_space<vmem>>
      %dma_wait3A_206 = arith.constant 0 : i32
      %dma_wait3A_207 = tpu.memref_slice %arg10[%dma_wait3A_200, %dma_wait3A_206] : memref<40x128xi32, #tpu.memory_space<vmem>> -> memref<1x128xi32, #tpu.memory_space<vmem>>
      %dma_wait3A_208 = tpu.memref_squeeze %dma_wait3A_207 : memref<1x128xi32, #tpu.memory_space<vmem>> -> memref<128xi32, #tpu.memory_space<vmem>>
      %dma_wait3A_209 = arith.constant 0 : i32
      %dma_wait3A_210 = arith.constant 0 : i32
      %dma_wait3A_211 = tpu.memref_slice %arg2[%dma_wait3A_209, %dma_wait3A_210] : memref<10000x128xf32, #tpu.memory_space<hbm>> -> memref<10000x128xf32, #tpu.memory_space<hbm>>
      tpu.wait_indirect_dma semaphore(%arg13 : memref<!tpu.dma_semaphore, #tpu.memory_space<semaphore_mem>>) src(%dma_wait3A_211 : memref<10000x128xf32, #tpu.memory_space<hbm>>) dst(%dma_wait3A_205 : memref<128x128xf32, #tpu.memory_space<vmem>>)
      %dma_start3A_212 = arith.constant 1 : i32
      %dma_start3A_213 = arith.constant 39 : i32
      %dma_start3A_214 = arith.constant 0 : i32
      %dma_start3A_215 = arith.constant 0 : i32
      %dma_start3A_216 = tpu.memref_slice %arg9[%dma_start3A_212, %dma_start3A_214, %dma_start3A_215] : memref<2x128x128xf32, #tpu.memory_space<vmem>> -> memref<1x128x128xf32, #tpu.memory_space<vmem>>
      %dma_start3A_217 = tpu.memref_squeeze %dma_start3A_216 : memref<1x128x128xf32, #tpu.memory_space<vmem>> -> memref<128x128xf32, #tpu.memory_space<vmem>>
      %dma_start3A_218 = arith.constant 0 : i32
      %dma_start3A_219 = tpu.memref_slice %arg11[%dma_start3A_213, %dma_start3A_218] : memref<40x128xi32, #tpu.memory_space<vmem>> -> memref<1x128xi32, #tpu.memory_space<vmem>>
      %dma_start3A_220 = tpu.memref_squeeze %dma_start3A_219 : memref<1x128xi32, #tpu.memory_space<vmem>> -> memref<128xi32, #tpu.memory_space<vmem>>
      %dma_start3A_221 = arith.constant 0 : i32
      %dma_start3A_222 = arith.constant 0 : i32
      %dma_start3A_223 = tpu.memref_slice %arg8[%dma_start3A_221, %dma_start3A_222] : memref<10112x128xf32, #tpu.memory_space<vmem_shared>> -> memref<10112x128xf32, #tpu.memory_space<vmem_shared>>
      tpu.enqueue_indirect_dma source(%dma_start3A_217 : memref<128x128xf32, #tpu.memory_space<vmem>>) target(%dma_start3A_223 : memref<10112x128xf32, #tpu.memory_space<vmem_shared>>) offsets(%dma_start3A_220 : memref<128xi32, #tpu.memory_space<vmem>>) semaphore(%arg15 : memref<!tpu.dma_semaphore, #tpu.memory_space<semaphore_mem>>) {add = true}
      %dma_wait3A_224 = arith.constant 1 : i32
      %dma_wait3A_225 = arith.constant 39 : i32
      %dma_wait3A_226 = arith.constant 0 : i32
      %dma_wait3A_227 = arith.constant 0 : i32
      %dma_wait3A_228 = tpu.memref_slice %arg9[%dma_wait3A_224, %dma_wait3A_226, %dma_wait3A_227] : memref<2x128x128xf32, #tpu.memory_space<vmem>> -> memref<1x128x128xf32, #tpu.memory_space<vmem>>
      %dma_wait3A_229 = tpu.memref_squeeze %dma_wait3A_228 : memref<1x128x128xf32, #tpu.memory_space<vmem>> -> memref<128x128xf32, #tpu.memory_space<vmem>>
      %dma_wait3A_230 = arith.constant 0 : i32
      %dma_wait3A_231 = tpu.memref_slice %arg11[%dma_wait3A_225, %dma_wait3A_230] : memref<40x128xi32, #tpu.memory_space<vmem>> -> memref<1x128xi32, #tpu.memory_space<vmem>>
      %dma_wait3A_232 = tpu.memref_squeeze %dma_wait3A_231 : memref<1x128xi32, #tpu.memory_space<vmem>> -> memref<128xi32, #tpu.memory_space<vmem>>
      %dma_wait3A_233 = arith.constant 0 : i32
      %dma_wait3A_234 = arith.constant 0 : i32
      %dma_wait3A_235 = tpu.memref_slice %arg8[%dma_wait3A_233, %dma_wait3A_234] : memref<10112x128xf32, #tpu.memory_space<vmem_shared>> -> memref<10112x128xf32, #tpu.memory_space<vmem_shared>>
      tpu.wait_indirect_dma semaphore(%arg15 : memref<!tpu.dma_semaphore, #tpu.memory_space<semaphore_mem>>) src(%dma_wait3A_229 : memref<128x128xf32, #tpu.memory_space<vmem>>) dst(%dma_wait3A_235 : memref<10112x128xf32, #tpu.memory_space<vmem_shared>>)
    } else {
    }
    %barrier3A_27 = arith.constant 0 : index
    tpu.barrier barrier_id(%barrier3A_27)
    "tpu.region"() ({
      %run_scoped3A_28 = tpu.sem_alloc : memref<!tpu.dma_semaphore, #tpu.memory_space<semaphore_mem>>
      %dma_start3A = arith.constant 0 : i32
      %dma_start3A_29 = tpu.memref_slice %arg7[%arg0, %mul3A_6, %dma_start3A] : memref<2x10112x128xf32, #tpu.memory_space<hbm>> -> memref<1x632x128xf32, #tpu.memory_space<hbm>>
      %dma_start3A_30 = tpu.memref_squeeze %dma_start3A_29 : memref<1x632x128xf32, #tpu.memory_space<hbm>> -> memref<632x128xf32, #tpu.memory_space<hbm>>
      %dma_start3A_31 = arith.constant 0 : i32
      %dma_start3A_32 = tpu.memref_slice %arg8[%mul3A_6, %dma_start3A_31] : memref<10112x128xf32, #tpu.memory_space<vmem_shared>> -> memref<632x128xf32, #tpu.memory_space<vmem_shared>>
      tpu.enqueue_dma source(%dma_start3A_32 : memref<632x128xf32, #tpu.memory_space<vmem_shared>>) target(%dma_start3A_30 : memref<632x128xf32, #tpu.memory_space<hbm>>) target_semaphore(%run_scoped3A_28 : memref<!tpu.dma_semaphore, #tpu.memory_space<semaphore_mem>>)
      %dma_wait3A = arith.constant 0 : i32
      %dma_wait3A_33 = tpu.memref_slice %arg7[%arg0, %mul3A_6, %dma_wait3A] : memref<2x10112x128xf32, #tpu.memory_space<hbm>> -> memref<1x632x128xf32, #tpu.memory_space<hbm>>
      %dma_wait3A_34 = tpu.memref_squeeze %dma_wait3A_33 : memref<1x632x128xf32, #tpu.memory_space<hbm>> -> memref<632x128xf32, #tpu.memory_space<hbm>>
      %dma_wait3A_35 = arith.constant 0 : i32
      %dma_wait3A_36 = tpu.memref_slice %arg8[%mul3A_6, %dma_wait3A_35] : memref<10112x128xf32, #tpu.memory_space<vmem_shared>> -> memref<632x128xf32, #tpu.memory_space<vmem_shared>>
      tpu.wait_dma2 semaphore(%run_scoped3A_28 : memref<!tpu.dma_semaphore, #tpu.memory_space<semaphore_mem>>) src(%dma_wait3A_36 : memref<632x128xf32, #tpu.memory_space<vmem_shared>>) dst(%dma_wait3A_34 : memref<632x128xf32, #tpu.memory_space<hbm>>)
      tpu.yield
    }) : () -> ()
    return
  }
}

#map = affine_map<(d0, d1) -> (0, 0)>
#map1 = affine_map<(d0, d1) -> (0, 0, 0, 0)>
#map2 = affine_map<(d0, d1) -> (0, 0, 0)>
module attributes {stable_mosaic.version = 14 : i64} {
  func.func @_agg_body(%arg0: i32, %arg1: i32, %arg2: memref<10000x128xf32, #tpu.memory_space<hbm>>, %arg3: memref<16x2x40x128xi32, #tpu.memory_space<hbm>>, %arg4: memref<16x2x40x128xi32, #tpu.memory_space<hbm>>, %arg5: memref<16x2x40x128xi32, #tpu.memory_space<hbm>>, %arg6: memref<16x2x40x128xi32, #tpu.memory_space<hbm>>, %arg7: memref<2x10112x128xf32, #tpu.memory_space<hbm>>, %arg8: memref<10112x128xf32, #tpu.memory_space<vmem_shared>>, %arg9: memref<2x128x128xf32, #tpu.memory_space<vmem>>, %arg10: memref<40x128xi32, #tpu.memory_space<vmem>>, %arg11: memref<40x128xi32, #tpu.memory_space<vmem>>, %arg12: memref<!tpu.dma_semaphore, #tpu.memory_space<semaphore_mem>>, %arg13: memref<!tpu.dma_semaphore, #tpu.memory_space<semaphore_mem>>, %arg14: memref<!tpu.dma_semaphore, #tpu.memory_space<semaphore_mem>>, %arg15: memref<!tpu.dma_semaphore, #tpu.memory_space<semaphore_mem>>) attributes {dimension_semantics = [#tpu.dimension_semantics<core_parallel>, #tpu.dimension_semantics<subcore_parallel>], iteration_bounds = array<i64: 2, 16>, scalar_prefetch = 0 : i64, scratch_operands = 8 : i64, tpu.core_type = #tpu.core_type<sc_vector_subcore>, window_params = [{transform_indices = #map}, {transform_indices = #map1}, {transform_indices = #map1}, {transform_indices = #map1}, {transform_indices = #map1}, {transform_indices = #map2}]} {
    %scan3A = arith.constant 0 : i32
    %scan3A_0 = arith.constant 0 : i32
    %scan3A_1 = arith.constant 128 : i32
    %scan3A_2 = arith.addi %scan3A_0, %scan3A_1 : i32
    %scan3A_3 = arith.constant 1 : i32
    %scan3A_4 = scf.for %scan3A_28 = %scan3A_0 to %scan3A_2 step %scan3A_3 iter_args(%scan3A_29 = %scan3A) -> (i32)  : i32 {
      %broadcast_in_dim3A = arith.constant 0.000000e+00 : f32
      %broadcast_in_dim3A_30 = vector.broadcast %broadcast_in_dim3A : f32 to vector<16xf32>
      %swap3A = arith.constant 0 : i32
      %swap3A_31 = arith.index_cast %swap3A : i32 to index
      %swap3A_32 = arith.index_cast %scan3A_28 : i32 to index
      %swap3A_33 = arith.constant 0 : index
      %swap3A_34 = tpu.vector_load %arg9[%swap3A_31, %swap3A_32, %swap3A_33] {strides = array<i32>} : memref<2x128x128xf32, #tpu.memory_space<vmem>>, vector<1x1x16xf32>,
      %swap3A_35 = vector.shape_cast %swap3A_34 : vector<1x1x16xf32> to vector<16xf32>
      %swap3A_36 = vector.shape_cast %broadcast_in_dim3A_30 : vector<16xf32> to vector<1x1x16xf32>
      tpu.vector_store %arg9[%swap3A_31, %swap3A_32, %swap3A_33], %swap3A_36 {strides = array<i32>} : memref<2x128x128xf32, #tpu.memory_space<vmem>>, vector<1x1x16xf32>,
      %broadcast_in_dim3A_37 = arith.constant 0.000000e+00 : f32
      %broadcast_in_dim3A_38 = vector.broadcast %broadcast_in_dim3A_37 : f32 to vector<16xf32>
      %swap3A_39 = arith.constant 0 : i32
      %swap3A_40 = arith.index_cast %swap3A_39 : i32 to index
      %swap3A_41 = arith.index_cast %scan3A_28 : i32 to index
      %swap3A_42 = arith.constant 16 : index
      %swap3A_43 = tpu.vector_load %arg9[%swap3A_40, %swap3A_41, %swap3A_42] {strides = array<i32>} : memref<2x128x128xf32, #tpu.memory_space<vmem>>, vector<1x1x16xf32>,
      %swap3A_44 = vector.shape_cast %swap3A_43 : vector<1x1x16xf32> to vector<16xf32>
      %swap3A_45 = vector.shape_cast %broadcast_in_dim3A_38 : vector<16xf32> to vector<1x1x16xf32>
      tpu.vector_store %arg9[%swap3A_40, %swap3A_41, %swap3A_42], %swap3A_45 {strides = array<i32>} : memref<2x128x128xf32, #tpu.memory_space<vmem>>, vector<1x1x16xf32>,
      %broadcast_in_dim3A_46 = arith.constant 0.000000e+00 : f32
      %broadcast_in_dim3A_47 = vector.broadcast %broadcast_in_dim3A_46 : f32 to vector<16xf32>
      %swap3A_48 = arith.constant 0 : i32
      %swap3A_49 = arith.index_cast %swap3A_48 : i32 to index
      %swap3A_50 = arith.index_cast %scan3A_28 : i32 to index
      %swap3A_51 = arith.constant 32 : index
      %swap3A_52 = tpu.vector_load %arg9[%swap3A_49, %swap3A_50, %swap3A_51] {strides = array<i32>} : memref<2x128x128xf32, #tpu.memory_space<vmem>>, vector<1x1x16xf32>,
      %swap3A_53 = vector.shape_cast %swap3A_52 : vector<1x1x16xf32> to vector<16xf32>
      %swap3A_54 = vector.shape_cast %broadcast_in_dim3A_47 : vector<16xf32> to vector<1x1x16xf32>
      tpu.vector_store %arg9[%swap3A_49, %swap3A_50, %swap3A_51], %swap3A_54 {strides = array<i32>} : memref<2x128x128xf32, #tpu.memory_space<vmem>>, vector<1x1x16xf32>,
      %broadcast_in_dim3A_55 = arith.constant 0.000000e+00 : f32
      %broadcast_in_dim3A_56 = vector.broadcast %broadcast_in_dim3A_55 : f32 to vector<16xf32>
      %swap3A_57 = arith.constant 0 : i32
      %swap3A_58 = arith.index_cast %swap3A_57 : i32 to index
      %swap3A_59 = arith.index_cast %scan3A_28 : i32 to index
      %swap3A_60 = arith.constant 48 : index
      %swap3A_61 = tpu.vector_load %arg9[%swap3A_58, %swap3A_59, %swap3A_60] {strides = array<i32>} : memref<2x128x128xf32, #tpu.memory_space<vmem>>, vector<1x1x16xf32>,
      %swap3A_62 = vector.shape_cast %swap3A_61 : vector<1x1x16xf32> to vector<16xf32>
      %swap3A_63 = vector.shape_cast %broadcast_in_dim3A_56 : vector<16xf32> to vector<1x1x16xf32>
      tpu.vector_store %arg9[%swap3A_58, %swap3A_59, %swap3A_60], %swap3A_63 {strides = array<i32>} : memref<2x128x128xf32, #tpu.memory_space<vmem>>, vector<1x1x16xf32>,
      %broadcast_in_dim3A_64 = arith.constant 0.000000e+00 : f32
      %broadcast_in_dim3A_65 = vector.broadcast %broadcast_in_dim3A_64 : f32 to vector<16xf32>
      %swap3A_66 = arith.constant 0 : i32
      %swap3A_67 = arith.index_cast %swap3A_66 : i32 to index
      %swap3A_68 = arith.index_cast %scan3A_28 : i32 to index
      %swap3A_69 = arith.constant 64 : index
      %swap3A_70 = tpu.vector_load %arg9[%swap3A_67, %swap3A_68, %swap3A_69] {strides = array<i32>} : memref<2x128x128xf32, #tpu.memory_space<vmem>>, vector<1x1x16xf32>,
      %swap3A_71 = vector.shape_cast %swap3A_70 : vector<1x1x16xf32> to vector<16xf32>
      %swap3A_72 = vector.shape_cast %broadcast_in_dim3A_65 : vector<16xf32> to vector<1x1x16xf32>
      tpu.vector_store %arg9[%swap3A_67, %swap3A_68, %swap3A_69], %swap3A_72 {strides = array<i32>} : memref<2x128x128xf32, #tpu.memory_space<vmem>>, vector<1x1x16xf32>,
      %broadcast_in_dim3A_73 = arith.constant 0.000000e+00 : f32
      %broadcast_in_dim3A_74 = vector.broadcast %broadcast_in_dim3A_73 : f32 to vector<16xf32>
      %swap3A_75 = arith.constant 0 : i32
      %swap3A_76 = arith.index_cast %swap3A_75 : i32 to index
      %swap3A_77 = arith.index_cast %scan3A_28 : i32 to index
      %swap3A_78 = arith.constant 80 : index
      %swap3A_79 = tpu.vector_load %arg9[%swap3A_76, %swap3A_77, %swap3A_78] {strides = array<i32>} : memref<2x128x128xf32, #tpu.memory_space<vmem>>, vector<1x1x16xf32>,
      %swap3A_80 = vector.shape_cast %swap3A_79 : vector<1x1x16xf32> to vector<16xf32>
      %swap3A_81 = vector.shape_cast %broadcast_in_dim3A_74 : vector<16xf32> to vector<1x1x16xf32>
      tpu.vector_store %arg9[%swap3A_76, %swap3A_77, %swap3A_78], %swap3A_81 {strides = array<i32>} : memref<2x128x128xf32, #tpu.memory_space<vmem>>, vector<1x1x16xf32>,
      %broadcast_in_dim3A_82 = arith.constant 0.000000e+00 : f32
      %broadcast_in_dim3A_83 = vector.broadcast %broadcast_in_dim3A_82 : f32 to vector<16xf32>
      %swap3A_84 = arith.constant 0 : i32
      %swap3A_85 = arith.index_cast %swap3A_84 : i32 to index
      %swap3A_86 = arith.index_cast %scan3A_28 : i32 to index
      %swap3A_87 = arith.constant 96 : index
      %swap3A_88 = tpu.vector_load %arg9[%swap3A_85, %swap3A_86, %swap3A_87] {strides = array<i32>} : memref<2x128x128xf32, #tpu.memory_space<vmem>>, vector<1x1x16xf32>,
      %swap3A_89 = vector.shape_cast %swap3A_88 : vector<1x1x16xf32> to vector<16xf32>
      %swap3A_90 = vector.shape_cast %broadcast_in_dim3A_83 : vector<16xf32> to vector<1x1x16xf32>
      tpu.vector_store %arg9[%swap3A_85, %swap3A_86, %swap3A_87], %swap3A_90 {strides = array<i32>} : memref<2x128x128xf32, #tpu.memory_space<vmem>>, vector<1x1x16xf32>,
      %broadcast_in_dim3A_91 = arith.constant 0.000000e+00 : f32
      %broadcast_in_dim3A_92 = vector.broadcast %broadcast_in_dim3A_91 : f32 to vector<16xf32>
      %swap3A_93 = arith.constant 0 : i32
      %swap3A_94 = arith.index_cast %swap3A_93 : i32 to index
      %swap3A_95 = arith.index_cast %scan3A_28 : i32 to index
      %swap3A_96 = arith.constant 112 : index
      %swap3A_97 = tpu.vector_load %arg9[%swap3A_94, %swap3A_95, %swap3A_96] {strides = array<i32>} : memref<2x128x128xf32, #tpu.memory_space<vmem>>, vector<1x1x16xf32>,
      %swap3A_98 = vector.shape_cast %swap3A_97 : vector<1x1x16xf32> to vector<16xf32>
      %swap3A_99 = vector.shape_cast %broadcast_in_dim3A_92 : vector<16xf32> to vector<1x1x16xf32>
      tpu.vector_store %arg9[%swap3A_94, %swap3A_95, %swap3A_96], %swap3A_99 {strides = array<i32>} : memref<2x128x128xf32, #tpu.memory_space<vmem>>, vector<1x1x16xf32>,
      %scan3A_100 = arith.constant 0 : i32
      scf.yield %scan3A_100 : i32
    }
    %scan3A_5 = arith.constant 128 : i32
    %mul3A = arith.constant 632 : i32
    %mul3A_6 = arith.muli %arg1, %mul3A : i32
    %add3A = arith.constant 0 : i32
    %add3A_7 = arith.addi %mul3A_6, %add3A : i32
    %run_scoped3A = arith.constant 0 : i32
    "tpu.region"() ({
      %run_scoped3A_28 = tpu.sem_alloc : memref<!tpu.dma_semaphore, #tpu.memory_space<semaphore_mem>>
      %dma_start3A = arith.constant 0 : i32
      %dma_start3A_29 = arith.constant 0 : i32
      %dma_start3A_30 = tpu.memref_slice %arg9[%run_scoped3A, %dma_start3A, %dma_start3A_29] : memref<2x128x128xf32, #tpu.memory_space<vmem>> -> memref<1x128x128xf32, #tpu.memory_space<vmem>>
      %dma_start3A_31 = tpu.memref_squeeze %dma_start3A_30 : memref<1x128x128xf32, #tpu.memory_space<vmem>> -> memref<128x128xf32, #tpu.memory_space<vmem>>
      %dma_start3A_32 = arith.constant 0 : i32
      %dma_start3A_33 = tpu.memref_slice %arg8[%add3A_7, %dma_start3A_32] : memref<10112x128xf32, #tpu.memory_space<vmem_shared>> -> memref<128x128xf32, #tpu.memory_space<vmem_shared>>
      %dma_start3A_34 = arith.constant 0 : i32
      %dma_start3A_35 = tpu.memref_slice %arg8[%add3A_7, %dma_start3A_34] : memref<10112x128xf32, #tpu.memory_space<vmem_shared>> -> memref<128x128xf32, #tpu.memory_space<vmem_shared>>
      %dma_start3A_36 = arith.constant 0 : i32
      %dma_start3A_37 = arith.constant 0 : i32
      %dma_start3A_38 = tpu.memref_slice %arg9[%run_scoped3A, %dma_start3A_36, %dma_start3A_37] : memref<2x128x128xf32, #tpu.memory_space<vmem>> -> memref<1x128x128xf32, #tpu.memory_space<vmem>>
      %dma_start3A_39 = tpu.memref_squeeze %dma_start3A_38 : memref<1x128x128xf32, #tpu.memory_space<vmem>> -> memref<128x128xf32, #tpu.memory_space<vmem>>
      tpu.enqueue_dma source(%dma_start3A_39 : memref<128x128xf32, #tpu.memory_space<vmem>>) target(%dma_start3A_35 : memref<128x128xf32, #tpu.memory_space<vmem_shared>>) target_semaphore(%run_scoped3A_28 : memref<!tpu.dma_semaphore, #tpu.memory_space<semaphore_mem>>)
      %dma_wait3A = arith.constant 0 : i32
      %dma_wait3A_40 = arith.constant 0 : i32
      %dma_wait3A_41 = tpu.memref_slice %arg9[%run_scoped3A, %dma_wait3A, %dma_wait3A_40] : memref<2x128x128xf32, #tpu.memory_space<vmem>> -> memref<1x128x128xf32, #tpu.memory_space<vmem>>
      %dma_wait3A_42 = tpu.memref_squeeze %dma_wait3A_41 : memref<1x128x128xf32, #tpu.memory_space<vmem>> -> memref<128x128xf32, #tpu.memory_space<vmem>>
      %dma_wait3A_43 = arith.constant 0 : i32
      %dma_wait3A_44 = tpu.memref_slice %arg8[%add3A_7, %dma_wait3A_43] : memref<10112x128xf32, #tpu.memory_space<vmem_shared>> -> memref<128x128xf32, #tpu.memory_space<vmem_shared>>
      %dma_wait3A_45 = arith.constant 0 : i32
      %dma_wait3A_46 = tpu.memref_slice %arg8[%add3A_7, %dma_wait3A_45] : memref<10112x128xf32, #tpu.memory_space<vmem_shared>> -> memref<128x128xf32, #tpu.memory_space<vmem_shared>>
      %dma_wait3A_47 = arith.constant 0 : i32
      %dma_wait3A_48 = arith.constant 0 : i32
      %dma_wait3A_49 = tpu.memref_slice %arg9[%run_scoped3A, %dma_wait3A_47, %dma_wait3A_48] : memref<2x128x128xf32, #tpu.memory_space<vmem>> -> memref<1x128x128xf32, #tpu.memory_space<vmem>>
      %dma_wait3A_50 = tpu.memref_squeeze %dma_wait3A_49 : memref<1x128x128xf32, #tpu.memory_space<vmem>> -> memref<128x128xf32, #tpu.memory_space<vmem>>
      tpu.wait_dma2 semaphore(%run_scoped3A_28 : memref<!tpu.dma_semaphore, #tpu.memory_space<semaphore_mem>>) src(%dma_wait3A_50 : memref<128x128xf32, #tpu.memory_space<vmem>>) dst(%dma_wait3A_46 : memref<128x128xf32, #tpu.memory_space<vmem_shared>>)
      tpu.yield
    }) : () -> ()
    %add3A_8 = arith.constant 128 : i32
    %add3A_9 = arith.addi %mul3A_6, %add3A_8 : i32
    %run_scoped3A_10 = arith.constant 0 : i32
    "tpu.region"() ({
      %run_scoped3A_28 = tpu.sem_alloc : memref<!tpu.dma_semaphore, #tpu.memory_space<semaphore_mem>>
      %dma_start3A = arith.constant 0 : i32
      %dma_start3A_29 = arith.constant 0 : i32
      %dma_start3A_30 = tpu.memref_slice %arg9[%run_scoped3A_10, %dma_start3A, %dma_start3A_29] : memref<2x128x128xf32, #tpu.memory_space<vmem>> -> memref<1x128x128xf32, #tpu.memory_space<vmem>>
      %dma_start3A_31 = tpu.memref_squeeze %dma_start3A_30 : memref<1x128x128xf32, #tpu.memory_space<vmem>> -> memref<128x128xf32, #tpu.memory_space<vmem>>
      %dma_start3A_32 = arith.constant 0 : i32
      %dma_start3A_33 = tpu.memref_slice %arg8[%add3A_9, %dma_start3A_32] : memref<10112x128xf32, #tpu.memory_space<vmem_shared>> -> memref<128x128xf32, #tpu.memory_space<vmem_shared>>
      %dma_start3A_34 = arith.constant 0 : i32
      %dma_start3A_35 = tpu.memref_slice %arg8[%add3A_9, %dma_start3A_34] : memref<10112x128xf32, #tpu.memory_space<vmem_shared>> -> memref<128x128xf32, #tpu.memory_space<vmem_shared>>
      %dma_start3A_36 = arith.constant 0 : i32
      %dma_start3A_37 = arith.constant 0 : i32
      %dma_start3A_38 = tpu.memref_slice %arg9[%run_scoped3A_10, %dma_start3A_36, %dma_start3A_37] : memref<2x128x128xf32, #tpu.memory_space<vmem>> -> memref<1x128x128xf32, #tpu.memory_space<vmem>>
      %dma_start3A_39 = tpu.memref_squeeze %dma_start3A_38 : memref<1x128x128xf32, #tpu.memory_space<vmem>> -> memref<128x128xf32, #tpu.memory_space<vmem>>
      tpu.enqueue_dma source(%dma_start3A_39 : memref<128x128xf32, #tpu.memory_space<vmem>>) target(%dma_start3A_35 : memref<128x128xf32, #tpu.memory_space<vmem_shared>>) target_semaphore(%run_scoped3A_28 : memref<!tpu.dma_semaphore, #tpu.memory_space<semaphore_mem>>)
      %dma_wait3A = arith.constant 0 : i32
      %dma_wait3A_40 = arith.constant 0 : i32
      %dma_wait3A_41 = tpu.memref_slice %arg9[%run_scoped3A_10, %dma_wait3A, %dma_wait3A_40] : memref<2x128x128xf32, #tpu.memory_space<vmem>> -> memref<1x128x128xf32, #tpu.memory_space<vmem>>
      %dma_wait3A_42 = tpu.memref_squeeze %dma_wait3A_41 : memref<1x128x128xf32, #tpu.memory_space<vmem>> -> memref<128x128xf32, #tpu.memory_space<vmem>>
      %dma_wait3A_43 = arith.constant 0 : i32
      %dma_wait3A_44 = tpu.memref_slice %arg8[%add3A_9, %dma_wait3A_43] : memref<10112x128xf32, #tpu.memory_space<vmem_shared>> -> memref<128x128xf32, #tpu.memory_space<vmem_shared>>
      %dma_wait3A_45 = arith.constant 0 : i32
      %dma_wait3A_46 = tpu.memref_slice %arg8[%add3A_9, %dma_wait3A_45] : memref<10112x128xf32, #tpu.memory_space<vmem_shared>> -> memref<128x128xf32, #tpu.memory_space<vmem_shared>>
      %dma_wait3A_47 = arith.constant 0 : i32
      %dma_wait3A_48 = arith.constant 0 : i32
      %dma_wait3A_49 = tpu.memref_slice %arg9[%run_scoped3A_10, %dma_wait3A_47, %dma_wait3A_48] : memref<2x128x128xf32, #tpu.memory_space<vmem>> -> memref<1x128x128xf32, #tpu.memory_space<vmem>>
      %dma_wait3A_50 = tpu.memref_squeeze %dma_wait3A_49 : memref<1x128x128xf32, #tpu.memory_space<vmem>> -> memref<128x128xf32, #tpu.memory_space<vmem>>
      tpu.wait_dma2 semaphore(%run_scoped3A_28 : memref<!tpu.dma_semaphore, #tpu.memory_space<semaphore_mem>>) src(%dma_wait3A_50 : memref<128x128xf32, #tpu.memory_space<vmem>>) dst(%dma_wait3A_46 : memref<128x128xf32, #tpu.memory_space<vmem_shared>>)
      tpu.yield
    }) : () -> ()
    %add3A_11 = arith.constant 256 : i32
    %add3A_12 = arith.addi %mul3A_6, %add3A_11 : i32
    %run_scoped3A_13 = arith.constant 0 : i32
    "tpu.region"() ({
      %run_scoped3A_28 = tpu.sem_alloc : memref<!tpu.dma_semaphore, #tpu.memory_space<semaphore_mem>>
      %dma_start3A = arith.constant 0 : i32
      %dma_start3A_29 = arith.constant 0 : i32
      %dma_start3A_30 = tpu.memref_slice %arg9[%run_scoped3A_13, %dma_start3A, %dma_start3A_29] : memref<2x128x128xf32, #tpu.memory_space<vmem>> -> memref<1x128x128xf32, #tpu.memory_space<vmem>>
      %dma_start3A_31 = tpu.memref_squeeze %dma_start3A_30 : memref<1x128x128xf32, #tpu.memory_space<vmem>> -> memref<128x128xf32, #tpu.memory_space<vmem>>
      %dma_start3A_32 = arith.constant 0 : i32
      %dma_start3A_33 = tpu.memref_slice %arg8[%add3A_12, %dma_start3A_32] : memref<10112x128xf32, #tpu.memory_space<vmem_shared>> -> memref<128x128xf32, #tpu.memory_space<vmem_shared>>
      %dma_start3A_34 = arith.constant 0 : i32
      %dma_start3A_35 = tpu.memref_slice %arg8[%add3A_12, %dma_start3A_34] : memref<10112x128xf32, #tpu.memory_space<vmem_shared>> -> memref<128x128xf32, #tpu.memory_space<vmem_shared>>
      %dma_start3A_36 = arith.constant 0 : i32
      %dma_start3A_37 = arith.constant 0 : i32
      %dma_start3A_38 = tpu.memref_slice %arg9[%run_scoped3A_13, %dma_start3A_36, %dma_start3A_37] : memref<2x128x128xf32, #tpu.memory_space<vmem>> -> memref<1x128x128xf32, #tpu.memory_space<vmem>>
      %dma_start3A_39 = tpu.memref_squeeze %dma_start3A_38 : memref<1x128x128xf32, #tpu.memory_space<vmem>> -> memref<128x128xf32, #tpu.memory_space<vmem>>
      tpu.enqueue_dma source(%dma_start3A_39 : memref<128x128xf32, #tpu.memory_space<vmem>>) target(%dma_start3A_35 : memref<128x128xf32, #tpu.memory_space<vmem_shared>>) target_semaphore(%run_scoped3A_28 : memref<!tpu.dma_semaphore, #tpu.memory_space<semaphore_mem>>)
      %dma_wait3A = arith.constant 0 : i32
      %dma_wait3A_40 = arith.constant 0 : i32
      %dma_wait3A_41 = tpu.memref_slice %arg9[%run_scoped3A_13, %dma_wait3A, %dma_wait3A_40] : memref<2x128x128xf32, #tpu.memory_space<vmem>> -> memref<1x128x128xf32, #tpu.memory_space<vmem>>
      %dma_wait3A_42 = tpu.memref_squeeze %dma_wait3A_41 : memref<1x128x128xf32, #tpu.memory_space<vmem>> -> memref<128x128xf32, #tpu.memory_space<vmem>>
      %dma_wait3A_43 = arith.constant 0 : i32
      %dma_wait3A_44 = tpu.memref_slice %arg8[%add3A_12, %dma_wait3A_43] : memref<10112x128xf32, #tpu.memory_space<vmem_shared>> -> memref<128x128xf32, #tpu.memory_space<vmem_shared>>
      %dma_wait3A_45 = arith.constant 0 : i32
      %dma_wait3A_46 = tpu.memref_slice %arg8[%add3A_12, %dma_wait3A_45] : memref<10112x128xf32, #tpu.memory_space<vmem_shared>> -> memref<128x128xf32, #tpu.memory_space<vmem_shared>>
      %dma_wait3A_47 = arith.constant 0 : i32
      %dma_wait3A_48 = arith.constant 0 : i32
      %dma_wait3A_49 = tpu.memref_slice %arg9[%run_scoped3A_13, %dma_wait3A_47, %dma_wait3A_48] : memref<2x128x128xf32, #tpu.memory_space<vmem>> -> memref<1x128x128xf32, #tpu.memory_space<vmem>>
      %dma_wait3A_50 = tpu.memref_squeeze %dma_wait3A_49 : memref<1x128x128xf32, #tpu.memory_space<vmem>> -> memref<128x128xf32, #tpu.memory_space<vmem>>
      tpu.wait_dma2 semaphore(%run_scoped3A_28 : memref<!tpu.dma_semaphore, #tpu.memory_space<semaphore_mem>>) src(%dma_wait3A_50 : memref<128x128xf32, #tpu.memory_space<vmem>>) dst(%dma_wait3A_46 : memref<128x128xf32, #tpu.memory_space<vmem_shared>>)
      tpu.yield
    }) : () -> ()
    %add3A_14 = arith.constant 384 : i32
    %add3A_15 = arith.addi %mul3A_6, %add3A_14 : i32
    %run_scoped3A_16 = arith.constant 0 : i32
    "tpu.region"() ({
      %run_scoped3A_28 = tpu.sem_alloc : memref<!tpu.dma_semaphore, #tpu.memory_space<semaphore_mem>>
      %dma_start3A = arith.constant 0 : i32
      %dma_start3A_29 = arith.constant 0 : i32
      %dma_start3A_30 = tpu.memref_slice %arg9[%run_scoped3A_16, %dma_start3A, %dma_start3A_29] : memref<2x128x128xf32, #tpu.memory_space<vmem>> -> memref<1x128x128xf32, #tpu.memory_space<vmem>>
      %dma_start3A_31 = tpu.memref_squeeze %dma_start3A_30 : memref<1x128x128xf32, #tpu.memory_space<vmem>> -> memref<128x128xf32, #tpu.memory_space<vmem>>
      %dma_start3A_32 = arith.constant 0 : i32
      %dma_start3A_33 = tpu.memref_slice %arg8[%add3A_15, %dma_start3A_32] : memref<10112x128xf32, #tpu.memory_space<vmem_shared>> -> memref<128x128xf32, #tpu.memory_space<vmem_shared>>
      %dma_start3A_34 = arith.constant 0 : i32
      %dma_start3A_35 = tpu.memref_slice %arg8[%add3A_15, %dma_start3A_34] : memref<10112x128xf32, #tpu.memory_space<vmem_shared>> -> memref<128x128xf32, #tpu.memory_space<vmem_shared>>
      %dma_start3A_36 = arith.constant 0 : i32
      %dma_start3A_37 = arith.constant 0 : i32
      %dma_start3A_38 = tpu.memref_slice %arg9[%run_scoped3A_16, %dma_start3A_36, %dma_start3A_37] : memref<2x128x128xf32, #tpu.memory_space<vmem>> -> memref<1x128x128xf32, #tpu.memory_space<vmem>>
      %dma_start3A_39 = tpu.memref_squeeze %dma_start3A_38 : memref<1x128x128xf32, #tpu.memory_space<vmem>> -> memref<128x128xf32, #tpu.memory_space<vmem>>
      tpu.enqueue_dma source(%dma_start3A_39 : memref<128x128xf32, #tpu.memory_space<vmem>>) target(%dma_start3A_35 : memref<128x128xf32, #tpu.memory_space<vmem_shared>>) target_semaphore(%run_scoped3A_28 : memref<!tpu.dma_semaphore, #tpu.memory_space<semaphore_mem>>)
      %dma_wait3A = arith.constant 0 : i32
      %dma_wait3A_40 = arith.constant 0 : i32
      %dma_wait3A_41 = tpu.memref_slice %arg9[%run_scoped3A_16, %dma_wait3A, %dma_wait3A_40] : memref<2x128x128xf32, #tpu.memory_space<vmem>> -> memref<1x128x128xf32, #tpu.memory_space<vmem>>
      %dma_wait3A_42 = tpu.memref_squeeze %dma_wait3A_41 : memref<1x128x128xf32, #tpu.memory_space<vmem>> -> memref<128x128xf32, #tpu.memory_space<vmem>>
      %dma_wait3A_43 = arith.constant 0 : i32
      %dma_wait3A_44 = tpu.memref_slice %arg8[%add3A_15, %dma_wait3A_43] : memref<10112x128xf32, #tpu.memory_space<vmem_shared>> -> memref<128x128xf32, #tpu.memory_space<vmem_shared>>
      %dma_wait3A_45 = arith.constant 0 : i32
      %dma_wait3A_46 = tpu.memref_slice %arg8[%add3A_15, %dma_wait3A_45] : memref<10112x128xf32, #tpu.memory_space<vmem_shared>> -> memref<128x128xf32, #tpu.memory_space<vmem_shared>>
      %dma_wait3A_47 = arith.constant 0 : i32
      %dma_wait3A_48 = arith.constant 0 : i32
      %dma_wait3A_49 = tpu.memref_slice %arg9[%run_scoped3A_16, %dma_wait3A_47, %dma_wait3A_48] : memref<2x128x128xf32, #tpu.memory_space<vmem>> -> memref<1x128x128xf32, #tpu.memory_space<vmem>>
      %dma_wait3A_50 = tpu.memref_squeeze %dma_wait3A_49 : memref<1x128x128xf32, #tpu.memory_space<vmem>> -> memref<128x128xf32, #tpu.memory_space<vmem>>
      tpu.wait_dma2 semaphore(%run_scoped3A_28 : memref<!tpu.dma_semaphore, #tpu.memory_space<semaphore_mem>>) src(%dma_wait3A_50 : memref<128x128xf32, #tpu.memory_space<vmem>>) dst(%dma_wait3A_46 : memref<128x128xf32, #tpu.memory_space<vmem_shared>>)
      tpu.yield
    }) : () -> ()
    %add3A_17 = arith.constant 512 : i32
    %add3A_18 = arith.addi %mul3A_6, %add3A_17 : i32
    %run_scoped3A_19 = arith.constant 0 : i32
    "tpu.region"() ({
      %run_scoped3A_28 = tpu.sem_alloc : memref<!tpu.dma_semaphore, #tpu.memory_space<semaphore_mem>>
      %dma_start3A = arith.constant 0 : i32
      %dma_start3A_29 = arith.constant 0 : i32
      %dma_start3A_30 = tpu.memref_slice %arg9[%run_scoped3A_19, %dma_start3A, %dma_start3A_29] : memref<2x128x128xf32, #tpu.memory_space<vmem>> -> memref<1x128x128xf32, #tpu.memory_space<vmem>>
      %dma_start3A_31 = tpu.memref_squeeze %dma_start3A_30 : memref<1x128x128xf32, #tpu.memory_space<vmem>> -> memref<128x128xf32, #tpu.memory_space<vmem>>
      %dma_start3A_32 = arith.constant 0 : i32
      %dma_start3A_33 = arith.constant 0 : i32
      %dma_start3A_34 = tpu.memref_slice %dma_start3A_31[%dma_start3A_32, %dma_start3A_33] : memref<128x128xf32, #tpu.memory_space<vmem>> -> memref<120x128xf32, #tpu.memory_space<vmem>>
      %dma_start3A_35 = arith.constant 0 : i32
      %dma_start3A_36 = tpu.memref_slice %arg8[%add3A_18, %dma_start3A_35] : memref<10112x128xf32, #tpu.memory_space<vmem_shared>> -> memref<120x128xf32, #tpu.memory_space<vmem_shared>>
      %dma_start3A_37 = arith.constant 0 : i32
      %dma_start3A_38 = tpu.memref_slice %arg8[%add3A_18, %dma_start3A_37] : memref<10112x128xf32, #tpu.memory_space<vmem_shared>> -> memref<120x128xf32, #tpu.memory_space<vmem_shared>>
      %dma_start3A_39 = arith.constant 0 : i32
      %dma_start3A_40 = arith.constant 0 : i32
      %dma_start3A_41 = tpu.memref_slice %arg9[%run_scoped3A_19, %dma_start3A_39, %dma_start3A_40] : memref<2x128x128xf32, #tpu.memory_space<vmem>> -> memref<1x128x128xf32, #tpu.memory_space<vmem>>
      %dma_start3A_42 = tpu.memref_squeeze %dma_start3A_41 : memref<1x128x128xf32, #tpu.memory_space<vmem>> -> memref<128x128xf32, #tpu.memory_space<vmem>>
      %dma_start3A_43 = arith.constant 0 : i32
      %dma_start3A_44 = arith.constant 0 : i32
      %dma_start3A_45 = tpu.memref_slice %dma_start3A_42[%dma_start3A_43, %dma_start3A_44] : memref<128x128xf32, #tpu.memory_space<vmem>> -> memref<120x128xf32, #tpu.memory_space<vmem>>
      tpu.enqueue_dma source(%dma_start3A_45 : memref<120x128xf32, #tpu.memory_space<vmem>>) target(%dma_start3A_38 : memref<120x128xf32, #tpu.memory_space<vmem_shared>>) target_semaphore(%run_scoped3A_28 : memref<!tpu.dma_semaphore, #tpu.memory_space<semaphore_mem>>)
      %dma_wait3A = arith.constant 0 : i32
      %dma_wait3A_46 = arith.constant 0 : i32
      %dma_wait3A_47 = tpu.memref_slice %arg9[%run_scoped3A_19, %dma_wait3A, %dma_wait3A_46] : memref<2x128x128xf32, #tpu.memory_space<vmem>> -> memref<1x128x128xf32, #tpu.memory_space<vmem>>
      %dma_wait3A_48 = tpu.memref_squeeze %dma_wait3A_47 : memref<1x128x128xf32, #tpu.memory_space<vmem>> -> memref<128x128xf32, #tpu.memory_space<vmem>>
      %dma_wait3A_49 = arith.constant 0 : i32
      %dma_wait3A_50 = arith.constant 0 : i32
      %dma_wait3A_51 = tpu.memref_slice %dma_wait3A_48[%dma_wait3A_49, %dma_wait3A_50] : memref<128x128xf32, #tpu.memory_space<vmem>> -> memref<120x128xf32, #tpu.memory_space<vmem>>
      %dma_wait3A_52 = arith.constant 0 : i32
      %dma_wait3A_53 = tpu.memref_slice %arg8[%add3A_18, %dma_wait3A_52] : memref<10112x128xf32, #tpu.memory_space<vmem_shared>> -> memref<120x128xf32, #tpu.memory_space<vmem_shared>>
      %dma_wait3A_54 = arith.constant 0 : i32
      %dma_wait3A_55 = tpu.memref_slice %arg8[%add3A_18, %dma_wait3A_54] : memref<10112x128xf32, #tpu.memory_space<vmem_shared>> -> memref<120x128xf32, #tpu.memory_space<vmem_shared>>
      %dma_wait3A_56 = arith.constant 0 : i32
      %dma_wait3A_57 = arith.constant 0 : i32
      %dma_wait3A_58 = tpu.memref_slice %arg9[%run_scoped3A_19, %dma_wait3A_56, %dma_wait3A_57] : memref<2x128x128xf32, #tpu.memory_space<vmem>> -> memref<1x128x128xf32, #tpu.memory_space<vmem>>
      %dma_wait3A_59 = tpu.memref_squeeze %dma_wait3A_58 : memref<1x128x128xf32, #tpu.memory_space<vmem>> -> memref<128x128xf32, #tpu.memory_space<vmem>>
      %dma_wait3A_60 = arith.constant 0 : i32
      %dma_wait3A_61 = arith.constant 0 : i32
      %dma_wait3A_62 = tpu.memref_slice %dma_wait3A_59[%dma_wait3A_60, %dma_wait3A_61] : memref<128x128xf32, #tpu.memory_space<vmem>> -> memref<120x128xf32, #tpu.memory_space<vmem>>
      tpu.wait_dma2 semaphore(%run_scoped3A_28 : memref<!tpu.dma_semaphore, #tpu.memory_space<semaphore_mem>>) src(%dma_wait3A_62 : memref<120x128xf32, #tpu.memory_space<vmem>>) dst(%dma_wait3A_55 : memref<120x128xf32, #tpu.memory_space<vmem_shared>>)
      tpu.yield
    }) : () -> ()
    %barrier3A = arith.constant 0 : index
    tpu.barrier barrier_id(%barrier3A)
    %eq3A = arith.constant 0 : i32
    %eq3A_20 = arith.cmpi eq, %arg0, %eq3A : i32
    %convert_element_type3A = arith.extui %eq3A_20 : i1 to i32
    %cond3A = arith.constant 0 : i32
    %cond3A_21 = arith.cmpi ne, %convert_element_type3A, %cond3A : i32
    scf.if %cond3A_21 {
      %run_scoped3A_28 = arith.constant 0 : i32
      "tpu.region"() ({
        %run_scoped3A_236 = tpu.sem_alloc : memref<!tpu.dma_semaphore, #tpu.memory_space<semaphore_mem>>
        %dma_start3A_237 = arith.constant 0 : i32
        %dma_start3A_238 = arith.constant 0 : i32
        %dma_start3A_239 = tpu.memref_slice %arg10[%dma_start3A_237, %dma_start3A_238] : memref<40x128xi32, #tpu.memory_space<vmem>> -> memref<40x128xi32, #tpu.memory_space<vmem>>
        %dma_start3A_240 = arith.constant 0 : i32
        %dma_start3A_241 = arith.constant 0 : i32
        %dma_start3A_242 = tpu.memref_slice %arg3[%arg1, %run_scoped3A_28, %dma_start3A_240, %dma_start3A_241] : memref<16x2x40x128xi32, #tpu.memory_space<hbm>> -> memref<1x1x40x128xi32, #tpu.memory_space<hbm>>
        %dma_start3A_243 = tpu.memref_squeeze %dma_start3A_242 : memref<1x1x40x128xi32, #tpu.memory_space<hbm>> -> memref<40x128xi32, #tpu.memory_space<hbm>>
        %dma_start3A_244 = arith.constant 0 : i32
        %dma_start3A_245 = arith.constant 0 : i32
        %dma_start3A_246 = tpu.memref_slice %arg10[%dma_start3A_244, %dma_start3A_245] : memref<40x128xi32, #tpu.memory_space<vmem>> -> memref<40x128xi32, #tpu.memory_space<vmem>>
        %dma_start3A_247 = arith.constant 0 : i32
        %dma_start3A_248 = arith.constant 0 : i32
        %dma_start3A_249 = tpu.memref_slice %arg3[%arg1, %run_scoped3A_28, %dma_start3A_247, %dma_start3A_248] : memref<16x2x40x128xi32, #tpu.memory_space<hbm>> -> memref<1x1x40x128xi32, #tpu.memory_space<hbm>>
        %dma_start3A_250 = tpu.memref_squeeze %dma_start3A_249 : memref<1x1x40x128xi32, #tpu.memory_space<hbm>> -> memref<40x128xi32, #tpu.memory_space<hbm>>
        tpu.enqueue_dma source(%dma_start3A_250 : memref<40x128xi32, #tpu.memory_space<hbm>>) target(%dma_start3A_246 : memref<40x128xi32, #tpu.memory_space<vmem>>) target_semaphore(%run_scoped3A_236 : memref<!tpu.dma_semaphore, #tpu.memory_space<semaphore_mem>>)
        %dma_wait3A_251 = arith.constant 0 : i32
        %dma_wait3A_252 = arith.constant 0 : i32
        %dma_wait3A_253 = tpu.memref_slice %arg10[%dma_wait3A_251, %dma_wait3A_252] : memref<40x128xi32, #tpu.memory_space<vmem>> -> memref<40x128xi32, #tpu.memory_space<vmem>>
        %dma_wait3A_254 = arith.constant 0 : i32
        %dma_wait3A_255 = arith.constant 0 : i32
        %dma_wait3A_256 = tpu.memref_slice %arg3[%arg1, %run_scoped3A_28, %dma_wait3A_254, %dma_wait3A_255] : memref<16x2x40x128xi32, #tpu.memory_space<hbm>> -> memref<1x1x40x128xi32, #tpu.memory_space<hbm>>
        %dma_wait3A_257 = tpu.memref_squeeze %dma_wait3A_256 : memref<1x1x40x128xi32, #tpu.memory_space<hbm>> -> memref<40x128xi32, #tpu.memory_space<hbm>>
        %dma_wait3A_258 = arith.constant 0 : i32
        %dma_wait3A_259 = arith.constant 0 : i32
        %dma_wait3A_260 = tpu.memref_slice %arg10[%dma_wait3A_258, %dma_wait3A_259] : memref<40x128xi32, #tpu.memory_space<vmem>> -> memref<40x128xi32, #tpu.memory_space<vmem>>
        %dma_wait3A_261 = arith.constant 0 : i32
        %dma_wait3A_262 = arith.constant 0 : i32
        %dma_wait3A_263 = tpu.memref_slice %arg3[%arg1, %run_scoped3A_28, %dma_wait3A_261, %dma_wait3A_262] : memref<16x2x40x128xi32, #tpu.memory_space<hbm>> -> memref<1x1x40x128xi32, #tpu.memory_space<hbm>>
        %dma_wait3A_264 = tpu.memref_squeeze %dma_wait3A_263 : memref<1x1x40x128xi32, #tpu.memory_space<hbm>> -> memref<40x128xi32, #tpu.memory_space<hbm>>
        tpu.wait_dma2 semaphore(%run_scoped3A_236 : memref<!tpu.dma_semaphore, #tpu.memory_space<semaphore_mem>>) src(%dma_wait3A_264 : memref<40x128xi32, #tpu.memory_space<hbm>>) dst(%dma_wait3A_260 : memref<40x128xi32, #tpu.memory_space<vmem>>)
        tpu.yield
      }) : () -> ()
      %run_scoped3A_29 = arith.constant 0 : i32
      "tpu.region"() ({
        %run_scoped3A_236 = tpu.sem_alloc : memref<!tpu.dma_semaphore, #tpu.memory_space<semaphore_mem>>
        %dma_start3A_237 = arith.constant 0 : i32
        %dma_start3A_238 = arith.constant 0 : i32
        %dma_start3A_239 = tpu.memref_slice %arg11[%dma_start3A_237, %dma_start3A_238] : memref<40x128xi32, #tpu.memory_space<vmem>> -> memref<40x128xi32, #tpu.memory_space<vmem>>
        %dma_start3A_240 = arith.constant 0 : i32
        %dma_start3A_241 = arith.constant 0 : i32
        %dma_start3A_242 = tpu.memref_slice %arg4[%arg1, %run_scoped3A_29, %dma_start3A_240, %dma_start3A_241] : memref<16x2x40x128xi32, #tpu.memory_space<hbm>> -> memref<1x1x40x128xi32, #tpu.memory_space<hbm>>
        %dma_start3A_243 = tpu.memref_squeeze %dma_start3A_242 : memref<1x1x40x128xi32, #tpu.memory_space<hbm>> -> memref<40x128xi32, #tpu.memory_space<hbm>>
        %dma_start3A_244 = arith.constant 0 : i32
        %dma_start3A_245 = arith.constant 0 : i32
        %dma_start3A_246 = tpu.memref_slice %arg11[%dma_start3A_244, %dma_start3A_245] : memref<40x128xi32, #tpu.memory_space<vmem>> -> memref<40x128xi32, #tpu.memory_space<vmem>>
        %dma_start3A_247 = arith.constant 0 : i32
        %dma_start3A_248 = arith.constant 0 : i32
        %dma_start3A_249 = tpu.memref_slice %arg4[%arg1, %run_scoped3A_29, %dma_start3A_247, %dma_start3A_248] : memref<16x2x40x128xi32, #tpu.memory_space<hbm>> -> memref<1x1x40x128xi32, #tpu.memory_space<hbm>>
        %dma_start3A_250 = tpu.memref_squeeze %dma_start3A_249 : memref<1x1x40x128xi32, #tpu.memory_space<hbm>> -> memref<40x128xi32, #tpu.memory_space<hbm>>
        tpu.enqueue_dma source(%dma_start3A_250 : memref<40x128xi32, #tpu.memory_space<hbm>>) target(%dma_start3A_246 : memref<40x128xi32, #tpu.memory_space<vmem>>) target_semaphore(%run_scoped3A_236 : memref<!tpu.dma_semaphore, #tpu.memory_space<semaphore_mem>>)
        %dma_wait3A_251 = arith.constant 0 : i32
        %dma_wait3A_252 = arith.constant 0 : i32
        %dma_wait3A_253 = tpu.memref_slice %arg11[%dma_wait3A_251, %dma_wait3A_252] : memref<40x128xi32, #tpu.memory_space<vmem>> -> memref<40x128xi32, #tpu.memory_space<vmem>>
        %dma_wait3A_254 = arith.constant 0 : i32
        %dma_wait3A_255 = arith.constant 0 : i32
        %dma_wait3A_256 = tpu.memref_slice %arg4[%arg1, %run_scoped3A_29, %dma_wait3A_254, %dma_wait3A_255] : memref<16x2x40x128xi32, #tpu.memory_space<hbm>> -> memref<1x1x40x128xi32, #tpu.memory_space<hbm>>
        %dma_wait3A_257 = tpu.memref_squeeze %dma_wait3A_256 : memref<1x1x40x128xi32, #tpu.memory_space<hbm>> -> memref<40x128xi32, #tpu.memory_space<hbm>>
        %dma_wait3A_258 = arith.constant 0 : i32
        %dma_wait3A_259 = arith.constant 0 : i32
        %dma_wait3A_260 = tpu.memref_slice %arg11[%dma_wait3A_258, %dma_wait3A_259] : memref<40x128xi32, #tpu.memory_space<vmem>> -> memref<40x128xi32, #tpu.memory_space<vmem>>
        %dma_wait3A_261 = arith.constant 0 : i32
        %dma_wait3A_262 = arith.constant 0 : i32
        %dma_wait3A_263 = tpu.memref_slice %arg4[%arg1, %run_scoped3A_29, %dma_wait3A_261, %dma_wait3A_262] : memref<16x2x40x128xi32, #tpu.memory_space<hbm>> -> memref<1x1x40x128xi32, #tpu.memory_space<hbm>>
        %dma_wait3A_264 = tpu.memref_squeeze %dma_wait3A_263 : memref<1x1x40x128xi32, #tpu.memory_space<hbm>> -> memref<40x128xi32, #tpu.memory_space<hbm>>
        tpu.wait_dma2 semaphore(%run_scoped3A_236 : memref<!tpu.dma_semaphore, #tpu.memory_space<semaphore_mem>>) src(%dma_wait3A_264 : memref<40x128xi32, #tpu.memory_space<hbm>>) dst(%dma_wait3A_260 : memref<40x128xi32, #tpu.memory_space<vmem>>)
        tpu.yield
      }) : () -> ()
      %dma_start3A = arith.constant 0 : i32
      %dma_start3A_30 = arith.constant 0 : i32
      %dma_start3A_31 = arith.constant 0 : i32
      %dma_start3A_32 = arith.constant 0 : i32
      %dma_start3A_33 = tpu.memref_slice %arg9[%dma_start3A_30, %dma_start3A_31, %dma_start3A_32] : memref<2x128x128xf32, #tpu.memory_space<vmem>> -> memref<1x128x128xf32, #tpu.memory_space<vmem>>
      %dma_start3A_34 = tpu.memref_squeeze %dma_start3A_33 : memref<1x128x128xf32, #tpu.memory_space<vmem>> -> memref<128x128xf32, #tpu.memory_space<vmem>>
      %dma_start3A_35 = arith.constant 0 : i32
      %dma_start3A_36 = tpu.memref_slice %arg10[%dma_start3A, %dma_start3A_35] : memref<40x128xi32, #tpu.memory_space<vmem>> -> memref<1x128xi32, #tpu.memory_space<vmem>>
      %dma_start3A_37 = tpu.memref_squeeze %dma_start3A_36 : memref<1x128xi32, #tpu.memory_space<vmem>> -> memref<128xi32, #tpu.memory_space<vmem>>
      %dma_start3A_38 = arith.constant 0 : i32
      %dma_start3A_39 = arith.constant 0 : i32
      %dma_start3A_40 = tpu.memref_slice %arg2[%dma_start3A_38, %dma_start3A_39] : memref<10000x128xf32, #tpu.memory_space<hbm>> -> memref<10000x128xf32, #tpu.memory_space<hbm>>
      tpu.enqueue_indirect_dma source(%dma_start3A_40 : memref<10000x128xf32, #tpu.memory_space<hbm>>) target(%dma_start3A_34 : memref<128x128xf32, #tpu.memory_space<vmem>>) offsets(%dma_start3A_37 : memref<128xi32, #tpu.memory_space<vmem>>) semaphore(%arg12 : memref<!tpu.dma_semaphore, #tpu.memory_space<semaphore_mem>>)
      %dma_start3A_41 = arith.constant 1 : i32
      %dma_start3A_42 = arith.constant 1 : i32
      %dma_start3A_43 = arith.constant 0 : i32
      %dma_start3A_44 = arith.constant 0 : i32
      %dma_start3A_45 = tpu.memref_slice %arg9[%dma_start3A_42, %dma_start3A_43, %dma_start3A_44] : memref<2x128x128xf32, #tpu.memory_space<vmem>> -> memref<1x128x128xf32, #tpu.memory_space<vmem>>
      %dma_start3A_46 = tpu.memref_squeeze %dma_start3A_45 : memref<1x128x128xf32, #tpu.memory_space<vmem>> -> memref<128x128xf32, #tpu.memory_space<vmem>>
      %dma_start3A_47 = arith.constant 0 : i32
      %dma_start3A_48 = tpu.memref_slice %arg10[%dma_start3A_41, %dma_start3A_47] : memref<40x128xi32, #tpu.memory_space<vmem>> -> memref<1x128xi32, #tpu.memory_space<vmem>>
      %dma_start3A_49 = tpu.memref_squeeze %dma_start3A_48 : memref<1x128xi32, #tpu.memory_space<vmem>> -> memref<128xi32, #tpu.memory_space<vmem>>
      %dma_start3A_50 = arith.constant 0 : i32
      %dma_start3A_51 = arith.constant 0 : i32
      %dma_start3A_52 = tpu.memref_slice %arg2[%dma_start3A_50, %dma_start3A_51] : memref<10000x128xf32, #tpu.memory_space<hbm>> -> memref<10000x128xf32, #tpu.memory_space<hbm>>
      tpu.enqueue_indirect_dma source(%dma_start3A_52 : memref<10000x128xf32, #tpu.memory_space<hbm>>) target(%dma_start3A_46 : memref<128x128xf32, #tpu.memory_space<vmem>>) offsets(%dma_start3A_49 : memref<128xi32, #tpu.memory_space<vmem>>) semaphore(%arg13 : memref<!tpu.dma_semaphore, #tpu.memory_space<semaphore_mem>>)
      %scan3A_53 = arith.constant 0 : i32
      %scan3A_54 = arith.constant 0 : i32
      %scan3A_55 = arith.constant 19 : i32
      %scan3A_56 = arith.addi %scan3A_54, %scan3A_55 : i32
      %scan3A_57 = arith.constant 1 : i32
      %scan3A_58 = scf.for %scan3A_236 = %scan3A_54 to %scan3A_56 step %scan3A_57 iter_args(%scan3A_237 = %scan3A_53) -> (i32)  : i32 {
        %mul3A_238 = arith.constant 2 : i32
        %mul3A_239 = arith.muli %mul3A_238, %scan3A_236 : i32
        %dma_wait3A_240 = arith.constant 0 : i32
        %dma_wait3A_241 = arith.constant 0 : i32
        %dma_wait3A_242 = arith.constant 0 : i32
        %dma_wait3A_243 = tpu.memref_slice %arg9[%dma_wait3A_240, %dma_wait3A_241, %dma_wait3A_242] : memref<2x128x128xf32, #tpu.memory_space<vmem>> -> memref<1x128x128xf32, #tpu.memory_space<vmem>>
        %dma_wait3A_244 = tpu.memref_squeeze %dma_wait3A_243 : memref<1x128x128xf32, #tpu.memory_space<vmem>> -> memref<128x128xf32, #tpu.memory_space<vmem>>
        %dma_wait3A_245 = arith.constant 0 : i32
        %dma_wait3A_246 = tpu.memref_slice %arg10[%mul3A_239, %dma_wait3A_245] : memref<40x128xi32, #tpu.memory_space<vmem>> -> memref<1x128xi32, #tpu.memory_space<vmem>>
        %dma_wait3A_247 = tpu.memref_squeeze %dma_wait3A_246 : memref<1x128xi32, #tpu.memory_space<vmem>> -> memref<128xi32, #tpu.memory_space<vmem>>
        %dma_wait3A_248 = arith.constant 0 : i32
        %dma_wait3A_249 = arith.constant 0 : i32
        %dma_wait3A_250 = tpu.memref_slice %arg2[%dma_wait3A_248, %dma_wait3A_249] : memref<10000x128xf32, #tpu.memory_space<hbm>> -> memref<10000x128xf32, #tpu.memory_space<hbm>>
        tpu.wait_indirect_dma semaphore(%arg12 : memref<!tpu.dma_semaphore, #tpu.memory_space<semaphore_mem>>) src(%dma_wait3A_250 : memref<10000x128xf32, #tpu.memory_space<hbm>>) dst(%dma_wait3A_244 : memref<128x128xf32, #tpu.memory_space<vmem>>)
        %dma_start3A_251 = arith.constant 0 : i32
        %dma_start3A_252 = arith.constant 0 : i32
        %dma_start3A_253 = arith.constant 0 : i32
        %dma_start3A_254 = tpu.memref_slice %arg9[%dma_start3A_251, %dma_start3A_252, %dma_start3A_253] : memref<2x128x128xf32, #tpu.memory_space<vmem>> -> memref<1x128x128xf32, #tpu.memory_space<vmem>>
        %dma_start3A_255 = tpu.memref_squeeze %dma_start3A_254 : memref<1x128x128xf32, #tpu.memory_space<vmem>> -> memref<128x128xf32, #tpu.memory_space<vmem>>
        %dma_start3A_256 = arith.constant 0 : i32
        %dma_start3A_257 = tpu.memref_slice %arg11[%mul3A_239, %dma_start3A_256] : memref<40x128xi32, #tpu.memory_space<vmem>> -> memref<1x128xi32, #tpu.memory_space<vmem>>
        %dma_start3A_258 = tpu.memref_squeeze %dma_start3A_257 : memref<1x128xi32, #tpu.memory_space<vmem>> -> memref<128xi32, #tpu.memory_space<vmem>>
        %dma_start3A_259 = arith.constant 0 : i32
        %dma_start3A_260 = arith.constant 0 : i32
        %dma_start3A_261 = tpu.memref_slice %arg8[%dma_start3A_259, %dma_start3A_260] : memref<10112x128xf32, #tpu.memory_space<vmem_shared>> -> memref<10112x128xf32, #tpu.memory_space<vmem_shared>>
        tpu.enqueue_indirect_dma source(%dma_start3A_255 : memref<128x128xf32, #tpu.memory_space<vmem>>) target(%dma_start3A_261 : memref<10112x128xf32, #tpu.memory_space<vmem_shared>>) offsets(%dma_start3A_258 : memref<128xi32, #tpu.memory_space<vmem>>) semaphore(%arg14 : memref<!tpu.dma_semaphore, #tpu.memory_space<semaphore_mem>>) {add = true}
        %dma_wait3A_262 = arith.constant 0 : i32
        %dma_wait3A_263 = arith.constant 0 : i32
        %dma_wait3A_264 = arith.constant 0 : i32
        %dma_wait3A_265 = tpu.memref_slice %arg9[%dma_wait3A_262, %dma_wait3A_263, %dma_wait3A_264] : memref<2x128x128xf32, #tpu.memory_space<vmem>> -> memref<1x128x128xf32, #tpu.memory_space<vmem>>
        %dma_wait3A_266 = tpu.memref_squeeze %dma_wait3A_265 : memref<1x128x128xf32, #tpu.memory_space<vmem>> -> memref<128x128xf32, #tpu.memory_space<vmem>>
        %dma_wait3A_267 = arith.constant 0 : i32
        %dma_wait3A_268 = tpu.memref_slice %arg11[%mul3A_239, %dma_wait3A_267] : memref<40x128xi32, #tpu.memory_space<vmem>> -> memref<1x128xi32, #tpu.memory_space<vmem>>
        %dma_wait3A_269 = tpu.memref_squeeze %dma_wait3A_268 : memref<1x128xi32, #tpu.memory_space<vmem>> -> memref<128xi32, #tpu.memory_space<vmem>>
        %dma_wait3A_270 = arith.constant 0 : i32
        %dma_wait3A_271 = arith.constant 0 : i32
        %dma_wait3A_272 = tpu.memref_slice %arg8[%dma_wait3A_270, %dma_wait3A_271] : memref<10112x128xf32, #tpu.memory_space<vmem_shared>> -> memref<10112x128xf32, #tpu.memory_space<vmem_shared>>
        tpu.wait_indirect_dma semaphore(%arg14 : memref<!tpu.dma_semaphore, #tpu.memory_space<semaphore_mem>>) src(%dma_wait3A_266 : memref<128x128xf32, #tpu.memory_space<vmem>>) dst(%dma_wait3A_272 : memref<10112x128xf32, #tpu.memory_space<vmem_shared>>)
        %add3A_273 = arith.constant 2 : i32
        %add3A_274 = arith.addi %mul3A_239, %add3A_273 : i32
        %dma_start3A_275 = arith.constant 0 : i32
        %dma_start3A_276 = arith.constant 0 : i32
        %dma_start3A_277 = arith.constant 0 : i32
        %dma_start3A_278 = tpu.memref_slice %arg9[%dma_start3A_275, %dma_start3A_276, %dma_start3A_277] : memref<2x128x128xf32, #tpu.memory_space<vmem>> -> memref<1x128x128xf32, #tpu.memory_space<vmem>>
        %dma_start3A_279 = tpu.memref_squeeze %dma_start3A_278 : memref<1x128x128xf32, #tpu.memory_space<vmem>> -> memref<128x128xf32, #tpu.memory_space<vmem>>
        %dma_start3A_280 = arith.constant 0 : i32
        %dma_start3A_281 = tpu.memref_slice %arg10[%add3A_274, %dma_start3A_280] : memref<40x128xi32, #tpu.memory_space<vmem>> -> memref<1x128xi32, #tpu.memory_space<vmem>>
        %dma_start3A_282 = tpu.memref_squeeze %dma_start3A_281 : memref<1x128xi32, #tpu.memory_space<vmem>> -> memref<128xi32, #tpu.memory_space<vmem>>
        %dma_start3A_283 = arith.constant 0 : i32
        %dma_start3A_284 = arith.constant 0 : i32
        %dma_start3A_285 = tpu.memref_slice %arg2[%dma_start3A_283, %dma_start3A_284] : memref<10000x128xf32, #tpu.memory_space<hbm>> -> memref<10000x128xf32, #tpu.memory_space<hbm>>
        tpu.enqueue_indirect_dma source(%dma_start3A_285 : memref<10000x128xf32, #tpu.memory_space<hbm>>) target(%dma_start3A_279 : memref<128x128xf32, #tpu.memory_space<vmem>>) offsets(%dma_start3A_282 : memref<128xi32, #tpu.memory_space<vmem>>) semaphore(%arg12 : memref<!tpu.dma_semaphore, #tpu.memory_space<semaphore_mem>>)
        %add3A_286 = arith.constant 1 : i32
        %add3A_287 = arith.addi %mul3A_239, %add3A_286 : i32
        %dma_wait3A_288 = arith.constant 1 : i32
        %dma_wait3A_289 = arith.constant 0 : i32
        %dma_wait3A_290 = arith.constant 0 : i32
        %dma_wait3A_291 = tpu.memref_slice %arg9[%dma_wait3A_288, %dma_wait3A_289, %dma_wait3A_290] : memref<2x128x128xf32, #tpu.memory_space<vmem>> -> memref<1x128x128xf32, #tpu.memory_space<vmem>>
        %dma_wait3A_292 = tpu.memref_squeeze %dma_wait3A_291 : memref<1x128x128xf32, #tpu.memory_space<vmem>> -> memref<128x128xf32, #tpu.memory_space<vmem>>
        %dma_wait3A_293 = arith.constant 0 : i32
        %dma_wait3A_294 = tpu.memref_slice %arg10[%add3A_287, %dma_wait3A_293] : memref<40x128xi32, #tpu.memory_space<vmem>> -> memref<1x128xi32, #tpu.memory_space<vmem>>
        %dma_wait3A_295 = tpu.memref_squeeze %dma_wait3A_294 : memref<1x128xi32, #tpu.memory_space<vmem>> -> memref<128xi32, #tpu.memory_space<vmem>>
        %dma_wait3A_296 = arith.constant 0 : i32
        %dma_wait3A_297 = arith.constant 0 : i32
        %dma_wait3A_298 = tpu.memref_slice %arg2[%dma_wait3A_296, %dma_wait3A_297] : memref<10000x128xf32, #tpu.memory_space<hbm>> -> memref<10000x128xf32, #tpu.memory_space<hbm>>
        tpu.wait_indirect_dma semaphore(%arg13 : memref<!tpu.dma_semaphore, #tpu.memory_space<semaphore_mem>>) src(%dma_wait3A_298 : memref<10000x128xf32, #tpu.memory_space<hbm>>) dst(%dma_wait3A_292 : memref<128x128xf32, #tpu.memory_space<vmem>>)
        %add3A_299 = arith.constant 1 : i32
        %add3A_300 = arith.addi %mul3A_239, %add3A_299 : i32
        %dma_start3A_301 = arith.constant 1 : i32
        %dma_start3A_302 = arith.constant 0 : i32
        %dma_start3A_303 = arith.constant 0 : i32
        %dma_start3A_304 = tpu.memref_slice %arg9[%dma_start3A_301, %dma_start3A_302, %dma_start3A_303] : memref<2x128x128xf32, #tpu.memory_space<vmem>> -> memref<1x128x128xf32, #tpu.memory_space<vmem>>
        %dma_start3A_305 = tpu.memref_squeeze %dma_start3A_304 : memref<1x128x128xf32, #tpu.memory_space<vmem>> -> memref<128x128xf32, #tpu.memory_space<vmem>>
        %dma_start3A_306 = arith.constant 0 : i32
        %dma_start3A_307 = tpu.memref_slice %arg11[%add3A_300, %dma_start3A_306] : memref<40x128xi32, #tpu.memory_space<vmem>> -> memref<1x128xi32, #tpu.memory_space<vmem>>
        %dma_start3A_308 = tpu.memref_squeeze %dma_start3A_307 : memref<1x128xi32, #tpu.memory_space<vmem>> -> memref<128xi32, #tpu.memory_space<vmem>>
        %dma_start3A_309 = arith.constant 0 : i32
        %dma_start3A_310 = arith.constant 0 : i32
        %dma_start3A_311 = tpu.memref_slice %arg8[%dma_start3A_309, %dma_start3A_310] : memref<10112x128xf32, #tpu.memory_space<vmem_shared>> -> memref<10112x128xf32, #tpu.memory_space<vmem_shared>>
        tpu.enqueue_indirect_dma source(%dma_start3A_305 : memref<128x128xf32, #tpu.memory_space<vmem>>) target(%dma_start3A_311 : memref<10112x128xf32, #tpu.memory_space<vmem_shared>>) offsets(%dma_start3A_308 : memref<128xi32, #tpu.memory_space<vmem>>) semaphore(%arg15 : memref<!tpu.dma_semaphore, #tpu.memory_space<semaphore_mem>>) {add = true}
        %add3A_312 = arith.constant 1 : i32
        %add3A_313 = arith.addi %mul3A_239, %add3A_312 : i32
        %dma_wait3A_314 = arith.constant 1 : i32
        %dma_wait3A_315 = arith.constant 0 : i32
        %dma_wait3A_316 = arith.constant 0 : i32
        %dma_wait3A_317 = tpu.memref_slice %arg9[%dma_wait3A_314, %dma_wait3A_315, %dma_wait3A_316] : memref<2x128x128xf32, #tpu.memory_space<vmem>> -> memref<1x128x128xf32, #tpu.memory_space<vmem>>
        %dma_wait3A_318 = tpu.memref_squeeze %dma_wait3A_317 : memref<1x128x128xf32, #tpu.memory_space<vmem>> -> memref<128x128xf32, #tpu.memory_space<vmem>>
        %dma_wait3A_319 = arith.constant 0 : i32
        %dma_wait3A_320 = tpu.memref_slice %arg11[%add3A_313, %dma_wait3A_319] : memref<40x128xi32, #tpu.memory_space<vmem>> -> memref<1x128xi32, #tpu.memory_space<vmem>>
        %dma_wait3A_321 = tpu.memref_squeeze %dma_wait3A_320 : memref<1x128xi32, #tpu.memory_space<vmem>> -> memref<128xi32, #tpu.memory_space<vmem>>
        %dma_wait3A_322 = arith.constant 0 : i32
        %dma_wait3A_323 = arith.constant 0 : i32
        %dma_wait3A_324 = tpu.memref_slice %arg8[%dma_wait3A_322, %dma_wait3A_323] : memref<10112x128xf32, #tpu.memory_space<vmem_shared>> -> memref<10112x128xf32, #tpu.memory_space<vmem_shared>>
        tpu.wait_indirect_dma semaphore(%arg15 : memref<!tpu.dma_semaphore, #tpu.memory_space<semaphore_mem>>) src(%dma_wait3A_318 : memref<128x128xf32, #tpu.memory_space<vmem>>) dst(%dma_wait3A_324 : memref<10112x128xf32, #tpu.memory_space<vmem_shared>>)
        %add3A_325 = arith.constant 3 : i32
        %add3A_326 = arith.addi %mul3A_239, %add3A_325 : i32
        %dma_start3A_327 = arith.constant 1 : i32
        %dma_start3A_328 = arith.constant 0 : i32
        %dma_start3A_329 = arith.constant 0 : i32
        %dma_start3A_330 = tpu.memref_slice %arg9[%dma_start3A_327, %dma_start3A_328, %dma_start3A_329] : memref<2x128x128xf32, #tpu.memory_space<vmem>> -> memref<1x128x128xf32, #tpu.memory_space<vmem>>
        %dma_start3A_331 = tpu.memref_squeeze %dma_start3A_330 : memref<1x128x128xf32, #tpu.memory_space<vmem>> -> memref<128x128xf32, #tpu.memory_space<vmem>>
        %dma_start3A_332 = arith.constant 0 : i32
        %dma_start3A_333 = tpu.memref_slice %arg10[%add3A_326, %dma_start3A_332] : memref<40x128xi32, #tpu.memory_space<vmem>> -> memref<1x128xi32, #tpu.memory_space<vmem>>
        %dma_start3A_334 = tpu.memref_squeeze %dma_start3A_333 : memref<1x128xi32, #tpu.memory_space<vmem>> -> memref<128xi32, #tpu.memory_space<vmem>>
        %dma_start3A_335 = arith.constant 0 : i32
        %dma_start3A_336 = arith.constant 0 : i32
        %dma_start3A_337 = tpu.memref_slice %arg2[%dma_start3A_335, %dma_start3A_336] : memref<10000x128xf32, #tpu.memory_space<hbm>> -> memref<10000x128xf32, #tpu.memory_space<hbm>>
        tpu.enqueue_indirect_dma source(%dma_start3A_337 : memref<10000x128xf32, #tpu.memory_space<hbm>>) target(%dma_start3A_331 : memref<128x128xf32, #tpu.memory_space<vmem>>) offsets(%dma_start3A_334 : memref<128xi32, #tpu.memory_space<vmem>>) semaphore(%arg13 : memref<!tpu.dma_semaphore, #tpu.memory_space<semaphore_mem>>)
        %scan3A_338 = arith.constant 0 : i32
        scf.yield %scan3A_338 : i32
      }
      %scan3A_59 = arith.constant 19 : i32
      %dma_wait3A = arith.constant 38 : i32
      %dma_wait3A_60 = arith.constant 0 : i32
      %dma_wait3A_61 = arith.constant 0 : i32
      %dma_wait3A_62 = arith.constant 0 : i32
      %dma_wait3A_63 = tpu.memref_slice %arg9[%dma_wait3A_60, %dma_wait3A_61, %dma_wait3A_62] : memref<2x128x128xf32, #tpu.memory_space<vmem>> -> memref<1x128x128xf32, #tpu.memory_space<vmem>>
      %dma_wait3A_64 = tpu.memref_squeeze %dma_wait3A_63 : memref<1x128x128xf32, #tpu.memory_space<vmem>> -> memref<128x128xf32, #tpu.memory_space<vmem>>
      %dma_wait3A_65 = arith.constant 0 : i32
      %dma_wait3A_66 = tpu.memref_slice %arg10[%dma_wait3A, %dma_wait3A_65] : memref<40x128xi32, #tpu.memory_space<vmem>> -> memref<1x128xi32, #tpu.memory_space<vmem>>
      %dma_wait3A_67 = tpu.memref_squeeze %dma_wait3A_66 : memref<1x128xi32, #tpu.memory_space<vmem>> -> memref<128xi32, #tpu.memory_space<vmem>>
      %dma_wait3A_68 = arith.constant 0 : i32
      %dma_wait3A_69 = arith.constant 0 : i32
      %dma_wait3A_70 = tpu.memref_slice %arg2[%dma_wait3A_68, %dma_wait3A_69] : memref<10000x128xf32, #tpu.memory_space<hbm>> -> memref<10000x128xf32, #tpu.memory_space<hbm>>
      tpu.wait_indirect_dma semaphore(%arg12 : memref<!tpu.dma_semaphore, #tpu.memory_space<semaphore_mem>>) src(%dma_wait3A_70 : memref<10000x128xf32, #tpu.memory_space<hbm>>) dst(%dma_wait3A_64 : memref<128x128xf32, #tpu.memory_space<vmem>>)
      %dma_start3A_71 = arith.constant 0 : i32
      %dma_start3A_72 = arith.constant 38 : i32
      %dma_start3A_73 = arith.constant 0 : i32
      %dma_start3A_74 = arith.constant 0 : i32
      %dma_start3A_75 = tpu.memref_slice %arg9[%dma_start3A_71, %dma_start3A_73, %dma_start3A_74] : memref<2x128x128xf32, #tpu.memory_space<vmem>> -> memref<1x128x128xf32, #tpu.memory_space<vmem>>
      %dma_start3A_76 = tpu.memref_squeeze %dma_start3A_75 : memref<1x128x128xf32, #tpu.memory_space<vmem>> -> memref<128x128xf32, #tpu.memory_space<vmem>>
      %dma_start3A_77 = arith.constant 0 : i32
      %dma_start3A_78 = tpu.memref_slice %arg11[%dma_start3A_72, %dma_start3A_77] : memref<40x128xi32, #tpu.memory_space<vmem>> -> memref<1x128xi32, #tpu.memory_space<vmem>>
      %dma_start3A_79 = tpu.memref_squeeze %dma_start3A_78 : memref<1x128xi32, #tpu.memory_space<vmem>> -> memref<128xi32, #tpu.memory_space<vmem>>
      %dma_start3A_80 = arith.constant 0 : i32
      %dma_start3A_81 = arith.constant 0 : i32
      %dma_start3A_82 = tpu.memref_slice %arg8[%dma_start3A_80, %dma_start3A_81] : memref<10112x128xf32, #tpu.memory_space<vmem_shared>> -> memref<10112x128xf32, #tpu.memory_space<vmem_shared>>
      tpu.enqueue_indirect_dma source(%dma_start3A_76 : memref<128x128xf32, #tpu.memory_space<vmem>>) target(%dma_start3A_82 : memref<10112x128xf32, #tpu.memory_space<vmem_shared>>) offsets(%dma_start3A_79 : memref<128xi32, #tpu.memory_space<vmem>>) semaphore(%arg14 : memref<!tpu.dma_semaphore, #tpu.memory_space<semaphore_mem>>) {add = true}
      %dma_wait3A_83 = arith.constant 0 : i32
      %dma_wait3A_84 = arith.constant 38 : i32
      %dma_wait3A_85 = arith.constant 0 : i32
      %dma_wait3A_86 = arith.constant 0 : i32
      %dma_wait3A_87 = tpu.memref_slice %arg9[%dma_wait3A_83, %dma_wait3A_85, %dma_wait3A_86] : memref<2x128x128xf32, #tpu.memory_space<vmem>> -> memref<1x128x128xf32, #tpu.memory_space<vmem>>
      %dma_wait3A_88 = tpu.memref_squeeze %dma_wait3A_87 : memref<1x128x128xf32, #tpu.memory_space<vmem>> -> memref<128x128xf32, #tpu.memory_space<vmem>>
      %dma_wait3A_89 = arith.constant 0 : i32
      %dma_wait3A_90 = tpu.memref_slice %arg11[%dma_wait3A_84, %dma_wait3A_89] : memref<40x128xi32, #tpu.memory_space<vmem>> -> memref<1x128xi32, #tpu.memory_space<vmem>>
      %dma_wait3A_91 = tpu.memref_squeeze %dma_wait3A_90 : memref<1x128xi32, #tpu.memory_space<vmem>> -> memref<128xi32, #tpu.memory_space<vmem>>
      %dma_wait3A_92 = arith.constant 0 : i32
      %dma_wait3A_93 = arith.constant 0 : i32
      %dma_wait3A_94 = tpu.memref_slice %arg8[%dma_wait3A_92, %dma_wait3A_93] : memref<10112x128xf32, #tpu.memory_space<vmem_shared>> -> memref<10112x128xf32, #tpu.memory_space<vmem_shared>>
      tpu.wait_indirect_dma semaphore(%arg14 : memref<!tpu.dma_semaphore, #tpu.memory_space<semaphore_mem>>) src(%dma_wait3A_88 : memref<128x128xf32, #tpu.memory_space<vmem>>) dst(%dma_wait3A_94 : memref<10112x128xf32, #tpu.memory_space<vmem_shared>>)
      %dma_wait3A_95 = arith.constant 39 : i32
      %dma_wait3A_96 = arith.constant 1 : i32
      %dma_wait3A_97 = arith.constant 0 : i32
      %dma_wait3A_98 = arith.constant 0 : i32
      %dma_wait3A_99 = tpu.memref_slice %arg9[%dma_wait3A_96, %dma_wait3A_97, %dma_wait3A_98] : memref<2x128x128xf32, #tpu.memory_space<vmem>> -> memref<1x128x128xf32, #tpu.memory_space<vmem>>
      %dma_wait3A_100 = tpu.memref_squeeze %dma_wait3A_99 : memref<1x128x128xf32, #tpu.memory_space<vmem>> -> memref<128x128xf32, #tpu.memory_space<vmem>>
      %dma_wait3A_101 = arith.constant 0 : i32
      %dma_wait3A_102 = tpu.memref_slice %arg10[%dma_wait3A_95, %dma_wait3A_101] : memref<40x128xi32, #tpu.memory_space<vmem>> -> memref<1x128xi32, #tpu.memory_space<vmem>>
      %dma_wait3A_103 = tpu.memref_squeeze %dma_wait3A_102 : memref<1x128xi32, #tpu.memory_space<vmem>> -> memref<128xi32, #tpu.memory_space<vmem>>
      %dma_wait3A_104 = arith.constant 0 : i32
      %dma_wait3A_105 = arith.constant 0 : i32
      %dma_wait3A_106 = tpu.memref_slice %arg2[%dma_wait3A_104, %dma_wait3A_105] : memref<10000x128xf32, #tpu.memory_space<hbm>> -> memref<10000x128xf32, #tpu.memory_space<hbm>>
      tpu.wait_indirect_dma semaphore(%arg13 : memref<!tpu.dma_semaphore, #tpu.memory_space<semaphore_mem>>) src(%dma_wait3A_106 : memref<10000x128xf32, #tpu.memory_space<hbm>>) dst(%dma_wait3A_100 : memref<128x128xf32, #tpu.memory_space<vmem>>)
      %dma_start3A_107 = arith.constant 1 : i32
      %dma_start3A_108 = arith.constant 39 : i32
      %dma_start3A_109 = arith.constant 0 : i32
      %dma_start3A_110 = arith.constant 0 : i32
      %dma_start3A_111 = tpu.memref_slice %arg9[%dma_start3A_107, %dma_start3A_109, %dma_start3A_110] : memref<2x128x128xf32, #tpu.memory_space<vmem>> -> memref<1x128x128xf32, #tpu.memory_space<vmem>>
      %dma_start3A_112 = tpu.memref_squeeze %dma_start3A_111 : memref<1x128x128xf32, #tpu.memory_space<vmem>> -> memref<128x128xf32, #tpu.memory_space<vmem>>
      %dma_start3A_113 = arith.constant 0 : i32
      %dma_start3A_114 = tpu.memref_slice %arg11[%dma_start3A_108, %dma_start3A_113] : memref<40x128xi32, #tpu.memory_space<vmem>> -> memref<1x128xi32, #tpu.memory_space<vmem>>
      %dma_start3A_115 = tpu.memref_squeeze %dma_start3A_114 : memref<1x128xi32, #tpu.memory_space<vmem>> -> memref<128xi32, #tpu.memory_space<vmem>>
      %dma_start3A_116 = arith.constant 0 : i32
      %dma_start3A_117 = arith.constant 0 : i32
      %dma_start3A_118 = tpu.memref_slice %arg8[%dma_start3A_116, %dma_start3A_117] : memref<10112x128xf32, #tpu.memory_space<vmem_shared>> -> memref<10112x128xf32, #tpu.memory_space<vmem_shared>>
      tpu.enqueue_indirect_dma source(%dma_start3A_112 : memref<128x128xf32, #tpu.memory_space<vmem>>) target(%dma_start3A_118 : memref<10112x128xf32, #tpu.memory_space<vmem_shared>>) offsets(%dma_start3A_115 : memref<128xi32, #tpu.memory_space<vmem>>) semaphore(%arg15 : memref<!tpu.dma_semaphore, #tpu.memory_space<semaphore_mem>>) {add = true}
      %dma_wait3A_119 = arith.constant 1 : i32
      %dma_wait3A_120 = arith.constant 39 : i32
      %dma_wait3A_121 = arith.constant 0 : i32
      %dma_wait3A_122 = arith.constant 0 : i32
      %dma_wait3A_123 = tpu.memref_slice %arg9[%dma_wait3A_119, %dma_wait3A_121, %dma_wait3A_122] : memref<2x128x128xf32, #tpu.memory_space<vmem>> -> memref<1x128x128xf32, #tpu.memory_space<vmem>>
      %dma_wait3A_124 = tpu.memref_squeeze %dma_wait3A_123 : memref<1x128x128xf32, #tpu.memory_space<vmem>> -> memref<128x128xf32, #tpu.memory_space<vmem>>
      %dma_wait3A_125 = arith.constant 0 : i32
      %dma_wait3A_126 = tpu.memref_slice %arg11[%dma_wait3A_120, %dma_wait3A_125] : memref<40x128xi32, #tpu.memory_space<vmem>> -> memref<1x128xi32, #tpu.memory_space<vmem>>
      %dma_wait3A_127 = tpu.memref_squeeze %dma_wait3A_126 : memref<1x128xi32, #tpu.memory_space<vmem>> -> memref<128xi32, #tpu.memory_space<vmem>>
      %dma_wait3A_128 = arith.constant 0 : i32
      %dma_wait3A_129 = arith.constant 0 : i32
      %dma_wait3A_130 = tpu.memref_slice %arg8[%dma_wait3A_128, %dma_wait3A_129] : memref<10112x128xf32, #tpu.memory_space<vmem_shared>> -> memref<10112x128xf32, #tpu.memory_space<vmem_shared>>
      tpu.wait_indirect_dma semaphore(%arg15 : memref<!tpu.dma_semaphore, #tpu.memory_space<semaphore_mem>>) src(%dma_wait3A_124 : memref<128x128xf32, #tpu.memory_space<vmem>>) dst(%dma_wait3A_130 : memref<10112x128xf32, #tpu.memory_space<vmem_shared>>)
      %run_scoped3A_131 = arith.constant 1 : i32
      "tpu.region"() ({
        %run_scoped3A_236 = tpu.sem_alloc : memref<!tpu.dma_semaphore, #tpu.memory_space<semaphore_mem>>
        %dma_start3A_237 = arith.constant 0 : i32
        %dma_start3A_238 = arith.constant 0 : i32
        %dma_start3A_239 = tpu.memref_slice %arg10[%dma_start3A_237, %dma_start3A_238] : memref<40x128xi32, #tpu.memory_space<vmem>> -> memref<40x128xi32, #tpu.memory_space<vmem>>
        %dma_start3A_240 = arith.constant 0 : i32
        %dma_start3A_241 = arith.constant 0 : i32
        %dma_start3A_242 = tpu.memref_slice %arg3[%arg1, %run_scoped3A_131, %dma_start3A_240, %dma_start3A_241] : memref<16x2x40x128xi32, #tpu.memory_space<hbm>> -> memref<1x1x40x128xi32, #tpu.memory_space<hbm>>
        %dma_start3A_243 = tpu.memref_squeeze %dma_start3A_242 : memref<1x1x40x128xi32, #tpu.memory_space<hbm>> -> memref<40x128xi32, #tpu.memory_space<hbm>>
        %dma_start3A_244 = arith.constant 0 : i32
        %dma_start3A_245 = arith.constant 0 : i32
        %dma_start3A_246 = tpu.memref_slice %arg10[%dma_start3A_244, %dma_start3A_245] : memref<40x128xi32, #tpu.memory_space<vmem>> -> memref<40x128xi32, #tpu.memory_space<vmem>>
        %dma_start3A_247 = arith.constant 0 : i32
        %dma_start3A_248 = arith.constant 0 : i32
        %dma_start3A_249 = tpu.memref_slice %arg3[%arg1, %run_scoped3A_131, %dma_start3A_247, %dma_start3A_248] : memref<16x2x40x128xi32, #tpu.memory_space<hbm>> -> memref<1x1x40x128xi32, #tpu.memory_space<hbm>>
        %dma_start3A_250 = tpu.memref_squeeze %dma_start3A_249 : memref<1x1x40x128xi32, #tpu.memory_space<hbm>> -> memref<40x128xi32, #tpu.memory_space<hbm>>
        tpu.enqueue_dma source(%dma_start3A_250 : memref<40x128xi32, #tpu.memory_space<hbm>>) target(%dma_start3A_246 : memref<40x128xi32, #tpu.memory_space<vmem>>) target_semaphore(%run_scoped3A_236 : memref<!tpu.dma_semaphore, #tpu.memory_space<semaphore_mem>>)
        %dma_wait3A_251 = arith.constant 0 : i32
        %dma_wait3A_252 = arith.constant 0 : i32
        %dma_wait3A_253 = tpu.memref_slice %arg10[%dma_wait3A_251, %dma_wait3A_252] : memref<40x128xi32, #tpu.memory_space<vmem>> -> memref<40x128xi32, #tpu.memory_space<vmem>>
        %dma_wait3A_254 = arith.constant 0 : i32
        %dma_wait3A_255 = arith.constant 0 : i32
        %dma_wait3A_256 = tpu.memref_slice %arg3[%arg1, %run_scoped3A_131, %dma_wait3A_254, %dma_wait3A_255] : memref<16x2x40x128xi32, #tpu.memory_space<hbm>> -> memref<1x1x40x128xi32, #tpu.memory_space<hbm>>
        %dma_wait3A_257 = tpu.memref_squeeze %dma_wait3A_256 : memref<1x1x40x128xi32, #tpu.memory_space<hbm>> -> memref<40x128xi32, #tpu.memory_space<hbm>>
        %dma_wait3A_258 = arith.constant 0 : i32
        %dma_wait3A_259 = arith.constant 0 : i32
        %dma_wait3A_260 = tpu.memref_slice %arg10[%dma_wait3A_258, %dma_wait3A_259] : memref<40x128xi32, #tpu.memory_space<vmem>> -> memref<40x128xi32, #tpu.memory_space<vmem>>
        %dma_wait3A_261 = arith.constant 0 : i32
        %dma_wait3A_262 = arith.constant 0 : i32
        %dma_wait3A_263 = tpu.memref_slice %arg3[%arg1, %run_scoped3A_131, %dma_wait3A_261, %dma_wait3A_262] : memref<16x2x40x128xi32, #tpu.memory_space<hbm>> -> memref<1x1x40x128xi32, #tpu.memory_space<hbm>>
        %dma_wait3A_264 = tpu.memref_squeeze %dma_wait3A_263 : memref<1x1x40x128xi32, #tpu.memory_space<hbm>> -> memref<40x128xi32, #tpu.memory_space<hbm>>
        tpu.wait_dma2 semaphore(%run_scoped3A_236 : memref<!tpu.dma_semaphore, #tpu.memory_space<semaphore_mem>>) src(%dma_wait3A_264 : memref<40x128xi32, #tpu.memory_space<hbm>>) dst(%dma_wait3A_260 : memref<40x128xi32, #tpu.memory_space<vmem>>)
        tpu.yield
      }) : () -> ()
      %run_scoped3A_132 = arith.constant 1 : i32
      "tpu.region"() ({
        %run_scoped3A_236 = tpu.sem_alloc : memref<!tpu.dma_semaphore, #tpu.memory_space<semaphore_mem>>
        %dma_start3A_237 = arith.constant 0 : i32
        %dma_start3A_238 = arith.constant 0 : i32
        %dma_start3A_239 = tpu.memref_slice %arg11[%dma_start3A_237, %dma_start3A_238] : memref<40x128xi32, #tpu.memory_space<vmem>> -> memref<40x128xi32, #tpu.memory_space<vmem>>
        %dma_start3A_240 = arith.constant 0 : i32
        %dma_start3A_241 = arith.constant 0 : i32
        %dma_start3A_242 = tpu.memref_slice %arg4[%arg1, %run_scoped3A_132, %dma_start3A_240, %dma_start3A_241] : memref<16x2x40x128xi32, #tpu.memory_space<hbm>> -> memref<1x1x40x128xi32, #tpu.memory_space<hbm>>
        %dma_start3A_243 = tpu.memref_squeeze %dma_start3A_242 : memref<1x1x40x128xi32, #tpu.memory_space<hbm>> -> memref<40x128xi32, #tpu.memory_space<hbm>>
        %dma_start3A_244 = arith.constant 0 : i32
        %dma_start3A_245 = arith.constant 0 : i32
        %dma_start3A_246 = tpu.memref_slice %arg11[%dma_start3A_244, %dma_start3A_245] : memref<40x128xi32, #tpu.memory_space<vmem>> -> memref<40x128xi32, #tpu.memory_space<vmem>>
        %dma_start3A_247 = arith.constant 0 : i32
        %dma_start3A_248 = arith.constant 0 : i32
        %dma_start3A_249 = tpu.memref_slice %arg4[%arg1, %run_scoped3A_132, %dma_start3A_247, %dma_start3A_248] : memref<16x2x40x128xi32, #tpu.memory_space<hbm>> -> memref<1x1x40x128xi32, #tpu.memory_space<hbm>>
        %dma_start3A_250 = tpu.memref_squeeze %dma_start3A_249 : memref<1x1x40x128xi32, #tpu.memory_space<hbm>> -> memref<40x128xi32, #tpu.memory_space<hbm>>
        tpu.enqueue_dma source(%dma_start3A_250 : memref<40x128xi32, #tpu.memory_space<hbm>>) target(%dma_start3A_246 : memref<40x128xi32, #tpu.memory_space<vmem>>) target_semaphore(%run_scoped3A_236 : memref<!tpu.dma_semaphore, #tpu.memory_space<semaphore_mem>>)
        %dma_wait3A_251 = arith.constant 0 : i32
        %dma_wait3A_252 = arith.constant 0 : i32
        %dma_wait3A_253 = tpu.memref_slice %arg11[%dma_wait3A_251, %dma_wait3A_252] : memref<40x128xi32, #tpu.memory_space<vmem>> -> memref<40x128xi32, #tpu.memory_space<vmem>>
        %dma_wait3A_254 = arith.constant 0 : i32
        %dma_wait3A_255 = arith.constant 0 : i32
        %dma_wait3A_256 = tpu.memref_slice %arg4[%arg1, %run_scoped3A_132, %dma_wait3A_254, %dma_wait3A_255] : memref<16x2x40x128xi32, #tpu.memory_space<hbm>> -> memref<1x1x40x128xi32, #tpu.memory_space<hbm>>
        %dma_wait3A_257 = tpu.memref_squeeze %dma_wait3A_256 : memref<1x1x40x128xi32, #tpu.memory_space<hbm>> -> memref<40x128xi32, #tpu.memory_space<hbm>>
        %dma_wait3A_258 = arith.constant 0 : i32
        %dma_wait3A_259 = arith.constant 0 : i32
        %dma_wait3A_260 = tpu.memref_slice %arg11[%dma_wait3A_258, %dma_wait3A_259] : memref<40x128xi32, #tpu.memory_space<vmem>> -> memref<40x128xi32, #tpu.memory_space<vmem>>
        %dma_wait3A_261 = arith.constant 0 : i32
        %dma_wait3A_262 = arith.constant 0 : i32
        %dma_wait3A_263 = tpu.memref_slice %arg4[%arg1, %run_scoped3A_132, %dma_wait3A_261, %dma_wait3A_262] : memref<16x2x40x128xi32, #tpu.memory_space<hbm>> -> memref<1x1x40x128xi32, #tpu.memory_space<hbm>>
        %dma_wait3A_264 = tpu.memref_squeeze %dma_wait3A_263 : memref<1x1x40x128xi32, #tpu.memory_space<hbm>> -> memref<40x128xi32, #tpu.memory_space<hbm>>
        tpu.wait_dma2 semaphore(%run_scoped3A_236 : memref<!tpu.dma_semaphore, #tpu.memory_space<semaphore_mem>>) src(%dma_wait3A_264 : memref<40x128xi32, #tpu.memory_space<hbm>>) dst(%dma_wait3A_260 : memref<40x128xi32, #tpu.memory_space<vmem>>)
        tpu.yield
      }) : () -> ()
      %dma_start3A_133 = arith.constant 0 : i32
      %dma_start3A_134 = arith.constant 0 : i32
      %dma_start3A_135 = arith.constant 0 : i32
      %dma_start3A_136 = arith.constant 0 : i32
      %dma_start3A_137 = tpu.memref_slice %arg9[%dma_start3A_134, %dma_start3A_135, %dma_start3A_136] : memref<2x128x128xf32, #tpu.memory_space<vmem>> -> memref<1x128x128xf32, #tpu.memory_space<vmem>>
      %dma_start3A_138 = tpu.memref_squeeze %dma_start3A_137 : memref<1x128x128xf32, #tpu.memory_space<vmem>> -> memref<128x128xf32, #tpu.memory_space<vmem>>
      %dma_start3A_139 = arith.constant 0 : i32
      %dma_start3A_140 = tpu.memref_slice %arg10[%dma_start3A_133, %dma_start3A_139] : memref<40x128xi32, #tpu.memory_space<vmem>> -> memref<1x128xi32, #tpu.memory_space<vmem>>
      %dma_start3A_141 = tpu.memref_squeeze %dma_start3A_140 : memref<1x128xi32, #tpu.memory_space<vmem>> -> memref<128xi32, #tpu.memory_space<vmem>>
      %dma_start3A_142 = arith.constant 0 : i32
      %dma_start3A_143 = arith.constant 0 : i32
      %dma_start3A_144 = tpu.memref_slice %arg2[%dma_start3A_142, %dma_start3A_143] : memref<10000x128xf32, #tpu.memory_space<hbm>> -> memref<10000x128xf32, #tpu.memory_space<hbm>>
      tpu.enqueue_indirect_dma source(%dma_start3A_144 : memref<10000x128xf32, #tpu.memory_space<hbm>>) target(%dma_start3A_138 : memref<128x128xf32, #tpu.memory_space<vmem>>) offsets(%dma_start3A_141 : memref<128xi32, #tpu.memory_space<vmem>>) semaphore(%arg12 : memref<!tpu.dma_semaphore, #tpu.memory_space<semaphore_mem>>)
      %dma_start3A_145 = arith.constant 1 : i32
      %dma_start3A_146 = arith.constant 1 : i32
      %dma_start3A_147 = arith.constant 0 : i32
      %dma_start3A_148 = arith.constant 0 : i32
      %dma_start3A_149 = tpu.memref_slice %arg9[%dma_start3A_146, %dma_start3A_147, %dma_start3A_148] : memref<2x128x128xf32, #tpu.memory_space<vmem>> -> memref<1x128x128xf32, #tpu.memory_space<vmem>>
      %dma_start3A_150 = tpu.memref_squeeze %dma_start3A_149 : memref<1x128x128xf32, #tpu.memory_space<vmem>> -> memref<128x128xf32, #tpu.memory_space<vmem>>
      %dma_start3A_151 = arith.constant 0 : i32
      %dma_start3A_152 = tpu.memref_slice %arg10[%dma_start3A_145, %dma_start3A_151] : memref<40x128xi32, #tpu.memory_space<vmem>> -> memref<1x128xi32, #tpu.memory_space<vmem>>
      %dma_start3A_153 = tpu.memref_squeeze %dma_start3A_152 : memref<1x128xi32, #tpu.memory_space<vmem>> -> memref<128xi32, #tpu.memory_space<vmem>>
      %dma_start3A_154 = arith.constant 0 : i32
      %dma_start3A_155 = arith.constant 0 : i32
      %dma_start3A_156 = tpu.memref_slice %arg2[%dma_start3A_154, %dma_start3A_155] : memref<10000x128xf32, #tpu.memory_space<hbm>> -> memref<10000x128xf32, #tpu.memory_space<hbm>>
      tpu.enqueue_indirect_dma source(%dma_start3A_156 : memref<10000x128xf32, #tpu.memory_space<hbm>>) target(%dma_start3A_150 : memref<128x128xf32, #tpu.memory_space<vmem>>) offsets(%dma_start3A_153 : memref<128xi32, #tpu.memory_space<vmem>>) semaphore(%arg13 : memref<!tpu.dma_semaphore, #tpu.memory_space<semaphore_mem>>)
      %scan3A_157 = arith.constant 0 : i32
      %scan3A_158 = arith.constant 0 : i32
      %scan3A_159 = arith.constant 19 : i32
      %scan3A_160 = arith.addi %scan3A_158, %scan3A_159 : i32
      %scan3A_161 = arith.constant 1 : i32
      %scan3A_162 = scf.for %scan3A_236 = %scan3A_158 to %scan3A_160 step %scan3A_161 iter_args(%scan3A_237 = %scan3A_157) -> (i32)  : i32 {
        %mul3A_238 = arith.constant 2 : i32
        %mul3A_239 = arith.muli %mul3A_238, %scan3A_236 : i32
        %dma_wait3A_240 = arith.constant 0 : i32
        %dma_wait3A_241 = arith.constant 0 : i32
        %dma_wait3A_242 = arith.constant 0 : i32
        %dma_wait3A_243 = tpu.memref_slice %arg9[%dma_wait3A_240, %dma_wait3A_241, %dma_wait3A_242] : memref<2x128x128xf32, #tpu.memory_space<vmem>> -> memref<1x128x128xf32, #tpu.memory_space<vmem>>
        %dma_wait3A_244 = tpu.memref_squeeze %dma_wait3A_243 : memref<1x128x128xf32, #tpu.memory_space<vmem>> -> memref<128x128xf32, #tpu.memory_space<vmem>>
        %dma_wait3A_245 = arith.constant 0 : i32
        %dma_wait3A_246 = tpu.memref_slice %arg10[%mul3A_239, %dma_wait3A_245] : memref<40x128xi32, #tpu.memory_space<vmem>> -> memref<1x128xi32, #tpu.memory_space<vmem>>
        %dma_wait3A_247 = tpu.memref_squeeze %dma_wait3A_246 : memref<1x128xi32, #tpu.memory_space<vmem>> -> memref<128xi32, #tpu.memory_space<vmem>>
        %dma_wait3A_248 = arith.constant 0 : i32
        %dma_wait3A_249 = arith.constant 0 : i32
        %dma_wait3A_250 = tpu.memref_slice %arg2[%dma_wait3A_248, %dma_wait3A_249] : memref<10000x128xf32, #tpu.memory_space<hbm>> -> memref<10000x128xf32, #tpu.memory_space<hbm>>
        tpu.wait_indirect_dma semaphore(%arg12 : memref<!tpu.dma_semaphore, #tpu.memory_space<semaphore_mem>>) src(%dma_wait3A_250 : memref<10000x128xf32, #tpu.memory_space<hbm>>) dst(%dma_wait3A_244 : memref<128x128xf32, #tpu.memory_space<vmem>>)
        %dma_start3A_251 = arith.constant 0 : i32
        %dma_start3A_252 = arith.constant 0 : i32
        %dma_start3A_253 = arith.constant 0 : i32
        %dma_start3A_254 = tpu.memref_slice %arg9[%dma_start3A_251, %dma_start3A_252, %dma_start3A_253] : memref<2x128x128xf32, #tpu.memory_space<vmem>> -> memref<1x128x128xf32, #tpu.memory_space<vmem>>
        %dma_start3A_255 = tpu.memref_squeeze %dma_start3A_254 : memref<1x128x128xf32, #tpu.memory_space<vmem>> -> memref<128x128xf32, #tpu.memory_space<vmem>>
        %dma_start3A_256 = arith.constant 0 : i32
        %dma_start3A_257 = tpu.memref_slice %arg11[%mul3A_239, %dma_start3A_256] : memref<40x128xi32, #tpu.memory_space<vmem>> -> memref<1x128xi32, #tpu.memory_space<vmem>>
        %dma_start3A_258 = tpu.memref_squeeze %dma_start3A_257 : memref<1x128xi32, #tpu.memory_space<vmem>> -> memref<128xi32, #tpu.memory_space<vmem>>
        %dma_start3A_259 = arith.constant 0 : i32
        %dma_start3A_260 = arith.constant 0 : i32
        %dma_start3A_261 = tpu.memref_slice %arg8[%dma_start3A_259, %dma_start3A_260] : memref<10112x128xf32, #tpu.memory_space<vmem_shared>> -> memref<10112x128xf32, #tpu.memory_space<vmem_shared>>
        tpu.enqueue_indirect_dma source(%dma_start3A_255 : memref<128x128xf32, #tpu.memory_space<vmem>>) target(%dma_start3A_261 : memref<10112x128xf32, #tpu.memory_space<vmem_shared>>) offsets(%dma_start3A_258 : memref<128xi32, #tpu.memory_space<vmem>>) semaphore(%arg14 : memref<!tpu.dma_semaphore, #tpu.memory_space<semaphore_mem>>) {add = true}
        %dma_wait3A_262 = arith.constant 0 : i32
        %dma_wait3A_263 = arith.constant 0 : i32
        %dma_wait3A_264 = arith.constant 0 : i32
        %dma_wait3A_265 = tpu.memref_slice %arg9[%dma_wait3A_262, %dma_wait3A_263, %dma_wait3A_264] : memref<2x128x128xf32, #tpu.memory_space<vmem>> -> memref<1x128x128xf32, #tpu.memory_space<vmem>>
        %dma_wait3A_266 = tpu.memref_squeeze %dma_wait3A_265 : memref<1x128x128xf32, #tpu.memory_space<vmem>> -> memref<128x128xf32, #tpu.memory_space<vmem>>
        %dma_wait3A_267 = arith.constant 0 : i32
        %dma_wait3A_268 = tpu.memref_slice %arg11[%mul3A_239, %dma_wait3A_267] : memref<40x128xi32, #tpu.memory_space<vmem>> -> memref<1x128xi32, #tpu.memory_space<vmem>>
        %dma_wait3A_269 = tpu.memref_squeeze %dma_wait3A_268 : memref<1x128xi32, #tpu.memory_space<vmem>> -> memref<128xi32, #tpu.memory_space<vmem>>
        %dma_wait3A_270 = arith.constant 0 : i32
        %dma_wait3A_271 = arith.constant 0 : i32
        %dma_wait3A_272 = tpu.memref_slice %arg8[%dma_wait3A_270, %dma_wait3A_271] : memref<10112x128xf32, #tpu.memory_space<vmem_shared>> -> memref<10112x128xf32, #tpu.memory_space<vmem_shared>>
        tpu.wait_indirect_dma semaphore(%arg14 : memref<!tpu.dma_semaphore, #tpu.memory_space<semaphore_mem>>) src(%dma_wait3A_266 : memref<128x128xf32, #tpu.memory_space<vmem>>) dst(%dma_wait3A_272 : memref<10112x128xf32, #tpu.memory_space<vmem_shared>>)
        %add3A_273 = arith.constant 2 : i32
        %add3A_274 = arith.addi %mul3A_239, %add3A_273 : i32
        %dma_start3A_275 = arith.constant 0 : i32
        %dma_start3A_276 = arith.constant 0 : i32
        %dma_start3A_277 = arith.constant 0 : i32
        %dma_start3A_278 = tpu.memref_slice %arg9[%dma_start3A_275, %dma_start3A_276, %dma_start3A_277] : memref<2x128x128xf32, #tpu.memory_space<vmem>> -> memref<1x128x128xf32, #tpu.memory_space<vmem>>
        %dma_start3A_279 = tpu.memref_squeeze %dma_start3A_278 : memref<1x128x128xf32, #tpu.memory_space<vmem>> -> memref<128x128xf32, #tpu.memory_space<vmem>>
        %dma_start3A_280 = arith.constant 0 : i32
        %dma_start3A_281 = tpu.memref_slice %arg10[%add3A_274, %dma_start3A_280] : memref<40x128xi32, #tpu.memory_space<vmem>> -> memref<1x128xi32, #tpu.memory_space<vmem>>
        %dma_start3A_282 = tpu.memref_squeeze %dma_start3A_281 : memref<1x128xi32, #tpu.memory_space<vmem>> -> memref<128xi32, #tpu.memory_space<vmem>>
        %dma_start3A_283 = arith.constant 0 : i32
        %dma_start3A_284 = arith.constant 0 : i32
        %dma_start3A_285 = tpu.memref_slice %arg2[%dma_start3A_283, %dma_start3A_284] : memref<10000x128xf32, #tpu.memory_space<hbm>> -> memref<10000x128xf32, #tpu.memory_space<hbm>>
        tpu.enqueue_indirect_dma source(%dma_start3A_285 : memref<10000x128xf32, #tpu.memory_space<hbm>>) target(%dma_start3A_279 : memref<128x128xf32, #tpu.memory_space<vmem>>) offsets(%dma_start3A_282 : memref<128xi32, #tpu.memory_space<vmem>>) semaphore(%arg12 : memref<!tpu.dma_semaphore, #tpu.memory_space<semaphore_mem>>)
        %add3A_286 = arith.constant 1 : i32
        %add3A_287 = arith.addi %mul3A_239, %add3A_286 : i32
        %dma_wait3A_288 = arith.constant 1 : i32
        %dma_wait3A_289 = arith.constant 0 : i32
        %dma_wait3A_290 = arith.constant 0 : i32
        %dma_wait3A_291 = tpu.memref_slice %arg9[%dma_wait3A_288, %dma_wait3A_289, %dma_wait3A_290] : memref<2x128x128xf32, #tpu.memory_space<vmem>> -> memref<1x128x128xf32, #tpu.memory_space<vmem>>
        %dma_wait3A_292 = tpu.memref_squeeze %dma_wait3A_291 : memref<1x128x128xf32, #tpu.memory_space<vmem>> -> memref<128x128xf32, #tpu.memory_space<vmem>>
        %dma_wait3A_293 = arith.constant 0 : i32
        %dma_wait3A_294 = tpu.memref_slice %arg10[%add3A_287, %dma_wait3A_293] : memref<40x128xi32, #tpu.memory_space<vmem>> -> memref<1x128xi32, #tpu.memory_space<vmem>>
        %dma_wait3A_295 = tpu.memref_squeeze %dma_wait3A_294 : memref<1x128xi32, #tpu.memory_space<vmem>> -> memref<128xi32, #tpu.memory_space<vmem>>
        %dma_wait3A_296 = arith.constant 0 : i32
        %dma_wait3A_297 = arith.constant 0 : i32
        %dma_wait3A_298 = tpu.memref_slice %arg2[%dma_wait3A_296, %dma_wait3A_297] : memref<10000x128xf32, #tpu.memory_space<hbm>> -> memref<10000x128xf32, #tpu.memory_space<hbm>>
        tpu.wait_indirect_dma semaphore(%arg13 : memref<!tpu.dma_semaphore, #tpu.memory_space<semaphore_mem>>) src(%dma_wait3A_298 : memref<10000x128xf32, #tpu.memory_space<hbm>>) dst(%dma_wait3A_292 : memref<128x128xf32, #tpu.memory_space<vmem>>)
        %add3A_299 = arith.constant 1 : i32
        %add3A_300 = arith.addi %mul3A_239, %add3A_299 : i32
        %dma_start3A_301 = arith.constant 1 : i32
        %dma_start3A_302 = arith.constant 0 : i32
        %dma_start3A_303 = arith.constant 0 : i32
        %dma_start3A_304 = tpu.memref_slice %arg9[%dma_start3A_301, %dma_start3A_302, %dma_start3A_303] : memref<2x128x128xf32, #tpu.memory_space<vmem>> -> memref<1x128x128xf32, #tpu.memory_space<vmem>>
        %dma_start3A_305 = tpu.memref_squeeze %dma_start3A_304 : memref<1x128x128xf32, #tpu.memory_space<vmem>> -> memref<128x128xf32, #tpu.memory_space<vmem>>
        %dma_start3A_306 = arith.constant 0 : i32
        %dma_start3A_307 = tpu.memref_slice %arg11[%add3A_300, %dma_start3A_306] : memref<40x128xi32, #tpu.memory_space<vmem>> -> memref<1x128xi32, #tpu.memory_space<vmem>>
        %dma_start3A_308 = tpu.memref_squeeze %dma_start3A_307 : memref<1x128xi32, #tpu.memory_space<vmem>> -> memref<128xi32, #tpu.memory_space<vmem>>
        %dma_start3A_309 = arith.constant 0 : i32
        %dma_start3A_310 = arith.constant 0 : i32
        %dma_start3A_311 = tpu.memref_slice %arg8[%dma_start3A_309, %dma_start3A_310] : memref<10112x128xf32, #tpu.memory_space<vmem_shared>> -> memref<10112x128xf32, #tpu.memory_space<vmem_shared>>
        tpu.enqueue_indirect_dma source(%dma_start3A_305 : memref<128x128xf32, #tpu.memory_space<vmem>>) target(%dma_start3A_311 : memref<10112x128xf32, #tpu.memory_space<vmem_shared>>) offsets(%dma_start3A_308 : memref<128xi32, #tpu.memory_space<vmem>>) semaphore(%arg15 : memref<!tpu.dma_semaphore, #tpu.memory_space<semaphore_mem>>) {add = true}
        %add3A_312 = arith.constant 1 : i32
        %add3A_313 = arith.addi %mul3A_239, %add3A_312 : i32
        %dma_wait3A_314 = arith.constant 1 : i32
        %dma_wait3A_315 = arith.constant 0 : i32
        %dma_wait3A_316 = arith.constant 0 : i32
        %dma_wait3A_317 = tpu.memref_slice %arg9[%dma_wait3A_314, %dma_wait3A_315, %dma_wait3A_316] : memref<2x128x128xf32, #tpu.memory_space<vmem>> -> memref<1x128x128xf32, #tpu.memory_space<vmem>>
        %dma_wait3A_318 = tpu.memref_squeeze %dma_wait3A_317 : memref<1x128x128xf32, #tpu.memory_space<vmem>> -> memref<128x128xf32, #tpu.memory_space<vmem>>
        %dma_wait3A_319 = arith.constant 0 : i32
        %dma_wait3A_320 = tpu.memref_slice %arg11[%add3A_313, %dma_wait3A_319] : memref<40x128xi32, #tpu.memory_space<vmem>> -> memref<1x128xi32, #tpu.memory_space<vmem>>
        %dma_wait3A_321 = tpu.memref_squeeze %dma_wait3A_320 : memref<1x128xi32, #tpu.memory_space<vmem>> -> memref<128xi32, #tpu.memory_space<vmem>>
        %dma_wait3A_322 = arith.constant 0 : i32
        %dma_wait3A_323 = arith.constant 0 : i32
        %dma_wait3A_324 = tpu.memref_slice %arg8[%dma_wait3A_322, %dma_wait3A_323] : memref<10112x128xf32, #tpu.memory_space<vmem_shared>> -> memref<10112x128xf32, #tpu.memory_space<vmem_shared>>
        tpu.wait_indirect_dma semaphore(%arg15 : memref<!tpu.dma_semaphore, #tpu.memory_space<semaphore_mem>>) src(%dma_wait3A_318 : memref<128x128xf32, #tpu.memory_space<vmem>>) dst(%dma_wait3A_324 : memref<10112x128xf32, #tpu.memory_space<vmem_shared>>)
        %add3A_325 = arith.constant 3 : i32
        %add3A_326 = arith.addi %mul3A_239, %add3A_325 : i32
        %dma_start3A_327 = arith.constant 1 : i32
        %dma_start3A_328 = arith.constant 0 : i32
        %dma_start3A_329 = arith.constant 0 : i32
        %dma_start3A_330 = tpu.memref_slice %arg9[%dma_start3A_327, %dma_start3A_328, %dma_start3A_329] : memref<2x128x128xf32, #tpu.memory_space<vmem>> -> memref<1x128x128xf32, #tpu.memory_space<vmem>>
        %dma_start3A_331 = tpu.memref_squeeze %dma_start3A_330 : memref<1x128x128xf32, #tpu.memory_space<vmem>> -> memref<128x128xf32, #tpu.memory_space<vmem>>
        %dma_start3A_332 = arith.constant 0 : i32
        %dma_start3A_333 = tpu.memref_slice %arg10[%add3A_326, %dma_start3A_332] : memref<40x128xi32, #tpu.memory_space<vmem>> -> memref<1x128xi32, #tpu.memory_space<vmem>>
        %dma_start3A_334 = tpu.memref_squeeze %dma_start3A_333 : memref<1x128xi32, #tpu.memory_space<vmem>> -> memref<128xi32, #tpu.memory_space<vmem>>
        %dma_start3A_335 = arith.constant 0 : i32
        %dma_start3A_336 = arith.constant 0 : i32
        %dma_start3A_337 = tpu.memref_slice %arg2[%dma_start3A_335, %dma_start3A_336] : memref<10000x128xf32, #tpu.memory_space<hbm>> -> memref<10000x128xf32, #tpu.memory_space<hbm>>
        tpu.enqueue_indirect_dma source(%dma_start3A_337 : memref<10000x128xf32, #tpu.memory_space<hbm>>) target(%dma_start3A_331 : memref<128x128xf32, #tpu.memory_space<vmem>>) offsets(%dma_start3A_334 : memref<128xi32, #tpu.memory_space<vmem>>) semaphore(%arg13 : memref<!tpu.dma_semaphore, #tpu.memory_space<semaphore_mem>>)
        %scan3A_338 = arith.constant 0 : i32
        scf.yield %scan3A_338 : i32
      }
      %scan3A_163 = arith.constant 19 : i32
      %dma_wait3A_164 = arith.constant 38 : i32
      %dma_wait3A_165 = arith.constant 0 : i32
      %dma_wait3A_166 = arith.constant 0 : i32
      %dma_wait3A_167 = arith.constant 0 : i32
      %dma_wait3A_168 = tpu.memref_slice %arg9[%dma_wait3A_165, %dma_wait3A_166, %dma_wait3A_167] : memref<2x128x128xf32, #tpu.memory_space<vmem>> -> memref<1x128x128xf32, #tpu.memory_space<vmem>>
      %dma_wait3A_169 = tpu.memref_squeeze %dma_wait3A_168 : memref<1x128x128xf32, #tpu.memory_space<vmem>> -> memref<128x128xf32, #tpu.memory_space<vmem>>
      %dma_wait3A_170 = arith.constant 0 : i32
      %dma_wait3A_171 = tpu.memref_slice %arg10[%dma_wait3A_164, %dma_wait3A_170] : memref<40x128xi32, #tpu.memory_space<vmem>> -> memref<1x128xi32, #tpu.memory_space<vmem>>
      %dma_wait3A_172 = tpu.memref_squeeze %dma_wait3A_171 : memref<1x128xi32, #tpu.memory_space<vmem>> -> memref<128xi32, #tpu.memory_space<vmem>>
      %dma_wait3A_173 = arith.constant 0 : i32
      %dma_wait3A_174 = arith.constant 0 : i32
      %dma_wait3A_175 = tpu.memref_slice %arg2[%dma_wait3A_173, %dma_wait3A_174] : memref<10000x128xf32, #tpu.memory_space<hbm>> -> memref<10000x128xf32, #tpu.memory_space<hbm>>
      tpu.wait_indirect_dma semaphore(%arg12 : memref<!tpu.dma_semaphore, #tpu.memory_space<semaphore_mem>>) src(%dma_wait3A_175 : memref<10000x128xf32, #tpu.memory_space<hbm>>) dst(%dma_wait3A_169 : memref<128x128xf32, #tpu.memory_space<vmem>>)
      %dma_start3A_176 = arith.constant 0 : i32
      %dma_start3A_177 = arith.constant 38 : i32
      %dma_start3A_178 = arith.constant 0 : i32
      %dma_start3A_179 = arith.constant 0 : i32
      %dma_start3A_180 = tpu.memref_slice %arg9[%dma_start3A_176, %dma_start3A_178, %dma_start3A_179] : memref<2x128x128xf32, #tpu.memory_space<vmem>> -> memref<1x128x128xf32, #tpu.memory_space<vmem>>
      %dma_start3A_181 = tpu.memref_squeeze %dma_start3A_180 : memref<1x128x128xf32, #tpu.memory_space<vmem>> -> memref<128x128xf32, #tpu.memory_space<vmem>>
      %dma_start3A_182 = arith.constant 0 : i32
      %dma_start3A_183 = tpu.memref_slice %arg11[%dma_start3A_177, %dma_start3A_182] : memref<40x128xi32, #tpu.memory_space<vmem>> -> memref<1x128xi32, #tpu.memory_space<vmem>>
      %dma_start3A_184 = tpu.memref_squeeze %dma_start3A_183 : memref<1x128xi32, #tpu.memory_space<vmem>> -> memref<128xi32, #tpu.memory_space<vmem>>
      %dma_start3A_185 = arith.constant 0 : i32
      %dma_start3A_186 = arith.constant 0 : i32
      %dma_start3A_187 = tpu.memref_slice %arg8[%dma_start3A_185, %dma_start3A_186] : memref<10112x128xf32, #tpu.memory_space<vmem_shared>> -> memref<10112x128xf32, #tpu.memory_space<vmem_shared>>
      tpu.enqueue_indirect_dma source(%dma_start3A_181 : memref<128x128xf32, #tpu.memory_space<vmem>>) target(%dma_start3A_187 : memref<10112x128xf32, #tpu.memory_space<vmem_shared>>) offsets(%dma_start3A_184 : memref<128xi32, #tpu.memory_space<vmem>>) semaphore(%arg14 : memref<!tpu.dma_semaphore, #tpu.memory_space<semaphore_mem>>) {add = true}
      %dma_wait3A_188 = arith.constant 0 : i32
      %dma_wait3A_189 = arith.constant 38 : i32
      %dma_wait3A_190 = arith.constant 0 : i32
      %dma_wait3A_191 = arith.constant 0 : i32
      %dma_wait3A_192 = tpu.memref_slice %arg9[%dma_wait3A_188, %dma_wait3A_190, %dma_wait3A_191] : memref<2x128x128xf32, #tpu.memory_space<vmem>> -> memref<1x128x128xf32, #tpu.memory_space<vmem>>
      %dma_wait3A_193 = tpu.memref_squeeze %dma_wait3A_192 : memref<1x128x128xf32, #tpu.memory_space<vmem>> -> memref<128x128xf32, #tpu.memory_space<vmem>>
      %dma_wait3A_194 = arith.constant 0 : i32
      %dma_wait3A_195 = tpu.memref_slice %arg11[%dma_wait3A_189, %dma_wait3A_194] : memref<40x128xi32, #tpu.memory_space<vmem>> -> memref<1x128xi32, #tpu.memory_space<vmem>>
      %dma_wait3A_196 = tpu.memref_squeeze %dma_wait3A_195 : memref<1x128xi32, #tpu.memory_space<vmem>> -> memref<128xi32, #tpu.memory_space<vmem>>
      %dma_wait3A_197 = arith.constant 0 : i32
      %dma_wait3A_198 = arith.constant 0 : i32
      %dma_wait3A_199 = tpu.memref_slice %arg8[%dma_wait3A_197, %dma_wait3A_198] : memref<10112x128xf32, #tpu.memory_space<vmem_shared>> -> memref<10112x128xf32, #tpu.memory_space<vmem_shared>>
      tpu.wait_indirect_dma semaphore(%arg14 : memref<!tpu.dma_semaphore, #tpu.memory_space<semaphore_mem>>) src(%dma_wait3A_193 : memref<128x128xf32, #tpu.memory_space<vmem>>) dst(%dma_wait3A_199 : memref<10112x128xf32, #tpu.memory_space<vmem_shared>>)
      %dma_wait3A_200 = arith.constant 39 : i32
      %dma_wait3A_201 = arith.constant 1 : i32
      %dma_wait3A_202 = arith.constant 0 : i32
      %dma_wait3A_203 = arith.constant 0 : i32
      %dma_wait3A_204 = tpu.memref_slice %arg9[%dma_wait3A_201, %dma_wait3A_202, %dma_wait3A_203] : memref<2x128x128xf32, #tpu.memory_space<vmem>> -> memref<1x128x128xf32, #tpu.memory_space<vmem>>
      %dma_wait3A_205 = tpu.memref_squeeze %dma_wait3A_204 : memref<1x128x128xf32, #tpu.memory_space<vmem>> -> memref<128x128xf32, #tpu.memory_space<vmem>>
      %dma_wait3A_206 = arith.constant 0 : i32
      %dma_wait3A_207 = tpu.memref_slice %arg10[%dma_wait3A_200, %dma_wait3A_206] : memref<40x128xi32, #tpu.memory_space<vmem>> -> memref<1x128xi32, #tpu.memory_space<vmem>>
      %dma_wait3A_208 = tpu.memref_squeeze %dma_wait3A_207 : memref<1x128xi32, #tpu.memory_space<vmem>> -> memref<128xi32, #tpu.memory_space<vmem>>
      %dma_wait3A_209 = arith.constant 0 : i32
      %dma_wait3A_210 = arith.constant 0 : i32
      %dma_wait3A_211 = tpu.memref_slice %arg2[%dma_wait3A_209, %dma_wait3A_210] : memref<10000x128xf32, #tpu.memory_space<hbm>> -> memref<10000x128xf32, #tpu.memory_space<hbm>>
      tpu.wait_indirect_dma semaphore(%arg13 : memref<!tpu.dma_semaphore, #tpu.memory_space<semaphore_mem>>) src(%dma_wait3A_211 : memref<10000x128xf32, #tpu.memory_space<hbm>>) dst(%dma_wait3A_205 : memref<128x128xf32, #tpu.memory_space<vmem>>)
      %dma_start3A_212 = arith.constant 1 : i32
      %dma_start3A_213 = arith.constant 39 : i32
      %dma_start3A_214 = arith.constant 0 : i32
      %dma_start3A_215 = arith.constant 0 : i32
      %dma_start3A_216 = tpu.memref_slice %arg9[%dma_start3A_212, %dma_start3A_214, %dma_start3A_215] : memref<2x128x128xf32, #tpu.memory_space<vmem>> -> memref<1x128x128xf32, #tpu.memory_space<vmem>>
      %dma_start3A_217 = tpu.memref_squeeze %dma_start3A_216 : memref<1x128x128xf32, #tpu.memory_space<vmem>> -> memref<128x128xf32, #tpu.memory_space<vmem>>
      %dma_start3A_218 = arith.constant 0 : i32
      %dma_start3A_219 = tpu.memref_slice %arg11[%dma_start3A_213, %dma_start3A_218] : memref<40x128xi32, #tpu.memory_space<vmem>> -> memref<1x128xi32, #tpu.memory_space<vmem>>
      %dma_start3A_220 = tpu.memref_squeeze %dma_start3A_219 : memref<1x128xi32, #tpu.memory_space<vmem>> -> memref<128xi32, #tpu.memory_space<vmem>>
      %dma_start3A_221 = arith.constant 0 : i32
      %dma_start3A_222 = arith.constant 0 : i32
      %dma_start3A_223 = tpu.memref_slice %arg8[%dma_start3A_221, %dma_start3A_222] : memref<10112x128xf32, #tpu.memory_space<vmem_shared>> -> memref<10112x128xf32, #tpu.memory_space<vmem_shared>>
      tpu.enqueue_indirect_dma source(%dma_start3A_217 : memref<128x128xf32, #tpu.memory_space<vmem>>) target(%dma_start3A_223 : memref<10112x128xf32, #tpu.memory_space<vmem_shared>>) offsets(%dma_start3A_220 : memref<128xi32, #tpu.memory_space<vmem>>) semaphore(%arg15 : memref<!tpu.dma_semaphore, #tpu.memory_space<semaphore_mem>>) {add = true}
      %dma_wait3A_224 = arith.constant 1 : i32
      %dma_wait3A_225 = arith.constant 39 : i32
      %dma_wait3A_226 = arith.constant 0 : i32
      %dma_wait3A_227 = arith.constant 0 : i32
      %dma_wait3A_228 = tpu.memref_slice %arg9[%dma_wait3A_224, %dma_wait3A_226, %dma_wait3A_227] : memref<2x128x128xf32, #tpu.memory_space<vmem>> -> memref<1x128x128xf32, #tpu.memory_space<vmem>>
      %dma_wait3A_229 = tpu.memref_squeeze %dma_wait3A_228 : memref<1x128x128xf32, #tpu.memory_space<vmem>> -> memref<128x128xf32, #tpu.memory_space<vmem>>
      %dma_wait3A_230 = arith.constant 0 : i32
      %dma_wait3A_231 = tpu.memref_slice %arg11[%dma_wait3A_225, %dma_wait3A_230] : memref<40x128xi32, #tpu.memory_space<vmem>> -> memref<1x128xi32, #tpu.memory_space<vmem>>
      %dma_wait3A_232 = tpu.memref_squeeze %dma_wait3A_231 : memref<1x128xi32, #tpu.memory_space<vmem>> -> memref<128xi32, #tpu.memory_space<vmem>>
      %dma_wait3A_233 = arith.constant 0 : i32
      %dma_wait3A_234 = arith.constant 0 : i32
      %dma_wait3A_235 = tpu.memref_slice %arg8[%dma_wait3A_233, %dma_wait3A_234] : memref<10112x128xf32, #tpu.memory_space<vmem_shared>> -> memref<10112x128xf32, #tpu.memory_space<vmem_shared>>
      tpu.wait_indirect_dma semaphore(%arg15 : memref<!tpu.dma_semaphore, #tpu.memory_space<semaphore_mem>>) src(%dma_wait3A_229 : memref<128x128xf32, #tpu.memory_space<vmem>>) dst(%dma_wait3A_235 : memref<10112x128xf32, #tpu.memory_space<vmem_shared>>)
    } else {
    }
    %eq3A_22 = arith.constant 1 : i32
    %eq3A_23 = arith.cmpi eq, %arg0, %eq3A_22 : i32
    %convert_element_type3A_24 = arith.extui %eq3A_23 : i1 to i32
    %cond3A_25 = arith.constant 0 : i32
    %cond3A_26 = arith.cmpi ne, %convert_element_type3A_24, %cond3A_25 : i32
    scf.if %cond3A_26 {
      %run_scoped3A_28 = arith.constant 0 : i32
      "tpu.region"() ({
        %run_scoped3A_236 = tpu.sem_alloc : memref<!tpu.dma_semaphore, #tpu.memory_space<semaphore_mem>>
        %dma_start3A_237 = arith.constant 0 : i32
        %dma_start3A_238 = arith.constant 0 : i32
        %dma_start3A_239 = tpu.memref_slice %arg10[%dma_start3A_237, %dma_start3A_238] : memref<40x128xi32, #tpu.memory_space<vmem>> -> memref<40x128xi32, #tpu.memory_space<vmem>>
        %dma_start3A_240 = arith.constant 0 : i32
        %dma_start3A_241 = arith.constant 0 : i32
        %dma_start3A_242 = tpu.memref_slice %arg5[%arg1, %run_scoped3A_28, %dma_start3A_240, %dma_start3A_241] : memref<16x2x40x128xi32, #tpu.memory_space<hbm>> -> memref<1x1x40x128xi32, #tpu.memory_space<hbm>>
        %dma_start3A_243 = tpu.memref_squeeze %dma_start3A_242 : memref<1x1x40x128xi32, #tpu.memory_space<hbm>> -> memref<40x128xi32, #tpu.memory_space<hbm>>
        %dma_start3A_244 = arith.constant 0 : i32
        %dma_start3A_245 = arith.constant 0 : i32
        %dma_start3A_246 = tpu.memref_slice %arg10[%dma_start3A_244, %dma_start3A_245] : memref<40x128xi32, #tpu.memory_space<vmem>> -> memref<40x128xi32, #tpu.memory_space<vmem>>
        %dma_start3A_247 = arith.constant 0 : i32
        %dma_start3A_248 = arith.constant 0 : i32
        %dma_start3A_249 = tpu.memref_slice %arg5[%arg1, %run_scoped3A_28, %dma_start3A_247, %dma_start3A_248] : memref<16x2x40x128xi32, #tpu.memory_space<hbm>> -> memref<1x1x40x128xi32, #tpu.memory_space<hbm>>
        %dma_start3A_250 = tpu.memref_squeeze %dma_start3A_249 : memref<1x1x40x128xi32, #tpu.memory_space<hbm>> -> memref<40x128xi32, #tpu.memory_space<hbm>>
        tpu.enqueue_dma source(%dma_start3A_250 : memref<40x128xi32, #tpu.memory_space<hbm>>) target(%dma_start3A_246 : memref<40x128xi32, #tpu.memory_space<vmem>>) target_semaphore(%run_scoped3A_236 : memref<!tpu.dma_semaphore, #tpu.memory_space<semaphore_mem>>)
        %dma_wait3A_251 = arith.constant 0 : i32
        %dma_wait3A_252 = arith.constant 0 : i32
        %dma_wait3A_253 = tpu.memref_slice %arg10[%dma_wait3A_251, %dma_wait3A_252] : memref<40x128xi32, #tpu.memory_space<vmem>> -> memref<40x128xi32, #tpu.memory_space<vmem>>
        %dma_wait3A_254 = arith.constant 0 : i32
        %dma_wait3A_255 = arith.constant 0 : i32
        %dma_wait3A_256 = tpu.memref_slice %arg5[%arg1, %run_scoped3A_28, %dma_wait3A_254, %dma_wait3A_255] : memref<16x2x40x128xi32, #tpu.memory_space<hbm>> -> memref<1x1x40x128xi32, #tpu.memory_space<hbm>>
        %dma_wait3A_257 = tpu.memref_squeeze %dma_wait3A_256 : memref<1x1x40x128xi32, #tpu.memory_space<hbm>> -> memref<40x128xi32, #tpu.memory_space<hbm>>
        %dma_wait3A_258 = arith.constant 0 : i32
        %dma_wait3A_259 = arith.constant 0 : i32
        %dma_wait3A_260 = tpu.memref_slice %arg10[%dma_wait3A_258, %dma_wait3A_259] : memref<40x128xi32, #tpu.memory_space<vmem>> -> memref<40x128xi32, #tpu.memory_space<vmem>>
        %dma_wait3A_261 = arith.constant 0 : i32
        %dma_wait3A_262 = arith.constant 0 : i32
        %dma_wait3A_263 = tpu.memref_slice %arg5[%arg1, %run_scoped3A_28, %dma_wait3A_261, %dma_wait3A_262] : memref<16x2x40x128xi32, #tpu.memory_space<hbm>> -> memref<1x1x40x128xi32, #tpu.memory_space<hbm>>
        %dma_wait3A_264 = tpu.memref_squeeze %dma_wait3A_263 : memref<1x1x40x128xi32, #tpu.memory_space<hbm>> -> memref<40x128xi32, #tpu.memory_space<hbm>>
        tpu.wait_dma2 semaphore(%run_scoped3A_236 : memref<!tpu.dma_semaphore, #tpu.memory_space<semaphore_mem>>) src(%dma_wait3A_264 : memref<40x128xi32, #tpu.memory_space<hbm>>) dst(%dma_wait3A_260 : memref<40x128xi32, #tpu.memory_space<vmem>>)
        tpu.yield
      }) : () -> ()
      %run_scoped3A_29 = arith.constant 0 : i32
      "tpu.region"() ({
        %run_scoped3A_236 = tpu.sem_alloc : memref<!tpu.dma_semaphore, #tpu.memory_space<semaphore_mem>>
        %dma_start3A_237 = arith.constant 0 : i32
        %dma_start3A_238 = arith.constant 0 : i32
        %dma_start3A_239 = tpu.memref_slice %arg11[%dma_start3A_237, %dma_start3A_238] : memref<40x128xi32, #tpu.memory_space<vmem>> -> memref<40x128xi32, #tpu.memory_space<vmem>>
        %dma_start3A_240 = arith.constant 0 : i32
        %dma_start3A_241 = arith.constant 0 : i32
        %dma_start3A_242 = tpu.memref_slice %arg6[%arg1, %run_scoped3A_29, %dma_start3A_240, %dma_start3A_241] : memref<16x2x40x128xi32, #tpu.memory_space<hbm>> -> memref<1x1x40x128xi32, #tpu.memory_space<hbm>>
        %dma_start3A_243 = tpu.memref_squeeze %dma_start3A_242 : memref<1x1x40x128xi32, #tpu.memory_space<hbm>> -> memref<40x128xi32, #tpu.memory_space<hbm>>
        %dma_start3A_244 = arith.constant 0 : i32
        %dma_start3A_245 = arith.constant 0 : i32
        %dma_start3A_246 = tpu.memref_slice %arg11[%dma_start3A_244, %dma_start3A_245] : memref<40x128xi32, #tpu.memory_space<vmem>> -> memref<40x128xi32, #tpu.memory_space<vmem>>
        %dma_start3A_247 = arith.constant 0 : i32
        %dma_start3A_248 = arith.constant 0 : i32
        %dma_start3A_249 = tpu.memref_slice %arg6[%arg1, %run_scoped3A_29, %dma_start3A_247, %dma_start3A_248] : memref<16x2x40x128xi32, #tpu.memory_space<hbm>> -> memref<1x1x40x128xi32, #tpu.memory_space<hbm>>
        %dma_start3A_250 = tpu.memref_squeeze %dma_start3A_249 : memref<1x1x40x128xi32, #tpu.memory_space<hbm>> -> memref<40x128xi32, #tpu.memory_space<hbm>>
        tpu.enqueue_dma source(%dma_start3A_250 : memref<40x128xi32, #tpu.memory_space<hbm>>) target(%dma_start3A_246 : memref<40x128xi32, #tpu.memory_space<vmem>>) target_semaphore(%run_scoped3A_236 : memref<!tpu.dma_semaphore, #tpu.memory_space<semaphore_mem>>)
        %dma_wait3A_251 = arith.constant 0 : i32
        %dma_wait3A_252 = arith.constant 0 : i32
        %dma_wait3A_253 = tpu.memref_slice %arg11[%dma_wait3A_251, %dma_wait3A_252] : memref<40x128xi32, #tpu.memory_space<vmem>> -> memref<40x128xi32, #tpu.memory_space<vmem>>
        %dma_wait3A_254 = arith.constant 0 : i32
        %dma_wait3A_255 = arith.constant 0 : i32
        %dma_wait3A_256 = tpu.memref_slice %arg6[%arg1, %run_scoped3A_29, %dma_wait3A_254, %dma_wait3A_255] : memref<16x2x40x128xi32, #tpu.memory_space<hbm>> -> memref<1x1x40x128xi32, #tpu.memory_space<hbm>>
        %dma_wait3A_257 = tpu.memref_squeeze %dma_wait3A_256 : memref<1x1x40x128xi32, #tpu.memory_space<hbm>> -> memref<40x128xi32, #tpu.memory_space<hbm>>
        %dma_wait3A_258 = arith.constant 0 : i32
        %dma_wait3A_259 = arith.constant 0 : i32
        %dma_wait3A_260 = tpu.memref_slice %arg11[%dma_wait3A_258, %dma_wait3A_259] : memref<40x128xi32, #tpu.memory_space<vmem>> -> memref<40x128xi32, #tpu.memory_space<vmem>>
        %dma_wait3A_261 = arith.constant 0 : i32
        %dma_wait3A_262 = arith.constant 0 : i32
        %dma_wait3A_263 = tpu.memref_slice %arg6[%arg1, %run_scoped3A_29, %dma_wait3A_261, %dma_wait3A_262] : memref<16x2x40x128xi32, #tpu.memory_space<hbm>> -> memref<1x1x40x128xi32, #tpu.memory_space<hbm>>
        %dma_wait3A_264 = tpu.memref_squeeze %dma_wait3A_263 : memref<1x1x40x128xi32, #tpu.memory_space<hbm>> -> memref<40x128xi32, #tpu.memory_space<hbm>>
        tpu.wait_dma2 semaphore(%run_scoped3A_236 : memref<!tpu.dma_semaphore, #tpu.memory_space<semaphore_mem>>) src(%dma_wait3A_264 : memref<40x128xi32, #tpu.memory_space<hbm>>) dst(%dma_wait3A_260 : memref<40x128xi32, #tpu.memory_space<vmem>>)
        tpu.yield
      }) : () -> ()
      %dma_start3A = arith.constant 0 : i32
      %dma_start3A_30 = arith.constant 0 : i32
      %dma_start3A_31 = arith.constant 0 : i32
      %dma_start3A_32 = arith.constant 0 : i32
      %dma_start3A_33 = tpu.memref_slice %arg9[%dma_start3A_30, %dma_start3A_31, %dma_start3A_32] : memref<2x128x128xf32, #tpu.memory_space<vmem>> -> memref<1x128x128xf32, #tpu.memory_space<vmem>>
      %dma_start3A_34 = tpu.memref_squeeze %dma_start3A_33 : memref<1x128x128xf32, #tpu.memory_space<vmem>> -> memref<128x128xf32, #tpu.memory_space<vmem>>
      %dma_start3A_35 = arith.constant 0 : i32
      %dma_start3A_36 = tpu.memref_slice %arg10[%dma_start3A, %dma_start3A_35] : memref<40x128xi32, #tpu.memory_space<vmem>> -> memref<1x128xi32, #tpu.memory_space<vmem>>
      %dma_start3A_37 = tpu.memref_squeeze %dma_start3A_36 : memref<1x128xi32, #tpu.memory_space<vmem>> -> memref<128xi32, #tpu.memory_space<vmem>>
      %dma_start3A_38 = arith.constant 0 : i32
      %dma_start3A_39 = arith.constant 0 : i32
      %dma_start3A_40 = tpu.memref_slice %arg2[%dma_start3A_38, %dma_start3A_39] : memref<10000x128xf32, #tpu.memory_space<hbm>> -> memref<10000x128xf32, #tpu.memory_space<hbm>>
      tpu.enqueue_indirect_dma source(%dma_start3A_40 : memref<10000x128xf32, #tpu.memory_space<hbm>>) target(%dma_start3A_34 : memref<128x128xf32, #tpu.memory_space<vmem>>) offsets(%dma_start3A_37 : memref<128xi32, #tpu.memory_space<vmem>>) semaphore(%arg12 : memref<!tpu.dma_semaphore, #tpu.memory_space<semaphore_mem>>)
      %dma_start3A_41 = arith.constant 1 : i32
      %dma_start3A_42 = arith.constant 1 : i32
      %dma_start3A_43 = arith.constant 0 : i32
      %dma_start3A_44 = arith.constant 0 : i32
      %dma_start3A_45 = tpu.memref_slice %arg9[%dma_start3A_42, %dma_start3A_43, %dma_start3A_44] : memref<2x128x128xf32, #tpu.memory_space<vmem>> -> memref<1x128x128xf32, #tpu.memory_space<vmem>>
      %dma_start3A_46 = tpu.memref_squeeze %dma_start3A_45 : memref<1x128x128xf32, #tpu.memory_space<vmem>> -> memref<128x128xf32, #tpu.memory_space<vmem>>
      %dma_start3A_47 = arith.constant 0 : i32
      %dma_start3A_48 = tpu.memref_slice %arg10[%dma_start3A_41, %dma_start3A_47] : memref<40x128xi32, #tpu.memory_space<vmem>> -> memref<1x128xi32, #tpu.memory_space<vmem>>
      %dma_start3A_49 = tpu.memref_squeeze %dma_start3A_48 : memref<1x128xi32, #tpu.memory_space<vmem>> -> memref<128xi32, #tpu.memory_space<vmem>>
      %dma_start3A_50 = arith.constant 0 : i32
      %dma_start3A_51 = arith.constant 0 : i32
      %dma_start3A_52 = tpu.memref_slice %arg2[%dma_start3A_50, %dma_start3A_51] : memref<10000x128xf32, #tpu.memory_space<hbm>> -> memref<10000x128xf32, #tpu.memory_space<hbm>>
      tpu.enqueue_indirect_dma source(%dma_start3A_52 : memref<10000x128xf32, #tpu.memory_space<hbm>>) target(%dma_start3A_46 : memref<128x128xf32, #tpu.memory_space<vmem>>) offsets(%dma_start3A_49 : memref<128xi32, #tpu.memory_space<vmem>>) semaphore(%arg13 : memref<!tpu.dma_semaphore, #tpu.memory_space<semaphore_mem>>)
      %scan3A_53 = arith.constant 0 : i32
      %scan3A_54 = arith.constant 0 : i32
      %scan3A_55 = arith.constant 19 : i32
      %scan3A_56 = arith.addi %scan3A_54, %scan3A_55 : i32
      %scan3A_57 = arith.constant 1 : i32
      %scan3A_58 = scf.for %scan3A_236 = %scan3A_54 to %scan3A_56 step %scan3A_57 iter_args(%scan3A_237 = %scan3A_53) -> (i32)  : i32 {
        %mul3A_238 = arith.constant 2 : i32
        %mul3A_239 = arith.muli %mul3A_238, %scan3A_236 : i32
        %dma_wait3A_240 = arith.constant 0 : i32
        %dma_wait3A_241 = arith.constant 0 : i32
        %dma_wait3A_242 = arith.constant 0 : i32
        %dma_wait3A_243 = tpu.memref_slice %arg9[%dma_wait3A_240, %dma_wait3A_241, %dma_wait3A_242] : memref<2x128x128xf32, #tpu.memory_space<vmem>> -> memref<1x128x128xf32, #tpu.memory_space<vmem>>
        %dma_wait3A_244 = tpu.memref_squeeze %dma_wait3A_243 : memref<1x128x128xf32, #tpu.memory_space<vmem>> -> memref<128x128xf32, #tpu.memory_space<vmem>>
        %dma_wait3A_245 = arith.constant 0 : i32
        %dma_wait3A_246 = tpu.memref_slice %arg10[%mul3A_239, %dma_wait3A_245] : memref<40x128xi32, #tpu.memory_space<vmem>> -> memref<1x128xi32, #tpu.memory_space<vmem>>
        %dma_wait3A_247 = tpu.memref_squeeze %dma_wait3A_246 : memref<1x128xi32, #tpu.memory_space<vmem>> -> memref<128xi32, #tpu.memory_space<vmem>>
        %dma_wait3A_248 = arith.constant 0 : i32
        %dma_wait3A_249 = arith.constant 0 : i32
        %dma_wait3A_250 = tpu.memref_slice %arg2[%dma_wait3A_248, %dma_wait3A_249] : memref<10000x128xf32, #tpu.memory_space<hbm>> -> memref<10000x128xf32, #tpu.memory_space<hbm>>
        tpu.wait_indirect_dma semaphore(%arg12 : memref<!tpu.dma_semaphore, #tpu.memory_space<semaphore_mem>>) src(%dma_wait3A_250 : memref<10000x128xf32, #tpu.memory_space<hbm>>) dst(%dma_wait3A_244 : memref<128x128xf32, #tpu.memory_space<vmem>>)
        %dma_start3A_251 = arith.constant 0 : i32
        %dma_start3A_252 = arith.constant 0 : i32
        %dma_start3A_253 = arith.constant 0 : i32
        %dma_start3A_254 = tpu.memref_slice %arg9[%dma_start3A_251, %dma_start3A_252, %dma_start3A_253] : memref<2x128x128xf32, #tpu.memory_space<vmem>> -> memref<1x128x128xf32, #tpu.memory_space<vmem>>
        %dma_start3A_255 = tpu.memref_squeeze %dma_start3A_254 : memref<1x128x128xf32, #tpu.memory_space<vmem>> -> memref<128x128xf32, #tpu.memory_space<vmem>>
        %dma_start3A_256 = arith.constant 0 : i32
        %dma_start3A_257 = tpu.memref_slice %arg11[%mul3A_239, %dma_start3A_256] : memref<40x128xi32, #tpu.memory_space<vmem>> -> memref<1x128xi32, #tpu.memory_space<vmem>>
        %dma_start3A_258 = tpu.memref_squeeze %dma_start3A_257 : memref<1x128xi32, #tpu.memory_space<vmem>> -> memref<128xi32, #tpu.memory_space<vmem>>
        %dma_start3A_259 = arith.constant 0 : i32
        %dma_start3A_260 = arith.constant 0 : i32
        %dma_start3A_261 = tpu.memref_slice %arg8[%dma_start3A_259, %dma_start3A_260] : memref<10112x128xf32, #tpu.memory_space<vmem_shared>> -> memref<10112x128xf32, #tpu.memory_space<vmem_shared>>
        tpu.enqueue_indirect_dma source(%dma_start3A_255 : memref<128x128xf32, #tpu.memory_space<vmem>>) target(%dma_start3A_261 : memref<10112x128xf32, #tpu.memory_space<vmem_shared>>) offsets(%dma_start3A_258 : memref<128xi32, #tpu.memory_space<vmem>>) semaphore(%arg14 : memref<!tpu.dma_semaphore, #tpu.memory_space<semaphore_mem>>) {add = true}
        %dma_wait3A_262 = arith.constant 0 : i32
        %dma_wait3A_263 = arith.constant 0 : i32
        %dma_wait3A_264 = arith.constant 0 : i32
        %dma_wait3A_265 = tpu.memref_slice %arg9[%dma_wait3A_262, %dma_wait3A_263, %dma_wait3A_264] : memref<2x128x128xf32, #tpu.memory_space<vmem>> -> memref<1x128x128xf32, #tpu.memory_space<vmem>>
        %dma_wait3A_266 = tpu.memref_squeeze %dma_wait3A_265 : memref<1x128x128xf32, #tpu.memory_space<vmem>> -> memref<128x128xf32, #tpu.memory_space<vmem>>
        %dma_wait3A_267 = arith.constant 0 : i32
        %dma_wait3A_268 = tpu.memref_slice %arg11[%mul3A_239, %dma_wait3A_267] : memref<40x128xi32, #tpu.memory_space<vmem>> -> memref<1x128xi32, #tpu.memory_space<vmem>>
        %dma_wait3A_269 = tpu.memref_squeeze %dma_wait3A_268 : memref<1x128xi32, #tpu.memory_space<vmem>> -> memref<128xi32, #tpu.memory_space<vmem>>
        %dma_wait3A_270 = arith.constant 0 : i32
        %dma_wait3A_271 = arith.constant 0 : i32
        %dma_wait3A_272 = tpu.memref_slice %arg8[%dma_wait3A_270, %dma_wait3A_271] : memref<10112x128xf32, #tpu.memory_space<vmem_shared>> -> memref<10112x128xf32, #tpu.memory_space<vmem_shared>>
        tpu.wait_indirect_dma semaphore(%arg14 : memref<!tpu.dma_semaphore, #tpu.memory_space<semaphore_mem>>) src(%dma_wait3A_266 : memref<128x128xf32, #tpu.memory_space<vmem>>) dst(%dma_wait3A_272 : memref<10112x128xf32, #tpu.memory_space<vmem_shared>>)
        %add3A_273 = arith.constant 2 : i32
        %add3A_274 = arith.addi %mul3A_239, %add3A_273 : i32
        %dma_start3A_275 = arith.constant 0 : i32
        %dma_start3A_276 = arith.constant 0 : i32
        %dma_start3A_277 = arith.constant 0 : i32
        %dma_start3A_278 = tpu.memref_slice %arg9[%dma_start3A_275, %dma_start3A_276, %dma_start3A_277] : memref<2x128x128xf32, #tpu.memory_space<vmem>> -> memref<1x128x128xf32, #tpu.memory_space<vmem>>
        %dma_start3A_279 = tpu.memref_squeeze %dma_start3A_278 : memref<1x128x128xf32, #tpu.memory_space<vmem>> -> memref<128x128xf32, #tpu.memory_space<vmem>>
        %dma_start3A_280 = arith.constant 0 : i32
        %dma_start3A_281 = tpu.memref_slice %arg10[%add3A_274, %dma_start3A_280] : memref<40x128xi32, #tpu.memory_space<vmem>> -> memref<1x128xi32, #tpu.memory_space<vmem>>
        %dma_start3A_282 = tpu.memref_squeeze %dma_start3A_281 : memref<1x128xi32, #tpu.memory_space<vmem>> -> memref<128xi32, #tpu.memory_space<vmem>>
        %dma_start3A_283 = arith.constant 0 : i32
        %dma_start3A_284 = arith.constant 0 : i32
        %dma_start3A_285 = tpu.memref_slice %arg2[%dma_start3A_283, %dma_start3A_284] : memref<10000x128xf32, #tpu.memory_space<hbm>> -> memref<10000x128xf32, #tpu.memory_space<hbm>>
        tpu.enqueue_indirect_dma source(%dma_start3A_285 : memref<10000x128xf32, #tpu.memory_space<hbm>>) target(%dma_start3A_279 : memref<128x128xf32, #tpu.memory_space<vmem>>) offsets(%dma_start3A_282 : memref<128xi32, #tpu.memory_space<vmem>>) semaphore(%arg12 : memref<!tpu.dma_semaphore, #tpu.memory_space<semaphore_mem>>)
        %add3A_286 = arith.constant 1 : i32
        %add3A_287 = arith.addi %mul3A_239, %add3A_286 : i32
        %dma_wait3A_288 = arith.constant 1 : i32
        %dma_wait3A_289 = arith.constant 0 : i32
        %dma_wait3A_290 = arith.constant 0 : i32
        %dma_wait3A_291 = tpu.memref_slice %arg9[%dma_wait3A_288, %dma_wait3A_289, %dma_wait3A_290] : memref<2x128x128xf32, #tpu.memory_space<vmem>> -> memref<1x128x128xf32, #tpu.memory_space<vmem>>
        %dma_wait3A_292 = tpu.memref_squeeze %dma_wait3A_291 : memref<1x128x128xf32, #tpu.memory_space<vmem>> -> memref<128x128xf32, #tpu.memory_space<vmem>>
        %dma_wait3A_293 = arith.constant 0 : i32
        %dma_wait3A_294 = tpu.memref_slice %arg10[%add3A_287, %dma_wait3A_293] : memref<40x128xi32, #tpu.memory_space<vmem>> -> memref<1x128xi32, #tpu.memory_space<vmem>>
        %dma_wait3A_295 = tpu.memref_squeeze %dma_wait3A_294 : memref<1x128xi32, #tpu.memory_space<vmem>> -> memref<128xi32, #tpu.memory_space<vmem>>
        %dma_wait3A_296 = arith.constant 0 : i32
        %dma_wait3A_297 = arith.constant 0 : i32
        %dma_wait3A_298 = tpu.memref_slice %arg2[%dma_wait3A_296, %dma_wait3A_297] : memref<10000x128xf32, #tpu.memory_space<hbm>> -> memref<10000x128xf32, #tpu.memory_space<hbm>>
        tpu.wait_indirect_dma semaphore(%arg13 : memref<!tpu.dma_semaphore, #tpu.memory_space<semaphore_mem>>) src(%dma_wait3A_298 : memref<10000x128xf32, #tpu.memory_space<hbm>>) dst(%dma_wait3A_292 : memref<128x128xf32, #tpu.memory_space<vmem>>)
        %add3A_299 = arith.constant 1 : i32
        %add3A_300 = arith.addi %mul3A_239, %add3A_299 : i32
        %dma_start3A_301 = arith.constant 1 : i32
        %dma_start3A_302 = arith.constant 0 : i32
        %dma_start3A_303 = arith.constant 0 : i32
        %dma_start3A_304 = tpu.memref_slice %arg9[%dma_start3A_301, %dma_start3A_302, %dma_start3A_303] : memref<2x128x128xf32, #tpu.memory_space<vmem>> -> memref<1x128x128xf32, #tpu.memory_space<vmem>>
        %dma_start3A_305 = tpu.memref_squeeze %dma_start3A_304 : memref<1x128x128xf32, #tpu.memory_space<vmem>> -> memref<128x128xf32, #tpu.memory_space<vmem>>
        %dma_start3A_306 = arith.constant 0 : i32
        %dma_start3A_307 = tpu.memref_slice %arg11[%add3A_300, %dma_start3A_306] : memref<40x128xi32, #tpu.memory_space<vmem>> -> memref<1x128xi32, #tpu.memory_space<vmem>>
        %dma_start3A_308 = tpu.memref_squeeze %dma_start3A_307 : memref<1x128xi32, #tpu.memory_space<vmem>> -> memref<128xi32, #tpu.memory_space<vmem>>
        %dma_start3A_309 = arith.constant 0 : i32
        %dma_start3A_310 = arith.constant 0 : i32
        %dma_start3A_311 = tpu.memref_slice %arg8[%dma_start3A_309, %dma_start3A_310] : memref<10112x128xf32, #tpu.memory_space<vmem_shared>> -> memref<10112x128xf32, #tpu.memory_space<vmem_shared>>
        tpu.enqueue_indirect_dma source(%dma_start3A_305 : memref<128x128xf32, #tpu.memory_space<vmem>>) target(%dma_start3A_311 : memref<10112x128xf32, #tpu.memory_space<vmem_shared>>) offsets(%dma_start3A_308 : memref<128xi32, #tpu.memory_space<vmem>>) semaphore(%arg15 : memref<!tpu.dma_semaphore, #tpu.memory_space<semaphore_mem>>) {add = true}
        %add3A_312 = arith.constant 1 : i32
        %add3A_313 = arith.addi %mul3A_239, %add3A_312 : i32
        %dma_wait3A_314 = arith.constant 1 : i32
        %dma_wait3A_315 = arith.constant 0 : i32
        %dma_wait3A_316 = arith.constant 0 : i32
        %dma_wait3A_317 = tpu.memref_slice %arg9[%dma_wait3A_314, %dma_wait3A_315, %dma_wait3A_316] : memref<2x128x128xf32, #tpu.memory_space<vmem>> -> memref<1x128x128xf32, #tpu.memory_space<vmem>>
        %dma_wait3A_318 = tpu.memref_squeeze %dma_wait3A_317 : memref<1x128x128xf32, #tpu.memory_space<vmem>> -> memref<128x128xf32, #tpu.memory_space<vmem>>
        %dma_wait3A_319 = arith.constant 0 : i32
        %dma_wait3A_320 = tpu.memref_slice %arg11[%add3A_313, %dma_wait3A_319] : memref<40x128xi32, #tpu.memory_space<vmem>> -> memref<1x128xi32, #tpu.memory_space<vmem>>
        %dma_wait3A_321 = tpu.memref_squeeze %dma_wait3A_320 : memref<1x128xi32, #tpu.memory_space<vmem>> -> memref<128xi32, #tpu.memory_space<vmem>>
        %dma_wait3A_322 = arith.constant 0 : i32
        %dma_wait3A_323 = arith.constant 0 : i32
        %dma_wait3A_324 = tpu.memref_slice %arg8[%dma_wait3A_322, %dma_wait3A_323] : memref<10112x128xf32, #tpu.memory_space<vmem_shared>> -> memref<10112x128xf32, #tpu.memory_space<vmem_shared>>
        tpu.wait_indirect_dma semaphore(%arg15 : memref<!tpu.dma_semaphore, #tpu.memory_space<semaphore_mem>>) src(%dma_wait3A_318 : memref<128x128xf32, #tpu.memory_space<vmem>>) dst(%dma_wait3A_324 : memref<10112x128xf32, #tpu.memory_space<vmem_shared>>)
        %add3A_325 = arith.constant 3 : i32
        %add3A_326 = arith.addi %mul3A_239, %add3A_325 : i32
        %dma_start3A_327 = arith.constant 1 : i32
        %dma_start3A_328 = arith.constant 0 : i32
        %dma_start3A_329 = arith.constant 0 : i32
        %dma_start3A_330 = tpu.memref_slice %arg9[%dma_start3A_327, %dma_start3A_328, %dma_start3A_329] : memref<2x128x128xf32, #tpu.memory_space<vmem>> -> memref<1x128x128xf32, #tpu.memory_space<vmem>>
        %dma_start3A_331 = tpu.memref_squeeze %dma_start3A_330 : memref<1x128x128xf32, #tpu.memory_space<vmem>> -> memref<128x128xf32, #tpu.memory_space<vmem>>
        %dma_start3A_332 = arith.constant 0 : i32
        %dma_start3A_333 = tpu.memref_slice %arg10[%add3A_326, %dma_start3A_332] : memref<40x128xi32, #tpu.memory_space<vmem>> -> memref<1x128xi32, #tpu.memory_space<vmem>>
        %dma_start3A_334 = tpu.memref_squeeze %dma_start3A_333 : memref<1x128xi32, #tpu.memory_space<vmem>> -> memref<128xi32, #tpu.memory_space<vmem>>
        %dma_start3A_335 = arith.constant 0 : i32
        %dma_start3A_336 = arith.constant 0 : i32
        %dma_start3A_337 = tpu.memref_slice %arg2[%dma_start3A_335, %dma_start3A_336] : memref<10000x128xf32, #tpu.memory_space<hbm>> -> memref<10000x128xf32, #tpu.memory_space<hbm>>
        tpu.enqueue_indirect_dma source(%dma_start3A_337 : memref<10000x128xf32, #tpu.memory_space<hbm>>) target(%dma_start3A_331 : memref<128x128xf32, #tpu.memory_space<vmem>>) offsets(%dma_start3A_334 : memref<128xi32, #tpu.memory_space<vmem>>) semaphore(%arg13 : memref<!tpu.dma_semaphore, #tpu.memory_space<semaphore_mem>>)
        %scan3A_338 = arith.constant 0 : i32
        scf.yield %scan3A_338 : i32
      }
      %scan3A_59 = arith.constant 19 : i32
      %dma_wait3A = arith.constant 38 : i32
      %dma_wait3A_60 = arith.constant 0 : i32
      %dma_wait3A_61 = arith.constant 0 : i32
      %dma_wait3A_62 = arith.constant 0 : i32
      %dma_wait3A_63 = tpu.memref_slice %arg9[%dma_wait3A_60, %dma_wait3A_61, %dma_wait3A_62] : memref<2x128x128xf32, #tpu.memory_space<vmem>> -> memref<1x128x128xf32, #tpu.memory_space<vmem>>
      %dma_wait3A_64 = tpu.memref_squeeze %dma_wait3A_63 : memref<1x128x128xf32, #tpu.memory_space<vmem>> -> memref<128x128xf32, #tpu.memory_space<vmem>>
      %dma_wait3A_65 = arith.constant 0 : i32
      %dma_wait3A_66 = tpu.memref_slice %arg10[%dma_wait3A, %dma_wait3A_65] : memref<40x128xi32, #tpu.memory_space<vmem>> -> memref<1x128xi32, #tpu.memory_space<vmem>>
      %dma_wait3A_67 = tpu.memref_squeeze %dma_wait3A_66 : memref<1x128xi32, #tpu.memory_space<vmem>> -> memref<128xi32, #tpu.memory_space<vmem>>
      %dma_wait3A_68 = arith.constant 0 : i32
      %dma_wait3A_69 = arith.constant 0 : i32
      %dma_wait3A_70 = tpu.memref_slice %arg2[%dma_wait3A_68, %dma_wait3A_69] : memref<10000x128xf32, #tpu.memory_space<hbm>> -> memref<10000x128xf32, #tpu.memory_space<hbm>>
      tpu.wait_indirect_dma semaphore(%arg12 : memref<!tpu.dma_semaphore, #tpu.memory_space<semaphore_mem>>) src(%dma_wait3A_70 : memref<10000x128xf32, #tpu.memory_space<hbm>>) dst(%dma_wait3A_64 : memref<128x128xf32, #tpu.memory_space<vmem>>)
      %dma_start3A_71 = arith.constant 0 : i32
      %dma_start3A_72 = arith.constant 38 : i32
      %dma_start3A_73 = arith.constant 0 : i32
      %dma_start3A_74 = arith.constant 0 : i32
      %dma_start3A_75 = tpu.memref_slice %arg9[%dma_start3A_71, %dma_start3A_73, %dma_start3A_74] : memref<2x128x128xf32, #tpu.memory_space<vmem>> -> memref<1x128x128xf32, #tpu.memory_space<vmem>>
      %dma_start3A_76 = tpu.memref_squeeze %dma_start3A_75 : memref<1x128x128xf32, #tpu.memory_space<vmem>> -> memref<128x128xf32, #tpu.memory_space<vmem>>
      %dma_start3A_77 = arith.constant 0 : i32
      %dma_start3A_78 = tpu.memref_slice %arg11[%dma_start3A_72, %dma_start3A_77] : memref<40x128xi32, #tpu.memory_space<vmem>> -> memref<1x128xi32, #tpu.memory_space<vmem>>
      %dma_start3A_79 = tpu.memref_squeeze %dma_start3A_78 : memref<1x128xi32, #tpu.memory_space<vmem>> -> memref<128xi32, #tpu.memory_space<vmem>>
      %dma_start3A_80 = arith.constant 0 : i32
      %dma_start3A_81 = arith.constant 0 : i32
      %dma_start3A_82 = tpu.memref_slice %arg8[%dma_start3A_80, %dma_start3A_81] : memref<10112x128xf32, #tpu.memory_space<vmem_shared>> -> memref<10112x128xf32, #tpu.memory_space<vmem_shared>>
      tpu.enqueue_indirect_dma source(%dma_start3A_76 : memref<128x128xf32, #tpu.memory_space<vmem>>) target(%dma_start3A_82 : memref<10112x128xf32, #tpu.memory_space<vmem_shared>>) offsets(%dma_start3A_79 : memref<128xi32, #tpu.memory_space<vmem>>) semaphore(%arg14 : memref<!tpu.dma_semaphore, #tpu.memory_space<semaphore_mem>>) {add = true}
      %dma_wait3A_83 = arith.constant 0 : i32
      %dma_wait3A_84 = arith.constant 38 : i32
      %dma_wait3A_85 = arith.constant 0 : i32
      %dma_wait3A_86 = arith.constant 0 : i32
      %dma_wait3A_87 = tpu.memref_slice %arg9[%dma_wait3A_83, %dma_wait3A_85, %dma_wait3A_86] : memref<2x128x128xf32, #tpu.memory_space<vmem>> -> memref<1x128x128xf32, #tpu.memory_space<vmem>>
      %dma_wait3A_88 = tpu.memref_squeeze %dma_wait3A_87 : memref<1x128x128xf32, #tpu.memory_space<vmem>> -> memref<128x128xf32, #tpu.memory_space<vmem>>
      %dma_wait3A_89 = arith.constant 0 : i32
      %dma_wait3A_90 = tpu.memref_slice %arg11[%dma_wait3A_84, %dma_wait3A_89] : memref<40x128xi32, #tpu.memory_space<vmem>> -> memref<1x128xi32, #tpu.memory_space<vmem>>
      %dma_wait3A_91 = tpu.memref_squeeze %dma_wait3A_90 : memref<1x128xi32, #tpu.memory_space<vmem>> -> memref<128xi32, #tpu.memory_space<vmem>>
      %dma_wait3A_92 = arith.constant 0 : i32
      %dma_wait3A_93 = arith.constant 0 : i32
      %dma_wait3A_94 = tpu.memref_slice %arg8[%dma_wait3A_92, %dma_wait3A_93] : memref<10112x128xf32, #tpu.memory_space<vmem_shared>> -> memref<10112x128xf32, #tpu.memory_space<vmem_shared>>
      tpu.wait_indirect_dma semaphore(%arg14 : memref<!tpu.dma_semaphore, #tpu.memory_space<semaphore_mem>>) src(%dma_wait3A_88 : memref<128x128xf32, #tpu.memory_space<vmem>>) dst(%dma_wait3A_94 : memref<10112x128xf32, #tpu.memory_space<vmem_shared>>)
      %dma_wait3A_95 = arith.constant 39 : i32
      %dma_wait3A_96 = arith.constant 1 : i32
      %dma_wait3A_97 = arith.constant 0 : i32
      %dma_wait3A_98 = arith.constant 0 : i32
      %dma_wait3A_99 = tpu.memref_slice %arg9[%dma_wait3A_96, %dma_wait3A_97, %dma_wait3A_98] : memref<2x128x128xf32, #tpu.memory_space<vmem>> -> memref<1x128x128xf32, #tpu.memory_space<vmem>>
      %dma_wait3A_100 = tpu.memref_squeeze %dma_wait3A_99 : memref<1x128x128xf32, #tpu.memory_space<vmem>> -> memref<128x128xf32, #tpu.memory_space<vmem>>
      %dma_wait3A_101 = arith.constant 0 : i32
      %dma_wait3A_102 = tpu.memref_slice %arg10[%dma_wait3A_95, %dma_wait3A_101] : memref<40x128xi32, #tpu.memory_space<vmem>> -> memref<1x128xi32, #tpu.memory_space<vmem>>
      %dma_wait3A_103 = tpu.memref_squeeze %dma_wait3A_102 : memref<1x128xi32, #tpu.memory_space<vmem>> -> memref<128xi32, #tpu.memory_space<vmem>>
      %dma_wait3A_104 = arith.constant 0 : i32
      %dma_wait3A_105 = arith.constant 0 : i32
      %dma_wait3A_106 = tpu.memref_slice %arg2[%dma_wait3A_104, %dma_wait3A_105] : memref<10000x128xf32, #tpu.memory_space<hbm>> -> memref<10000x128xf32, #tpu.memory_space<hbm>>
      tpu.wait_indirect_dma semaphore(%arg13 : memref<!tpu.dma_semaphore, #tpu.memory_space<semaphore_mem>>) src(%dma_wait3A_106 : memref<10000x128xf32, #tpu.memory_space<hbm>>) dst(%dma_wait3A_100 : memref<128x128xf32, #tpu.memory_space<vmem>>)
      %dma_start3A_107 = arith.constant 1 : i32
      %dma_start3A_108 = arith.constant 39 : i32
      %dma_start3A_109 = arith.constant 0 : i32
      %dma_start3A_110 = arith.constant 0 : i32
      %dma_start3A_111 = tpu.memref_slice %arg9[%dma_start3A_107, %dma_start3A_109, %dma_start3A_110] : memref<2x128x128xf32, #tpu.memory_space<vmem>> -> memref<1x128x128xf32, #tpu.memory_space<vmem>>
      %dma_start3A_112 = tpu.memref_squeeze %dma_start3A_111 : memref<1x128x128xf32, #tpu.memory_space<vmem>> -> memref<128x128xf32, #tpu.memory_space<vmem>>
      %dma_start3A_113 = arith.constant 0 : i32
      %dma_start3A_114 = tpu.memref_slice %arg11[%dma_start3A_108, %dma_start3A_113] : memref<40x128xi32, #tpu.memory_space<vmem>> -> memref<1x128xi32, #tpu.memory_space<vmem>>
      %dma_start3A_115 = tpu.memref_squeeze %dma_start3A_114 : memref<1x128xi32, #tpu.memory_space<vmem>> -> memref<128xi32, #tpu.memory_space<vmem>>
      %dma_start3A_116 = arith.constant 0 : i32
      %dma_start3A_117 = arith.constant 0 : i32
      %dma_start3A_118 = tpu.memref_slice %arg8[%dma_start3A_116, %dma_start3A_117] : memref<10112x128xf32, #tpu.memory_space<vmem_shared>> -> memref<10112x128xf32, #tpu.memory_space<vmem_shared>>
      tpu.enqueue_indirect_dma source(%dma_start3A_112 : memref<128x128xf32, #tpu.memory_space<vmem>>) target(%dma_start3A_118 : memref<10112x128xf32, #tpu.memory_space<vmem_shared>>) offsets(%dma_start3A_115 : memref<128xi32, #tpu.memory_space<vmem>>) semaphore(%arg15 : memref<!tpu.dma_semaphore, #tpu.memory_space<semaphore_mem>>) {add = true}
      %dma_wait3A_119 = arith.constant 1 : i32
      %dma_wait3A_120 = arith.constant 39 : i32
      %dma_wait3A_121 = arith.constant 0 : i32
      %dma_wait3A_122 = arith.constant 0 : i32
      %dma_wait3A_123 = tpu.memref_slice %arg9[%dma_wait3A_119, %dma_wait3A_121, %dma_wait3A_122] : memref<2x128x128xf32, #tpu.memory_space<vmem>> -> memref<1x128x128xf32, #tpu.memory_space<vmem>>
      %dma_wait3A_124 = tpu.memref_squeeze %dma_wait3A_123 : memref<1x128x128xf32, #tpu.memory_space<vmem>> -> memref<128x128xf32, #tpu.memory_space<vmem>>
      %dma_wait3A_125 = arith.constant 0 : i32
      %dma_wait3A_126 = tpu.memref_slice %arg11[%dma_wait3A_120, %dma_wait3A_125] : memref<40x128xi32, #tpu.memory_space<vmem>> -> memref<1x128xi32, #tpu.memory_space<vmem>>
      %dma_wait3A_127 = tpu.memref_squeeze %dma_wait3A_126 : memref<1x128xi32, #tpu.memory_space<vmem>> -> memref<128xi32, #tpu.memory_space<vmem>>
      %dma_wait3A_128 = arith.constant 0 : i32
      %dma_wait3A_129 = arith.constant 0 : i32
      %dma_wait3A_130 = tpu.memref_slice %arg8[%dma_wait3A_128, %dma_wait3A_129] : memref<10112x128xf32, #tpu.memory_space<vmem_shared>> -> memref<10112x128xf32, #tpu.memory_space<vmem_shared>>
      tpu.wait_indirect_dma semaphore(%arg15 : memref<!tpu.dma_semaphore, #tpu.memory_space<semaphore_mem>>) src(%dma_wait3A_124 : memref<128x128xf32, #tpu.memory_space<vmem>>) dst(%dma_wait3A_130 : memref<10112x128xf32, #tpu.memory_space<vmem_shared>>)
      %run_scoped3A_131 = arith.constant 1 : i32
      "tpu.region"() ({
        %run_scoped3A_236 = tpu.sem_alloc : memref<!tpu.dma_semaphore, #tpu.memory_space<semaphore_mem>>
        %dma_start3A_237 = arith.constant 0 : i32
        %dma_start3A_238 = arith.constant 0 : i32
        %dma_start3A_239 = tpu.memref_slice %arg10[%dma_start3A_237, %dma_start3A_238] : memref<40x128xi32, #tpu.memory_space<vmem>> -> memref<40x128xi32, #tpu.memory_space<vmem>>
        %dma_start3A_240 = arith.constant 0 : i32
        %dma_start3A_241 = arith.constant 0 : i32
        %dma_start3A_242 = tpu.memref_slice %arg5[%arg1, %run_scoped3A_131, %dma_start3A_240, %dma_start3A_241] : memref<16x2x40x128xi32, #tpu.memory_space<hbm>> -> memref<1x1x40x128xi32, #tpu.memory_space<hbm>>
        %dma_start3A_243 = tpu.memref_squeeze %dma_start3A_242 : memref<1x1x40x128xi32, #tpu.memory_space<hbm>> -> memref<40x128xi32, #tpu.memory_space<hbm>>
        %dma_start3A_244 = arith.constant 0 : i32
        %dma_start3A_245 = arith.constant 0 : i32
        %dma_start3A_246 = tpu.memref_slice %arg10[%dma_start3A_244, %dma_start3A_245] : memref<40x128xi32, #tpu.memory_space<vmem>> -> memref<40x128xi32, #tpu.memory_space<vmem>>
        %dma_start3A_247 = arith.constant 0 : i32
        %dma_start3A_248 = arith.constant 0 : i32
        %dma_start3A_249 = tpu.memref_slice %arg5[%arg1, %run_scoped3A_131, %dma_start3A_247, %dma_start3A_248] : memref<16x2x40x128xi32, #tpu.memory_space<hbm>> -> memref<1x1x40x128xi32, #tpu.memory_space<hbm>>
        %dma_start3A_250 = tpu.memref_squeeze %dma_start3A_249 : memref<1x1x40x128xi32, #tpu.memory_space<hbm>> -> memref<40x128xi32, #tpu.memory_space<hbm>>
        tpu.enqueue_dma source(%dma_start3A_250 : memref<40x128xi32, #tpu.memory_space<hbm>>) target(%dma_start3A_246 : memref<40x128xi32, #tpu.memory_space<vmem>>) target_semaphore(%run_scoped3A_236 : memref<!tpu.dma_semaphore, #tpu.memory_space<semaphore_mem>>)
        %dma_wait3A_251 = arith.constant 0 : i32
        %dma_wait3A_252 = arith.constant 0 : i32
        %dma_wait3A_253 = tpu.memref_slice %arg10[%dma_wait3A_251, %dma_wait3A_252] : memref<40x128xi32, #tpu.memory_space<vmem>> -> memref<40x128xi32, #tpu.memory_space<vmem>>
        %dma_wait3A_254 = arith.constant 0 : i32
        %dma_wait3A_255 = arith.constant 0 : i32
        %dma_wait3A_256 = tpu.memref_slice %arg5[%arg1, %run_scoped3A_131, %dma_wait3A_254, %dma_wait3A_255] : memref<16x2x40x128xi32, #tpu.memory_space<hbm>> -> memref<1x1x40x128xi32, #tpu.memory_space<hbm>>
        %dma_wait3A_257 = tpu.memref_squeeze %dma_wait3A_256 : memref<1x1x40x128xi32, #tpu.memory_space<hbm>> -> memref<40x128xi32, #tpu.memory_space<hbm>>
        %dma_wait3A_258 = arith.constant 0 : i32
        %dma_wait3A_259 = arith.constant 0 : i32
        %dma_wait3A_260 = tpu.memref_slice %arg10[%dma_wait3A_258, %dma_wait3A_259] : memref<40x128xi32, #tpu.memory_space<vmem>> -> memref<40x128xi32, #tpu.memory_space<vmem>>
        %dma_wait3A_261 = arith.constant 0 : i32
        %dma_wait3A_262 = arith.constant 0 : i32
        %dma_wait3A_263 = tpu.memref_slice %arg5[%arg1, %run_scoped3A_131, %dma_wait3A_261, %dma_wait3A_262] : memref<16x2x40x128xi32, #tpu.memory_space<hbm>> -> memref<1x1x40x128xi32, #tpu.memory_space<hbm>>
        %dma_wait3A_264 = tpu.memref_squeeze %dma_wait3A_263 : memref<1x1x40x128xi32, #tpu.memory_space<hbm>> -> memref<40x128xi32, #tpu.memory_space<hbm>>
        tpu.wait_dma2 semaphore(%run_scoped3A_236 : memref<!tpu.dma_semaphore, #tpu.memory_space<semaphore_mem>>) src(%dma_wait3A_264 : memref<40x128xi32, #tpu.memory_space<hbm>>) dst(%dma_wait3A_260 : memref<40x128xi32, #tpu.memory_space<vmem>>)
        tpu.yield
      }) : () -> ()
      %run_scoped3A_132 = arith.constant 1 : i32
      "tpu.region"() ({
        %run_scoped3A_236 = tpu.sem_alloc : memref<!tpu.dma_semaphore, #tpu.memory_space<semaphore_mem>>
        %dma_start3A_237 = arith.constant 0 : i32
        %dma_start3A_238 = arith.constant 0 : i32
        %dma_start3A_239 = tpu.memref_slice %arg11[%dma_start3A_237, %dma_start3A_238] : memref<40x128xi32, #tpu.memory_space<vmem>> -> memref<40x128xi32, #tpu.memory_space<vmem>>
        %dma_start3A_240 = arith.constant 0 : i32
        %dma_start3A_241 = arith.constant 0 : i32
        %dma_start3A_242 = tpu.memref_slice %arg6[%arg1, %run_scoped3A_132, %dma_start3A_240, %dma_start3A_241] : memref<16x2x40x128xi32, #tpu.memory_space<hbm>> -> memref<1x1x40x128xi32, #tpu.memory_space<hbm>>
        %dma_start3A_243 = tpu.memref_squeeze %dma_start3A_242 : memref<1x1x40x128xi32, #tpu.memory_space<hbm>> -> memref<40x128xi32, #tpu.memory_space<hbm>>
        %dma_start3A_244 = arith.constant 0 : i32
        %dma_start3A_245 = arith.constant 0 : i32
        %dma_start3A_246 = tpu.memref_slice %arg11[%dma_start3A_244, %dma_start3A_245] : memref<40x128xi32, #tpu.memory_space<vmem>> -> memref<40x128xi32, #tpu.memory_space<vmem>>
        %dma_start3A_247 = arith.constant 0 : i32
        %dma_start3A_248 = arith.constant 0 : i32
        %dma_start3A_249 = tpu.memref_slice %arg6[%arg1, %run_scoped3A_132, %dma_start3A_247, %dma_start3A_248] : memref<16x2x40x128xi32, #tpu.memory_space<hbm>> -> memref<1x1x40x128xi32, #tpu.memory_space<hbm>>
        %dma_start3A_250 = tpu.memref_squeeze %dma_start3A_249 : memref<1x1x40x128xi32, #tpu.memory_space<hbm>> -> memref<40x128xi32, #tpu.memory_space<hbm>>
        tpu.enqueue_dma source(%dma_start3A_250 : memref<40x128xi32, #tpu.memory_space<hbm>>) target(%dma_start3A_246 : memref<40x128xi32, #tpu.memory_space<vmem>>) target_semaphore(%run_scoped3A_236 : memref<!tpu.dma_semaphore, #tpu.memory_space<semaphore_mem>>)
        %dma_wait3A_251 = arith.constant 0 : i32
        %dma_wait3A_252 = arith.constant 0 : i32
        %dma_wait3A_253 = tpu.memref_slice %arg11[%dma_wait3A_251, %dma_wait3A_252] : memref<40x128xi32, #tpu.memory_space<vmem>> -> memref<40x128xi32, #tpu.memory_space<vmem>>
        %dma_wait3A_254 = arith.constant 0 : i32
        %dma_wait3A_255 = arith.constant 0 : i32
        %dma_wait3A_256 = tpu.memref_slice %arg6[%arg1, %run_scoped3A_132, %dma_wait3A_254, %dma_wait3A_255] : memref<16x2x40x128xi32, #tpu.memory_space<hbm>> -> memref<1x1x40x128xi32, #tpu.memory_space<hbm>>
        %dma_wait3A_257 = tpu.memref_squeeze %dma_wait3A_256 : memref<1x1x40x128xi32, #tpu.memory_space<hbm>> -> memref<40x128xi32, #tpu.memory_space<hbm>>
        %dma_wait3A_258 = arith.constant 0 : i32
        %dma_wait3A_259 = arith.constant 0 : i32
        %dma_wait3A_260 = tpu.memref_slice %arg11[%dma_wait3A_258, %dma_wait3A_259] : memref<40x128xi32, #tpu.memory_space<vmem>> -> memref<40x128xi32, #tpu.memory_space<vmem>>
        %dma_wait3A_261 = arith.constant 0 : i32
        %dma_wait3A_262 = arith.constant 0 : i32
        %dma_wait3A_263 = tpu.memref_slice %arg6[%arg1, %run_scoped3A_132, %dma_wait3A_261, %dma_wait3A_262] : memref<16x2x40x128xi32, #tpu.memory_space<hbm>> -> memref<1x1x40x128xi32, #tpu.memory_space<hbm>>
        %dma_wait3A_264 = tpu.memref_squeeze %dma_wait3A_263 : memref<1x1x40x128xi32, #tpu.memory_space<hbm>> -> memref<40x128xi32, #tpu.memory_space<hbm>>
        tpu.wait_dma2 semaphore(%run_scoped3A_236 : memref<!tpu.dma_semaphore, #tpu.memory_space<semaphore_mem>>) src(%dma_wait3A_264 : memref<40x128xi32, #tpu.memory_space<hbm>>) dst(%dma_wait3A_260 : memref<40x128xi32, #tpu.memory_space<vmem>>)
        tpu.yield
      }) : () -> ()
      %dma_start3A_133 = arith.constant 0 : i32
      %dma_start3A_134 = arith.constant 0 : i32
      %dma_start3A_135 = arith.constant 0 : i32
      %dma_start3A_136 = arith.constant 0 : i32
      %dma_start3A_137 = tpu.memref_slice %arg9[%dma_start3A_134, %dma_start3A_135, %dma_start3A_136] : memref<2x128x128xf32, #tpu.memory_space<vmem>> -> memref<1x128x128xf32, #tpu.memory_space<vmem>>
      %dma_start3A_138 = tpu.memref_squeeze %dma_start3A_137 : memref<1x128x128xf32, #tpu.memory_space<vmem>> -> memref<128x128xf32, #tpu.memory_space<vmem>>
      %dma_start3A_139 = arith.constant 0 : i32
      %dma_start3A_140 = tpu.memref_slice %arg10[%dma_start3A_133, %dma_start3A_139] : memref<40x128xi32, #tpu.memory_space<vmem>> -> memref<1x128xi32, #tpu.memory_space<vmem>>
      %dma_start3A_141 = tpu.memref_squeeze %dma_start3A_140 : memref<1x128xi32, #tpu.memory_space<vmem>> -> memref<128xi32, #tpu.memory_space<vmem>>
      %dma_start3A_142 = arith.constant 0 : i32
      %dma_start3A_143 = arith.constant 0 : i32
      %dma_start3A_144 = tpu.memref_slice %arg2[%dma_start3A_142, %dma_start3A_143] : memref<10000x128xf32, #tpu.memory_space<hbm>> -> memref<10000x128xf32, #tpu.memory_space<hbm>>
      tpu.enqueue_indirect_dma source(%dma_start3A_144 : memref<10000x128xf32, #tpu.memory_space<hbm>>) target(%dma_start3A_138 : memref<128x128xf32, #tpu.memory_space<vmem>>) offsets(%dma_start3A_141 : memref<128xi32, #tpu.memory_space<vmem>>) semaphore(%arg12 : memref<!tpu.dma_semaphore, #tpu.memory_space<semaphore_mem>>)
      %dma_start3A_145 = arith.constant 1 : i32
      %dma_start3A_146 = arith.constant 1 : i32
      %dma_start3A_147 = arith.constant 0 : i32
      %dma_start3A_148 = arith.constant 0 : i32
      %dma_start3A_149 = tpu.memref_slice %arg9[%dma_start3A_146, %dma_start3A_147, %dma_start3A_148] : memref<2x128x128xf32, #tpu.memory_space<vmem>> -> memref<1x128x128xf32, #tpu.memory_space<vmem>>
      %dma_start3A_150 = tpu.memref_squeeze %dma_start3A_149 : memref<1x128x128xf32, #tpu.memory_space<vmem>> -> memref<128x128xf32, #tpu.memory_space<vmem>>
      %dma_start3A_151 = arith.constant 0 : i32
      %dma_start3A_152 = tpu.memref_slice %arg10[%dma_start3A_145, %dma_start3A_151] : memref<40x128xi32, #tpu.memory_space<vmem>> -> memref<1x128xi32, #tpu.memory_space<vmem>>
      %dma_start3A_153 = tpu.memref_squeeze %dma_start3A_152 : memref<1x128xi32, #tpu.memory_space<vmem>> -> memref<128xi32, #tpu.memory_space<vmem>>
      %dma_start3A_154 = arith.constant 0 : i32
      %dma_start3A_155 = arith.constant 0 : i32
      %dma_start3A_156 = tpu.memref_slice %arg2[%dma_start3A_154, %dma_start3A_155] : memref<10000x128xf32, #tpu.memory_space<hbm>> -> memref<10000x128xf32, #tpu.memory_space<hbm>>
      tpu.enqueue_indirect_dma source(%dma_start3A_156 : memref<10000x128xf32, #tpu.memory_space<hbm>>) target(%dma_start3A_150 : memref<128x128xf32, #tpu.memory_space<vmem>>) offsets(%dma_start3A_153 : memref<128xi32, #tpu.memory_space<vmem>>) semaphore(%arg13 : memref<!tpu.dma_semaphore, #tpu.memory_space<semaphore_mem>>)
      %scan3A_157 = arith.constant 0 : i32
      %scan3A_158 = arith.constant 0 : i32
      %scan3A_159 = arith.constant 19 : i32
      %scan3A_160 = arith.addi %scan3A_158, %scan3A_159 : i32
      %scan3A_161 = arith.constant 1 : i32
      %scan3A_162 = scf.for %scan3A_236 = %scan3A_158 to %scan3A_160 step %scan3A_161 iter_args(%scan3A_237 = %scan3A_157) -> (i32)  : i32 {
        %mul3A_238 = arith.constant 2 : i32
        %mul3A_239 = arith.muli %mul3A_238, %scan3A_236 : i32
        %dma_wait3A_240 = arith.constant 0 : i32
        %dma_wait3A_241 = arith.constant 0 : i32
        %dma_wait3A_242 = arith.constant 0 : i32
        %dma_wait3A_243 = tpu.memref_slice %arg9[%dma_wait3A_240, %dma_wait3A_241, %dma_wait3A_242] : memref<2x128x128xf32, #tpu.memory_space<vmem>> -> memref<1x128x128xf32, #tpu.memory_space<vmem>>
        %dma_wait3A_244 = tpu.memref_squeeze %dma_wait3A_243 : memref<1x128x128xf32, #tpu.memory_space<vmem>> -> memref<128x128xf32, #tpu.memory_space<vmem>>
        %dma_wait3A_245 = arith.constant 0 : i32
        %dma_wait3A_246 = tpu.memref_slice %arg10[%mul3A_239, %dma_wait3A_245] : memref<40x128xi32, #tpu.memory_space<vmem>> -> memref<1x128xi32, #tpu.memory_space<vmem>>
        %dma_wait3A_247 = tpu.memref_squeeze %dma_wait3A_246 : memref<1x128xi32, #tpu.memory_space<vmem>> -> memref<128xi32, #tpu.memory_space<vmem>>
        %dma_wait3A_248 = arith.constant 0 : i32
        %dma_wait3A_249 = arith.constant 0 : i32
        %dma_wait3A_250 = tpu.memref_slice %arg2[%dma_wait3A_248, %dma_wait3A_249] : memref<10000x128xf32, #tpu.memory_space<hbm>> -> memref<10000x128xf32, #tpu.memory_space<hbm>>
        tpu.wait_indirect_dma semaphore(%arg12 : memref<!tpu.dma_semaphore, #tpu.memory_space<semaphore_mem>>) src(%dma_wait3A_250 : memref<10000x128xf32, #tpu.memory_space<hbm>>) dst(%dma_wait3A_244 : memref<128x128xf32, #tpu.memory_space<vmem>>)
        %dma_start3A_251 = arith.constant 0 : i32
        %dma_start3A_252 = arith.constant 0 : i32
        %dma_start3A_253 = arith.constant 0 : i32
        %dma_start3A_254 = tpu.memref_slice %arg9[%dma_start3A_251, %dma_start3A_252, %dma_start3A_253] : memref<2x128x128xf32, #tpu.memory_space<vmem>> -> memref<1x128x128xf32, #tpu.memory_space<vmem>>
        %dma_start3A_255 = tpu.memref_squeeze %dma_start3A_254 : memref<1x128x128xf32, #tpu.memory_space<vmem>> -> memref<128x128xf32, #tpu.memory_space<vmem>>
        %dma_start3A_256 = arith.constant 0 : i32
        %dma_start3A_257 = tpu.memref_slice %arg11[%mul3A_239, %dma_start3A_256] : memref<40x128xi32, #tpu.memory_space<vmem>> -> memref<1x128xi32, #tpu.memory_space<vmem>>
        %dma_start3A_258 = tpu.memref_squeeze %dma_start3A_257 : memref<1x128xi32, #tpu.memory_space<vmem>> -> memref<128xi32, #tpu.memory_space<vmem>>
        %dma_start3A_259 = arith.constant 0 : i32
        %dma_start3A_260 = arith.constant 0 : i32
        %dma_start3A_261 = tpu.memref_slice %arg8[%dma_start3A_259, %dma_start3A_260] : memref<10112x128xf32, #tpu.memory_space<vmem_shared>> -> memref<10112x128xf32, #tpu.memory_space<vmem_shared>>
        tpu.enqueue_indirect_dma source(%dma_start3A_255 : memref<128x128xf32, #tpu.memory_space<vmem>>) target(%dma_start3A_261 : memref<10112x128xf32, #tpu.memory_space<vmem_shared>>) offsets(%dma_start3A_258 : memref<128xi32, #tpu.memory_space<vmem>>) semaphore(%arg14 : memref<!tpu.dma_semaphore, #tpu.memory_space<semaphore_mem>>) {add = true}
        %dma_wait3A_262 = arith.constant 0 : i32
        %dma_wait3A_263 = arith.constant 0 : i32
        %dma_wait3A_264 = arith.constant 0 : i32
        %dma_wait3A_265 = tpu.memref_slice %arg9[%dma_wait3A_262, %dma_wait3A_263, %dma_wait3A_264] : memref<2x128x128xf32, #tpu.memory_space<vmem>> -> memref<1x128x128xf32, #tpu.memory_space<vmem>>
        %dma_wait3A_266 = tpu.memref_squeeze %dma_wait3A_265 : memref<1x128x128xf32, #tpu.memory_space<vmem>> -> memref<128x128xf32, #tpu.memory_space<vmem>>
        %dma_wait3A_267 = arith.constant 0 : i32
        %dma_wait3A_268 = tpu.memref_slice %arg11[%mul3A_239, %dma_wait3A_267] : memref<40x128xi32, #tpu.memory_space<vmem>> -> memref<1x128xi32, #tpu.memory_space<vmem>>
        %dma_wait3A_269 = tpu.memref_squeeze %dma_wait3A_268 : memref<1x128xi32, #tpu.memory_space<vmem>> -> memref<128xi32, #tpu.memory_space<vmem>>
        %dma_wait3A_270 = arith.constant 0 : i32
        %dma_wait3A_271 = arith.constant 0 : i32
        %dma_wait3A_272 = tpu.memref_slice %arg8[%dma_wait3A_270, %dma_wait3A_271] : memref<10112x128xf32, #tpu.memory_space<vmem_shared>> -> memref<10112x128xf32, #tpu.memory_space<vmem_shared>>
        tpu.wait_indirect_dma semaphore(%arg14 : memref<!tpu.dma_semaphore, #tpu.memory_space<semaphore_mem>>) src(%dma_wait3A_266 : memref<128x128xf32, #tpu.memory_space<vmem>>) dst(%dma_wait3A_272 : memref<10112x128xf32, #tpu.memory_space<vmem_shared>>)
        %add3A_273 = arith.constant 2 : i32
        %add3A_274 = arith.addi %mul3A_239, %add3A_273 : i32
        %dma_start3A_275 = arith.constant 0 : i32
        %dma_start3A_276 = arith.constant 0 : i32
        %dma_start3A_277 = arith.constant 0 : i32
        %dma_start3A_278 = tpu.memref_slice %arg9[%dma_start3A_275, %dma_start3A_276, %dma_start3A_277] : memref<2x128x128xf32, #tpu.memory_space<vmem>> -> memref<1x128x128xf32, #tpu.memory_space<vmem>>
        %dma_start3A_279 = tpu.memref_squeeze %dma_start3A_278 : memref<1x128x128xf32, #tpu.memory_space<vmem>> -> memref<128x128xf32, #tpu.memory_space<vmem>>
        %dma_start3A_280 = arith.constant 0 : i32
        %dma_start3A_281 = tpu.memref_slice %arg10[%add3A_274, %dma_start3A_280] : memref<40x128xi32, #tpu.memory_space<vmem>> -> memref<1x128xi32, #tpu.memory_space<vmem>>
        %dma_start3A_282 = tpu.memref_squeeze %dma_start3A_281 : memref<1x128xi32, #tpu.memory_space<vmem>> -> memref<128xi32, #tpu.memory_space<vmem>>
        %dma_start3A_283 = arith.constant 0 : i32
        %dma_start3A_284 = arith.constant 0 : i32
        %dma_start3A_285 = tpu.memref_slice %arg2[%dma_start3A_283, %dma_start3A_284] : memref<10000x128xf32, #tpu.memory_space<hbm>> -> memref<10000x128xf32, #tpu.memory_space<hbm>>
        tpu.enqueue_indirect_dma source(%dma_start3A_285 : memref<10000x128xf32, #tpu.memory_space<hbm>>) target(%dma_start3A_279 : memref<128x128xf32, #tpu.memory_space<vmem>>) offsets(%dma_start3A_282 : memref<128xi32, #tpu.memory_space<vmem>>) semaphore(%arg12 : memref<!tpu.dma_semaphore, #tpu.memory_space<semaphore_mem>>)
        %add3A_286 = arith.constant 1 : i32
        %add3A_287 = arith.addi %mul3A_239, %add3A_286 : i32
        %dma_wait3A_288 = arith.constant 1 : i32
        %dma_wait3A_289 = arith.constant 0 : i32
        %dma_wait3A_290 = arith.constant 0 : i32
        %dma_wait3A_291 = tpu.memref_slice %arg9[%dma_wait3A_288, %dma_wait3A_289, %dma_wait3A_290] : memref<2x128x128xf32, #tpu.memory_space<vmem>> -> memref<1x128x128xf32, #tpu.memory_space<vmem>>
        %dma_wait3A_292 = tpu.memref_squeeze %dma_wait3A_291 : memref<1x128x128xf32, #tpu.memory_space<vmem>> -> memref<128x128xf32, #tpu.memory_space<vmem>>
        %dma_wait3A_293 = arith.constant 0 : i32
        %dma_wait3A_294 = tpu.memref_slice %arg10[%add3A_287, %dma_wait3A_293] : memref<40x128xi32, #tpu.memory_space<vmem>> -> memref<1x128xi32, #tpu.memory_space<vmem>>
        %dma_wait3A_295 = tpu.memref_squeeze %dma_wait3A_294 : memref<1x128xi32, #tpu.memory_space<vmem>> -> memref<128xi32, #tpu.memory_space<vmem>>
        %dma_wait3A_296 = arith.constant 0 : i32
        %dma_wait3A_297 = arith.constant 0 : i32
        %dma_wait3A_298 = tpu.memref_slice %arg2[%dma_wait3A_296, %dma_wait3A_297] : memref<10000x128xf32, #tpu.memory_space<hbm>> -> memref<10000x128xf32, #tpu.memory_space<hbm>>
        tpu.wait_indirect_dma semaphore(%arg13 : memref<!tpu.dma_semaphore, #tpu.memory_space<semaphore_mem>>) src(%dma_wait3A_298 : memref<10000x128xf32, #tpu.memory_space<hbm>>) dst(%dma_wait3A_292 : memref<128x128xf32, #tpu.memory_space<vmem>>)
        %add3A_299 = arith.constant 1 : i32
        %add3A_300 = arith.addi %mul3A_239, %add3A_299 : i32
        %dma_start3A_301 = arith.constant 1 : i32
        %dma_start3A_302 = arith.constant 0 : i32
        %dma_start3A_303 = arith.constant 0 : i32
        %dma_start3A_304 = tpu.memref_slice %arg9[%dma_start3A_301, %dma_start3A_302, %dma_start3A_303] : memref<2x128x128xf32, #tpu.memory_space<vmem>> -> memref<1x128x128xf32, #tpu.memory_space<vmem>>
        %dma_start3A_305 = tpu.memref_squeeze %dma_start3A_304 : memref<1x128x128xf32, #tpu.memory_space<vmem>> -> memref<128x128xf32, #tpu.memory_space<vmem>>
        %dma_start3A_306 = arith.constant 0 : i32
        %dma_start3A_307 = tpu.memref_slice %arg11[%add3A_300, %dma_start3A_306] : memref<40x128xi32, #tpu.memory_space<vmem>> -> memref<1x128xi32, #tpu.memory_space<vmem>>
        %dma_start3A_308 = tpu.memref_squeeze %dma_start3A_307 : memref<1x128xi32, #tpu.memory_space<vmem>> -> memref<128xi32, #tpu.memory_space<vmem>>
        %dma_start3A_309 = arith.constant 0 : i32
        %dma_start3A_310 = arith.constant 0 : i32
        %dma_start3A_311 = tpu.memref_slice %arg8[%dma_start3A_309, %dma_start3A_310] : memref<10112x128xf32, #tpu.memory_space<vmem_shared>> -> memref<10112x128xf32, #tpu.memory_space<vmem_shared>>
        tpu.enqueue_indirect_dma source(%dma_start3A_305 : memref<128x128xf32, #tpu.memory_space<vmem>>) target(%dma_start3A_311 : memref<10112x128xf32, #tpu.memory_space<vmem_shared>>) offsets(%dma_start3A_308 : memref<128xi32, #tpu.memory_space<vmem>>) semaphore(%arg15 : memref<!tpu.dma_semaphore, #tpu.memory_space<semaphore_mem>>) {add = true}
        %add3A_312 = arith.constant 1 : i32
        %add3A_313 = arith.addi %mul3A_239, %add3A_312 : i32
        %dma_wait3A_314 = arith.constant 1 : i32
        %dma_wait3A_315 = arith.constant 0 : i32
        %dma_wait3A_316 = arith.constant 0 : i32
        %dma_wait3A_317 = tpu.memref_slice %arg9[%dma_wait3A_314, %dma_wait3A_315, %dma_wait3A_316] : memref<2x128x128xf32, #tpu.memory_space<vmem>> -> memref<1x128x128xf32, #tpu.memory_space<vmem>>
        %dma_wait3A_318 = tpu.memref_squeeze %dma_wait3A_317 : memref<1x128x128xf32, #tpu.memory_space<vmem>> -> memref<128x128xf32, #tpu.memory_space<vmem>>
        %dma_wait3A_319 = arith.constant 0 : i32
        %dma_wait3A_320 = tpu.memref_slice %arg11[%add3A_313, %dma_wait3A_319] : memref<40x128xi32, #tpu.memory_space<vmem>> -> memref<1x128xi32, #tpu.memory_space<vmem>>
        %dma_wait3A_321 = tpu.memref_squeeze %dma_wait3A_320 : memref<1x128xi32, #tpu.memory_space<vmem>> -> memref<128xi32, #tpu.memory_space<vmem>>
        %dma_wait3A_322 = arith.constant 0 : i32
        %dma_wait3A_323 = arith.constant 0 : i32
        %dma_wait3A_324 = tpu.memref_slice %arg8[%dma_wait3A_322, %dma_wait3A_323] : memref<10112x128xf32, #tpu.memory_space<vmem_shared>> -> memref<10112x128xf32, #tpu.memory_space<vmem_shared>>
        tpu.wait_indirect_dma semaphore(%arg15 : memref<!tpu.dma_semaphore, #tpu.memory_space<semaphore_mem>>) src(%dma_wait3A_318 : memref<128x128xf32, #tpu.memory_space<vmem>>) dst(%dma_wait3A_324 : memref<10112x128xf32, #tpu.memory_space<vmem_shared>>)
        %add3A_325 = arith.constant 3 : i32
        %add3A_326 = arith.addi %mul3A_239, %add3A_325 : i32
        %dma_start3A_327 = arith.constant 1 : i32
        %dma_start3A_328 = arith.constant 0 : i32
        %dma_start3A_329 = arith.constant 0 : i32
        %dma_start3A_330 = tpu.memref_slice %arg9[%dma_start3A_327, %dma_start3A_328, %dma_start3A_329] : memref<2x128x128xf32, #tpu.memory_space<vmem>> -> memref<1x128x128xf32, #tpu.memory_space<vmem>>
        %dma_start3A_331 = tpu.memref_squeeze %dma_start3A_330 : memref<1x128x128xf32, #tpu.memory_space<vmem>> -> memref<128x128xf32, #tpu.memory_space<vmem>>
        %dma_start3A_332 = arith.constant 0 : i32
        %dma_start3A_333 = tpu.memref_slice %arg10[%add3A_326, %dma_start3A_332] : memref<40x128xi32, #tpu.memory_space<vmem>> -> memref<1x128xi32, #tpu.memory_space<vmem>>
        %dma_start3A_334 = tpu.memref_squeeze %dma_start3A_333 : memref<1x128xi32, #tpu.memory_space<vmem>> -> memref<128xi32, #tpu.memory_space<vmem>>
        %dma_start3A_335 = arith.constant 0 : i32
        %dma_start3A_336 = arith.constant 0 : i32
        %dma_start3A_337 = tpu.memref_slice %arg2[%dma_start3A_335, %dma_start3A_336] : memref<10000x128xf32, #tpu.memory_space<hbm>> -> memref<10000x128xf32, #tpu.memory_space<hbm>>
        tpu.enqueue_indirect_dma source(%dma_start3A_337 : memref<10000x128xf32, #tpu.memory_space<hbm>>) target(%dma_start3A_331 : memref<128x128xf32, #tpu.memory_space<vmem>>) offsets(%dma_start3A_334 : memref<128xi32, #tpu.memory_space<vmem>>) semaphore(%arg13 : memref<!tpu.dma_semaphore, #tpu.memory_space<semaphore_mem>>)
        %scan3A_338 = arith.constant 0 : i32
        scf.yield %scan3A_338 : i32
      }
      %scan3A_163 = arith.constant 19 : i32
      %dma_wait3A_164 = arith.constant 38 : i32
      %dma_wait3A_165 = arith.constant 0 : i32
      %dma_wait3A_166 = arith.constant 0 : i32
      %dma_wait3A_167 = arith.constant 0 : i32
      %dma_wait3A_168 = tpu.memref_slice %arg9[%dma_wait3A_165, %dma_wait3A_166, %dma_wait3A_167] : memref<2x128x128xf32, #tpu.memory_space<vmem>> -> memref<1x128x128xf32, #tpu.memory_space<vmem>>
      %dma_wait3A_169 = tpu.memref_squeeze %dma_wait3A_168 : memref<1x128x128xf32, #tpu.memory_space<vmem>> -> memref<128x128xf32, #tpu.memory_space<vmem>>
      %dma_wait3A_170 = arith.constant 0 : i32
      %dma_wait3A_171 = tpu.memref_slice %arg10[%dma_wait3A_164, %dma_wait3A_170] : memref<40x128xi32, #tpu.memory_space<vmem>> -> memref<1x128xi32, #tpu.memory_space<vmem>>
      %dma_wait3A_172 = tpu.memref_squeeze %dma_wait3A_171 : memref<1x128xi32, #tpu.memory_space<vmem>> -> memref<128xi32, #tpu.memory_space<vmem>>
      %dma_wait3A_173 = arith.constant 0 : i32
      %dma_wait3A_174 = arith.constant 0 : i32
      %dma_wait3A_175 = tpu.memref_slice %arg2[%dma_wait3A_173, %dma_wait3A_174] : memref<10000x128xf32, #tpu.memory_space<hbm>> -> memref<10000x128xf32, #tpu.memory_space<hbm>>
      tpu.wait_indirect_dma semaphore(%arg12 : memref<!tpu.dma_semaphore, #tpu.memory_space<semaphore_mem>>) src(%dma_wait3A_175 : memref<10000x128xf32, #tpu.memory_space<hbm>>) dst(%dma_wait3A_169 : memref<128x128xf32, #tpu.memory_space<vmem>>)
      %dma_start3A_176 = arith.constant 0 : i32
      %dma_start3A_177 = arith.constant 38 : i32
      %dma_start3A_178 = arith.constant 0 : i32
      %dma_start3A_179 = arith.constant 0 : i32
      %dma_start3A_180 = tpu.memref_slice %arg9[%dma_start3A_176, %dma_start3A_178, %dma_start3A_179] : memref<2x128x128xf32, #tpu.memory_space<vmem>> -> memref<1x128x128xf32, #tpu.memory_space<vmem>>
      %dma_start3A_181 = tpu.memref_squeeze %dma_start3A_180 : memref<1x128x128xf32, #tpu.memory_space<vmem>> -> memref<128x128xf32, #tpu.memory_space<vmem>>
      %dma_start3A_182 = arith.constant 0 : i32
      %dma_start3A_183 = tpu.memref_slice %arg11[%dma_start3A_177, %dma_start3A_182] : memref<40x128xi32, #tpu.memory_space<vmem>> -> memref<1x128xi32, #tpu.memory_space<vmem>>
      %dma_start3A_184 = tpu.memref_squeeze %dma_start3A_183 : memref<1x128xi32, #tpu.memory_space<vmem>> -> memref<128xi32, #tpu.memory_space<vmem>>
      %dma_start3A_185 = arith.constant 0 : i32
      %dma_start3A_186 = arith.constant 0 : i32
      %dma_start3A_187 = tpu.memref_slice %arg8[%dma_start3A_185, %dma_start3A_186] : memref<10112x128xf32, #tpu.memory_space<vmem_shared>> -> memref<10112x128xf32, #tpu.memory_space<vmem_shared>>
      tpu.enqueue_indirect_dma source(%dma_start3A_181 : memref<128x128xf32, #tpu.memory_space<vmem>>) target(%dma_start3A_187 : memref<10112x128xf32, #tpu.memory_space<vmem_shared>>) offsets(%dma_start3A_184 : memref<128xi32, #tpu.memory_space<vmem>>) semaphore(%arg14 : memref<!tpu.dma_semaphore, #tpu.memory_space<semaphore_mem>>) {add = true}
      %dma_wait3A_188 = arith.constant 0 : i32
      %dma_wait3A_189 = arith.constant 38 : i32
      %dma_wait3A_190 = arith.constant 0 : i32
      %dma_wait3A_191 = arith.constant 0 : i32
      %dma_wait3A_192 = tpu.memref_slice %arg9[%dma_wait3A_188, %dma_wait3A_190, %dma_wait3A_191] : memref<2x128x128xf32, #tpu.memory_space<vmem>> -> memref<1x128x128xf32, #tpu.memory_space<vmem>>
      %dma_wait3A_193 = tpu.memref_squeeze %dma_wait3A_192 : memref<1x128x128xf32, #tpu.memory_space<vmem>> -> memref<128x128xf32, #tpu.memory_space<vmem>>
      %dma_wait3A_194 = arith.constant 0 : i32
      %dma_wait3A_195 = tpu.memref_slice %arg11[%dma_wait3A_189, %dma_wait3A_194] : memref<40x128xi32, #tpu.memory_space<vmem>> -> memref<1x128xi32, #tpu.memory_space<vmem>>
      %dma_wait3A_196 = tpu.memref_squeeze %dma_wait3A_195 : memref<1x128xi32, #tpu.memory_space<vmem>> -> memref<128xi32, #tpu.memory_space<vmem>>
      %dma_wait3A_197 = arith.constant 0 : i32
      %dma_wait3A_198 = arith.constant 0 : i32
      %dma_wait3A_199 = tpu.memref_slice %arg8[%dma_wait3A_197, %dma_wait3A_198] : memref<10112x128xf32, #tpu.memory_space<vmem_shared>> -> memref<10112x128xf32, #tpu.memory_space<vmem_shared>>
      tpu.wait_indirect_dma semaphore(%arg14 : memref<!tpu.dma_semaphore, #tpu.memory_space<semaphore_mem>>) src(%dma_wait3A_193 : memref<128x128xf32, #tpu.memory_space<vmem>>) dst(%dma_wait3A_199 : memref<10112x128xf32, #tpu.memory_space<vmem_shared>>)
      %dma_wait3A_200 = arith.constant 39 : i32
      %dma_wait3A_201 = arith.constant 1 : i32
      %dma_wait3A_202 = arith.constant 0 : i32
      %dma_wait3A_203 = arith.constant 0 : i32
      %dma_wait3A_204 = tpu.memref_slice %arg9[%dma_wait3A_201, %dma_wait3A_202, %dma_wait3A_203] : memref<2x128x128xf32, #tpu.memory_space<vmem>> -> memref<1x128x128xf32, #tpu.memory_space<vmem>>
      %dma_wait3A_205 = tpu.memref_squeeze %dma_wait3A_204 : memref<1x128x128xf32, #tpu.memory_space<vmem>> -> memref<128x128xf32, #tpu.memory_space<vmem>>
      %dma_wait3A_206 = arith.constant 0 : i32
      %dma_wait3A_207 = tpu.memref_slice %arg10[%dma_wait3A_200, %dma_wait3A_206] : memref<40x128xi32, #tpu.memory_space<vmem>> -> memref<1x128xi32, #tpu.memory_space<vmem>>
      %dma_wait3A_208 = tpu.memref_squeeze %dma_wait3A_207 : memref<1x128xi32, #tpu.memory_space<vmem>> -> memref<128xi32, #tpu.memory_space<vmem>>
      %dma_wait3A_209 = arith.constant 0 : i32
      %dma_wait3A_210 = arith.constant 0 : i32
      %dma_wait3A_211 = tpu.memref_slice %arg2[%dma_wait3A_209, %dma_wait3A_210] : memref<10000x128xf32, #tpu.memory_space<hbm>> -> memref<10000x128xf32, #tpu.memory_space<hbm>>
      tpu.wait_indirect_dma semaphore(%arg13 : memref<!tpu.dma_semaphore, #tpu.memory_space<semaphore_mem>>) src(%dma_wait3A_211 : memref<10000x128xf32, #tpu.memory_space<hbm>>) dst(%dma_wait3A_205 : memref<128x128xf32, #tpu.memory_space<vmem>>)
      %dma_start3A_212 = arith.constant 1 : i32
      %dma_start3A_213 = arith.constant 39 : i32
      %dma_start3A_214 = arith.constant 0 : i32
      %dma_start3A_215 = arith.constant 0 : i32
      %dma_start3A_216 = tpu.memref_slice %arg9[%dma_start3A_212, %dma_start3A_214, %dma_start3A_215] : memref<2x128x128xf32, #tpu.memory_space<vmem>> -> memref<1x128x128xf32, #tpu.memory_space<vmem>>
      %dma_start3A_217 = tpu.memref_squeeze %dma_start3A_216 : memref<1x128x128xf32, #tpu.memory_space<vmem>> -> memref<128x128xf32, #tpu.memory_space<vmem>>
      %dma_start3A_218 = arith.constant 0 : i32
      %dma_start3A_219 = tpu.memref_slice %arg11[%dma_start3A_213, %dma_start3A_218] : memref<40x128xi32, #tpu.memory_space<vmem>> -> memref<1x128xi32, #tpu.memory_space<vmem>>
      %dma_start3A_220 = tpu.memref_squeeze %dma_start3A_219 : memref<1x128xi32, #tpu.memory_space<vmem>> -> memref<128xi32, #tpu.memory_space<vmem>>
      %dma_start3A_221 = arith.constant 0 : i32
      %dma_start3A_222 = arith.constant 0 : i32
      %dma_start3A_223 = tpu.memref_slice %arg8[%dma_start3A_221, %dma_start3A_222] : memref<10112x128xf32, #tpu.memory_space<vmem_shared>> -> memref<10112x128xf32, #tpu.memory_space<vmem_shared>>
      tpu.enqueue_indirect_dma source(%dma_start3A_217 : memref<128x128xf32, #tpu.memory_space<vmem>>) target(%dma_start3A_223 : memref<10112x128xf32, #tpu.memory_space<vmem_shared>>) offsets(%dma_start3A_220 : memref<128xi32, #tpu.memory_space<vmem>>) semaphore(%arg15 : memref<!tpu.dma_semaphore, #tpu.memory_space<semaphore_mem>>) {add = true}
      %dma_wait3A_224 = arith.constant 1 : i32
      %dma_wait3A_225 = arith.constant 39 : i32
      %dma_wait3A_226 = arith.constant 0 : i32
      %dma_wait3A_227 = arith.constant 0 : i32
      %dma_wait3A_228 = tpu.memref_slice %arg9[%dma_wait3A_224, %dma_wait3A_226, %dma_wait3A_227] : memref<2x128x128xf32, #tpu.memory_space<vmem>> -> memref<1x128x128xf32, #tpu.memory_space<vmem>>
      %dma_wait3A_229 = tpu.memref_squeeze %dma_wait3A_228 : memref<1x128x128xf32, #tpu.memory_space<vmem>> -> memref<128x128xf32, #tpu.memory_space<vmem>>
      %dma_wait3A_230 = arith.constant 0 : i32
      %dma_wait3A_231 = tpu.memref_slice %arg11[%dma_wait3A_225, %dma_wait3A_230] : memref<40x128xi32, #tpu.memory_space<vmem>> -> memref<1x128xi32, #tpu.memory_space<vmem>>
      %dma_wait3A_232 = tpu.memref_squeeze %dma_wait3A_231 : memref<1x128xi32, #tpu.memory_space<vmem>> -> memref<128xi32, #tpu.memory_space<vmem>>
      %dma_wait3A_233 = arith.constant 0 : i32
      %dma_wait3A_234 = arith.constant 0 : i32
      %dma_wait3A_235 = tpu.memref_slice %arg8[%dma_wait3A_233, %dma_wait3A_234] : memref<10112x128xf32, #tpu.memory_space<vmem_shared>> -> memref<10112x128xf32, #tpu.memory_space<vmem_shared>>
      tpu.wait_indirect_dma semaphore(%arg15 : memref<!tpu.dma_semaphore, #tpu.memory_space<semaphore_mem>>) src(%dma_wait3A_229 : memref<128x128xf32, #tpu.memory_space<vmem>>) dst(%dma_wait3A_235 : memref<10112x128xf32, #tpu.memory_space<vmem_shared>>)
    } else {
    }
    %barrier3A_27 = arith.constant 0 : index
    tpu.barrier barrier_id(%barrier3A_27)
    "tpu.region"() ({
      %run_scoped3A_28 = tpu.sem_alloc : memref<!tpu.dma_semaphore, #tpu.memory_space<semaphore_mem>>
      %dma_start3A = arith.constant 0 : i32
      %dma_start3A_29 = tpu.memref_slice %arg7[%arg0, %mul3A_6, %dma_start3A] : memref<2x10112x128xf32, #tpu.memory_space<hbm>> -> memref<1x632x128xf32, #tpu.memory_space<hbm>>
      %dma_start3A_30 = tpu.memref_squeeze %dma_start3A_29 : memref<1x632x128xf32, #tpu.memory_space<hbm>> -> memref<632x128xf32, #tpu.memory_space<hbm>>
      %dma_start3A_31 = arith.constant 0 : i32
      %dma_start3A_32 = tpu.memref_slice %arg8[%mul3A_6, %dma_start3A_31] : memref<10112x128xf32, #tpu.memory_space<vmem_shared>> -> memref<632x128xf32, #tpu.memory_space<vmem_shared>>
      tpu.enqueue_dma source(%dma_start3A_32 : memref<632x128xf32, #tpu.memory_space<vmem_shared>>) target(%dma_start3A_30 : memref<632x128xf32, #tpu.memory_space<hbm>>) target_semaphore(%run_scoped3A_28 : memref<!tpu.dma_semaphore, #tpu.memory_space<semaphore_mem>>)
      %dma_wait3A = arith.constant 0 : i32
      %dma_wait3A_33 = tpu.memref_slice %arg7[%arg0, %mul3A_6, %dma_wait3A] : memref<2x10112x128xf32, #tpu.memory_space<hbm>> -> memref<1x632x128xf32, #tpu.memory_space<hbm>>
      %dma_wait3A_34 = tpu.memref_squeeze %dma_wait3A_33 : memref<1x632x128xf32, #tpu.memory_space<hbm>> -> memref<632x128xf32, #tpu.memory_space<hbm>>
      %dma_wait3A_35 = arith.constant 0 : i32
      %dma_wait3A_36 = tpu.memref_slice %arg8[%mul3A_6, %dma_wait3A_35] : memref<10112x128xf32, #tpu.memory_space<vmem_shared>> -> memref<632x128xf32, #tpu.memory_space<vmem_shared>>
      tpu.wait_dma2 semaphore(%run_scoped3A_28 : memref<!tpu.dma_semaphore, #tpu.memory_space<semaphore_mem>>) src(%dma_wait3A_36 : memref<632x128xf32, #tpu.memory_space<vmem_shared>>) dst(%dma_wait3A_34 : memref<632x128xf32, #tpu.memory_space<hbm>>)
      tpu.yield
    }) : () -> ()
    return
  }
}

module attributes {stable_mosaic.version = 14 : i64} {
  func.func @_tc1_body(%arg0: i32, %arg1: memref<1000x128xf32, #tpu.memory_space<vmem>>, %arg2: memref<1000x128xf32, #tpu.memory_space<vmem>>, %arg3: memref<1000x128xf32, #tpu.memory_space<vmem>>, %arg4: memref<128x128xf32, #tpu.memory_space<vmem>>, %arg5: memref<1000x128xf32, #tpu.memory_space<vmem>>, %arg6: memref<1000x128xf32, #tpu.memory_space<vmem>>) attributes {dimension_semantics = [#tpu.dimension_semantics<arbitrary>], iteration_bounds = array<i64: 10>, scalar_prefetch = 0 : i64, scratch_operands = 0 : i64, tpu.core_type = #tpu.core_type<tc>, window_params = [{transform_indices = @transform_0, window_bounds = array<i64: 1000, 128>}, {transform_indices = @transform_1, window_bounds = array<i64: 1000, 128>}, {transform_indices = @transform_2, window_bounds = array<i64: 1000, 128>}, {pipeline_mode = #tpu.pipeline_mode<synchronous>, transform_indices = @transform_3, window_bounds = array<i64: 128, 128>}, {transform_indices = @transform_4, window_bounds = array<i64: 1000, 128>}, {transform_indices = @transform_5, window_bounds = array<i64: 1000, 128>}]} {
    %get3A = arith.constant 0 : index
    %get3A_0 = arith.constant 0 : index
    %get3A_1 = vector.load %arg2[%get3A, %get3A_0] : memref<1000x128xf32, #tpu.memory_space<vmem>>, vector<1000x1xf32>
    %get3A_2 = vector.shape_cast %get3A_1 : vector<1000x1xf32> to vector<1000xf32>
    %get3A_3 = arith.constant 0 : index
    %get3A_4 = arith.constant 0 : index
    %get3A_5 = vector.load %arg3[%get3A_3, %get3A_4] : memref<1000x128xf32, #tpu.memory_space<vmem>>, vector<1000x1xf32>
    %get3A_6 = vector.shape_cast %get3A_5 : vector<1000x1xf32> to vector<1000xf32>
    %add3A = arith.addf %get3A_2, %get3A_6 : vector<1000xf32>
    %add3A_7 = arith.constant 1.000000e+00 : f32
    %add3A_8 = vector.broadcast %add3A_7 : f32 to vector<1000xf32>
    %add3A_9 = arith.addf %add3A, %add3A_8 : vector<1000xf32>
    %rsqrt3A = math.rsqrt %add3A_9 : vector<1000xf32>
    %broadcast_in_dim3A = vector.shape_cast %rsqrt3A : vector<1000xf32> to vector<1000x1xf32>
    %get3A_10 = arith.constant 0 : index
    %get3A_11 = arith.constant 0 : index
    %get3A_12 = vector.load %arg1[%get3A_10, %get3A_11] : memref<1000x128xf32, #tpu.memory_space<vmem>>, vector<1000x128xf32>
    %get3A_13 = arith.constant 0 : index
    %get3A_14 = arith.constant 0 : index
    %get3A_15 = vector.load %arg4[%get3A_13, %get3A_14] : memref<128x128xf32, #tpu.memory_space<vmem>>, vector<128x128xf32>
    %dot_general3A = arith.constant dense<0.000000e+00> : vector<1000x128xf32>
    %dot_general3A_16 = tpu.matmul %get3A_12, %get3A_15, %dot_general3A {dimension_numbers = #tpu.dot_dimension_numbers<[1], [0], [0], [1], [0, 0, 1, 1], [], []>, transpose_lhs_hint = false} : vector<1000x128xf32>, vector<128x128xf32>, vector<1000x128xf32> -> vector<1000x128xf32>
    %mul3A = vector.broadcast %broadcast_in_dim3A : vector<1000x1xf32> to vector<1000x128xf32>
    %mul3A_17 = arith.mulf %dot_general3A_16, %mul3A : vector<1000x128xf32>
    %swap3A = arith.constant 0 : index
    %swap3A_18 = arith.constant 0 : index
    %swap3A_19 = vector.load %arg5[%swap3A, %swap3A_18] : memref<1000x128xf32, #tpu.memory_space<vmem>>, vector<1000x128xf32>
    tpu.vector_store %arg5[%swap3A, %swap3A_18], %mul3A_17 {strides = array<i32>} : memref<1000x128xf32, #tpu.memory_space<vmem>>, vector<1000x128xf32>,
    %broadcast_in_dim3A_20 = vector.shape_cast %broadcast_in_dim3A : vector<1000x1xf32> to vector<1000x1xf32>
    %broadcast_in_dim3A_21 = vector.broadcast %broadcast_in_dim3A_20 : vector<1000x1xf32> to vector<1000x128xf32>
    %swap3A_22 = arith.constant 0 : index
    %swap3A_23 = arith.constant 0 : index
    %swap3A_24 = vector.load %arg6[%swap3A_22, %swap3A_23] : memref<1000x128xf32, #tpu.memory_space<vmem>>, vector<1000x128xf32>
    tpu.vector_store %arg6[%swap3A_22, %swap3A_23], %broadcast_in_dim3A_21 {strides = array<i32>} : memref<1000x128xf32, #tpu.memory_space<vmem>>, vector<1000x128xf32>,
    return
  }
  func.func @transform_0(%arg0: i32) -> (i32, i32) {
    %c0_i32 = arith.constant 0 : i32
    %c0_i32_0 = arith.constant 0 : i32
    return %arg0, %c0_i32 : i32, i32
  }
  func.func @transform_1(%arg0: i32) -> (i32, i32) {
    %c0_i32 = arith.constant 0 : i32
    %c0_i32_0 = arith.constant 0 : i32
    return %arg0, %c0_i32 : i32, i32
  }
  func.func @transform_2(%arg0: i32) -> (i32, i32) {
    %c0_i32 = arith.constant 0 : i32
    %c0_i32_0 = arith.constant 0 : i32
    return %arg0, %c0_i32 : i32, i32
  }
  func.func @transform_3(%arg0: i32) -> (i32, i32) {
    %c0_i32 = arith.constant 0 : i32
    %c0_i32_0 = arith.constant 0 : i32
    %c0_i32_1 = arith.constant 0 : i32
    return %c0_i32, %c0_i32_0 : i32, i32
  }
  func.func @transform_4(%arg0: i32) -> (i32, i32) {
    %c0_i32 = arith.constant 0 : i32
    %c0_i32_0 = arith.constant 0 : i32
    return %arg0, %c0_i32 : i32, i32
  }
  func.func @transform_5(%arg0: i32) -> (i32, i32) {
    %c0_i32 = arith.constant 0 : i32
    %c0_i32_0 = arith.constant 0 : i32
    return %arg0, %c0_i32 : i32, i32
  }
}

module attributes {stable_mosaic.version = 14 : i64} {
  func.func @_tc2_body(%arg0: i32, %arg1: memref<1000x128xf32, #tpu.memory_space<vmem>>, %arg2: memref<1000x128xf32, #tpu.memory_space<vmem>>, %arg3: memref<1000x128xf32, #tpu.memory_space<vmem>>, %arg4: memref<1000x128xf32, #tpu.memory_space<vmem>>, %arg5: memref<1x128xf32, #tpu.memory_space<vmem>>, %arg6: memref<128x128xf32, #tpu.memory_space<vmem>>, %arg7: memref<1000x128xf32, #tpu.memory_space<vmem>>) attributes {dimension_semantics = [#tpu.dimension_semantics<arbitrary>], iteration_bounds = array<i64: 10>, scalar_prefetch = 0 : i64, scratch_operands = 0 : i64, tpu.core_type = #tpu.core_type<tc>, window_params = [{transform_indices = @transform_0, window_bounds = array<i64: 1000, 128>}, {transform_indices = @transform_1, window_bounds = array<i64: 1000, 128>}, {transform_indices = @transform_2, window_bounds = array<i64: 1000, 128>}, {transform_indices = @transform_3, window_bounds = array<i64: 1000, 128>}, {pipeline_mode = #tpu.pipeline_mode<synchronous>, transform_indices = @transform_4, window_bounds = array<i64: 1, 128>}, {pipeline_mode = #tpu.pipeline_mode<synchronous>, transform_indices = @transform_5, window_bounds = array<i64: 128, 128>}, {transform_indices = @transform_6, window_bounds = array<i64: 1000, 128>}]} {
    %get3A = arith.constant 0 : index
    %get3A_0 = arith.constant 0 : index
    %get3A_1 = vector.load %arg4[%get3A, %get3A_0] : memref<1000x128xf32, #tpu.memory_space<vmem>>, vector<1000x128xf32>
    %get3A_2 = arith.constant 0 : index
    %get3A_3 = arith.constant 0 : index
    %get3A_4 = vector.load %arg1[%get3A_2, %get3A_3] : memref<1000x128xf32, #tpu.memory_space<vmem>>, vector<1000x128xf32>
    %get3A_5 = arith.constant 0 : index
    %get3A_6 = arith.constant 0 : index
    %get3A_7 = vector.load %arg2[%get3A_5, %get3A_6] : memref<1000x128xf32, #tpu.memory_space<vmem>>, vector<1000x128xf32>
    %add3A = arith.addf %get3A_4, %get3A_7 : vector<1000x128xf32>
    %get3A_8 = arith.constant 0 : index
    %get3A_9 = arith.constant 0 : index
    %get3A_10 = vector.load %arg3[%get3A_8, %get3A_9] : memref<1000x128xf32, #tpu.memory_space<vmem>>, vector<1000x128xf32>
    %add3A_11 = arith.addf %add3A, %get3A_10 : vector<1000x128xf32>
    %mul3A = arith.mulf %get3A_1, %add3A_11 : vector<1000x128xf32>
    %get3A_12 = arith.constant 0 : index
    %get3A_13 = arith.constant 0 : index
    %get3A_14 = vector.load %arg5[%get3A_12, %get3A_13] : memref<1x128xf32, #tpu.memory_space<vmem>>, vector<1x128xf32>
    %add3A_15 = vector.broadcast %get3A_14 : vector<1x128xf32> to vector<1000x128xf32>
    %add3A_16 = arith.addf %mul3A, %add3A_15 : vector<1000x128xf32>
    %max3A = arith.constant 0.000000e+00 : f32
    %max3A_17 = vector.broadcast %max3A : f32 to vector<1000x128xf32>
    %max3A_18 = arith.maximumf %add3A_16, %max3A_17 : vector<1000x128xf32>
    %get3A_19 = arith.constant 0 : index
    %get3A_20 = arith.constant 0 : index
    %get3A_21 = vector.load %arg6[%get3A_19, %get3A_20] : memref<128x128xf32, #tpu.memory_space<vmem>>, vector<128x128xf32>
    %dot_general3A = arith.constant dense<0.000000e+00> : vector<1000x128xf32>
    %dot_general3A_22 = tpu.matmul %max3A_18, %get3A_21, %dot_general3A {dimension_numbers = #tpu.dot_dimension_numbers<[1], [0], [0], [1], [0, 0, 1, 1], [], []>, transpose_lhs_hint = false} : vector<1000x128xf32>, vector<128x128xf32>, vector<1000x128xf32> -> vector<1000x128xf32>
    %mul3A_23 = arith.mulf %dot_general3A_22, %get3A_1 : vector<1000x128xf32>
    %swap3A = arith.constant 0 : index
    %swap3A_24 = arith.constant 0 : index
    %swap3A_25 = vector.load %arg7[%swap3A, %swap3A_24] : memref<1000x128xf32, #tpu.memory_space<vmem>>, vector<1000x128xf32>
    tpu.vector_store %arg7[%swap3A, %swap3A_24], %mul3A_23 {strides = array<i32>} : memref<1000x128xf32, #tpu.memory_space<vmem>>, vector<1000x128xf32>,
    return
  }
  func.func @transform_0(%arg0: i32) -> (i32, i32) {
    %c0_i32 = arith.constant 0 : i32
    %c0_i32_0 = arith.constant 0 : i32
    return %arg0, %c0_i32 : i32, i32
  }
  func.func @transform_1(%arg0: i32) -> (i32, i32) {
    %c0_i32 = arith.constant 0 : i32
    %c0_i32_0 = arith.constant 0 : i32
    return %arg0, %c0_i32 : i32, i32
  }
  func.func @transform_2(%arg0: i32) -> (i32, i32) {
    %c0_i32 = arith.constant 0 : i32
    %c0_i32_0 = arith.constant 0 : i32
    return %arg0, %c0_i32 : i32, i32
  }
  func.func @transform_3(%arg0: i32) -> (i32, i32) {
    %c0_i32 = arith.constant 0 : i32
    %c0_i32_0 = arith.constant 0 : i32
    return %arg0, %c0_i32 : i32, i32
  }
  func.func @transform_4(%arg0: i32) -> (i32, i32) {
    %c0_i32 = arith.constant 0 : i32
    %c0_i32_0 = arith.constant 0 : i32
    %c0_i32_1 = arith.constant 0 : i32
    return %c0_i32, %c0_i32_0 : i32, i32
  }
  func.func @transform_5(%arg0: i32) -> (i32, i32) {
    %c0_i32 = arith.constant 0 : i32
    %c0_i32_0 = arith.constant 0 : i32
    %c0_i32_1 = arith.constant 0 : i32
    return %c0_i32, %c0_i32_0 : i32, i32
  }
  func.func @transform_6(%arg0: i32) -> (i32, i32) {
    %c0_i32 = arith.constant 0 : i32
    %c0_i32_0 = arith.constant 0 : i32
    return %arg0, %c0_i32 : i32, i32
  }
}

module attributes {stable_mosaic.version = 14 : i64} {
  func.func @_tc3_body(%arg0: i32, %arg1: memref<1000x128xf32, #tpu.memory_space<vmem>>, %arg2: memref<1000x128xf32, #tpu.memory_space<vmem>>, %arg3: memref<1000x128xf32, #tpu.memory_space<vmem>>, %arg4: memref<1000x128xf32, #tpu.memory_space<vmem>>, %arg5: memref<1x128xf32, #tpu.memory_space<vmem>>, %arg6: memref<1000x128xf32, #tpu.memory_space<vmem>>) attributes {dimension_semantics = [#tpu.dimension_semantics<arbitrary>], iteration_bounds = array<i64: 10>, scalar_prefetch = 0 : i64, scratch_operands = 0 : i64, tpu.core_type = #tpu.core_type<tc>, window_params = [{transform_indices = @transform_0, window_bounds = array<i64: 1000, 128>}, {transform_indices = @transform_1, window_bounds = array<i64: 1000, 128>}, {transform_indices = @transform_2, window_bounds = array<i64: 1000, 128>}, {transform_indices = @transform_3, window_bounds = array<i64: 1000, 128>}, {pipeline_mode = #tpu.pipeline_mode<synchronous>, transform_indices = @transform_4, window_bounds = array<i64: 1, 128>}, {transform_indices = @transform_5, window_bounds = array<i64: 1000, 128>}]} {
    %get3A = arith.constant 0 : index
    %get3A_0 = arith.constant 0 : index
    %get3A_1 = vector.load %arg4[%get3A, %get3A_0] : memref<1000x128xf32, #tpu.memory_space<vmem>>, vector<1000x128xf32>
    %get3A_2 = arith.constant 0 : index
    %get3A_3 = arith.constant 0 : index
    %get3A_4 = vector.load %arg1[%get3A_2, %get3A_3] : memref<1000x128xf32, #tpu.memory_space<vmem>>, vector<1000x128xf32>
    %get3A_5 = arith.constant 0 : index
    %get3A_6 = arith.constant 0 : index
    %get3A_7 = vector.load %arg2[%get3A_5, %get3A_6] : memref<1000x128xf32, #tpu.memory_space<vmem>>, vector<1000x128xf32>
    %add3A = arith.addf %get3A_4, %get3A_7 : vector<1000x128xf32>
    %get3A_8 = arith.constant 0 : index
    %get3A_9 = arith.constant 0 : index
    %get3A_10 = vector.load %arg3[%get3A_8, %get3A_9] : memref<1000x128xf32, #tpu.memory_space<vmem>>, vector<1000x128xf32>
    %add3A_11 = arith.addf %add3A, %get3A_10 : vector<1000x128xf32>
    %mul3A = arith.mulf %get3A_1, %add3A_11 : vector<1000x128xf32>
    %get3A_12 = arith.constant 0 : index
    %get3A_13 = arith.constant 0 : index
    %get3A_14 = vector.load %arg5[%get3A_12, %get3A_13] : memref<1x128xf32, #tpu.memory_space<vmem>>, vector<1x128xf32>
    %add3A_15 = vector.broadcast %get3A_14 : vector<1x128xf32> to vector<1000x128xf32>
    %add3A_16 = arith.addf %mul3A, %add3A_15 : vector<1000x128xf32>
    %swap3A = arith.constant 0 : index
    %swap3A_17 = arith.constant 0 : index
    %swap3A_18 = vector.load %arg6[%swap3A, %swap3A_17] : memref<1000x128xf32, #tpu.memory_space<vmem>>, vector<1000x128xf32>
    tpu.vector_store %arg6[%swap3A, %swap3A_17], %add3A_16 {strides = array<i32>} : memref<1000x128xf32, #tpu.memory_space<vmem>>, vector<1000x128xf32>,
    return
  }
  func.func @transform_0(%arg0: i32) -> (i32, i32) {
    %c0_i32 = arith.constant 0 : i32
    %c0_i32_0 = arith.constant 0 : i32
    return %arg0, %c0_i32 : i32, i32
  }
  func.func @transform_1(%arg0: i32) -> (i32, i32) {
    %c0_i32 = arith.constant 0 : i32
    %c0_i32_0 = arith.constant 0 : i32
    return %arg0, %c0_i32 : i32, i32
  }
  func.func @transform_2(%arg0: i32) -> (i32, i32) {
    %c0_i32 = arith.constant 0 : i32
    %c0_i32_0 = arith.constant 0 : i32
    return %arg0, %c0_i32 : i32, i32
  }
  func.func @transform_3(%arg0: i32) -> (i32, i32) {
    %c0_i32 = arith.constant 0 : i32
    %c0_i32_0 = arith.constant 0 : i32
    return %arg0, %c0_i32 : i32, i32
  }
  func.func @transform_4(%arg0: i32) -> (i32, i32) {
    %c0_i32 = arith.constant 0 : i32
    %c0_i32_0 = arith.constant 0 : i32
    %c0_i32_1 = arith.constant 0 : i32
    return %c0_i32, %c0_i32_0 : i32, i32
  }
  func.func @transform_5(%arg0: i32) -> (i32, i32) {
    %c0_i32 = arith.constant 0 : i32
    %c0_i32_0 = arith.constant 0 : i32
    return %arg0, %c0_i32 : i32, i32
  }
}

</mosaic_0001>

<sc_bundles>
// kernel: kernel.11.cloned.1.call-start
scs
__scs_entry_jumppad:
0x0: {  	(pc) =	sbr.rel $0x88, $3  }
0x1: {  	(tag) =	ssettag $0x0;
	lr =	simm.s32 $0x1  }
0x2: {  	[smem:$0x3F9B] =	sst lr;
	_ =	strace $0xD0000000  }
0x3: {  	_ = 	snop  }
0x4: {  	_ = 	snop  }
0x5: {  	_ = 	snop  }
0x6: {  	_ = 	snop  }
0x7: {  	_ = 	snop  }
__scs_overlays_trampoline_lowered:
0x8: {  	[smem:$0x3FAA] =	sst s0  }
0x9: {  	[smem:$0x3FAB] =	sst s1  }
0xa: {  	[smem:$0x3FAC] =	sst s2  }
0xb: {  	[smem:$0x3FAD] =	sst s3  }
0xc: {  	[smem:$0x3FAE] =	sst s4  }
0xd: {  	[smem:$0x3FAF] =	sst s5  }
0xe: {  	[smem:$0x3FB0] =	sst s6  }
0xf: {  	[smem:$0x3FB1] =	sst s7  }
0x10: {  	[smem:$0x3FB2] =	sst s8  }
0x11: {  	[smem:$0x3FB3] =	sst s9;
	s0 =	simm.s32 @!p0 $0x0  }
0x12: {  	s1 =	sld [smem:$0x3F99];
	s0 =	simm.s32 @p0 $0x1  }
0x13: {  	[smem:$0x3FB4] =	sst s0;
	s0 =	simm.s32 @!p1 $0x0  }
0x14: {  	s2 =	sld [smem:$0x3F98];
	s0 =	simm.s32 @p1 $0x1  }
0x15: {  	[smem:$0x3FB5] =	sst s0;
	s0 =	simm.s32 @!p2 $0x0  }
0x16: {  	s3 =	sld [smem:$0x3FDB];
	s0 =	simm.s32 @p2 $0x1  }
0x17: {  	s4 =	simm.s32 $0x1BF5;
	[smem:$0x3FB7] =	sst s0  }
0x18: {  	s0 =	sld [smem:$0x3F9A];
	_ =	swait.ge [sflag:s4], $0x0  }
0x19: {  	s7 =	sld [smem:$0x3F9B]  }
0x1a: {  	s8 =	sadd.s32 $0xFFFFE003, lr  }
0x1b: {  	s9 =	sadd.s32 $0xFFFFFEF7, lr;
	s5 =	simm.s32 $0xFFFFFFFF;
	p2 =	slt.u32 s8, $0xFFFFF086  }
0x1c: {  	p1 =	slt.u32 s9, $0xF7A;
	s5 =	simm.s32 @!p2 $0x0  }
0x1d: {  	s5 =	simm.s32 @p1 $0x1;
	p0 =	seq.s32 s7, s2  }
0x1e: {  	s7 =	smul.u32 @!p0 $0xF7A, s2;
	p2 =	seq.s32 @!p0 s5, $0x0  }
0x1f: {  	s9 =	smul.u32 $0xF7A, s1;
	s8 =	simm.s32 @!p0 $0x1BF5;
	p2 =	por !p2, p0  }
0x20: {  	[sflag:s8] =	ssyncset.s32 @!p0 $0xFFFFF086;
	s6 =	sadd.s32 @!p0 s3, s7;
	s7 =	simm.s32 @!p0 $0x108  }
0x21: {  	s3 =	sadd.s32 s3, s9;
	s6 =	sadd.s32 @!p0 $0x88, s6;
	s7 =	simm.s32 @p2 $0x1082  }
0x22: {  	[simem:s7], [sflag:s8] =	dma.local @!p0 [hbm:s6], $0xF7A  }
0x23: {  	s9 =	sor.u32 $0xD0000000, s2;
	s6 =	simm.s32 $0x108;
	_ =	swait.ge @!p0 [sflag:s8], $0x0  }
0x24: {  	s3 =	sadd.s32 $0x88, s3;
	s6 =	simm.s32 @!p1 $0x1082;
	[sflag:s4] =	ssyncset.s32 $0xFFFFF086  }
0x25: {  	[simem:s6], [sflag:s4] =	dma.local [hbm:s3], $0xF7A  }
0x26: {  	[smem:$0x3F9B] =	sst s1;
	(tag) =	ssettag s2;
	_ =	strace s9  }
0x27: {  	s1 =	sld [smem:$0x3FAB]  }
0x28: {  	s2 =	sld [smem:$0x3FAC]  }
0x29: {  	s4 =	sld [smem:$0x3FAE]  }
0x2a: {  	p0 =	seq.s32 s5, $0x0;
	s5 =	sld [smem:$0x3FAF]  }
0x2b: {  	s6 =	sld [smem:$0x3FB0]  }
0x2c: {  	s7 =	sld [smem:$0x3FB1]  }
0x2d: {  	s3 =	simm.s32 $0x108;
	s8 =	sld [smem:$0x3FB2]  }
0x2e: {  	s3 =	simm.s32 @!p0 $0x1082;
	s9 =	sld [smem:$0x3FB3]  }
0x2f: {  	lr =	sadd.s32 s0, s3;
	s0 =	sld [smem:$0x3FAA]  }
0x30: {  	s3 =	sld [smem:$0x3FAD]  }
0x31: {  	[smem:$0x3FB6] =	sst s10  }
0x32: {  	s10 =	sld [smem:$0x3FB4];
	_ =	sdelay $0x3  }
0x33: {  	p0 =	seq.s32 s10, $0x1;
	s10 =	sld [smem:$0x3FB6];
	_ =	sdelay $0x3  }
0x34: {  	[smem:$0x3FB6] =	sst s10  }
0x35: {  	s10 =	sld [smem:$0x3FB5];
	_ =	sdelay $0x3  }
0x36: {  	p1 =	seq.s32 s10, $0x1;
	s10 =	sld [smem:$0x3FB6];
	_ =	sdelay $0x3  }
0x37: {  	[smem:$0x3FB6] =	sst s10  }
0x38: {  	s10 =	sld [smem:$0x3FB7]  }
0x39: {  	_ = 	snop;
	(pc) =	sbr.ind lr, $3  }
0x3a: {  	_ = 	snop  }
0x3b: {  	_ = 	snop  }
0x3c: {  	p2 =	seq.s32 s10, $0x1;
	s10 =	sld [smem:$0x3FB6]  }
0x3d: {  	_ =	shalt  }
0x3e: {  	_ =	shalt  }
0x3f: {  	_ =	shalt  }
0x40: {  	_ =	shalt  }
0x41: {  	_ =	shalt  }
0x42: {  	_ =	shalt  }
0x43: {  	_ =	shalt  }
0x44: {  	_ =	shalt  }
0x45: {  	_ =	shalt  }
0x46: {  	_ =	shalt  }
0x47: {  	_ =	shalt  }
0x48: {  	_ =	shalt  }
0x49: {  	_ =	shalt  }
0x4a: {  	_ =	shalt  }
0x4b: {  	_ =	shalt  }
0x4c: {  	_ =	shalt  }
0x4d: {  	_ =	shalt  }
0x4e: {  	_ =	shalt  }
0x4f: {  	_ =	shalt  }
0x50: {  	_ =	shalt  }
0x51: {  	_ =	shalt  }
0x52: {  	_ =	shalt  }
0x53: {  	_ =	shalt  }
0x54: {  	_ =	shalt  }
0x55: {  	_ =	shalt  }
0x56: {  	_ =	shalt  }
0x57: {  	_ =	shalt  }
0x58: {  	_ =	shalt  }
0x59: {  	_ =	shalt  }
0x5a: {  	_ =	shalt  }
0x5b: {  	_ =	shalt  }
0x5c: {  	_ =	shalt  }
0x5d: {  	_ =	shalt  }
0x5e: {  	_ =	shalt  }
0x5f: {  	_ =	shalt  }
0x60: {  	_ =	shalt  }
0x61: {  	_ =	shalt  }
0x62: {  	_ =	shalt  }
0x63: {  	_ =	shalt  }
0x64: {  	_ =	shalt  }
0x65: {  	_ =	shalt  }
0x66: {  	_ =	shalt  }
0x67: {  	_ =	shalt  }
0x68: {  	_ =	shalt  }
0x69: {  	_ =	shalt  }
0x6a: {  	_ =	shalt  }
0x6b: {  	_ =	shalt  }
0x6c: {  	_ =	shalt  }
0x6d: {  	_ =	shalt  }
0x6e: {  	_ =	shalt  }
0x6f: {  	_ =	shalt  }
0x70: {  	_ =	shalt  }
0x71: {  	_ =	shalt  }
0x72: {  	_ =	shalt  }
0x73: {  	_ =	shalt  }
0x74: {  	_ =	shalt  }
0x75: {  	_ =	shalt  }
0x76: {  	_ =	shalt  }
0x77: {  	_ =	shalt  }
0x78: {  	_ =	shalt  }
0x79: {  	_ =	shalt  }
0x7a: {  	_ =	shalt  }
0x7b: {  	_ =	shalt  }
0x7c: {  	_ =	shalt  }
0x7d: {  	_ =	shalt  }
0x7e: {  	_ =	shalt  }
0x7f: {  	_ =	shalt  }
0x80: {  	_ =	shalt  }
0x81: {  	_ =	shalt  }
0x82: {  	_ =	shalt  }
0x83: {  	_ =	shalt  }
0x84: {  	_ =	shalt  }
0x85: {  	_ =	shalt  }
0x86: {  	_ =	shalt  }
0x87: {  	_ =	shalt  }
.Lfunc_end0:
.L_simem_size_0:
called_computation.1_lowered:
.L_overlay_start_0:
0x88: {  	s2 =	sld [smem:$0x3FD9]  }
0x89: {  	s3 =	sld [smem:$0x3FFE];
	_ =	sdelay $0x1  }
0x8a: {  	s1 =	srdreg.scid  }
0x8b: {  	s0 =	sand.u32 $0x1, s1  }
0x8c: {  	s17 =	sshll.u32 s0, $0xA;
	s2 =	sadd.s32 s3, s2  }
0x8d: {  	s2 =	sadd.s32 s2, s17  }
0x8e: {  	[smem:$0x3FC2] =	sst s2  }
0x8f: {  	_ = 	snop  }
0x90: {  	s2 =	sld [smem:$0x3FD0];
	(tm) =	ssettm $0x1  }
0x91: {  	s18 =	sld [smem:$0x3FFB];
	_ =	sdelay $0x3  }
0x92: {  	_ =	strace s18  }
0x93: {  	s3 =	sld [smem:$0x3FFC];
	_ =	sdelay $0x3  }
0x94: {  	_ =	strace s3  }
0x95: {  	s3 =	sld [smem:$0x3FFD];
	_ =	sdelay $0x3  }
0x96: {  	_ =	strace s3  }
0x97: {  	_ =	strace $0x8FFFFFFF  }
0x98: {  	s19 =	sld [smem:$0x3FDB];
	_ =	sdelay $0x1  }
0x99: {  	s4 =	simm.s32 $_scs_section_size  }
0x9a: {  	s5 =	simm.s32 $_size__tile_overlayer_lowered;
	s6 =	simm.s32 $_tile_overlayer_lowered  }
0x9b: {  	s22 =	simm.s32 $0x1BFF;
	s21 =	sshll.u32 s6, $0x1;
	s3 =	sadd.s32 s4, s19  }
0x9c: {  	s7 =	simm.s32 $0x0;
	s20 =	sshll.u32 s5, $0x1;
	s5 =	sadd.s32 s21, s3  }
0x9d: {  	[timem:s7], [sflag:s22] =	dma.local [hbm:s5], s20  }
0x9e: {  	_ =	swait.ge [sflag:s22], s20  }
0x9f: {  	s4 =	ssub.s32 $0x0, s20;
	[sflag:s22] =	ssyncset.done $0x0  }
0xa0: {  	[sflag:s22] =	ssyncadd.s32 s4;
	_ =	sdelay $0x1  }
0xa1: {  	s23 =	simm.s32 $0x1B8B  }
0xa2: {  	_ =	swait.ge [sflag:s23], $0x1  }
0xa3: {  	[sflag:s23] =	ssyncset.done $0x0  }
0xa4: {  	s25 =	simm.s32 $0x1B8E;
	s24 =	sld [smem:$0x3FFE];
	[sflag:s23] =	ssyncadd.s32 $0xFFFFFFFF  }
0xa5: {  	s26 =	simm.s32 $execute0_lowered;
	[smem:$0x3FD2] =	sst s25  }
0xa6: {  	s5 =	sshll.u32 s26, $0x1;
	_ =	strace $0x80000049;
	[dreg:$0x1] =	wrdreg $0xFFFFFFFF  }
0xa7: {  	s28 =	simm.s32 $_size_execute0_lowered;
	s3 =	sadd.s32 s3, s5;
	[dreg:$0x0] =	wrdreg $0x0  }
0xa8: {  	s5 =	sshll.u32 s28, $0x1;
	[dreg:$0x2] =	wrdreg s3  }
0xa9: {  	[dreg:$0x3] =	wrdreg s5  }
0xaa: {  	[dreg:$0x4] =	wrdreg $0xC0  }
0xab: {  	_ =	task [dreg:s7], $0x5FFFF  }
0xac: {  	[dreg:$0x1] =	wrdreg $0xFFFFFFFF  }
0xad: {  	[dreg:$0x0] =	wrdreg $0x60  }
0xae: {  	[dreg:$0x2] =	wrdreg s2  }
0xaf: {  	[dreg:$0x3] =	wrdreg s24  }
0xb0: {  	[dreg:$0x4] =	wrdreg $0x0  }
0xb1: {  	[dreg:$0x5] =	wrdreg $0x9  }
0xb2: {  	_ =	task.clear_ibuf [dreg:s7], $0x6FFFF;
	_ =	strace $0x90000049  }
0xb3: {  	s29 =	simm.s32 $0x9;
	_ =	strace $0x8000004B  }
0xb4: {  	_ =	swait.ge [sflag:s29], $0x1  }
0xb5: {  	[sflag:s29] =	ssyncadd.s32 $0xFFFFFFFF  }
0xb6: {  	_ =	strace $0x9000004B  }
0xb7: {  	_ =	sfence  }
0xb8: {  	s30 =	sld [smem:$0x0];
	_ =	sdelay $0x2  }
0xb9: {  	s31 =	sshll.u32 s1, $0xD;
	s1 =	sshrl.u32 s1, $0x2  }
0xba: {  	s3 =	sand.u32 $0x4000, s31;
	s1 =	sadd.s32 s1, s30  }
0xbb: {  	s0 =	sor.u32 s3, s0;
	s1 =	sshll.u32 s1, $0x11  }
0xbc: {  	s0 =	sor.u32 s1, s0  }
0xbd: {  	s0 =	sadd.s32 $0x8F2B, s0  }
0xbe: {  	[sflag:s0] =	ssyncadd.remote.s32 $0x1  }
0xbf: {  	_ =	sfence.sel $0xFFFF  }
0xc0: {  	[dreg:$0x0] =	wrdreg $0xFFFFFFFF;
	(pc) =	sbr.abs _section_cstart, $3  }
0xc1: {  	[dreg:$0x1] =	wrdreg $0xFFFFFFFF  }
0xc2: {  	_ =	task.clear_ibuf [dreg:s7], $0x2FFFF;
	_ =	strace $0x9FFFFFFF  }
0xc3: {  	(tm) =	ssettm $0x7FFFFFFF  }
tec
execute0_lowered:
.L_overlay_start_1:
0x0: {  	(tag) =	ssettag $0x1  }
0x1: {  	s1 =	rddreg [dreg:$0x0]  }
0x2: {  	s0 =	rddreg [dreg:$0x1]  }
0x3: {  	s2 =	rddreg [dreg:$0x2]  }
0x4: {  	s3 =	srdreg.scid;
	s4 =	simm.s32 $0x0;
	s20 =	simm.s32 $0x13C00  }
0x5: {  	s21 =	simm.s32 $0x5;
	s28 =	simm.s32 $0x1;
	s29 =	simm.s32 $0x3  }
0x6: {  	s30 =	simm.s32 $0x2;
	s10 =	sand.u32 $0x1, s3;
	s3 =	stileid.u32  }
0x7: {  	s31 =	simm.s32 $0x4;
	[smem:$0x7FF] =	sst s4;
	s5 =	smul.u32 $0x13C000, s10  }
0x8: {  	s11 =	sadd.s32 $0x61000, s0;
	s12 =	sadd.s32 $0x5C000, s0;
	s6 =	smul.u32 $0x13C00, s3  }
0x9: {  	s16 =	sadd.s32 $0x52000, s0;
	s17 =	sadd.s32 $0x57000, s0;
	s22 =	smul.u32 $0x4F000, s3  }
0xa: {  	_ =	strace $0x8000004A;
	s7 =	ssub.s32 $0x2, s10;
	s13 =	smul.u32 $0x2800, s3  }
0xb: {  	p0 =	seq.s32 s10, $0x1;
	s10 =	simm.s32 $0x1E380;
	s23 =	sshrl.u32 s7, $0x1  }
0xc: {  	s5 =	sadd.s32 s6, s5;
	s6 =	sshrl.u32 s22, $0x2;
	s19 =	ssub.s32 s7, s23  }
0xd: {  	s24 =	sshrl.u32 s13, $0x3;
	s22 =	simm.s32 $0x1BC00;
	s23 =	simm.s32 $0x1D000  }
0xe: {  	s5 =	sshrl.u32 s5, $0x3;
	s13 =	sadd.s32 s11, s24;
	s25 =	sadd.s32 s12, s24  }
0xf: {  	s18 =	sadd.s32 $0x280, s24;
	s14 =	sadd.s32 s16, s24;
	s15 =	sadd.s32 s17, s24  }
0x10: {  	s19 =	smax.u32 s19, $0x1;
	s24 =	simm.s32 $0x80;
	[dreg:$0x4] =	wrdreg s13  }
0x11: {  	s0 =	sadd.s32 s5, s0;
	s5 =	sadd.s32 s6, s2;
	[dreg:$0x5] =	wrdreg s25  }
.Ltmp0:
0x12: {  	s11 =	sadd.s32 s11, s18;
	s26 =	sadd.s32 s12, s18;
	(pc) =	sbr.rel .LBB2_1-.Ltmp0, $4  }
0x13: {  	s16 =	sadd.s32 s16, s18;
	s17 =	sadd.s32 s17, s18;
	s25 =	simm.s32 $0x1BC80  }
0x14: {  	s6 =	sadd.s32 $0x4000, s5;
	s7 =	sadd.s32 $0x8000, s5;
	[dreg:$0x6] =	wrdreg s11  }
0x15: {  	s8 =	sadd.s32 $0xC000, s5;
	s9 =	sadd.s32 $0x10000, s5;
	[dreg:$0x7] =	wrdreg s26  }
0x16: {  	v0 =	vimm.f32 $0.0e+00;
	s18 =	sadd.s32 $0x3000, s0;
	s26 =	simm.s32 $0x17C00;
	s0 =	simm.s32 $0x1E300  }
.LBB2_8:
0x17: {  	[tilespmem:s26], [sflag:$0x2] =	stream.indirect.gather [hbm4b:s1+s24], $0x80, s12, s24, $0xb8;
	[tilespmem:$0x1E400] =	vst v63  }
.LBB2_14:
0x18: {  	_ =	swait.ge [sflag:s28], $0x4000  }
0x19: {  	[sflag:s28] =	ssyncset.done $0x0  }
0x1a: {  	[sflag:s28] =	ssyncadd.s32 $0xFFFFC000  }
0x1b: {  	[spmem:s2] =	stream.indirect.scatter.add.f32 [tilespmem:s20], [sflag:$0x3], $0x80, s0, s24, $0xb8;
	[tilespmem:$0x1E400] =	vst v63  }
0x1c: {  	_ =	swait.ge [sflag:s29], $0x4000  }
0x1d: {  	[sflag:s29] =	ssyncset.done $0x0  }
0x1e: {  	[sflag:s29] =	ssyncadd.s32 $0xFFFFC000  }
0x1f: {  	_ =	swait.ge [sflag:s30], $0x4000  }
0x20: {  	[sflag:s30] =	ssyncset.done $0x0  }
0x21: {  	[sflag:s30] =	ssyncadd.s32 $0xFFFFC000  }
0x22: {  	[spmem:s2] =	stream.indirect.scatter.add.f32 [tilespmem:s26], [sflag:$0x4], $0x80, s10, s24, $0xb8;
	[tilespmem:$0x1E400] =	vst v63  }
0x23: {  	_ =	swait.ge [sflag:s31], $0x4000  }
0x24: {  	s11 =	sshll.u32 s3, $0x6;
	s4 =	sadd.s32 $0x1, s4;
	[sflag:s31] =	ssyncset.done $0x0  }
0x25: {  	s12 =	sshrl.u32 s5, $0x3;
	p1 =	sne.s32 s4, s19;
	[sflag:s31] =	ssyncadd.s32 $0xFFFFC000  }
.Ltmp1:
0x26: {  	s11 =	sor.u32 $0x1C05, s11;
	[bflag:$0x0] =	sbarrier.arrive $0xFFFF;
	(pc) =	sbr.rel @!p1 .LBB2_15-.Ltmp1, $4  }
0x27: {  	[hbm:s18], [sflag:s11] =	dma.local [spmem:s12], $0x2780  }
0x28: {  	_ =	swait.ge [sflag:s21], $0x2780  }
0x29: {  	[sflag:s21] =	ssyncset.done $0x0  }
0x2a: {  	[sflag:s21] =	ssyncadd.s32 $0xFFFFD880  }
.LBB2_1:
0x2b: {  	s11 =	simm.s32 $0x0;
	s12 =	simm.s32 $0x200  }
.LBB2_2:
0x2c: {  	p1 =	sne.s32 s12, $0xFE00;
	[tilespmem:s11+$0x13C70] =	vst v0  }
0x2d: {  	[tilespmem:s11+$0x13C00] =	vst v0  }
0x2e: {  	[tilespmem:s11+$0x13C10] =	vst v0  }
.Ltmp2:
0x2f: {  	[tilespmem:s11+$0x13C20] =	vst v0;
	(pc) =	sbr.rel @p1 .LBB2_2-.Ltmp2, $4  }
0x30: {  	[tilespmem:s11+$0x13C30] =	vst v0  }
0x31: {  	[tilespmem:s11+$0x13C40] =	vst v0  }
0x32: {  	[tilespmem:s11+$0x13C50] =	vst v0  }
0x33: {  	[tilespmem:s11+$0x13C60] =	vst v0;
	s11 =	sshra.s32 s12, $0x2;
	s12 =	sadd.s32 $0x200, s12  }
0x34: {  	[tilespmem:s11+$0x13C70] =	vst v0  }
0x35: {  	[tilespmem:s11+$0x13C00] =	vst v0  }
0x36: {  	[tilespmem:s11+$0x13C10] =	vst v0  }
0x37: {  	[tilespmem:s11+$0x13C20] =	vst v0  }
0x38: {  	[tilespmem:s11+$0x13C30] =	vst v0  }
0x39: {  	[tilespmem:s11+$0x13C40] =	vst v0  }
0x3a: {  	[tilespmem:s11+$0x13C50] =	vst v0  }
0x3b: {  	[tilespmem:s11+$0x13C60] =	vst v0  }
0x3c: {  	[spmem:s5] =	stream.linear.scatter [tilespmem:s20], [sflag:$0x5], $0x4000, $0x38;
	[tilespmem:$0x1E400] =	vst v63  }
0x3d: {  	_ =	swait.ge [sflag:s21], $0x4000  }
0x3e: {  	[sflag:s21] =	ssyncset.done $0x0  }
0x3f: {  	[sflag:s21] =	ssyncadd.s32 $0xFFFFC000  }
0x40: {  	[spmem:s6] =	stream.linear.scatter [tilespmem:s20], [sflag:$0x5], $0x4000, $0x38;
	[tilespmem:$0x1E400] =	vst v63  }
0x41: {  	_ =	swait.ge [sflag:s21], $0x4000  }
0x42: {  	[sflag:s21] =	ssyncset.done $0x0  }
0x43: {  	[sflag:s21] =	ssyncadd.s32 $0xFFFFC000  }
0x44: {  	[spmem:s7] =	stream.linear.scatter [tilespmem:s20], [sflag:$0x5], $0x4000, $0x38;
	[tilespmem:$0x1E400] =	vst v63  }
0x45: {  	_ =	swait.ge [sflag:s21], $0x4000  }
0x46: {  	[sflag:s21] =	ssyncset.done $0x0  }
0x47: {  	[sflag:s21] =	ssyncadd.s32 $0xFFFFC000  }
0x48: {  	[spmem:s8] =	stream.linear.scatter [tilespmem:s20], [sflag:$0x5], $0x4000, $0x38;
	[tilespmem:$0x1E400] =	vst v63  }
0x49: {  	_ =	swait.ge [sflag:s21], $0x4000  }
0x4a: {  	[sflag:s21] =	ssyncset.done $0x0  }
0x4b: {  	[sflag:s21] =	ssyncadd.s32 $0xFFFFC000  }
0x4c: {  	[spmem:s9] =	stream.linear.scatter [tilespmem:s20], [sflag:$0x5], $0x3C00, $0x38;
	[tilespmem:$0x1E400] =	vst v63  }
.Ltmp3:
0x4d: {  	_ =	swait.ge [sflag:s21], $0x3C00;
	(pc) =	sbr.rel @!p0 .LBB2_4-.Ltmp3, $4  }
0x4e: {  	[sflag:s21] =	ssyncset.done $0x0  }
0x4f: {  	[sflag:s21] =	ssyncadd.s32 $0xFFFFC400  }
0x50: {  	[bflag:$0x0] =	sbarrier.arrive $0xFFFF  }
0x51: {  	s11 =	simm.s32 $0x0  }
0x52: {  	[tilespmem:s22], [sflag:$0x5] =	stream.linear.gather [hbm4b:s14+s11], $0x1400, $0x38;
	[tilespmem:$0x1E400] =	vst v63  }
0x53: {  	_ =	swait.ge [sflag:s21], $0x1400  }
0x54: {  	[sflag:s21] =	ssyncset.done $0x0  }
0x55: {  	[sflag:s21] =	ssyncadd.s32 $0xFFFFEC00  }
0x56: {  	[tilespmem:s23], [sflag:$0x5] =	stream.linear.gather [hbm4b:s15+s11], $0x1400, $0x38;
	[tilespmem:$0x1E400] =	vst v63  }
0x57: {  	_ =	swait.ge [sflag:s21], $0x1400  }
0x58: {  	[sflag:s21] =	ssyncset.done $0x0  }
0x59: {  	[sflag:s21] =	ssyncadd.s32 $0xFFFFEC00  }
0x5a: {  	[tilespmem:s20], [sflag:$0x1] =	stream.indirect.gather [hbm4b:s1+s24], $0x80, s22, s24, $0xb8;
	[tilespmem:$0x1E400] =	vst v63  }
0x5b: {  	_ = 	snop  }
0x5c: {  	[tilespmem:s26], [sflag:$0x2] =	stream.indirect.gather [hbm4b:s1+s24], $0x80, s25, s24, $0xb8;
	[tilespmem:$0x1E400] =	vst v63  }
0x5d: {  	_ =	swait.ge [sflag:s28], $0x4000  }
0x5e: {  	[sflag:s28] =	ssyncset.done $0x0  }
0x5f: {  	s13 =	simm.s32 $0x1D000;
	[sflag:s28] =	ssyncadd.s32 $0xFFFFC000  }
0x60: {  	[spmem:s2] =	stream.indirect.scatter.add.f32 [tilespmem:s20], [sflag:$0x3], $0x80, s13, s24, $0xb8;
	[tilespmem:$0x1E400] =	vst v63  }
0x61: {  	_ =	swait.ge [sflag:s29], $0x4000  }
0x62: {  	[sflag:s29] =	ssyncset.done $0x0  }
0x63: {  	s12 =	simm.s32 $0x1BD00;
	[sflag:s29] =	ssyncadd.s32 $0xFFFFC000  }
0x64: {  	[tilespmem:s20], [sflag:$0x1] =	stream.indirect.gather [hbm4b:s1+s24], $0x80, s12, s24, $0xb8;
	[tilespmem:$0x1E400] =	vst v63  }
0x65: {  	_ =	swait.ge [sflag:s30], $0x4000  }
0x66: {  	[sflag:s30] =	ssyncset.done $0x0  }
0x67: {  	s13 =	simm.s32 $0x1D080;
	[sflag:s30] =	ssyncadd.s32 $0xFFFFC000  }
0x68: {  	[spmem:s2] =	stream.indirect.scatter.add.f32 [tilespmem:s26], [sflag:$0x4], $0x80, s13, s24, $0xb8;
	[tilespmem:$0x1E400] =	vst v63  }
0x69: {  	_ =	swait.ge [sflag:s31], $0x4000  }
0x6a: {  	[sflag:s31] =	ssyncset.done $0x0  }
0x6b: {  	s11 =	simm.s32 $0x400;
	s12 =	simm.s32 $0x1BD80;
	[sflag:s31] =	ssyncadd.s32 $0xFFFFC000  }
.LBB2_10:
0x6c: {  	[tilespmem:s26], [sflag:$0x2] =	stream.indirect.gather [hbm4b:s1+s24], $0x80, s12, s24, $0xb8;
	[tilespmem:$0x1E400] =	vst v63  }
0x6d: {  	s12 =	smov.u32 s11  }
0x6e: {  	p1 =	sne.s32 s11, $0x4800;
	s11 =	sadd.s32 $0x400, s11;
	_ =	swait.ge [sflag:s28], $0x4000  }
0x6f: {  	s12 =	sshra.s32 s12, $0x2;
	[sflag:s28] =	ssyncset.done $0x0  }
0x70: {  	s13 =	sadd.s32 $0x1D000, s12;
	[sflag:s28] =	ssyncadd.s32 $0xFFFFC000  }
0x71: {  	[spmem:s2] =	stream.indirect.scatter.add.f32 [tilespmem:s20], [sflag:$0x3], $0x80, s13, s24, $0xb8;
	[tilespmem:$0x1E400] =	vst v63  }
0x72: {  	_ =	swait.ge [sflag:s29], $0x4000  }
0x73: {  	[sflag:s29] =	ssyncset.done $0x0  }
0x74: {  	s13 =	sadd.s32 $0x1BD00, s12;
	[sflag:s29] =	ssyncadd.s32 $0xFFFFC000  }
0x75: {  	[tilespmem:s20], [sflag:$0x1] =	stream.indirect.gather [hbm4b:s1+s24], $0x80, s13, s24, $0xb8;
	[tilespmem:$0x1E400] =	vst v63  }
0x76: {  	_ =	swait.ge [sflag:s30], $0x4000  }
0x77: {  	[sflag:s30] =	ssyncset.done $0x0  }
.Ltmp4:
0x78: {  	s13 =	sadd.s32 $0x1D080, s12;
	[sflag:s30] =	ssyncadd.s32 $0xFFFFC000;
	(pc) =	sbr.rel @p1 .LBB2_10-.Ltmp4, $4  }
0x79: {  	[spmem:s2] =	stream.indirect.scatter.add.f32 [tilespmem:s26], [sflag:$0x4], $0x80, s13, s24, $0xb8;
	[tilespmem:$0x1E400] =	vst v63  }
0x7a: {  	_ =	swait.ge [sflag:s31], $0x4000  }
0x7b: {  	[sflag:s31] =	ssyncset.done $0x0  }
0x7c: {  	s12 =	sadd.s32 $0x1BD80, s12;
	[sflag:s31] =	ssyncadd.s32 $0xFFFFC000  }
0x7d: {  	[tilespmem:s26], [sflag:$0x2] =	stream.indirect.gather [hbm4b:s1+s24], $0x80, s12, s24, $0xb8;
	[tilespmem:$0x1E400] =	vst v63  }
0x7e: {  	_ =	swait.ge [sflag:s28], $0x4000  }
0x7f: {  	[sflag:s28] =	ssyncset.done $0x0  }
0x80: {  	[sflag:s28] =	ssyncadd.s32 $0xFFFFC000  }
0x81: {  	[spmem:s2] =	stream.indirect.scatter.add.f32 [tilespmem:s20], [sflag:$0x3], $0x80, s0, s24, $0xb8;
	[tilespmem:$0x1E400] =	vst v63  }
0x82: {  	_ =	swait.ge [sflag:s29], $0x4000  }
0x83: {  	[sflag:s29] =	ssyncset.done $0x0  }
0x84: {  	[sflag:s29] =	ssyncadd.s32 $0xFFFFC000  }
0x85: {  	_ =	swait.ge [sflag:s30], $0x4000  }
0x86: {  	[sflag:s30] =	ssyncset.done $0x0  }
0x87: {  	[sflag:s30] =	ssyncadd.s32 $0xFFFFC000  }
0x88: {  	[spmem:s2] =	stream.indirect.scatter.add.f32 [tilespmem:s26], [sflag:$0x4], $0x80, s10, s24, $0xb8;
	[tilespmem:$0x1E400] =	vst v63  }
0x89: {  	_ =	swait.ge [sflag:s31], $0x4000  }
0x8a: {  	[sflag:s31] =	ssyncset.done $0x0  }
0x8b: {  	s11 =	simm.s32 $0x0;
	[sflag:s31] =	ssyncadd.s32 $0xFFFFC000  }
0x8c: {  	[tilespmem:s22], [sflag:$0x5] =	stream.linear.gather [hbm4b:s16+s11], $0x1400, $0x38;
	[tilespmem:$0x1E400] =	vst v63  }
0x8d: {  	_ =	swait.ge [sflag:s21], $0x1400  }
0x8e: {  	[sflag:s21] =	ssyncset.done $0x0  }
0x8f: {  	[sflag:s21] =	ssyncadd.s32 $0xFFFFEC00  }
0x90: {  	[tilespmem:s23], [sflag:$0x5] =	stream.linear.gather [hbm4b:s17+s11], $0x1400, $0x38;
	[tilespmem:$0x1E400] =	vst v63  }
0x91: {  	_ =	swait.ge [sflag:s21], $0x1400  }
0x92: {  	[sflag:s21] =	ssyncset.done $0x0  }
0x93: {  	[sflag:s21] =	ssyncadd.s32 $0xFFFFEC00  }
0x94: {  	[tilespmem:s20], [sflag:$0x1] =	stream.indirect.gather [hbm4b:s1+s24], $0x80, s22, s24, $0xb8;
	[tilespmem:$0x1E400] =	vst v63  }
0x95: {  	_ = 	snop  }
0x96: {  	[tilespmem:s26], [sflag:$0x2] =	stream.indirect.gather [hbm4b:s1+s24], $0x80, s25, s24, $0xb8;
	[tilespmem:$0x1E400] =	vst v63  }
0x97: {  	_ =	swait.ge [sflag:s28], $0x4000  }
0x98: {  	[sflag:s28] =	ssyncset.done $0x0  }
0x99: {  	s13 =	simm.s32 $0x1D000;
	[sflag:s28] =	ssyncadd.s32 $0xFFFFC000  }
0x9a: {  	[spmem:s2] =	stream.indirect.scatter.add.f32 [tilespmem:s20], [sflag:$0x3], $0x80, s13, s24, $0xb8;
	[tilespmem:$0x1E400] =	vst v63  }
0x9b: {  	_ =	swait.ge [sflag:s29], $0x4000  }
0x9c: {  	[sflag:s29] =	ssyncset.done $0x0  }
0x9d: {  	s12 =	simm.s32 $0x1BD00;
	[sflag:s29] =	ssyncadd.s32 $0xFFFFC000  }
0x9e: {  	[tilespmem:s20], [sflag:$0x1] =	stream.indirect.gather [hbm4b:s1+s24], $0x80, s12, s24, $0xb8;
	[tilespmem:$0x1E400] =	vst v63  }
0x9f: {  	_ =	swait.ge [sflag:s30], $0x4000  }
0xa0: {  	[sflag:s30] =	ssyncset.done $0x0  }
0xa1: {  	s13 =	simm.s32 $0x1D080;
	[sflag:s30] =	ssyncadd.s32 $0xFFFFC000  }
0xa2: {  	[spmem:s2] =	stream.indirect.scatter.add.f32 [tilespmem:s26], [sflag:$0x4], $0x80, s13, s24, $0xb8;
	[tilespmem:$0x1E400] =	vst v63  }
0xa3: {  	_ =	swait.ge [sflag:s31], $0x4000  }
0xa4: {  	[sflag:s31] =	ssyncset.done $0x0  }
0xa5: {  	s11 =	simm.s32 $0x400;
	s12 =	simm.s32 $0x1BD80;
	[sflag:s31] =	ssyncadd.s32 $0xFFFFC000  }
.LBB2_12:
0xa6: {  	[tilespmem:s26], [sflag:$0x2] =	stream.indirect.gather [hbm4b:s1+s24], $0x80, s12, s24, $0xb8;
	[tilespmem:$0x1E400] =	vst v63  }
0xa7: {  	s12 =	smov.u32 s11  }
0xa8: {  	p1 =	sne.s32 s11, $0x4800;
	s11 =	sadd.s32 $0x400, s11;
	_ =	swait.ge [sflag:s28], $0x4000  }
0xa9: {  	s12 =	sshra.s32 s12, $0x2;
	[sflag:s28] =	ssyncset.done $0x0  }
0xaa: {  	s13 =	sadd.s32 $0x1D000, s12;
	[sflag:s28] =	ssyncadd.s32 $0xFFFFC000  }
0xab: {  	[spmem:s2] =	stream.indirect.scatter.add.f32 [tilespmem:s20], [sflag:$0x3], $0x80, s13, s24, $0xb8;
	[tilespmem:$0x1E400] =	vst v63  }
0xac: {  	_ =	swait.ge [sflag:s29], $0x4000  }
0xad: {  	[sflag:s29] =	ssyncset.done $0x0  }
0xae: {  	s13 =	sadd.s32 $0x1BD00, s12;
	[sflag:s29] =	ssyncadd.s32 $0xFFFFC000  }
0xaf: {  	[tilespmem:s20], [sflag:$0x1] =	stream.indirect.gather [hbm4b:s1+s24], $0x80, s13, s24, $0xb8;
	[tilespmem:$0x1E400] =	vst v63  }
0xb0: {  	_ =	swait.ge [sflag:s30], $0x4000  }
0xb1: {  	[sflag:s30] =	ssyncset.done $0x0  }
.Ltmp5:
0xb2: {  	s13 =	sadd.s32 $0x1D080, s12;
	[sflag:s30] =	ssyncadd.s32 $0xFFFFC000;
	(pc) =	sbr.rel @p1 .LBB2_12-.Ltmp5, $4  }
0xb3: {  	[spmem:s2] =	stream.indirect.scatter.add.f32 [tilespmem:s26], [sflag:$0x4], $0x80, s13, s24, $0xb8;
	[tilespmem:$0x1E400] =	vst v63  }
0xb4: {  	_ =	swait.ge [sflag:s31], $0x4000  }
0xb5: {  	[sflag:s31] =	ssyncset.done $0x0  }
0xb6: {  	s12 =	sadd.s32 $0x1BD80, s12;
	[sflag:s31] =	ssyncadd.s32 $0xFFFFC000  }
.Ltmp6:
0xb7: {  	(pc) =	sbr.rel .LBB2_14-.Ltmp6, $2  }
0xb8: {  	_ =	sdelay $0x2  }
0xb9: {  	[tilespmem:s26], [sflag:$0x2] =	stream.indirect.gather [hbm4b:s1+s24], $0x80, s12, s24, $0xb8;
	[tilespmem:$0x1E400] =	vst v63  }
.LBB2_4:
0xba: {  	s12 =	rddreg [dreg:$0x4]  }
0xbb: {  	[tilespmem:s22], [sflag:$0x5] =	stream.linear.gather [hbm4b:s12+s11], $0x1400, $0x38;
	[tilespmem:$0x1E400] =	vst v63  }
0xbc: {  	_ =	swait.ge [sflag:s21], $0x1400  }
0xbd: {  	[sflag:s21] =	ssyncset.done $0x0  }
0xbe: {  	s13 =	rddreg [dreg:$0x5];
	[sflag:s21] =	ssyncadd.s32 $0xFFFFEC00  }
0xbf: {  	[tilespmem:s23], [sflag:$0x5] =	stream.linear.gather [hbm4b:s13+s11], $0x1400, $0x38;
	[tilespmem:$0x1E400] =	vst v63  }
0xc0: {  	_ =	swait.ge [sflag:s21], $0x1400  }
0xc1: {  	[sflag:s21] =	ssyncset.done $0x0  }
0xc2: {  	[sflag:s21] =	ssyncadd.s32 $0xFFFFEC00  }
0xc3: {  	[tilespmem:s20], [sflag:$0x1] =	stream.indirect.gather [hbm4b:s1+s24], $0x80, s22, s24, $0xb8;
	[tilespmem:$0x1E400] =	vst v63  }
0xc4: {  	_ = 	snop  }
0xc5: {  	[tilespmem:s26], [sflag:$0x2] =	stream.indirect.gather [hbm4b:s1+s24], $0x80, s25, s24, $0xb8;
	[tilespmem:$0x1E400] =	vst v63  }
0xc6: {  	_ =	swait.ge [sflag:s28], $0x4000  }
0xc7: {  	[sflag:s28] =	ssyncset.done $0x0  }
0xc8: {  	s13 =	simm.s32 $0x1D000;
	[sflag:s28] =	ssyncadd.s32 $0xFFFFC000  }
0xc9: {  	[spmem:s2] =	stream.indirect.scatter.add.f32 [tilespmem:s20], [sflag:$0x3], $0x80, s13, s24, $0xb8;
	[tilespmem:$0x1E400] =	vst v63  }
0xca: {  	_ =	swait.ge [sflag:s29], $0x4000  }
0xcb: {  	[sflag:s29] =	ssyncset.done $0x0  }
0xcc: {  	s12 =	simm.s32 $0x1BD00;
	[sflag:s29] =	ssyncadd.s32 $0xFFFFC000  }
0xcd: {  	[tilespmem:s20], [sflag:$0x1] =	stream.indirect.gather [hbm4b:s1+s24], $0x80, s12, s24, $0xb8;
	[tilespmem:$0x1E400] =	vst v63  }
0xce: {  	_ =	swait.ge [sflag:s30], $0x4000  }
0xcf: {  	[sflag:s30] =	ssyncset.done $0x0  }
0xd0: {  	s13 =	simm.s32 $0x1D080;
	[sflag:s30] =	ssyncadd.s32 $0xFFFFC000  }
0xd1: {  	[spmem:s2] =	stream.indirect.scatter.add.f32 [tilespmem:s26], [sflag:$0x4], $0x80, s13, s24, $0xb8;
	[tilespmem:$0x1E400] =	vst v63  }
0xd2: {  	_ =	swait.ge [sflag:s31], $0x4000  }
0xd3: {  	[sflag:s31] =	ssyncset.done $0x0  }
0xd4: {  	s11 =	simm.s32 $0x400;
	s12 =	simm.s32 $0x1BD80;
	[sflag:s31] =	ssyncadd.s32 $0xFFFFC000  }
.LBB2_5:
0xd5: {  	[tilespmem:s26], [sflag:$0x2] =	stream.indirect.gather [hbm4b:s1+s24], $0x80, s12, s24, $0xb8;
	[tilespmem:$0x1E400] =	vst v63  }
0xd6: {  	s12 =	smov.u32 s11  }
0xd7: {  	p1 =	sne.s32 s11, $0x4800;
	s11 =	sadd.s32 $0x400, s11;
	_ =	swait.ge [sflag:s28], $0x4000  }
0xd8: {  	s12 =	sshra.s32 s12, $0x2;
	[sflag:s28] =	ssyncset.done $0x0  }
0xd9: {  	s13 =	sadd.s32 $0x1D000, s12;
	[sflag:s28] =	ssyncadd.s32 $0xFFFFC000  }
0xda: {  	[spmem:s2] =	stream.indirect.scatter.add.f32 [tilespmem:s20], [sflag:$0x3], $0x80, s13, s24, $0xb8;
	[tilespmem:$0x1E400] =	vst v63  }
0xdb: {  	_ =	swait.ge [sflag:s29], $0x4000  }
0xdc: {  	[sflag:s29] =	ssyncset.done $0x0  }
0xdd: {  	s13 =	sadd.s32 $0x1BD00, s12;
	[sflag:s29] =	ssyncadd.s32 $0xFFFFC000  }
0xde: {  	[tilespmem:s20], [sflag:$0x1] =	stream.indirect.gather [hbm4b:s1+s24], $0x80, s13, s24, $0xb8;
	[tilespmem:$0x1E400] =	vst v63  }
0xdf: {  	_ =	swait.ge [sflag:s30], $0x4000  }
0xe0: {  	[sflag:s30] =	ssyncset.done $0x0  }
.Ltmp7:
0xe1: {  	s13 =	sadd.s32 $0x1D080, s12;
	[sflag:s30] =	ssyncadd.s32 $0xFFFFC000;
	(pc) =	sbr.rel @p1 .LBB2_5-.Ltmp7, $4  }
0xe2: {  	[spmem:s2] =	stream.indirect.scatter.add.f32 [tilespmem:s26], [sflag:$0x4], $0x80, s13, s24, $0xb8;
	[tilespmem:$0x1E400] =	vst v63  }
0xe3: {  	_ =	swait.ge [sflag:s31], $0x4000  }
0xe4: {  	[sflag:s31] =	ssyncset.done $0x0  }
0xe5: {  	s12 =	sadd.s32 $0x1BD80, s12;
	[sflag:s31] =	ssyncadd.s32 $0xFFFFC000  }
0xe6: {  	[tilespmem:s26], [sflag:$0x2] =	stream.indirect.gather [hbm4b:s1+s24], $0x80, s12, s24, $0xb8;
	[tilespmem:$0x1E400] =	vst v63  }
0xe7: {  	_ =	swait.ge [sflag:s28], $0x4000  }
0xe8: {  	[sflag:s28] =	ssyncset.done $0x0  }
0xe9: {  	[sflag:s28] =	ssyncadd.s32 $0xFFFFC000  }
0xea: {  	[spmem:s2] =	stream.indirect.scatter.add.f32 [tilespmem:s20], [sflag:$0x3], $0x80, s0, s24, $0xb8;
	[tilespmem:$0x1E400] =	vst v63  }
0xeb: {  	_ =	swait.ge [sflag:s29], $0x4000  }
0xec: {  	[sflag:s29] =	ssyncset.done $0x0  }
0xed: {  	[sflag:s29] =	ssyncadd.s32 $0xFFFFC000  }
0xee: {  	_ =	swait.ge [sflag:s30], $0x4000  }
0xef: {  	[sflag:s30] =	ssyncset.done $0x0  }
0xf0: {  	[sflag:s30] =	ssyncadd.s32 $0xFFFFC000  }
0xf1: {  	[spmem:s2] =	stream.indirect.scatter.add.f32 [tilespmem:s26], [sflag:$0x4], $0x80, s10, s24, $0xb8;
	[tilespmem:$0x1E400] =	vst v63  }
0xf2: {  	_ =	swait.ge [sflag:s31], $0x4000  }
0xf3: {  	[sflag:s31] =	ssyncset.done $0x0  }
0xf4: {  	s11 =	simm.s32 $0x0;
	s13 =	rddreg [dreg:$0x6];
	[sflag:s31] =	ssyncadd.s32 $0xFFFFC000  }
0xf5: {  	[tilespmem:s22], [sflag:$0x5] =	stream.linear.gather [hbm4b:s13+s11], $0x1400, $0x38;
	[tilespmem:$0x1E400] =	vst v63  }
0xf6: {  	_ =	swait.ge [sflag:s21], $0x1400  }
0xf7: {  	[sflag:s21] =	ssyncset.done $0x0  }
0xf8: {  	s13 =	rddreg [dreg:$0x7];
	[sflag:s21] =	ssyncadd.s32 $0xFFFFEC00  }
0xf9: {  	[tilespmem:s23], [sflag:$0x5] =	stream.linear.gather [hbm4b:s13+s11], $0x1400, $0x38;
	[tilespmem:$0x1E400] =	vst v63  }
0xfa: {  	_ =	swait.ge [sflag:s21], $0x1400  }
0xfb: {  	[sflag:s21] =	ssyncset.done $0x0  }
0xfc: {  	[sflag:s21] =	ssyncadd.s32 $0xFFFFEC00  }
0xfd: {  	[tilespmem:s20], [sflag:$0x1] =	stream.indirect.gather [hbm4b:s1+s24], $0x80, s22, s24, $0xb8;
	[tilespmem:$0x1E400] =	vst v63  }
0xfe: {  	_ = 	snop  }
0xff: {  	[tilespmem:s26], [sflag:$0x2] =	stream.indirect.gather [hbm4b:s1+s24], $0x80, s25, s24, $0xb8;
	[tilespmem:$0x1E400] =	vst v63  }
0x100: {  	_ =	swait.ge [sflag:s28], $0x4000  }
0x101: {  	[sflag:s28] =	ssyncset.done $0x0  }
0x102: {  	s13 =	simm.s32 $0x1D000;
	[sflag:s28] =	ssyncadd.s32 $0xFFFFC000  }
0x103: {  	[spmem:s2] =	stream.indirect.scatter.add.f32 [tilespmem:s20], [sflag:$0x3], $0x80, s13, s24, $0xb8;
	[tilespmem:$0x1E400] =	vst v63  }
0x104: {  	_ =	swait.ge [sflag:s29], $0x4000  }
0x105: {  	[sflag:s29] =	ssyncset.done $0x0  }
0x106: {  	s12 =	simm.s32 $0x1BD00;
	[sflag:s29] =	ssyncadd.s32 $0xFFFFC000  }
0x107: {  	[tilespmem:s20], [sflag:$0x1] =	stream.indirect.gather [hbm4b:s1+s24], $0x80, s12, s24, $0xb8;
	[tilespmem:$0x1E400] =	vst v63  }
0x108: {  	_ =	swait.ge [sflag:s30], $0x4000  }
0x109: {  	[sflag:s30] =	ssyncset.done $0x0  }
0x10a: {  	s13 =	simm.s32 $0x1D080;
	[sflag:s30] =	ssyncadd.s32 $0xFFFFC000  }
0x10b: {  	[spmem:s2] =	stream.indirect.scatter.add.f32 [tilespmem:s26], [sflag:$0x4], $0x80, s13, s24, $0xb8;
	[tilespmem:$0x1E400] =	vst v63  }
0x10c: {  	_ =	swait.ge [sflag:s31], $0x4000  }
0x10d: {  	[sflag:s31] =	ssyncset.done $0x0  }
0x10e: {  	s11 =	simm.s32 $0x400;
	s12 =	simm.s32 $0x1BD80;
	[sflag:s31] =	ssyncadd.s32 $0xFFFFC000  }
.LBB2_7:
0x10f: {  	[tilespmem:s26], [sflag:$0x2] =	stream.indirect.gather [hbm4b:s1+s24], $0x80, s12, s24, $0xb8;
	[tilespmem:$0x1E400] =	vst v63  }
0x110: {  	s12 =	smov.u32 s11  }
0x111: {  	p1 =	seq.s32 s11, $0x4800;
	s11 =	sadd.s32 $0x400, s11;
	_ =	swait.ge [sflag:s28], $0x4000  }
0x112: {  	s12 =	sshra.s32 s12, $0x2;
	[sflag:s28] =	ssyncset.done $0x0  }
0x113: {  	s13 =	sadd.s32 $0x1D000, s12;
	[sflag:s28] =	ssyncadd.s32 $0xFFFFC000  }
0x114: {  	[spmem:s2] =	stream.indirect.scatter.add.f32 [tilespmem:s20], [sflag:$0x3], $0x80, s13, s24, $0xb8;
	[tilespmem:$0x1E400] =	vst v63  }
0x115: {  	_ =	swait.ge [sflag:s29], $0x4000  }
0x116: {  	[sflag:s29] =	ssyncset.done $0x0  }
0x117: {  	s13 =	sadd.s32 $0x1BD00, s12;
	[sflag:s29] =	ssyncadd.s32 $0xFFFFC000  }
0x118: {  	[tilespmem:s20], [sflag:$0x1] =	stream.indirect.gather [hbm4b:s1+s24], $0x80, s13, s24, $0xb8;
	[tilespmem:$0x1E400] =	vst v63  }
0x119: {  	_ =	swait.ge [sflag:s30], $0x4000  }
0x11a: {  	[sflag:s30] =	ssyncset.done $0x0  }
.Ltmp8:
0x11b: {  	s13 =	sadd.s32 $0x1D080, s12;
	[sflag:s30] =	ssyncadd.s32 $0xFFFFC000;
	(pc) =	sbr.rel @!p1 .LBB2_7-.Ltmp8, $4  }
0x11c: {  	[spmem:s2] =	stream.indirect.scatter.add.f32 [tilespmem:s26], [sflag:$0x4], $0x80, s13, s24, $0xb8;
	[tilespmem:$0x1E400] =	vst v63  }
0x11d: {  	_ =	swait.ge [sflag:s31], $0x4000  }
0x11e: {  	[sflag:s31] =	ssyncset.done $0x0  }
0x11f: {  	s12 =	sadd.s32 $0x1BD80, s12;
	[sflag:s31] =	ssyncadd.s32 $0xFFFFC000  }
.Ltmp9:
0x120: {  	_ = 	snop;
	(pc) =	sbr.rel .LBB2_8-.Ltmp9, $1  }
0x121: {  	_ =	sdelay $0x3  }
.LBB2_15:
0x122: {  	_ =	sfence.sel $0x180000  }
0x123: {  	[bflag:$0x0] =	sbarrier.arrive $0xFFFF  }
0x124: {  	_ =	strace $0x9000004A  }
0x125: {  	[bflag:$0x2] =	sbarrier.arrive $0xFFFF  }
0x126: {  	p0 =	sne.s32 s3, $0x0;
	s0 =	rddreg [dreg:$0x3]  }
0x127: {  	s0 =	sadd.s32 @!p0 $0x100000, s0  }
0x128: {  	[sflag:s0] =	ssyncadd.tile.s32 @!p0 $0x1;
	_ =	shalt  }
.Lfunc_end2:
_tile_overlayer_lowered:
.L_overlay_start_2:
0x129: {  	(tag) =	ssettag $0x2  }
0x12a: {  	s0 =	rddreg [dreg:$0x0];
	s2 =	stileid.u32  }
0x12b: {  	s1 =	rddreg [dreg:$0x1];
	p0 =	sne.s32 s2, $0x0  }
0x12c: {  	s3 =	rddreg [dreg:$0x2];
	[bflag:$0x3] =	sbarrier.arrive $0xFFFF;
	s2 =	simm.s32 @!p0 $0x1C05  }
0x12d: {  	[timem:s3], [sflag:s2] =	dma.local @!p0 [hbm:s0], s1  }
0x12e: {  	s0 =	simm.s32 @!p0 $0x5  }
0x12f: {  	_ =	swait.ge @!p0 [sflag:s0], s1  }
0x130: {  	s1 =	ssub.s32 @!p0 $0x0, s1;
	[sflag:s0] =	ssyncset.done @!p0 $0x0  }
0x131: {  	[sflag:s0] =	ssyncadd.s32 @!p0 s1  }
0x132: {  	[bflag:$0x3] =	sbarrier.arrive $0xFFFF  }
0x133: {  	_ =	shalt  }

// kernel: kernel.14.cloned.1.call-start
scs
__scs_entry_jumppad:
0x0: {  	(pc) =	sbr.rel $0x88, $3  }
0x1: {  	(tag) =	ssettag $0x0;
	lr =	simm.s32 $0x1  }
0x2: {  	[smem:$0x3F9B] =	sst lr;
	_ =	strace $0xD0000000  }
0x3: {  	_ = 	snop  }
0x4: {  	_ = 	snop  }
0x5: {  	_ = 	snop  }
0x6: {  	_ = 	snop  }
0x7: {  	_ = 	snop  }
__scs_overlays_trampoline_lowered:
0x8: {  	[smem:$0x3FAA] =	sst s0  }
0x9: {  	[smem:$0x3FAB] =	sst s1  }
0xa: {  	[smem:$0x3FAC] =	sst s2  }
0xb: {  	[smem:$0x3FAD] =	sst s3  }
0xc: {  	[smem:$0x3FAE] =	sst s4  }
0xd: {  	[smem:$0x3FAF] =	sst s5  }
0xe: {  	[smem:$0x3FB0] =	sst s6  }
0xf: {  	[smem:$0x3FB1] =	sst s7  }
0x10: {  	[smem:$0x3FB2] =	sst s8  }
0x11: {  	[smem:$0x3FB3] =	sst s9;
	s0 =	simm.s32 @!p0 $0x0  }
0x12: {  	s1 =	sld [smem:$0x3F99];
	s0 =	simm.s32 @p0 $0x1  }
0x13: {  	[smem:$0x3FB4] =	sst s0;
	s0 =	simm.s32 @!p1 $0x0  }
0x14: {  	s2 =	sld [smem:$0x3F98];
	s0 =	simm.s32 @p1 $0x1  }
0x15: {  	[smem:$0x3FB5] =	sst s0;
	s0 =	simm.s32 @!p2 $0x0  }
0x16: {  	s3 =	sld [smem:$0x3FDB];
	s0 =	simm.s32 @p2 $0x1  }
0x17: {  	s4 =	simm.s32 $0x1BF5;
	[smem:$0x3FB7] =	sst s0  }
0x18: {  	s0 =	sld [smem:$0x3F9A];
	_ =	swait.ge [sflag:s4], $0x0  }
0x19: {  	s7 =	sld [smem:$0x3F9B]  }
0x1a: {  	s8 =	sadd.s32 $0xFFFFE003, lr  }
0x1b: {  	s9 =	sadd.s32 $0xFFFFFEF7, lr;
	s5 =	simm.s32 $0xFFFFFFFF;
	p2 =	slt.u32 s8, $0xFFFFF086  }
0x1c: {  	p1 =	slt.u32 s9, $0xF7A;
	s5 =	simm.s32 @!p2 $0x0  }
0x1d: {  	s5 =	simm.s32 @p1 $0x1;
	p0 =	seq.s32 s7, s2  }
0x1e: {  	s7 =	smul.u32 @!p0 $0xF7A, s2;
	p2 =	seq.s32 @!p0 s5, $0x0  }
0x1f: {  	s9 =	smul.u32 $0xF7A, s1;
	s8 =	simm.s32 @!p0 $0x1BF5;
	p2 =	por !p2, p0  }
0x20: {  	[sflag:s8] =	ssyncset.s32 @!p0 $0xFFFFF086;
	s6 =	sadd.s32 @!p0 s3, s7;
	s7 =	simm.s32 @!p0 $0x108  }
0x21: {  	s3 =	sadd.s32 s3, s9;
	s6 =	sadd.s32 @!p0 $0x88, s6;
	s7 =	simm.s32 @p2 $0x1082  }
0x22: {  	[simem:s7], [sflag:s8] =	dma.local @!p0 [hbm:s6], $0xF7A  }
0x23: {  	s9 =	sor.u32 $0xD0000000, s2;
	s6 =	simm.s32 $0x108;
	_ =	swait.ge @!p0 [sflag:s8], $0x0  }
0x24: {  	s3 =	sadd.s32 $0x88, s3;
	s6 =	simm.s32 @!p1 $0x1082;
	[sflag:s4] =	ssyncset.s32 $0xFFFFF086  }
0x25: {  	[simem:s6], [sflag:s4] =	dma.local [hbm:s3], $0xF7A  }
0x26: {  	[smem:$0x3F9B] =	sst s1;
	(tag) =	ssettag s2;
	_ =	strace s9  }
0x27: {  	s1 =	sld [smem:$0x3FAB]  }
0x28: {  	s2 =	sld [smem:$0x3FAC]  }
0x29: {  	s4 =	sld [smem:$0x3FAE]  }
0x2a: {  	p0 =	seq.s32 s5, $0x0;
	s5 =	sld [smem:$0x3FAF]  }
0x2b: {  	s6 =	sld [smem:$0x3FB0]  }
0x2c: {  	s7 =	sld [smem:$0x3FB1]  }
0x2d: {  	s3 =	simm.s32 $0x108;
	s8 =	sld [smem:$0x3FB2]  }
0x2e: {  	s3 =	simm.s32 @!p0 $0x1082;
	s9 =	sld [smem:$0x3FB3]  }
0x2f: {  	lr =	sadd.s32 s0, s3;
	s0 =	sld [smem:$0x3FAA]  }
0x30: {  	s3 =	sld [smem:$0x3FAD]  }
0x31: {  	[smem:$0x3FB6] =	sst s10  }
0x32: {  	s10 =	sld [smem:$0x3FB4];
	_ =	sdelay $0x3  }
0x33: {  	p0 =	seq.s32 s10, $0x1;
	s10 =	sld [smem:$0x3FB6];
	_ =	sdelay $0x3  }
0x34: {  	[smem:$0x3FB6] =	sst s10  }
0x35: {  	s10 =	sld [smem:$0x3FB5];
	_ =	sdelay $0x3  }
0x36: {  	p1 =	seq.s32 s10, $0x1;
	s10 =	sld [smem:$0x3FB6];
	_ =	sdelay $0x3  }
0x37: {  	[smem:$0x3FB6] =	sst s10  }
0x38: {  	s10 =	sld [smem:$0x3FB7]  }
0x39: {  	_ = 	snop;
	(pc) =	sbr.ind lr, $3  }
0x3a: {  	_ = 	snop  }
0x3b: {  	_ = 	snop  }
0x3c: {  	p2 =	seq.s32 s10, $0x1;
	s10 =	sld [smem:$0x3FB6]  }
0x3d: {  	_ =	shalt  }
0x3e: {  	_ =	shalt  }
0x3f: {  	_ =	shalt  }
0x40: {  	_ =	shalt  }
0x41: {  	_ =	shalt  }
0x42: {  	_ =	shalt  }
0x43: {  	_ =	shalt  }
0x44: {  	_ =	shalt  }
0x45: {  	_ =	shalt  }
0x46: {  	_ =	shalt  }
0x47: {  	_ =	shalt  }
0x48: {  	_ =	shalt  }
0x49: {  	_ =	shalt  }
0x4a: {  	_ =	shalt  }
0x4b: {  	_ =	shalt  }
0x4c: {  	_ =	shalt  }
0x4d: {  	_ =	shalt  }
0x4e: {  	_ =	shalt  }
0x4f: {  	_ =	shalt  }
0x50: {  	_ =	shalt  }
0x51: {  	_ =	shalt  }
0x52: {  	_ =	shalt  }
0x53: {  	_ =	shalt  }
0x54: {  	_ =	shalt  }
0x55: {  	_ =	shalt  }
0x56: {  	_ =	shalt  }
0x57: {  	_ =	shalt  }
0x58: {  	_ =	shalt  }
0x59: {  	_ =	shalt  }
0x5a: {  	_ =	shalt  }
0x5b: {  	_ =	shalt  }
0x5c: {  	_ =	shalt  }
0x5d: {  	_ =	shalt  }
0x5e: {  	_ =	shalt  }
0x5f: {  	_ =	shalt  }
0x60: {  	_ =	shalt  }
0x61: {  	_ =	shalt  }
0x62: {  	_ =	shalt  }
0x63: {  	_ =	shalt  }
0x64: {  	_ =	shalt  }
0x65: {  	_ =	shalt  }
0x66: {  	_ =	shalt  }
0x67: {  	_ =	shalt  }
0x68: {  	_ =	shalt  }
0x69: {  	_ =	shalt  }
0x6a: {  	_ =	shalt  }
0x6b: {  	_ =	shalt  }
0x6c: {  	_ =	shalt  }
0x6d: {  	_ =	shalt  }
0x6e: {  	_ =	shalt  }
0x6f: {  	_ =	shalt  }
0x70: {  	_ =	shalt  }
0x71: {  	_ =	shalt  }
0x72: {  	_ =	shalt  }
0x73: {  	_ =	shalt  }
0x74: {  	_ =	shalt  }
0x75: {  	_ =	shalt  }
0x76: {  	_ =	shalt  }
0x77: {  	_ =	shalt  }
0x78: {  	_ =	shalt  }
0x79: {  	_ =	shalt  }
0x7a: {  	_ =	shalt  }
0x7b: {  	_ =	shalt  }
0x7c: {  	_ =	shalt  }
0x7d: {  	_ =	shalt  }
0x7e: {  	_ =	shalt  }
0x7f: {  	_ =	shalt  }
0x80: {  	_ =	shalt  }
0x81: {  	_ =	shalt  }
0x82: {  	_ =	shalt  }
0x83: {  	_ =	shalt  }
0x84: {  	_ =	shalt  }
0x85: {  	_ =	shalt  }
0x86: {  	_ =	shalt  }
0x87: {  	_ =	shalt  }
.Lfunc_end0:
.L_simem_size_0:
called_computation.2_lowered:
.L_overlay_start_0:
0x88: {  	s2 =	sld [smem:$0x3FD9]  }
0x89: {  	s3 =	sld [smem:$0x3FFE];
	_ =	sdelay $0x1  }
0x8a: {  	s1 =	srdreg.scid  }
0x8b: {  	s0 =	sand.u32 $0x1, s1  }
0x8c: {  	s17 =	sshll.u32 s0, $0xA;
	s2 =	sadd.s32 s3, s2  }
0x8d: {  	s2 =	sadd.s32 s2, s17  }
0x8e: {  	[smem:$0x3FC2] =	sst s2  }
0x8f: {  	_ = 	snop  }
0x90: {  	s2 =	sld [smem:$0x3FD0];
	(tm) =	ssettm $0x1  }
0x91: {  	s18 =	sld [smem:$0x3FFB];
	_ =	sdelay $0x3  }
0x92: {  	_ =	strace s18  }
0x93: {  	s3 =	sld [smem:$0x3FFC];
	_ =	sdelay $0x3  }
0x94: {  	_ =	strace s3  }
0x95: {  	s3 =	sld [smem:$0x3FFD];
	_ =	sdelay $0x3  }
0x96: {  	_ =	strace s3  }
0x97: {  	_ =	strace $0x8FFFFFFF  }
0x98: {  	s19 =	sld [smem:$0x3FDB];
	_ =	sdelay $0x1  }
0x99: {  	s4 =	simm.s32 $_scs_section_size  }
0x9a: {  	s5 =	simm.s32 $_size__tile_overlayer_lowered;
	s6 =	simm.s32 $_tile_overlayer_lowered  }
0x9b: {  	s22 =	simm.s32 $0x1BFF;
	s21 =	sshll.u32 s6, $0x1;
	s3 =	sadd.s32 s4, s19  }
0x9c: {  	s7 =	simm.s32 $0x0;
	s20 =	sshll.u32 s5, $0x1;
	s5 =	sadd.s32 s21, s3  }
0x9d: {  	[timem:s7], [sflag:s22] =	dma.local [hbm:s5], s20  }
0x9e: {  	_ =	swait.ge [sflag:s22], s20  }
0x9f: {  	s4 =	ssub.s32 $0x0, s20;
	[sflag:s22] =	ssyncset.done $0x0  }
0xa0: {  	[sflag:s22] =	ssyncadd.s32 s4;
	_ =	sdelay $0x1  }
0xa1: {  	s23 =	simm.s32 $0x1B8B  }
0xa2: {  	_ =	swait.ge [sflag:s23], $0x1  }
0xa3: {  	[sflag:s23] =	ssyncset.done $0x0  }
0xa4: {  	s25 =	simm.s32 $0x1B8E;
	s24 =	sld [smem:$0x3FFE];
	[sflag:s23] =	ssyncadd.s32 $0xFFFFFFFF  }
0xa5: {  	s26 =	simm.s32 $execute0_lowered;
	[smem:$0x3FD2] =	sst s25  }
0xa6: {  	s5 =	sshll.u32 s26, $0x1;
	_ =	strace $0x8000004C;
	[dreg:$0x1] =	wrdreg $0xFFFFFFFF  }
0xa7: {  	s28 =	simm.s32 $_size_execute0_lowered;
	s3 =	sadd.s32 s3, s5;
	[dreg:$0x0] =	wrdreg $0x0  }
0xa8: {  	s5 =	sshll.u32 s28, $0x1;
	[dreg:$0x2] =	wrdreg s3  }
0xa9: {  	[dreg:$0x3] =	wrdreg s5  }
0xaa: {  	[dreg:$0x4] =	wrdreg $0xC0  }
0xab: {  	_ =	task [dreg:s7], $0x5FFFF  }
0xac: {  	[dreg:$0x1] =	wrdreg $0xFFFFFFFF  }
0xad: {  	[dreg:$0x0] =	wrdreg $0x60  }
0xae: {  	[dreg:$0x2] =	wrdreg s2  }
0xaf: {  	[dreg:$0x3] =	wrdreg s24  }
0xb0: {  	[dreg:$0x4] =	wrdreg $0x0  }
0xb1: {  	[dreg:$0x5] =	wrdreg $0x9  }
0xb2: {  	_ =	task.clear_ibuf [dreg:s7], $0x6FFFF;
	_ =	strace $0x9000004C  }
0xb3: {  	s29 =	simm.s32 $0x9;
	_ =	strace $0x8000004E  }
0xb4: {  	_ =	swait.ge [sflag:s29], $0x1  }
0xb5: {  	[sflag:s29] =	ssyncadd.s32 $0xFFFFFFFF  }
0xb6: {  	_ =	strace $0x9000004E  }
0xb7: {  	_ =	sfence  }
0xb8: {  	s30 =	sld [smem:$0x0];
	_ =	sdelay $0x2  }
0xb9: {  	s31 =	sshll.u32 s1, $0xD;
	s1 =	sshrl.u32 s1, $0x2  }
0xba: {  	s3 =	sand.u32 $0x4000, s31;
	s1 =	sadd.s32 s1, s30  }
0xbb: {  	s0 =	sor.u32 s3, s0;
	s1 =	sshll.u32 s1, $0x11  }
0xbc: {  	s0 =	sor.u32 s1, s0  }
0xbd: {  	s0 =	sadd.s32 $0x8F2B, s0  }
0xbe: {  	[sflag:s0] =	ssyncadd.remote.s32 $0x1  }
0xbf: {  	_ =	sfence.sel $0xFFFF  }
0xc0: {  	[dreg:$0x0] =	wrdreg $0xFFFFFFFF;
	(pc) =	sbr.abs _section_cstart, $3  }
0xc1: {  	[dreg:$0x1] =	wrdreg $0xFFFFFFFF  }
0xc2: {  	_ =	task.clear_ibuf [dreg:s7], $0x2FFFF;
	_ =	strace $0x9FFFFFFF  }
0xc3: {  	(tm) =	ssettm $0x7FFFFFFF  }
tec
execute0_lowered:
.L_overlay_start_1:
0x0: {  	(tag) =	ssettag $0x1  }
0x1: {  	s1 =	rddreg [dreg:$0x0]  }
0x2: {  	s0 =	rddreg [dreg:$0x1]  }
0x3: {  	s2 =	rddreg [dreg:$0x2]  }
0x4: {  	s3 =	srdreg.scid;
	s4 =	simm.s32 $0x0;
	s20 =	simm.s32 $0x13C00  }
0x5: {  	s21 =	simm.s32 $0x5;
	s28 =	simm.s32 $0x1;
	s29 =	simm.s32 $0x3  }
0x6: {  	s30 =	simm.s32 $0x2;
	s10 =	sand.u32 $0x1, s3;
	s3 =	stileid.u32  }
0x7: {  	s31 =	simm.s32 $0x4;
	[smem:$0x7FF] =	sst s4;
	s5 =	smul.u32 $0x13C000, s10  }
0x8: {  	s11 =	sadd.s32 $0x61000, s0;
	s12 =	sadd.s32 $0x5C000, s0;
	s6 =	smul.u32 $0x13C00, s3  }
0x9: {  	s16 =	sadd.s32 $0x52000, s0;
	s17 =	sadd.s32 $0x57000, s0;
	s22 =	smul.u32 $0x4F000, s3  }
0xa: {  	_ =	strace $0x8000004D;
	s7 =	ssub.s32 $0x2, s10;
	s13 =	smul.u32 $0x2800, s3  }
0xb: {  	p0 =	seq.s32 s10, $0x1;
	s10 =	simm.s32 $0x1E380;
	s23 =	sshrl.u32 s7, $0x1  }
0xc: {  	s5 =	sadd.s32 s6, s5;
	s6 =	sshrl.u32 s22, $0x2;
	s19 =	ssub.s32 s7, s23  }
0xd: {  	s24 =	sshrl.u32 s13, $0x3;
	s22 =	simm.s32 $0x1BC00;
	s23 =	simm.s32 $0x1D000  }
0xe: {  	s5 =	sshrl.u32 s5, $0x3;
	s13 =	sadd.s32 s11, s24;
	s25 =	sadd.s32 s12, s24  }
0xf: {  	s18 =	sadd.s32 $0x280, s24;
	s14 =	sadd.s32 s16, s24;
	s15 =	sadd.s32 s17, s24  }
0x10: {  	s19 =	smax.u32 s19, $0x1;
	s24 =	simm.s32 $0x80;
	[dreg:$0x4] =	wrdreg s13  }
0x11: {  	s0 =	sadd.s32 s5, s0;
	s5 =	sadd.s32 s6, s2;
	[dreg:$0x5] =	wrdreg s25  }
.Ltmp0:
0x12: {  	s11 =	sadd.s32 s11, s18;
	s26 =	sadd.s32 s12, s18;
	(pc) =	sbr.rel .LBB2_1-.Ltmp0, $4  }
0x13: {  	s16 =	sadd.s32 s16, s18;
	s17 =	sadd.s32 s17, s18;
	s25 =	simm.s32 $0x1BC80  }
0x14: {  	s6 =	sadd.s32 $0x4000, s5;
	s7 =	sadd.s32 $0x8000, s5;
	[dreg:$0x6] =	wrdreg s11  }
0x15: {  	s8 =	sadd.s32 $0xC000, s5;
	s9 =	sadd.s32 $0x10000, s5;
	[dreg:$0x7] =	wrdreg s26  }
0x16: {  	v0 =	vimm.f32 $0.0e+00;
	s18 =	sadd.s32 $0x3000, s0;
	s26 =	simm.s32 $0x17C00;
	s0 =	simm.s32 $0x1E300  }
.LBB2_8:
0x17: {  	[tilespmem:s26], [sflag:$0x2] =	stream.indirect.gather [hbm4b:s1+s24], $0x80, s12, s24, $0xb8;
	[tilespmem:$0x1E400] =	vst v63  }
.LBB2_14:
0x18: {  	_ =	swait.ge [sflag:s28], $0x4000  }
0x19: {  	[sflag:s28] =	ssyncset.done $0x0  }
0x1a: {  	[sflag:s28] =	ssyncadd.s32 $0xFFFFC000  }
0x1b: {  	[spmem:s2] =	stream.indirect.scatter.add.f32 [tilespmem:s20], [sflag:$0x3], $0x80, s0, s24, $0xb8;
	[tilespmem:$0x1E400] =	vst v63  }
0x1c: {  	_ =	swait.ge [sflag:s29], $0x4000  }
0x1d: {  	[sflag:s29] =	ssyncset.done $0x0  }
0x1e: {  	[sflag:s29] =	ssyncadd.s32 $0xFFFFC000  }
0x1f: {  	_ =	swait.ge [sflag:s30], $0x4000  }
0x20: {  	[sflag:s30] =	ssyncset.done $0x0  }
0x21: {  	[sflag:s30] =	ssyncadd.s32 $0xFFFFC000  }
0x22: {  	[spmem:s2] =	stream.indirect.scatter.add.f32 [tilespmem:s26], [sflag:$0x4], $0x80, s10, s24, $0xb8;
	[tilespmem:$0x1E400] =	vst v63  }
0x23: {  	_ =	swait.ge [sflag:s31], $0x4000  }
0x24: {  	s11 =	sshll.u32 s3, $0x6;
	s4 =	sadd.s32 $0x1, s4;
	[sflag:s31] =	ssyncset.done $0x0  }
0x25: {  	s12 =	sshrl.u32 s5, $0x3;
	p1 =	sne.s32 s4, s19;
	[sflag:s31] =	ssyncadd.s32 $0xFFFFC000  }
.Ltmp1:
0x26: {  	s11 =	sor.u32 $0x1C05, s11;
	[bflag:$0x0] =	sbarrier.arrive $0xFFFF;
	(pc) =	sbr.rel @!p1 .LBB2_15-.Ltmp1, $4  }
0x27: {  	[hbm:s18], [sflag:s11] =	dma.local [spmem:s12], $0x2780  }
0x28: {  	_ =	swait.ge [sflag:s21], $0x2780  }
0x29: {  	[sflag:s21] =	ssyncset.done $0x0  }
0x2a: {  	[sflag:s21] =	ssyncadd.s32 $0xFFFFD880  }
.LBB2_1:
0x2b: {  	s11 =	simm.s32 $0x0;
	s12 =	simm.s32 $0x200  }
.LBB2_2:
0x2c: {  	p1 =	sne.s32 s12, $0xFE00;
	[tilespmem:s11+$0x13C70] =	vst v0  }
0x2d: {  	[tilespmem:s11+$0x13C00] =	vst v0  }
0x2e: {  	[tilespmem:s11+$0x13C10] =	vst v0  }
.Ltmp2:
0x2f: {  	[tilespmem:s11+$0x13C20] =	vst v0;
	(pc) =	sbr.rel @p1 .LBB2_2-.Ltmp2, $4  }
0x30: {  	[tilespmem:s11+$0x13C30] =	vst v0  }
0x31: {  	[tilespmem:s11+$0x13C40] =	vst v0  }
0x32: {  	[tilespmem:s11+$0x13C50] =	vst v0  }
0x33: {  	[tilespmem:s11+$0x13C60] =	vst v0;
	s11 =	sshra.s32 s12, $0x2;
	s12 =	sadd.s32 $0x200, s12  }
0x34: {  	[tilespmem:s11+$0x13C70] =	vst v0  }
0x35: {  	[tilespmem:s11+$0x13C00] =	vst v0  }
0x36: {  	[tilespmem:s11+$0x13C10] =	vst v0  }
0x37: {  	[tilespmem:s11+$0x13C20] =	vst v0  }
0x38: {  	[tilespmem:s11+$0x13C30] =	vst v0  }
0x39: {  	[tilespmem:s11+$0x13C40] =	vst v0  }
0x3a: {  	[tilespmem:s11+$0x13C50] =	vst v0  }
0x3b: {  	[tilespmem:s11+$0x13C60] =	vst v0  }
0x3c: {  	[spmem:s5] =	stream.linear.scatter [tilespmem:s20], [sflag:$0x5], $0x4000, $0x38;
	[tilespmem:$0x1E400] =	vst v63  }
0x3d: {  	_ =	swait.ge [sflag:s21], $0x4000  }
0x3e: {  	[sflag:s21] =	ssyncset.done $0x0  }
0x3f: {  	[sflag:s21] =	ssyncadd.s32 $0xFFFFC000  }
0x40: {  	[spmem:s6] =	stream.linear.scatter [tilespmem:s20], [sflag:$0x5], $0x4000, $0x38;
	[tilespmem:$0x1E400] =	vst v63  }
0x41: {  	_ =	swait.ge [sflag:s21], $0x4000  }
0x42: {  	[sflag:s21] =	ssyncset.done $0x0  }
0x43: {  	[sflag:s21] =	ssyncadd.s32 $0xFFFFC000  }
0x44: {  	[spmem:s7] =	stream.linear.scatter [tilespmem:s20], [sflag:$0x5], $0x4000, $0x38;
	[tilespmem:$0x1E400] =	vst v63  }
0x45: {  	_ =	swait.ge [sflag:s21], $0x4000  }
0x46: {  	[sflag:s21] =	ssyncset.done $0x0  }
0x47: {  	[sflag:s21] =	ssyncadd.s32 $0xFFFFC000  }
0x48: {  	[spmem:s8] =	stream.linear.scatter [tilespmem:s20], [sflag:$0x5], $0x4000, $0x38;
	[tilespmem:$0x1E400] =	vst v63  }
0x49: {  	_ =	swait.ge [sflag:s21], $0x4000  }
0x4a: {  	[sflag:s21] =	ssyncset.done $0x0  }
0x4b: {  	[sflag:s21] =	ssyncadd.s32 $0xFFFFC000  }
0x4c: {  	[spmem:s9] =	stream.linear.scatter [tilespmem:s20], [sflag:$0x5], $0x3C00, $0x38;
	[tilespmem:$0x1E400] =	vst v63  }
.Ltmp3:
0x4d: {  	_ =	swait.ge [sflag:s21], $0x3C00;
	(pc) =	sbr.rel @!p0 .LBB2_4-.Ltmp3, $4  }
0x4e: {  	[sflag:s21] =	ssyncset.done $0x0  }
0x4f: {  	[sflag:s21] =	ssyncadd.s32 $0xFFFFC400  }
0x50: {  	[bflag:$0x0] =	sbarrier.arrive $0xFFFF  }
0x51: {  	s11 =	simm.s32 $0x0  }
0x52: {  	[tilespmem:s22], [sflag:$0x5] =	stream.linear.gather [hbm4b:s14+s11], $0x1400, $0x38;
	[tilespmem:$0x1E400] =	vst v63  }
0x53: {  	_ =	swait.ge [sflag:s21], $0x1400  }
0x54: {  	[sflag:s21] =	ssyncset.done $0x0  }
0x55: {  	[sflag:s21] =	ssyncadd.s32 $0xFFFFEC00  }
0x56: {  	[tilespmem:s23], [sflag:$0x5] =	stream.linear.gather [hbm4b:s15+s11], $0x1400, $0x38;
	[tilespmem:$0x1E400] =	vst v63  }
0x57: {  	_ =	swait.ge [sflag:s21], $0x1400  }
0x58: {  	[sflag:s21] =	ssyncset.done $0x0  }
0x59: {  	[sflag:s21] =	ssyncadd.s32 $0xFFFFEC00  }
0x5a: {  	[tilespmem:s20], [sflag:$0x1] =	stream.indirect.gather [hbm4b:s1+s24], $0x80, s22, s24, $0xb8;
	[tilespmem:$0x1E400] =	vst v63  }
0x5b: {  	_ = 	snop  }
0x5c: {  	[tilespmem:s26], [sflag:$0x2] =	stream.indirect.gather [hbm4b:s1+s24], $0x80, s25, s24, $0xb8;
	[tilespmem:$0x1E400] =	vst v63  }
0x5d: {  	_ =	swait.ge [sflag:s28], $0x4000  }
0x5e: {  	[sflag:s28] =	ssyncset.done $0x0  }
0x5f: {  	s13 =	simm.s32 $0x1D000;
	[sflag:s28] =	ssyncadd.s32 $0xFFFFC000  }
0x60: {  	[spmem:s2] =	stream.indirect.scatter.add.f32 [tilespmem:s20], [sflag:$0x3], $0x80, s13, s24, $0xb8;
	[tilespmem:$0x1E400] =	vst v63  }
0x61: {  	_ =	swait.ge [sflag:s29], $0x4000  }
0x62: {  	[sflag:s29] =	ssyncset.done $0x0  }
0x63: {  	s12 =	simm.s32 $0x1BD00;
	[sflag:s29] =	ssyncadd.s32 $0xFFFFC000  }
0x64: {  	[tilespmem:s20], [sflag:$0x1] =	stream.indirect.gather [hbm4b:s1+s24], $0x80, s12, s24, $0xb8;
	[tilespmem:$0x1E400] =	vst v63  }
0x65: {  	_ =	swait.ge [sflag:s30], $0x4000  }
0x66: {  	[sflag:s30] =	ssyncset.done $0x0  }
0x67: {  	s13 =	simm.s32 $0x1D080;
	[sflag:s30] =	ssyncadd.s32 $0xFFFFC000  }
0x68: {  	[spmem:s2] =	stream.indirect.scatter.add.f32 [tilespmem:s26], [sflag:$0x4], $0x80, s13, s24, $0xb8;
	[tilespmem:$0x1E400] =	vst v63  }
0x69: {  	_ =	swait.ge [sflag:s31], $0x4000  }
0x6a: {  	[sflag:s31] =	ssyncset.done $0x0  }
0x6b: {  	s11 =	simm.s32 $0x400;
	s12 =	simm.s32 $0x1BD80;
	[sflag:s31] =	ssyncadd.s32 $0xFFFFC000  }
.LBB2_10:
0x6c: {  	[tilespmem:s26], [sflag:$0x2] =	stream.indirect.gather [hbm4b:s1+s24], $0x80, s12, s24, $0xb8;
	[tilespmem:$0x1E400] =	vst v63  }
0x6d: {  	s12 =	smov.u32 s11  }
0x6e: {  	p1 =	sne.s32 s11, $0x4800;
	s11 =	sadd.s32 $0x400, s11;
	_ =	swait.ge [sflag:s28], $0x4000  }
0x6f: {  	s12 =	sshra.s32 s12, $0x2;
	[sflag:s28] =	ssyncset.done $0x0  }
0x70: {  	s13 =	sadd.s32 $0x1D000, s12;
	[sflag:s28] =	ssyncadd.s32 $0xFFFFC000  }
0x71: {  	[spmem:s2] =	stream.indirect.scatter.add.f32 [tilespmem:s20], [sflag:$0x3], $0x80, s13, s24, $0xb8;
	[tilespmem:$0x1E400] =	vst v63  }
0x72: {  	_ =	swait.ge [sflag:s29], $0x4000  }
0x73: {  	[sflag:s29] =	ssyncset.done $0x0  }
0x74: {  	s13 =	sadd.s32 $0x1BD00, s12;
	[sflag:s29] =	ssyncadd.s32 $0xFFFFC000  }
0x75: {  	[tilespmem:s20], [sflag:$0x1] =	stream.indirect.gather [hbm4b:s1+s24], $0x80, s13, s24, $0xb8;
	[tilespmem:$0x1E400] =	vst v63  }
0x76: {  	_ =	swait.ge [sflag:s30], $0x4000  }
0x77: {  	[sflag:s30] =	ssyncset.done $0x0  }
.Ltmp4:
0x78: {  	s13 =	sadd.s32 $0x1D080, s12;
	[sflag:s30] =	ssyncadd.s32 $0xFFFFC000;
	(pc) =	sbr.rel @p1 .LBB2_10-.Ltmp4, $4  }
0x79: {  	[spmem:s2] =	stream.indirect.scatter.add.f32 [tilespmem:s26], [sflag:$0x4], $0x80, s13, s24, $0xb8;
	[tilespmem:$0x1E400] =	vst v63  }
0x7a: {  	_ =	swait.ge [sflag:s31], $0x4000  }
0x7b: {  	[sflag:s31] =	ssyncset.done $0x0  }
0x7c: {  	s12 =	sadd.s32 $0x1BD80, s12;
	[sflag:s31] =	ssyncadd.s32 $0xFFFFC000  }
0x7d: {  	[tilespmem:s26], [sflag:$0x2] =	stream.indirect.gather [hbm4b:s1+s24], $0x80, s12, s24, $0xb8;
	[tilespmem:$0x1E400] =	vst v63  }
0x7e: {  	_ =	swait.ge [sflag:s28], $0x4000  }
0x7f: {  	[sflag:s28] =	ssyncset.done $0x0  }
0x80: {  	[sflag:s28] =	ssyncadd.s32 $0xFFFFC000  }
0x81: {  	[spmem:s2] =	stream.indirect.scatter.add.f32 [tilespmem:s20], [sflag:$0x3], $0x80, s0, s24, $0xb8;
	[tilespmem:$0x1E400] =	vst v63  }
0x82: {  	_ =	swait.ge [sflag:s29], $0x4000  }
0x83: {  	[sflag:s29] =	ssyncset.done $0x0  }
0x84: {  	[sflag:s29] =	ssyncadd.s32 $0xFFFFC000  }
0x85: {  	_ =	swait.ge [sflag:s30], $0x4000  }
0x86: {  	[sflag:s30] =	ssyncset.done $0x0  }
0x87: {  	[sflag:s30] =	ssyncadd.s32 $0xFFFFC000  }
0x88: {  	[spmem:s2] =	stream.indirect.scatter.add.f32 [tilespmem:s26], [sflag:$0x4], $0x80, s10, s24, $0xb8;
	[tilespmem:$0x1E400] =	vst v63  }
0x89: {  	_ =	swait.ge [sflag:s31], $0x4000  }
0x8a: {  	[sflag:s31] =	ssyncset.done $0x0  }
0x8b: {  	s11 =	simm.s32 $0x0;
	[sflag:s31] =	ssyncadd.s32 $0xFFFFC000  }
0x8c: {  	[tilespmem:s22], [sflag:$0x5] =	stream.linear.gather [hbm4b:s16+s11], $0x1400, $0x38;
	[tilespmem:$0x1E400] =	vst v63  }
0x8d: {  	_ =	swait.ge [sflag:s21], $0x1400  }
0x8e: {  	[sflag:s21] =	ssyncset.done $0x0  }
0x8f: {  	[sflag:s21] =	ssyncadd.s32 $0xFFFFEC00  }
0x90: {  	[tilespmem:s23], [sflag:$0x5] =	stream.linear.gather [hbm4b:s17+s11], $0x1400, $0x38;
	[tilespmem:$0x1E400] =	vst v63  }
0x91: {  	_ =	swait.ge [sflag:s21], $0x1400  }
0x92: {  	[sflag:s21] =	ssyncset.done $0x0  }
0x93: {  	[sflag:s21] =	ssyncadd.s32 $0xFFFFEC00  }
0x94: {  	[tilespmem:s20], [sflag:$0x1] =	stream.indirect.gather [hbm4b:s1+s24], $0x80, s22, s24, $0xb8;
	[tilespmem:$0x1E400] =	vst v63  }
0x95: {  	_ = 	snop  }
0x96: {  	[tilespmem:s26], [sflag:$0x2] =	stream.indirect.gather [hbm4b:s1+s24], $0x80, s25, s24, $0xb8;
	[tilespmem:$0x1E400] =	vst v63  }
0x97: {  	_ =	swait.ge [sflag:s28], $0x4000  }
0x98: {  	[sflag:s28] =	ssyncset.done $0x0  }
0x99: {  	s13 =	simm.s32 $0x1D000;
	[sflag:s28] =	ssyncadd.s32 $0xFFFFC000  }
0x9a: {  	[spmem:s2] =	stream.indirect.scatter.add.f32 [tilespmem:s20], [sflag:$0x3], $0x80, s13, s24, $0xb8;
	[tilespmem:$0x1E400] =	vst v63  }
0x9b: {  	_ =	swait.ge [sflag:s29], $0x4000  }
0x9c: {  	[sflag:s29] =	ssyncset.done $0x0  }
0x9d: {  	s12 =	simm.s32 $0x1BD00;
	[sflag:s29] =	ssyncadd.s32 $0xFFFFC000  }
0x9e: {  	[tilespmem:s20], [sflag:$0x1] =	stream.indirect.gather [hbm4b:s1+s24], $0x80, s12, s24, $0xb8;
	[tilespmem:$0x1E400] =	vst v63  }
0x9f: {  	_ =	swait.ge [sflag:s30], $0x4000  }
0xa0: {  	[sflag:s30] =	ssyncset.done $0x0  }
0xa1: {  	s13 =	simm.s32 $0x1D080;
	[sflag:s30] =	ssyncadd.s32 $0xFFFFC000  }
0xa2: {  	[spmem:s2] =	stream.indirect.scatter.add.f32 [tilespmem:s26], [sflag:$0x4], $0x80, s13, s24, $0xb8;
	[tilespmem:$0x1E400] =	vst v63  }
0xa3: {  	_ =	swait.ge [sflag:s31], $0x4000  }
0xa4: {  	[sflag:s31] =	ssyncset.done $0x0  }
0xa5: {  	s11 =	simm.s32 $0x400;
	s12 =	simm.s32 $0x1BD80;
	[sflag:s31] =	ssyncadd.s32 $0xFFFFC000  }
.LBB2_12:
0xa6: {  	[tilespmem:s26], [sflag:$0x2] =	stream.indirect.gather [hbm4b:s1+s24], $0x80, s12, s24, $0xb8;
	[tilespmem:$0x1E400] =	vst v63  }
0xa7: {  	s12 =	smov.u32 s11  }
0xa8: {  	p1 =	sne.s32 s11, $0x4800;
	s11 =	sadd.s32 $0x400, s11;
	_ =	swait.ge [sflag:s28], $0x4000  }
0xa9: {  	s12 =	sshra.s32 s12, $0x2;
	[sflag:s28] =	ssyncset.done $0x0  }
0xaa: {  	s13 =	sadd.s32 $0x1D000, s12;
	[sflag:s28] =	ssyncadd.s32 $0xFFFFC000  }
0xab: {  	[spmem:s2] =	stream.indirect.scatter.add.f32 [tilespmem:s20], [sflag:$0x3], $0x80, s13, s24, $0xb8;
	[tilespmem:$0x1E400] =	vst v63  }
0xac: {  	_ =	swait.ge [sflag:s29], $0x4000  }
0xad: {  	[sflag:s29] =	ssyncset.done $0x0  }
0xae: {  	s13 =	sadd.s32 $0x1BD00, s12;
	[sflag:s29] =	ssyncadd.s32 $0xFFFFC000  }
0xaf: {  	[tilespmem:s20], [sflag:$0x1] =	stream.indirect.gather [hbm4b:s1+s24], $0x80, s13, s24, $0xb8;
	[tilespmem:$0x1E400] =	vst v63  }
0xb0: {  	_ =	swait.ge [sflag:s30], $0x4000  }
0xb1: {  	[sflag:s30] =	ssyncset.done $0x0  }
.Ltmp5:
0xb2: {  	s13 =	sadd.s32 $0x1D080, s12;
	[sflag:s30] =	ssyncadd.s32 $0xFFFFC000;
	(pc) =	sbr.rel @p1 .LBB2_12-.Ltmp5, $4  }
0xb3: {  	[spmem:s2] =	stream.indirect.scatter.add.f32 [tilespmem:s26], [sflag:$0x4], $0x80, s13, s24, $0xb8;
	[tilespmem:$0x1E400] =	vst v63  }
0xb4: {  	_ =	swait.ge [sflag:s31], $0x4000  }
0xb5: {  	[sflag:s31] =	ssyncset.done $0x0  }
0xb6: {  	s12 =	sadd.s32 $0x1BD80, s12;
	[sflag:s31] =	ssyncadd.s32 $0xFFFFC000  }
.Ltmp6:
0xb7: {  	(pc) =	sbr.rel .LBB2_14-.Ltmp6, $2  }
0xb8: {  	_ =	sdelay $0x2  }
0xb9: {  	[tilespmem:s26], [sflag:$0x2] =	stream.indirect.gather [hbm4b:s1+s24], $0x80, s12, s24, $0xb8;
	[tilespmem:$0x1E400] =	vst v63  }
.LBB2_4:
0xba: {  	s12 =	rddreg [dreg:$0x4]  }
0xbb: {  	[tilespmem:s22], [sflag:$0x5] =	stream.linear.gather [hbm4b:s12+s11], $0x1400, $0x38;
	[tilespmem:$0x1E400] =	vst v63  }
0xbc: {  	_ =	swait.ge [sflag:s21], $0x1400  }
0xbd: {  	[sflag:s21] =	ssyncset.done $0x0  }
0xbe: {  	s13 =	rddreg [dreg:$0x5];
	[sflag:s21] =	ssyncadd.s32 $0xFFFFEC00  }
0xbf: {  	[tilespmem:s23], [sflag:$0x5] =	stream.linear.gather [hbm4b:s13+s11], $0x1400, $0x38;
	[tilespmem:$0x1E400] =	vst v63  }
0xc0: {  	_ =	swait.ge [sflag:s21], $0x1400  }
0xc1: {  	[sflag:s21] =	ssyncset.done $0x0  }
0xc2: {  	[sflag:s21] =	ssyncadd.s32 $0xFFFFEC00  }
0xc3: {  	[tilespmem:s20], [sflag:$0x1] =	stream.indirect.gather [hbm4b:s1+s24], $0x80, s22, s24, $0xb8;
	[tilespmem:$0x1E400] =	vst v63  }
0xc4: {  	_ = 	snop  }
0xc5: {  	[tilespmem:s26], [sflag:$0x2] =	stream.indirect.gather [hbm4b:s1+s24], $0x80, s25, s24, $0xb8;
	[tilespmem:$0x1E400] =	vst v63  }
0xc6: {  	_ =	swait.ge [sflag:s28], $0x4000  }
0xc7: {  	[sflag:s28] =	ssyncset.done $0x0  }
0xc8: {  	s13 =	simm.s32 $0x1D000;
	[sflag:s28] =	ssyncadd.s32 $0xFFFFC000  }
0xc9: {  	[spmem:s2] =	stream.indirect.scatter.add.f32 [tilespmem:s20], [sflag:$0x3], $0x80, s13, s24, $0xb8;
	[tilespmem:$0x1E400] =	vst v63  }
0xca: {  	_ =	swait.ge [sflag:s29], $0x4000  }
0xcb: {  	[sflag:s29] =	ssyncset.done $0x0  }
0xcc: {  	s12 =	simm.s32 $0x1BD00;
	[sflag:s29] =	ssyncadd.s32 $0xFFFFC000  }
0xcd: {  	[tilespmem:s20], [sflag:$0x1] =	stream.indirect.gather [hbm4b:s1+s24], $0x80, s12, s24, $0xb8;
	[tilespmem:$0x1E400] =	vst v63  }
0xce: {  	_ =	swait.ge [sflag:s30], $0x4000  }
0xcf: {  	[sflag:s30] =	ssyncset.done $0x0  }
0xd0: {  	s13 =	simm.s32 $0x1D080;
	[sflag:s30] =	ssyncadd.s32 $0xFFFFC000  }
0xd1: {  	[spmem:s2] =	stream.indirect.scatter.add.f32 [tilespmem:s26], [sflag:$0x4], $0x80, s13, s24, $0xb8;
	[tilespmem:$0x1E400] =	vst v63  }
0xd2: {  	_ =	swait.ge [sflag:s31], $0x4000  }
0xd3: {  	[sflag:s31] =	ssyncset.done $0x0  }
0xd4: {  	s11 =	simm.s32 $0x400;
	s12 =	simm.s32 $0x1BD80;
	[sflag:s31] =	ssyncadd.s32 $0xFFFFC000  }
.LBB2_5:
0xd5: {  	[tilespmem:s26], [sflag:$0x2] =	stream.indirect.gather [hbm4b:s1+s24], $0x80, s12, s24, $0xb8;
	[tilespmem:$0x1E400] =	vst v63  }
0xd6: {  	s12 =	smov.u32 s11  }
0xd7: {  	p1 =	sne.s32 s11, $0x4800;
	s11 =	sadd.s32 $0x400, s11;
	_ =	swait.ge [sflag:s28], $0x4000  }
0xd8: {  	s12 =	sshra.s32 s12, $0x2;
	[sflag:s28] =	ssyncset.done $0x0  }
0xd9: {  	s13 =	sadd.s32 $0x1D000, s12;
	[sflag:s28] =	ssyncadd.s32 $0xFFFFC000  }
0xda: {  	[spmem:s2] =	stream.indirect.scatter.add.f32 [tilespmem:s20], [sflag:$0x3], $0x80, s13, s24, $0xb8;
	[tilespmem:$0x1E400] =	vst v63  }
0xdb: {  	_ =	swait.ge [sflag:s29], $0x4000  }
0xdc: {  	[sflag:s29] =	ssyncset.done $0x0  }
0xdd: {  	s13 =	sadd.s32 $0x1BD00, s12;
	[sflag:s29] =	ssyncadd.s32 $0xFFFFC000  }
0xde: {  	[tilespmem:s20], [sflag:$0x1] =	stream.indirect.gather [hbm4b:s1+s24], $0x80, s13, s24, $0xb8;
	[tilespmem:$0x1E400] =	vst v63  }
0xdf: {  	_ =	swait.ge [sflag:s30], $0x4000  }
0xe0: {  	[sflag:s30] =	ssyncset.done $0x0  }
.Ltmp7:
0xe1: {  	s13 =	sadd.s32 $0x1D080, s12;
	[sflag:s30] =	ssyncadd.s32 $0xFFFFC000;
	(pc) =	sbr.rel @p1 .LBB2_5-.Ltmp7, $4  }
0xe2: {  	[spmem:s2] =	stream.indirect.scatter.add.f32 [tilespmem:s26], [sflag:$0x4], $0x80, s13, s24, $0xb8;
	[tilespmem:$0x1E400] =	vst v63  }
0xe3: {  	_ =	swait.ge [sflag:s31], $0x4000  }
0xe4: {  	[sflag:s31] =	ssyncset.done $0x0  }
0xe5: {  	s12 =	sadd.s32 $0x1BD80, s12;
	[sflag:s31] =	ssyncadd.s32 $0xFFFFC000  }
0xe6: {  	[tilespmem:s26], [sflag:$0x2] =	stream.indirect.gather [hbm4b:s1+s24], $0x80, s12, s24, $0xb8;
	[tilespmem:$0x1E400] =	vst v63  }
0xe7: {  	_ =	swait.ge [sflag:s28], $0x4000  }
0xe8: {  	[sflag:s28] =	ssyncset.done $0x0  }
0xe9: {  	[sflag:s28] =	ssyncadd.s32 $0xFFFFC000  }
0xea: {  	[spmem:s2] =	stream.indirect.scatter.add.f32 [tilespmem:s20], [sflag:$0x3], $0x80, s0, s24, $0xb8;
	[tilespmem:$0x1E400] =	vst v63  }
0xeb: {  	_ =	swait.ge [sflag:s29], $0x4000  }
0xec: {  	[sflag:s29] =	ssyncset.done $0x0  }
0xed: {  	[sflag:s29] =	ssyncadd.s32 $0xFFFFC000  }
0xee: {  	_ =	swait.ge [sflag:s30], $0x4000  }
0xef: {  	[sflag:s30] =	ssyncset.done $0x0  }
0xf0: {  	[sflag:s30] =	ssyncadd.s32 $0xFFFFC000  }
0xf1: {  	[spmem:s2] =	stream.indirect.scatter.add.f32 [tilespmem:s26], [sflag:$0x4], $0x80, s10, s24, $0xb8;
	[tilespmem:$0x1E400] =	vst v63  }
0xf2: {  	_ =	swait.ge [sflag:s31], $0x4000  }
0xf3: {  	[sflag:s31] =	ssyncset.done $0x0  }
0xf4: {  	s11 =	simm.s32 $0x0;
	s13 =	rddreg [dreg:$0x6];
	[sflag:s31] =	ssyncadd.s32 $0xFFFFC000  }
0xf5: {  	[tilespmem:s22], [sflag:$0x5] =	stream.linear.gather [hbm4b:s13+s11], $0x1400, $0x38;
	[tilespmem:$0x1E400] =	vst v63  }
0xf6: {  	_ =	swait.ge [sflag:s21], $0x1400  }
0xf7: {  	[sflag:s21] =	ssyncset.done $0x0  }
0xf8: {  	s13 =	rddreg [dreg:$0x7];
	[sflag:s21] =	ssyncadd.s32 $0xFFFFEC00  }
0xf9: {  	[tilespmem:s23], [sflag:$0x5] =	stream.linear.gather [hbm4b:s13+s11], $0x1400, $0x38;
	[tilespmem:$0x1E400] =	vst v63  }
0xfa: {  	_ =	swait.ge [sflag:s21], $0x1400  }
0xfb: {  	[sflag:s21] =	ssyncset.done $0x0  }
0xfc: {  	[sflag:s21] =	ssyncadd.s32 $0xFFFFEC00  }
0xfd: {  	[tilespmem:s20], [sflag:$0x1] =	stream.indirect.gather [hbm4b:s1+s24], $0x80, s22, s24, $0xb8;
	[tilespmem:$0x1E400] =	vst v63  }
0xfe: {  	_ = 	snop  }
0xff: {  	[tilespmem:s26], [sflag:$0x2] =	stream.indirect.gather [hbm4b:s1+s24], $0x80, s25, s24, $0xb8;
	[tilespmem:$0x1E400] =	vst v63  }
0x100: {  	_ =	swait.ge [sflag:s28], $0x4000  }
0x101: {  	[sflag:s28] =	ssyncset.done $0x0  }
0x102: {  	s13 =	simm.s32 $0x1D000;
	[sflag:s28] =	ssyncadd.s32 $0xFFFFC000  }
0x103: {  	[spmem:s2] =	stream.indirect.scatter.add.f32 [tilespmem:s20], [sflag:$0x3], $0x80, s13, s24, $0xb8;
	[tilespmem:$0x1E400] =	vst v63  }
0x104: {  	_ =	swait.ge [sflag:s29], $0x4000  }
0x105: {  	[sflag:s29] =	ssyncset.done $0x0  }
0x106: {  	s12 =	simm.s32 $0x1BD00;
	[sflag:s29] =	ssyncadd.s32 $0xFFFFC000  }
0x107: {  	[tilespmem:s20], [sflag:$0x1] =	stream.indirect.gather [hbm4b:s1+s24], $0x80, s12, s24, $0xb8;
	[tilespmem:$0x1E400] =	vst v63  }
0x108: {  	_ =	swait.ge [sflag:s30], $0x4000  }
0x109: {  	[sflag:s30] =	ssyncset.done $0x0  }
0x10a: {  	s13 =	simm.s32 $0x1D080;
	[sflag:s30] =	ssyncadd.s32 $0xFFFFC000  }
0x10b: {  	[spmem:s2] =	stream.indirect.scatter.add.f32 [tilespmem:s26], [sflag:$0x4], $0x80, s13, s24, $0xb8;
	[tilespmem:$0x1E400] =	vst v63  }
0x10c: {  	_ =	swait.ge [sflag:s31], $0x4000  }
0x10d: {  	[sflag:s31] =	ssyncset.done $0x0  }
0x10e: {  	s11 =	simm.s32 $0x400;
	s12 =	simm.s32 $0x1BD80;
	[sflag:s31] =	ssyncadd.s32 $0xFFFFC000  }
.LBB2_7:
0x10f: {  	[tilespmem:s26], [sflag:$0x2] =	stream.indirect.gather [hbm4b:s1+s24], $0x80, s12, s24, $0xb8;
	[tilespmem:$0x1E400] =	vst v63  }
0x110: {  	s12 =	smov.u32 s11  }
0x111: {  	p1 =	seq.s32 s11, $0x4800;
	s11 =	sadd.s32 $0x400, s11;
	_ =	swait.ge [sflag:s28], $0x4000  }
0x112: {  	s12 =	sshra.s32 s12, $0x2;
	[sflag:s28] =	ssyncset.done $0x0  }
0x113: {  	s13 =	sadd.s32 $0x1D000, s12;
	[sflag:s28] =	ssyncadd.s32 $0xFFFFC000  }
0x114: {  	[spmem:s2] =	stream.indirect.scatter.add.f32 [tilespmem:s20], [sflag:$0x3], $0x80, s13, s24, $0xb8;
	[tilespmem:$0x1E400] =	vst v63  }
0x115: {  	_ =	swait.ge [sflag:s29], $0x4000  }
0x116: {  	[sflag:s29] =	ssyncset.done $0x0  }
0x117: {  	s13 =	sadd.s32 $0x1BD00, s12;
	[sflag:s29] =	ssyncadd.s32 $0xFFFFC000  }
0x118: {  	[tilespmem:s20], [sflag:$0x1] =	stream.indirect.gather [hbm4b:s1+s24], $0x80, s13, s24, $0xb8;
	[tilespmem:$0x1E400] =	vst v63  }
0x119: {  	_ =	swait.ge [sflag:s30], $0x4000  }
0x11a: {  	[sflag:s30] =	ssyncset.done $0x0  }
.Ltmp8:
0x11b: {  	s13 =	sadd.s32 $0x1D080, s12;
	[sflag:s30] =	ssyncadd.s32 $0xFFFFC000;
	(pc) =	sbr.rel @!p1 .LBB2_7-.Ltmp8, $4  }
0x11c: {  	[spmem:s2] =	stream.indirect.scatter.add.f32 [tilespmem:s26], [sflag:$0x4], $0x80, s13, s24, $0xb8;
	[tilespmem:$0x1E400] =	vst v63  }
0x11d: {  	_ =	swait.ge [sflag:s31], $0x4000  }
0x11e: {  	[sflag:s31] =	ssyncset.done $0x0  }
0x11f: {  	s12 =	sadd.s32 $0x1BD80, s12;
	[sflag:s31] =	ssyncadd.s32 $0xFFFFC000  }
.Ltmp9:
0x120: {  	_ = 	snop;
	(pc) =	sbr.rel .LBB2_8-.Ltmp9, $1  }
0x121: {  	_ =	sdelay $0x3  }
.LBB2_15:
0x122: {  	_ =	sfence.sel $0x180000  }
0x123: {  	[bflag:$0x0] =	sbarrier.arrive $0xFFFF  }
0x124: {  	_ =	strace $0x9000004D  }
0x125: {  	[bflag:$0x2] =	sbarrier.arrive $0xFFFF  }
0x126: {  	p0 =	sne.s32 s3, $0x0;
	s0 =	rddreg [dreg:$0x3]  }
0x127: {  	s0 =	sadd.s32 @!p0 $0x100000, s0  }
0x128: {  	[sflag:s0] =	ssyncadd.tile.s32 @!p0 $0x1;
	_ =	shalt  }
.Lfunc_end2:
_tile_overlayer_lowered:
.L_overlay_start_2:
0x129: {  	(tag) =	ssettag $0x2  }
0x12a: {  	s0 =	rddreg [dreg:$0x0];
	s2 =	stileid.u32  }
0x12b: {  	s1 =	rddreg [dreg:$0x1];
	p0 =	sne.s32 s2, $0x0  }
0x12c: {  	s3 =	rddreg [dreg:$0x2];
	[bflag:$0x3] =	sbarrier.arrive $0xFFFF;
	s2 =	simm.s32 @!p0 $0x1C05  }
0x12d: {  	[timem:s3], [sflag:s2] =	dma.local @!p0 [hbm:s0], s1  }
0x12e: {  	s0 =	simm.s32 @!p0 $0x5  }
0x12f: {  	_ =	swait.ge @!p0 [sflag:s0], s1  }
0x130: {  	s1 =	ssub.s32 @!p0 $0x0, s1;
	[sflag:s0] =	ssyncset.done @!p0 $0x0  }
0x131: {  	[sflag:s0] =	ssyncadd.s32 @!p0 s1  }
0x132: {  	[bflag:$0x3] =	sbarrier.arrive $0xFFFF  }
0x133: {  	_ =	shalt  }

// kernel: kernel.8.cloned.1.call-start
scs
__scs_entry_jumppad:
0x0: {  	(pc) =	sbr.rel $0x88, $3  }
0x1: {  	(tag) =	ssettag $0x0;
	lr =	simm.s32 $0x1  }
0x2: {  	[smem:$0x3F9B] =	sst lr;
	_ =	strace $0xD0000000  }
0x3: {  	_ = 	snop  }
0x4: {  	_ = 	snop  }
0x5: {  	_ = 	snop  }
0x6: {  	_ = 	snop  }
0x7: {  	_ = 	snop  }
__scs_overlays_trampoline_lowered:
0x8: {  	[smem:$0x3FAA] =	sst s0  }
0x9: {  	[smem:$0x3FAB] =	sst s1  }
0xa: {  	[smem:$0x3FAC] =	sst s2  }
0xb: {  	[smem:$0x3FAD] =	sst s3  }
0xc: {  	[smem:$0x3FAE] =	sst s4  }
0xd: {  	[smem:$0x3FAF] =	sst s5  }
0xe: {  	[smem:$0x3FB0] =	sst s6  }
0xf: {  	[smem:$0x3FB1] =	sst s7  }
0x10: {  	[smem:$0x3FB2] =	sst s8  }
0x11: {  	[smem:$0x3FB3] =	sst s9;
	s0 =	simm.s32 @!p0 $0x0  }
0x12: {  	s1 =	sld [smem:$0x3F99];
	s0 =	simm.s32 @p0 $0x1  }
0x13: {  	[smem:$0x3FB4] =	sst s0;
	s0 =	simm.s32 @!p1 $0x0  }
0x14: {  	s2 =	sld [smem:$0x3F98];
	s0 =	simm.s32 @p1 $0x1  }
0x15: {  	[smem:$0x3FB5] =	sst s0;
	s0 =	simm.s32 @!p2 $0x0  }
0x16: {  	s3 =	sld [smem:$0x3FDB];
	s0 =	simm.s32 @p2 $0x1  }
0x17: {  	s4 =	simm.s32 $0x1BF5;
	[smem:$0x3FB7] =	sst s0  }
0x18: {  	s0 =	sld [smem:$0x3F9A];
	_ =	swait.ge [sflag:s4], $0x0  }
0x19: {  	s7 =	sld [smem:$0x3F9B]  }
0x1a: {  	s8 =	sadd.s32 $0xFFFFE003, lr  }
0x1b: {  	s9 =	sadd.s32 $0xFFFFFEF7, lr;
	s5 =	simm.s32 $0xFFFFFFFF;
	p2 =	slt.u32 s8, $0xFFFFF086  }
0x1c: {  	p1 =	slt.u32 s9, $0xF7A;
	s5 =	simm.s32 @!p2 $0x0  }
0x1d: {  	s5 =	simm.s32 @p1 $0x1;
	p0 =	seq.s32 s7, s2  }
0x1e: {  	s7 =	smul.u32 @!p0 $0xF7A, s2;
	p2 =	seq.s32 @!p0 s5, $0x0  }
0x1f: {  	s9 =	smul.u32 $0xF7A, s1;
	s8 =	simm.s32 @!p0 $0x1BF5;
	p2 =	por !p2, p0  }
0x20: {  	[sflag:s8] =	ssyncset.s32 @!p0 $0xFFFFF086;
	s6 =	sadd.s32 @!p0 s3, s7;
	s7 =	simm.s32 @!p0 $0x108  }
0x21: {  	s3 =	sadd.s32 s3, s9;
	s6 =	sadd.s32 @!p0 $0x88, s6;
	s7 =	simm.s32 @p2 $0x1082  }
0x22: {  	[simem:s7], [sflag:s8] =	dma.local @!p0 [hbm:s6], $0xF7A  }
0x23: {  	s9 =	sor.u32 $0xD0000000, s2;
	s6 =	simm.s32 $0x108;
	_ =	swait.ge @!p0 [sflag:s8], $0x0  }
0x24: {  	s3 =	sadd.s32 $0x88, s3;
	s6 =	simm.s32 @!p1 $0x1082;
	[sflag:s4] =	ssyncset.s32 $0xFFFFF086  }
0x25: {  	[simem:s6], [sflag:s4] =	dma.local [hbm:s3], $0xF7A  }
0x26: {  	[smem:$0x3F9B] =	sst s1;
	(tag) =	ssettag s2;
	_ =	strace s9  }
0x27: {  	s1 =	sld [smem:$0x3FAB]  }
0x28: {  	s2 =	sld [smem:$0x3FAC]  }
0x29: {  	s4 =	sld [smem:$0x3FAE]  }
0x2a: {  	p0 =	seq.s32 s5, $0x0;
	s5 =	sld [smem:$0x3FAF]  }
0x2b: {  	s6 =	sld [smem:$0x3FB0]  }
0x2c: {  	s7 =	sld [smem:$0x3FB1]  }
0x2d: {  	s3 =	simm.s32 $0x108;
	s8 =	sld [smem:$0x3FB2]  }
0x2e: {  	s3 =	simm.s32 @!p0 $0x1082;
	s9 =	sld [smem:$0x3FB3]  }
0x2f: {  	lr =	sadd.s32 s0, s3;
	s0 =	sld [smem:$0x3FAA]  }
0x30: {  	s3 =	sld [smem:$0x3FAD]  }
0x31: {  	[smem:$0x3FB6] =	sst s10  }
0x32: {  	s10 =	sld [smem:$0x3FB4];
	_ =	sdelay $0x3  }
0x33: {  	p0 =	seq.s32 s10, $0x1;
	s10 =	sld [smem:$0x3FB6];
	_ =	sdelay $0x3  }
0x34: {  	[smem:$0x3FB6] =	sst s10  }
0x35: {  	s10 =	sld [smem:$0x3FB5];
	_ =	sdelay $0x3  }
0x36: {  	p1 =	seq.s32 s10, $0x1;
	s10 =	sld [smem:$0x3FB6];
	_ =	sdelay $0x3  }
0x37: {  	[smem:$0x3FB6] =	sst s10  }
0x38: {  	s10 =	sld [smem:$0x3FB7]  }
0x39: {  	_ = 	snop;
	(pc) =	sbr.ind lr, $3  }
0x3a: {  	_ = 	snop  }
0x3b: {  	_ = 	snop  }
0x3c: {  	p2 =	seq.s32 s10, $0x1;
	s10 =	sld [smem:$0x3FB6]  }
0x3d: {  	_ =	shalt  }
0x3e: {  	_ =	shalt  }
0x3f: {  	_ =	shalt  }
0x40: {  	_ =	shalt  }
0x41: {  	_ =	shalt  }
0x42: {  	_ =	shalt  }
0x43: {  	_ =	shalt  }
0x44: {  	_ =	shalt  }
0x45: {  	_ =	shalt  }
0x46: {  	_ =	shalt  }
0x47: {  	_ =	shalt  }
0x48: {  	_ =	shalt  }
0x49: {  	_ =	shalt  }
0x4a: {  	_ =	shalt  }
0x4b: {  	_ =	shalt  }
0x4c: {  	_ =	shalt  }
0x4d: {  	_ =	shalt  }
0x4e: {  	_ =	shalt  }
0x4f: {  	_ =	shalt  }
0x50: {  	_ =	shalt  }
0x51: {  	_ =	shalt  }
0x52: {  	_ =	shalt  }
0x53: {  	_ =	shalt  }
0x54: {  	_ =	shalt  }
0x55: {  	_ =	shalt  }
0x56: {  	_ =	shalt  }
0x57: {  	_ =	shalt  }
0x58: {  	_ =	shalt  }
0x59: {  	_ =	shalt  }
0x5a: {  	_ =	shalt  }
0x5b: {  	_ =	shalt  }
0x5c: {  	_ =	shalt  }
0x5d: {  	_ =	shalt  }
0x5e: {  	_ =	shalt  }
0x5f: {  	_ =	shalt  }
0x60: {  	_ =	shalt  }
0x61: {  	_ =	shalt  }
0x62: {  	_ =	shalt  }
0x63: {  	_ =	shalt  }
0x64: {  	_ =	shalt  }
0x65: {  	_ =	shalt  }
0x66: {  	_ =	shalt  }
0x67: {  	_ =	shalt  }
0x68: {  	_ =	shalt  }
0x69: {  	_ =	shalt  }
0x6a: {  	_ =	shalt  }
0x6b: {  	_ =	shalt  }
0x6c: {  	_ =	shalt  }
0x6d: {  	_ =	shalt  }
0x6e: {  	_ =	shalt  }
0x6f: {  	_ =	shalt  }
0x70: {  	_ =	shalt  }
0x71: {  	_ =	shalt  }
0x72: {  	_ =	shalt  }
0x73: {  	_ =	shalt  }
0x74: {  	_ =	shalt  }
0x75: {  	_ =	shalt  }
0x76: {  	_ =	shalt  }
0x77: {  	_ =	shalt  }
0x78: {  	_ =	shalt  }
0x79: {  	_ =	shalt  }
0x7a: {  	_ =	shalt  }
0x7b: {  	_ =	shalt  }
0x7c: {  	_ =	shalt  }
0x7d: {  	_ =	shalt  }
0x7e: {  	_ =	shalt  }
0x7f: {  	_ =	shalt  }
0x80: {  	_ =	shalt  }
0x81: {  	_ =	shalt  }
0x82: {  	_ =	shalt  }
0x83: {  	_ =	shalt  }
0x84: {  	_ =	shalt  }
0x85: {  	_ =	shalt  }
0x86: {  	_ =	shalt  }
0x87: {  	_ =	shalt  }
.Lfunc_end0:
.L_simem_size_0:
called_computation_lowered:
.L_overlay_start_0:
0x88: {  	s2 =	sld [smem:$0x3FD9]  }
0x89: {  	s3 =	sld [smem:$0x3FFE];
	_ =	sdelay $0x1  }
0x8a: {  	s1 =	srdreg.scid  }
0x8b: {  	s0 =	sand.u32 $0x1, s1  }
0x8c: {  	s17 =	sshll.u32 s0, $0xA;
	s2 =	sadd.s32 s3, s2  }
0x8d: {  	s2 =	sadd.s32 s2, s17  }
0x8e: {  	[smem:$0x3FC2] =	sst s2  }
0x8f: {  	_ = 	snop  }
0x90: {  	s2 =	sld [smem:$0x3FD0];
	(tm) =	ssettm $0x1  }
0x91: {  	s18 =	sld [smem:$0x3FFB];
	_ =	sdelay $0x3  }
0x92: {  	_ =	strace s18  }
0x93: {  	s3 =	sld [smem:$0x3FFC];
	_ =	sdelay $0x3  }
0x94: {  	_ =	strace s3  }
0x95: {  	s3 =	sld [smem:$0x3FFD];
	_ =	sdelay $0x3  }
0x96: {  	_ =	strace s3  }
0x97: {  	_ =	strace $0x8FFFFFFF  }
0x98: {  	s19 =	sld [smem:$0x3FDB];
	_ =	sdelay $0x1  }
0x99: {  	s4 =	simm.s32 $_scs_section_size  }
0x9a: {  	s5 =	simm.s32 $_size__tile_overlayer_lowered;
	s6 =	simm.s32 $_tile_overlayer_lowered  }
0x9b: {  	s22 =	simm.s32 $0x1BFF;
	s21 =	sshll.u32 s6, $0x1;
	s3 =	sadd.s32 s4, s19  }
0x9c: {  	s7 =	simm.s32 $0x0;
	s20 =	sshll.u32 s5, $0x1;
	s5 =	sadd.s32 s21, s3  }
0x9d: {  	[timem:s7], [sflag:s22] =	dma.local [hbm:s5], s20  }
0x9e: {  	_ =	swait.ge [sflag:s22], s20  }
0x9f: {  	s4 =	ssub.s32 $0x0, s20;
	[sflag:s22] =	ssyncset.done $0x0  }
0xa0: {  	[sflag:s22] =	ssyncadd.s32 s4;
	_ =	sdelay $0x1  }
0xa1: {  	s23 =	simm.s32 $0x1B8B  }
0xa2: {  	_ =	swait.ge [sflag:s23], $0x1  }
0xa3: {  	[sflag:s23] =	ssyncset.done $0x0  }
0xa4: {  	s25 =	simm.s32 $0x1B8E;
	s24 =	sld [smem:$0x3FFE];
	[sflag:s23] =	ssyncadd.s32 $0xFFFFFFFF  }
0xa5: {  	s26 =	simm.s32 $execute0_lowered;
	[smem:$0x3FD2] =	sst s25  }
0xa6: {  	s5 =	sshll.u32 s26, $0x1;
	_ =	strace $0x80000046;
	[dreg:$0x1] =	wrdreg $0xFFFFFFFF  }
0xa7: {  	s28 =	simm.s32 $_size_execute0_lowered;
	s3 =	sadd.s32 s3, s5;
	[dreg:$0x0] =	wrdreg $0x0  }
0xa8: {  	s5 =	sshll.u32 s28, $0x1;
	[dreg:$0x2] =	wrdreg s3  }
0xa9: {  	[dreg:$0x3] =	wrdreg s5  }
0xaa: {  	[dreg:$0x4] =	wrdreg $0xC0  }
0xab: {  	_ =	task [dreg:s7], $0x5FFFF  }
0xac: {  	[dreg:$0x1] =	wrdreg $0xFFFFFFFF  }
0xad: {  	[dreg:$0x0] =	wrdreg $0x60  }
0xae: {  	[dreg:$0x2] =	wrdreg s2  }
0xaf: {  	[dreg:$0x3] =	wrdreg s24  }
0xb0: {  	[dreg:$0x4] =	wrdreg $0x0  }
0xb1: {  	[dreg:$0x5] =	wrdreg $0x9  }
0xb2: {  	_ =	task.clear_ibuf [dreg:s7], $0x6FFFF;
	_ =	strace $0x90000046  }
0xb3: {  	s29 =	simm.s32 $0x9;
	_ =	strace $0x80000048  }
0xb4: {  	_ =	swait.ge [sflag:s29], $0x1  }
0xb5: {  	[sflag:s29] =	ssyncadd.s32 $0xFFFFFFFF  }
0xb6: {  	_ =	strace $0x90000048  }
0xb7: {  	_ =	sfence  }
0xb8: {  	s30 =	sld [smem:$0x0];
	_ =	sdelay $0x2  }
0xb9: {  	s31 =	sshll.u32 s1, $0xD;
	s1 =	sshrl.u32 s1, $0x2  }
0xba: {  	s3 =	sand.u32 $0x4000, s31;
	s1 =	sadd.s32 s1, s30  }
0xbb: {  	s0 =	sor.u32 s3, s0;
	s1 =	sshll.u32 s1, $0x11  }
0xbc: {  	s0 =	sor.u32 s1, s0  }
0xbd: {  	s0 =	sadd.s32 $0x8F2B, s0  }
0xbe: {  	[sflag:s0] =	ssyncadd.remote.s32 $0x1  }
0xbf: {  	_ =	sfence.sel $0xFFFF  }
0xc0: {  	[dreg:$0x0] =	wrdreg $0xFFFFFFFF;
	(pc) =	sbr.abs _section_cstart, $3  }
0xc1: {  	[dreg:$0x1] =	wrdreg $0xFFFFFFFF  }
0xc2: {  	_ =	task.clear_ibuf [dreg:s7], $0x2FFFF;
	_ =	strace $0x9FFFFFFF  }
0xc3: {  	(tm) =	ssettm $0x7FFFFFFF  }
tec
execute0_lowered:
.L_overlay_start_1:
0x0: {  	(tag) =	ssettag $0x1  }
0x1: {  	s9 =	rddreg [dreg:$0x0]  }
0x2: {  	s4 =	rddreg [dreg:$0x1]  }
0x3: {  	s2 =	rddreg [dreg:$0x2]  }
0x4: {  	s0 =	srdreg.scid;
	s1 =	rddreg [dreg:$0x3];
	s3 =	simm.s32 $0x0  }
0x5: {  	s13 =	simm.s32 $0x2;
	s14 =	simm.s32 $0x17C00;
	s5 =	sand.u32 $0x1, s0  }
0x6: {  	s15 =	simm.s32 $0x80;
	s0 =	stileid.u32;
	s6 =	smul.u32 $0x13C000, s5  }
0x7: {  	s16 =	simm.s32 $0x1;
	[smem:$0x7FF] =	sst s3;
	s7 =	smul.u32 $0x13C00, s0  }
0x8: {  	_ =	strace $0x80000047;
	s29 =	smul.u32 $0x4F000, s0;
	s30 =	ssub.s32 $0x2, s5  }
0x9: {  	s5 =	sshll.u32 s5, $0x4;
	s17 =	sshll.u32 s0, $0x6;
	s31 =	sshrl.u32 s30, $0x1  }
0xa: {  	s5 =	sor.u32 s0, s5;
	s17 =	sor.u32 $0x1C02, s17;
	s6 =	sadd.s32 s7, s6  }
0xb: {  	s11 =	ssub.s32 s30, s31;
	s12 =	smul.u32 $0x500, s5;
	s6 =	sshrl.u32 s6, $0x3  }
0xc: {  	s7 =	sshrl.u32 s29, $0x2;
	s11 =	smax.u32 s11, $0x1;
	s10 =	sadd.s32 s6, s4  }
0xd: {  	s4 =	sadd.s32 s7, s2;
	s9 =	sadd.s32 s9, s12;
	s12 =	simm.s32 $0x13C00  }
0xe: {  	s5 =	sadd.s32 $0x4000, s4;
	s6 =	sadd.s32 $0x8000, s4;
	s7 =	sadd.s32 $0xC000, s4  }
0xf: {  	v0 =	vimm.f32 $0.0e+00;
	v1 =	vimm.f32 $1.000000000e+00;
	s8 =	sadd.s32 $0x10000, s4;
	s10 =	sadd.s32 $0x3000, s10;
	s18 =	sshrl.u32 s4, $0x3  }
.LBB2_1:
0x10: {  	s19 =	simm.s32 $0x0;
	s20 =	simm.s32 $0x200  }
.LBB2_2:
0x11: {  	p0 =	sne.s32 s20, $0xFE00;
	[tilespmem:s19+$0x13C70] =	vst v0  }
0x12: {  	[tilespmem:s19+$0x13C00] =	vst v0  }
0x13: {  	[tilespmem:s19+$0x13C10] =	vst v0  }
.Ltmp0:
0x14: {  	[tilespmem:s19+$0x13C20] =	vst v0;
	(pc) =	sbr.rel @p0 .LBB2_2-.Ltmp0, $4  }
0x15: {  	[tilespmem:s19+$0x13C30] =	vst v0  }
0x16: {  	[tilespmem:s19+$0x13C40] =	vst v0  }
0x17: {  	[tilespmem:s19+$0x13C50] =	vst v0  }
0x18: {  	[tilespmem:s19+$0x13C60] =	vst v0;
	s19 =	sshra.s32 s20, $0x2;
	s20 =	sadd.s32 $0x200, s20  }
0x19: {  	[tilespmem:s19+$0x13C70] =	vst v0  }
0x1a: {  	[tilespmem:s19+$0x13C00] =	vst v0  }
0x1b: {  	[tilespmem:s19+$0x13C10] =	vst v0  }
0x1c: {  	[tilespmem:s19+$0x13C20] =	vst v0  }
0x1d: {  	[tilespmem:s19+$0x13C30] =	vst v0  }
0x1e: {  	[tilespmem:s19+$0x13C40] =	vst v0  }
0x1f: {  	[tilespmem:s19+$0x13C50] =	vst v0  }
0x20: {  	[tilespmem:s19+$0x13C60] =	vst v0  }
0x21: {  	[spmem:s4] =	stream.linear.scatter [tilespmem:s12], [sflag:$0x2], $0x4000, $0x38;
	[tilespmem:$0x1A400] =	vst v63  }
0x22: {  	_ =	swait.ge [sflag:s13], $0x4000  }
0x23: {  	[sflag:s13] =	ssyncset.done $0x0  }
0x24: {  	[sflag:s13] =	ssyncadd.s32 $0xFFFFC000  }
0x25: {  	[spmem:s5] =	stream.linear.scatter [tilespmem:s12], [sflag:$0x2], $0x4000, $0x38;
	[tilespmem:$0x1A400] =	vst v63  }
0x26: {  	_ =	swait.ge [sflag:s13], $0x4000  }
0x27: {  	[sflag:s13] =	ssyncset.done $0x0  }
0x28: {  	[sflag:s13] =	ssyncadd.s32 $0xFFFFC000  }
0x29: {  	[spmem:s6] =	stream.linear.scatter [tilespmem:s12], [sflag:$0x2], $0x4000, $0x38;
	[tilespmem:$0x1A400] =	vst v63  }
0x2a: {  	_ =	swait.ge [sflag:s13], $0x4000  }
0x2b: {  	[sflag:s13] =	ssyncset.done $0x0  }
0x2c: {  	[sflag:s13] =	ssyncadd.s32 $0xFFFFC000  }
0x2d: {  	[spmem:s7] =	stream.linear.scatter [tilespmem:s12], [sflag:$0x2], $0x4000, $0x38;
	[tilespmem:$0x1A400] =	vst v63  }
0x2e: {  	_ =	swait.ge [sflag:s13], $0x4000  }
0x2f: {  	[sflag:s13] =	ssyncset.done $0x0  }
0x30: {  	[sflag:s13] =	ssyncadd.s32 $0xFFFFC000  }
0x31: {  	[spmem:s8] =	stream.linear.scatter [tilespmem:s12], [sflag:$0x2], $0x3C00, $0x38;
	[tilespmem:$0x1A400] =	vst v63  }
0x32: {  	_ =	swait.ge [sflag:s13], $0x3C00  }
0x33: {  	[sflag:s13] =	ssyncset.done $0x0  }
0x34: {  	s19 =	simm.s32 $0x0;
	s20 =	simm.s32 $0x200;
	[sflag:s13] =	ssyncadd.s32 $0xFFFFC400  }
.LBB2_4:
0x35: {  	p0 =	sne.s32 s20, $0xFE00;
	[tilespmem:s19+$0x13C70] =	vst v1  }
0x36: {  	[tilespmem:s19+$0x13C00] =	vst v1  }
0x37: {  	[tilespmem:s19+$0x13C10] =	vst v1  }
.Ltmp1:
0x38: {  	[tilespmem:s19+$0x13C20] =	vst v1;
	(pc) =	sbr.rel @p0 .LBB2_4-.Ltmp1, $4  }
0x39: {  	[tilespmem:s19+$0x13C30] =	vst v1  }
0x3a: {  	[tilespmem:s19+$0x13C40] =	vst v1  }
0x3b: {  	[tilespmem:s19+$0x13C50] =	vst v1  }
0x3c: {  	[tilespmem:s19+$0x13C60] =	vst v1;
	s19 =	sshra.s32 s20, $0x2;
	s20 =	sadd.s32 $0x200, s20  }
0x3d: {  	[tilespmem:s19+$0x13C70] =	vst v1  }
0x3e: {  	[tilespmem:s19+$0x13C00] =	vst v1  }
0x3f: {  	[tilespmem:s19+$0x13C10] =	vst v1  }
0x40: {  	[tilespmem:s19+$0x13C20] =	vst v1  }
0x41: {  	[tilespmem:s19+$0x13C30] =	vst v1  }
0x42: {  	[tilespmem:s19+$0x13C40] =	vst v1  }
0x43: {  	[tilespmem:s19+$0x13C50] =	vst v1  }
0x44: {  	[tilespmem:s19+$0x13C60] =	vst v1;
	s22 =	simm.s32 $0x0  }
0x45: {  	[tilespmem:s14], [sflag:$0x2] =	stream.linear.gather [hbm4b:s9+s22], $0x2800, $0x38;
	[tilespmem:$0x1A400] =	vst v63  }
0x46: {  	_ =	swait.ge [sflag:s13], $0x2800  }
0x47: {  	[sflag:s13] =	ssyncset.done $0x0  }
0x48: {  	[sflag:s13] =	ssyncadd.s32 $0xFFFFD800  }
0x49: {  	s23 =	simm.s32 $0x17C00;
	[bflag:$0x0] =	sbarrier.arrive $0xFFFF  }
0x4a: {  	[spmem:s2] =	stream.indirect.scatter.add.f32 [tilespmem:s12], [sflag:$0x1], $0x80, s23, s15, $0xb8;
	[tilespmem:$0x1A400] =	vst v63  }
0x4b: {  	s24 =	simm.s32 $0x17C80  }
0x4c: {  	[spmem:s2] =	stream.indirect.scatter.add.f32 [tilespmem:s12], [sflag:$0x1], $0x80, s24, s15, $0xb8;
	[tilespmem:$0x1A400] =	vst v63  }
0x4d: {  	s25 =	simm.s32 $0x17D00  }
0x4e: {  	[spmem:s2] =	stream.indirect.scatter.add.f32 [tilespmem:s12], [sflag:$0x1], $0x80, s25, s15, $0xb8;
	[tilespmem:$0x1A400] =	vst v63  }
0x4f: {  	s26 =	simm.s32 $0x17D80  }
0x50: {  	[spmem:s2] =	stream.indirect.scatter.add.f32 [tilespmem:s12], [sflag:$0x1], $0x80, s26, s15, $0xb8;
	[tilespmem:$0x1A400] =	vst v63  }
0x51: {  	s28 =	simm.s32 $0x17E00  }
0x52: {  	[spmem:s2] =	stream.indirect.scatter.add.f32 [tilespmem:s12], [sflag:$0x1], $0x80, s28, s15, $0xb8;
	[tilespmem:$0x1A400] =	vst v63  }
0x53: {  	s29 =	simm.s32 $0x17E80  }
0x54: {  	[spmem:s2] =	stream.indirect.scatter.add.f32 [tilespmem:s12], [sflag:$0x1], $0x80, s29, s15, $0xb8;
	[tilespmem:$0x1A400] =	vst v63  }
0x55: {  	s30 =	simm.s32 $0x17F00  }
0x56: {  	[spmem:s2] =	stream.indirect.scatter.add.f32 [tilespmem:s12], [sflag:$0x1], $0x80, s30, s15, $0xb8;
	[tilespmem:$0x1A400] =	vst v63  }
0x57: {  	s31 =	simm.s32 $0x17F80  }
0x58: {  	[spmem:s2] =	stream.indirect.scatter.add.f32 [tilespmem:s12], [sflag:$0x1], $0x80, s31, s15, $0xb8;
	[tilespmem:$0x1A400] =	vst v63  }
0x59: {  	_ =	swait.ge [sflag:s16], $0x4000  }
0x5a: {  	[sflag:s16] =	ssyncset.done $0x0  }
0x5b: {  	[sflag:s16] =	ssyncadd.s32 $0xFFFFC000  }
0x5c: {  	_ =	swait.ge [sflag:s16], $0x4000  }
0x5d: {  	[sflag:s16] =	ssyncset.done $0x0  }
0x5e: {  	[sflag:s16] =	ssyncadd.s32 $0xFFFFC000  }
0x5f: {  	_ =	swait.ge [sflag:s16], $0x4000  }
0x60: {  	[sflag:s16] =	ssyncset.done $0x0  }
0x61: {  	[sflag:s16] =	ssyncadd.s32 $0xFFFFC000  }
0x62: {  	_ =	swait.ge [sflag:s16], $0x4000  }
0x63: {  	[sflag:s16] =	ssyncset.done $0x0  }
0x64: {  	[sflag:s16] =	ssyncadd.s32 $0xFFFFC000  }
0x65: {  	_ =	swait.ge [sflag:s16], $0x4000  }
0x66: {  	[sflag:s16] =	ssyncset.done $0x0  }
0x67: {  	[sflag:s16] =	ssyncadd.s32 $0xFFFFC000  }
0x68: {  	_ =	swait.ge [sflag:s16], $0x4000  }
0x69: {  	[sflag:s16] =	ssyncset.done $0x0  }
0x6a: {  	[sflag:s16] =	ssyncadd.s32 $0xFFFFC000  }
0x6b: {  	_ =	swait.ge [sflag:s16], $0x4000  }
0x6c: {  	[sflag:s16] =	ssyncset.done $0x0  }
0x6d: {  	[sflag:s16] =	ssyncadd.s32 $0xFFFFC000  }
0x6e: {  	_ =	swait.ge [sflag:s16], $0x4000  }
0x6f: {  	s21 =	simm.s32 $0x400;
	s22 =	simm.s32 $0x2000;
	[sflag:s16] =	ssyncset.done $0x0  }
.LBB2_6:
0x70: {  	s23 =	sadd.s32 $0x17C00, s21  }
0x71: {  	[sflag:s16] =	ssyncadd.s32 $0xFFFFC000;
	s20 =	smov.u32 s22;
	s19 =	sadd.s32 $0x1000, s22  }
0x72: {  	[spmem:s2] =	stream.indirect.scatter.add.f32 [tilespmem:s12], [sflag:$0x1], $0x80, s23, s15, $0xb8;
	[tilespmem:$0x1A400] =	vst v63  }
0x73: {  	p0 =	sne.s32 s22, $0x9000;
	s22 =	sadd.s32 $0x17C80, s21  }
0x74: {  	[spmem:s2] =	stream.indirect.scatter.add.f32 [tilespmem:s12], [sflag:$0x1], $0x80, s22, s15, $0xb8;
	[tilespmem:$0x1A400] =	vst v63  }
0x75: {  	s22 =	sadd.s32 $0x17D00, s21  }
0x76: {  	[spmem:s2] =	stream.indirect.scatter.add.f32 [tilespmem:s12], [sflag:$0x1], $0x80, s22, s15, $0xb8;
	[tilespmem:$0x1A400] =	vst v63  }
0x77: {  	s22 =	sadd.s32 $0x17D80, s21  }
0x78: {  	[spmem:s2] =	stream.indirect.scatter.add.f32 [tilespmem:s12], [sflag:$0x1], $0x80, s22, s15, $0xb8;
	[tilespmem:$0x1A400] =	vst v63  }
0x79: {  	s22 =	sadd.s32 $0x17E00, s21  }
0x7a: {  	[spmem:s2] =	stream.indirect.scatter.add.f32 [tilespmem:s12], [sflag:$0x1], $0x80, s22, s15, $0xb8;
	[tilespmem:$0x1A400] =	vst v63  }
0x7b: {  	s22 =	sadd.s32 $0x17E80, s21  }
0x7c: {  	[spmem:s2] =	stream.indirect.scatter.add.f32 [tilespmem:s12], [sflag:$0x1], $0x80, s22, s15, $0xb8;
	[tilespmem:$0x1A400] =	vst v63  }
0x7d: {  	s22 =	sadd.s32 $0x17F00, s21  }
0x7e: {  	[spmem:s2] =	stream.indirect.scatter.add.f32 [tilespmem:s12], [sflag:$0x1], $0x80, s22, s15, $0xb8;
	[tilespmem:$0x1A400] =	vst v63  }
0x7f: {  	s21 =	sadd.s32 $0x17F80, s21  }
0x80: {  	[spmem:s2] =	stream.indirect.scatter.add.f32 [tilespmem:s12], [sflag:$0x1], $0x80, s21, s15, $0xb8;
	[tilespmem:$0x1A400] =	vst v63  }
0x81: {  	_ =	swait.ge [sflag:s16], $0x4000  }
0x82: {  	[sflag:s16] =	ssyncset.done $0x0  }
0x83: {  	[sflag:s16] =	ssyncadd.s32 $0xFFFFC000  }
0x84: {  	_ =	swait.ge [sflag:s16], $0x4000  }
0x85: {  	[sflag:s16] =	ssyncset.done $0x0  }
0x86: {  	[sflag:s16] =	ssyncadd.s32 $0xFFFFC000  }
0x87: {  	_ =	swait.ge [sflag:s16], $0x4000  }
0x88: {  	[sflag:s16] =	ssyncset.done $0x0  }
0x89: {  	[sflag:s16] =	ssyncadd.s32 $0xFFFFC000  }
0x8a: {  	_ =	swait.ge [sflag:s16], $0x4000  }
0x8b: {  	[sflag:s16] =	ssyncset.done $0x0  }
0x8c: {  	[sflag:s16] =	ssyncadd.s32 $0xFFFFC000  }
0x8d: {  	_ =	swait.ge [sflag:s16], $0x4000  }
0x8e: {  	[sflag:s16] =	ssyncset.done $0x0  }
0x8f: {  	[sflag:s16] =	ssyncadd.s32 $0xFFFFC000  }
0x90: {  	_ =	swait.ge [sflag:s16], $0x4000  }
0x91: {  	[sflag:s16] =	ssyncset.done $0x0  }
0x92: {  	[sflag:s16] =	ssyncadd.s32 $0xFFFFC000  }
.Ltmp2:
0x93: {  	_ =	swait.ge [sflag:s16], $0x4000;
	(pc) =	sbr.rel @p0 .LBB2_6-.Ltmp2, $4  }
0x94: {  	[sflag:s16] =	ssyncset.done $0x0  }
0x95: {  	[sflag:s16] =	ssyncadd.s32 $0xFFFFC000  }
0x96: {  	_ =	swait.ge [sflag:s16], $0x4000  }
0x97: {  	s22 =	smov.u32 s19;
	s21 =	sshra.s32 s20, $0x2;
	[sflag:s16] =	ssyncset.done $0x0  }
0x98: {  	s19 =	sadd.s32 $0x17C00, s21;
	[sflag:s16] =	ssyncadd.s32 $0xFFFFC000  }
0x99: {  	[spmem:s2] =	stream.indirect.scatter.add.f32 [tilespmem:s12], [sflag:$0x1], $0x80, s19, s15, $0xb8;
	[tilespmem:$0x1A400] =	vst v63  }
0x9a: {  	s24 =	sadd.s32 $0x17C80, s21  }
0x9b: {  	[spmem:s2] =	stream.indirect.scatter.add.f32 [tilespmem:s12], [sflag:$0x1], $0x80, s24, s15, $0xb8;
	[tilespmem:$0x1A400] =	vst v63  }
0x9c: {  	s25 =	sadd.s32 $0x17D00, s21  }
0x9d: {  	[spmem:s2] =	stream.indirect.scatter.add.f32 [tilespmem:s12], [sflag:$0x1], $0x80, s25, s15, $0xb8;
	[tilespmem:$0x1A400] =	vst v63  }
0x9e: {  	s26 =	sadd.s32 $0x17D80, s21  }
0x9f: {  	[spmem:s2] =	stream.indirect.scatter.add.f32 [tilespmem:s12], [sflag:$0x1], $0x80, s26, s15, $0xb8;
	[tilespmem:$0x1A400] =	vst v63  }
0xa0: {  	s28 =	sadd.s32 $0x17E00, s21  }
0xa1: {  	[spmem:s2] =	stream.indirect.scatter.add.f32 [tilespmem:s12], [sflag:$0x1], $0x80, s28, s15, $0xb8;
	[tilespmem:$0x1A400] =	vst v63  }
0xa2: {  	s29 =	sadd.s32 $0x17E80, s21  }
0xa3: {  	[spmem:s2] =	stream.indirect.scatter.add.f32 [tilespmem:s12], [sflag:$0x1], $0x80, s29, s15, $0xb8;
	[tilespmem:$0x1A400] =	vst v63  }
0xa4: {  	s30 =	sadd.s32 $0x17F00, s21  }
0xa5: {  	[spmem:s2] =	stream.indirect.scatter.add.f32 [tilespmem:s12], [sflag:$0x1], $0x80, s30, s15, $0xb8;
	[tilespmem:$0x1A400] =	vst v63  }
0xa6: {  	s31 =	sadd.s32 $0x17F80, s21  }
0xa7: {  	[spmem:s2] =	stream.indirect.scatter.add.f32 [tilespmem:s12], [sflag:$0x1], $0x80, s31, s15, $0xb8;
	[tilespmem:$0x1A400] =	vst v63  }
0xa8: {  	_ =	swait.ge [sflag:s16], $0x4000  }
0xa9: {  	[sflag:s16] =	ssyncset.done $0x0  }
0xaa: {  	[sflag:s16] =	ssyncadd.s32 $0xFFFFC000  }
0xab: {  	_ =	swait.ge [sflag:s16], $0x4000  }
0xac: {  	[sflag:s16] =	ssyncset.done $0x0  }
0xad: {  	[sflag:s16] =	ssyncadd.s32 $0xFFFFC000  }
0xae: {  	_ =	swait.ge [sflag:s16], $0x4000  }
0xaf: {  	[sflag:s16] =	ssyncset.done $0x0  }
0xb0: {  	[sflag:s16] =	ssyncadd.s32 $0xFFFFC000  }
0xb1: {  	_ =	swait.ge [sflag:s16], $0x4000  }
0xb2: {  	[sflag:s16] =	ssyncset.done $0x0  }
0xb3: {  	[sflag:s16] =	ssyncadd.s32 $0xFFFFC000  }
0xb4: {  	_ =	swait.ge [sflag:s16], $0x4000  }
0xb5: {  	[sflag:s16] =	ssyncset.done $0x0  }
0xb6: {  	[sflag:s16] =	ssyncadd.s32 $0xFFFFC000  }
0xb7: {  	_ =	swait.ge [sflag:s16], $0x4000  }
0xb8: {  	[sflag:s16] =	ssyncset.done $0x0  }
0xb9: {  	[sflag:s16] =	ssyncadd.s32 $0xFFFFC000  }
0xba: {  	_ =	swait.ge [sflag:s16], $0x4000  }
0xbb: {  	[sflag:s16] =	ssyncset.done $0x0  }
0xbc: {  	[sflag:s16] =	ssyncadd.s32 $0xFFFFC000  }
0xbd: {  	_ =	swait.ge [sflag:s16], $0x4000  }
0xbe: {  	s3 =	sadd.s32 $0x1, s3;
	[sflag:s16] =	ssyncset.done $0x0  }
0xbf: {  	p0 =	sne.s32 s3, s11;
	[sflag:s16] =	ssyncadd.s32 $0xFFFFC000  }
.Ltmp3:
0xc0: {  	[bflag:$0x0] =	sbarrier.arrive $0xFFFF;
	(pc) =	sbr.rel @p0 .LBB2_1-.Ltmp3, $4  }
0xc1: {  	[hbm:s10], [sflag:s17] =	dma.local [spmem:s18], $0x2780  }
0xc2: {  	_ =	swait.ge [sflag:s13], $0x2780  }
0xc3: {  	[sflag:s13] =	ssyncset.done $0x0  }
0xc4: {  	[sflag:s13] =	ssyncadd.s32 $0xFFFFD880  }
0xc5: {  	_ =	sfence.sel $0x180000  }
0xc6: {  	[bflag:$0x0] =	sbarrier.arrive $0xFFFF  }
0xc7: {  	p0 =	sne.s32 s0, $0x0;
	_ =	strace $0x90000047  }
0xc8: {  	s0 =	sadd.s32 @!p0 $0x100000, s1;
	[bflag:$0x2] =	sbarrier.arrive $0xFFFF  }
0xc9: {  	[sflag:s0] =	ssyncadd.tile.s32 @!p0 $0x1;
	_ =	shalt  }
.Lfunc_end2:
_tile_overlayer_lowered:
.L_overlay_start_2:
0xca: {  	(tag) =	ssettag $0x2  }
0xcb: {  	s0 =	rddreg [dreg:$0x0];
	s2 =	stileid.u32  }
0xcc: {  	s1 =	rddreg [dreg:$0x1];
	p0 =	sne.s32 s2, $0x0  }
0xcd: {  	s3 =	rddreg [dreg:$0x2];
	[bflag:$0x3] =	sbarrier.arrive $0xFFFF;
	s2 =	simm.s32 @!p0 $0x1C02  }
0xce: {  	[timem:s3], [sflag:s2] =	dma.local @!p0 [hbm:s0], s1  }
0xcf: {  	s0 =	simm.s32 @!p0 $0x2  }
0xd0: {  	_ =	swait.ge @!p0 [sflag:s0], s1  }
0xd1: {  	s1 =	ssub.s32 @!p0 $0x0, s1;
	[sflag:s0] =	ssyncset.done @!p0 $0x0  }
0xd2: {  	[sflag:s0] =	ssyncadd.s32 @!p0 s1  }
0xd3: {  	[bflag:$0x3] =	sbarrier.arrive $0xFFFF  }
0xd4: {  	_ =	shalt  }

</sc_bundles>
